<compile_context>
chip_gen: v7x
topology: tpu7x:2x2x1
jax: 0.10.2.dev20260603
libtpu: 0.0.44.dev20260713+nightly
codegen_flags: <defaults>
</compile_context>

<pallas_src>
import functools

import jax
import jax.numpy as jnp
from jax import lax
from jax.experimental import pallas as pl
from jax.experimental.pallas import tpu as pltpu
from jax.experimental.pallas import tpu_sc as plsc

N = 10000
E = 160000
A = 10
F = 128
NB = 8
RMAX = 5.0
P = 5
NL = 2
NM = 4
NOUT = 10
AVG = 16.0

NC = 2
NS = 16
NW = NC * NS

EB = 4000
NBLK = 1000

_GCHUNK = E // NW
_GK = 200
_SCHUNK = E // NS
_SK = 80
_SBLKS = (E // NS) // _SK
_NRSMALL = 624
_NRBIG = N - 15 * _NRSMALL


def _sc_mesh():
    return plsc.VectorSubcoreMesh(core_axis_name="c", subcore_axis_name="s")



def _vec_body(pos_hbm, src_hbm, dst_hbm, out_hbm, idxs, idxd, ps_v, pd_v, sem):
    c = lax.axis_index("c")
    s = lax.axis_index("s")
    wid = s * NC + c
    base = pl.multiple_of(wid * _GCHUNK, 8)
    pltpu.sync_copy(src_hbm.at[pl.ds(base, _GCHUNK)], idxs)
    pltpu.sync_copy(dst_hbm.at[pl.ds(base, _GCHUNK)], idxd)

    def blk(b, carry):
        e0 = pl.multiple_of(b * _GK, 8)
        pltpu.async_copy(pos_hbm.at[idxs.at[pl.ds(e0, _GK)]], ps_v, sem).wait()
        pltpu.async_copy(pos_hbm.at[idxd.at[pl.ds(e0, _GK)]], pd_v, sem).wait()

        def dif(k, carry2):
            pd_v[k] = pd_v[k] - ps_v[k]
            return carry2

        lax.fori_loop(0, _GK, dif, 0)
        pltpu.sync_copy(pd_v, out_hbm.at[pl.ds(pl.multiple_of(base + e0, 8), _GK)])
        return carry

    lax.fori_loop(0, _GCHUNK // _GK, blk, 0)


def _vec_stage(pos16, src, dst):
    kfn = pl.kernel(
        _vec_body,
        mesh=_sc_mesh(),
        compiler_params=pltpu.CompilerParams(use_tc_tiling_on_sc=False),
        out_type=jax.ShapeDtypeStruct((E, 16), jnp.float32),
        scratch_types=[
            pltpu.VMEM((_GCHUNK,), jnp.int32),
            pltpu.VMEM((_GCHUNK,), jnp.int32),
            pltpu.VMEM((_GK, 16), jnp.float32),
            pltpu.VMEM((_GK, 16), jnp.float32),
            pltpu.SemaphoreType.DMA,
        ],
    )
    return kfn(pos16, src, dst)



def _hgather_body(h_hbm, src_hbm, out_hbm, idx_all, rows0, rows1, sem0, sem1):
    c = lax.axis_index("c")
    s = lax.axis_index("s")
    wid = s * NC + c
    base = pl.multiple_of(wid * _GCHUNK, 8)
    pltpu.sync_copy(src_hbm.at[pl.ds(base, _GCHUNK)], idx_all)
    rows = (rows0, rows1)
    sems = (sem0, sem1)
    nblk = _GCHUNK // _GK

    def gath(i, ph):
        e0 = pl.multiple_of(i * _GK, 8)
        pltpu.async_copy(h_hbm.at[idx_all.at[pl.ds(e0, _GK)]], rows[ph], sems[ph])

    def gwait(ph):
        pltpu.make_async_copy(h_hbm.at[idx_all.at[pl.ds(0, _GK)]],
                              rows[ph], sems[ph]).wait()

    def wout(i, ph):
        e0 = pl.multiple_of(base + i * _GK, 8)
        pltpu.sync_copy(rows[ph], out_hbm.at[pl.ds(e0, _GK)])

    gath(0, 0)

    def pair(p, carry):
        i = p * 2
        gwait(0)
        gath(i + 1, 1)
        wout(i, 0)
        gwait(1)

        @pl.when(i + 2 < nblk)
        def _():
            gath(i + 2, 0)

        wout(i + 1, 1)
        return carry

    lax.fori_loop(0, nblk // 2, pair, 0)
    gwait(0)
    wout(nblk - 1, 0)


def _hgather_stage(h, src):
    kfn = pl.kernel(
        _hgather_body,
        mesh=_sc_mesh(),
        out_type=jax.ShapeDtypeStruct((E, F), jnp.float32),
        scratch_types=[
            pltpu.VMEM((_GCHUNK,), jnp.int32),
            pltpu.VMEM((_GK, F), jnp.float32),
            pltpu.VMEM((_GK, F), jnp.float32),
            pltpu.SemaphoreType.DMA,
            pltpu.SemaphoreType.DMA,
        ],
    )
    return kfn(h, src)



def _scatter_body(msg_hbm, dst3_hbm, zeros_hbm, out_hbm, acc, dst2, msg0, msg1,
                  sem0, sem1):
    c = lax.axis_index("c")
    s = lax.axis_index("s")
    base0 = pl.multiple_of(s * _SCHUNK, 8)
    pltpu.sync_copy(dst3_hbm.at[s], dst2)
    msgs = (msg0, msg1)
    sems = (sem0, sem1)
    for r in range(2):
        m = 2 * r + c

        @pl.when(s < NS - 1)
        def _():
            r0 = pl.multiple_of(s * _NRSMALL, 8)
            pltpu.sync_copy(zeros_hbm.at[pl.ds(r0, _NRSMALL)],
                            acc.at[pl.ds(r0, _NRSMALL)])

        @pl.when(s == NS - 1)
        def _():
            r0 = (NS - 1) * _NRSMALL
            pltpu.sync_copy(zeros_hbm.at[pl.ds(r0, _NRBIG)],
                            acc.at[pl.ds(r0, _NRBIG)])

        plsc.subcore_barrier()

        def gath(i, ph):
            e0 = pl.multiple_of(base0 + i * _SK, 8)
            pltpu.async_copy(msg_hbm.at[m, pl.ds(e0, _SK)], msgs[ph], sems[ph])

        def gwait(ph):
            pltpu.make_async_copy(msg_hbm.at[m, pl.ds(base0, _SK)],
                                  msgs[ph], sems[ph]).wait()

        def add(i, ph):
            pltpu.sync_copy(msgs[ph], acc.at[dst2.at[i]], add=True)

        gath(0, 0)

        def pair(p, carry):
            i = p * 2
            gwait(0)
            gath(i + 1, 1)
            add(i, 0)
            gwait(1)

            @pl.when(i + 2 < _SBLKS)
            def _():
                gath(i + 2, 0)

            add(i + 1, 1)
            return carry

        lax.fori_loop(0, _SBLKS // 2, pair, 0)
        gwait(0)
        add(_SBLKS - 1, 0)
        plsc.subcore_barrier()

        @pl.when(s < NS - 1)
        def _():
            r0 = pl.multiple_of(s * _NRSMALL, 8)
            pltpu.sync_copy(acc.at[pl.ds(r0, _NRSMALL)],
                            out_hbm.at[m, pl.ds(r0, _NRSMALL)])

        @pl.when(s == NS - 1)
        def _():
            r0 = (NS - 1) * _NRSMALL
            pltpu.sync_copy(acc.at[pl.ds(r0, _NRBIG)],
                            out_hbm.at[m, pl.ds(r0, _NRBIG)])

        plsc.subcore_barrier()


def _scatter_stage(msg, dst3, zeros_nf):
    kfn = pl.kernel(
        _scatter_body,
        mesh=_sc_mesh(),
        out_type=jax.ShapeDtypeStruct((NM, N, F), jnp.float32),
        scratch_types=[
            pltpu.VMEM_SHARED((N, F), jnp.float32),
            pltpu.VMEM((_SBLKS, _SK), jnp.int32),
            pltpu.VMEM((_SK, F), jnp.float32),
            pltpu.VMEM((_SK, F), jnp.float32),
            pltpu.SemaphoreType.DMA,
            pltpu.SemaphoreType.DMA,
        ],
    )
    return kfn(msg, dst3, zeros_nf)



def _edge_body(vec_ref, hsrc_ref, rw0_ref, rb0_ref, rw1_ref, rb1_ref,
               rw2_ref, rb2_ref, wtp0_ref, wtp1_ref, msg_ref):
    vec = vec_ref[...]
    l2 = jnp.sum(vec * vec, axis=1, keepdims=True) + 1e-12
    lengths = jnp.sqrt(l2)
    inv_len = 1.0 / lengths
    unit = vec * inv_len
    sq3 = jnp.sqrt(3.0)
    u = lengths / RMAX
    n = (lax.broadcasted_iota(jnp.int32, (1, NB), 1) + 1).astype(jnp.float32)
    bessel = jnp.sqrt(2.0 / RMAX) * jnp.sin(n * jnp.pi * u) * inv_len
    env = (1.0 - ((P + 1.0) * (P + 2.0) / 2.0) * u ** P
           + P * (P + 2.0) * u ** (P + 1)
           - (P * (P + 1.0) / 2.0) * u ** (P + 2))
    env = jnp.where(u < 1.0, env, 0.0)
    ef = bessel * env
    r = _silu(jnp.dot(ef, rw0_ref[...], preferred_element_type=jnp.float32)
              + rb0_ref[...])
    r = _silu(jnp.dot(r, rw1_ref[...], preferred_element_type=jnp.float32)
              + rb1_ref[...])
    r = _silu(jnp.dot(r, rw2_ref[...], preferred_element_type=jnp.float32)
              + rb2_ref[...])
    h = hsrc_ref[...]
    u0 = jnp.dot(r, wtp0_ref[...], preferred_element_type=jnp.float32) * h
    u1 = jnp.dot(r, wtp1_ref[...], preferred_element_type=jnp.float32) * h
    msg_ref[0] = u0
    msg_ref[1] = u1 * (sq3 * unit[:, 1:2])
    msg_ref[2] = u1 * (sq3 * unit[:, 2:3])
    msg_ref[3] = u1 * (sq3 * unit[:, 0:1])


def _silu(v):
    return v * (1.0 / (1.0 + jnp.exp(-v)))


def _edge_stage(vec, hsrc, rw0, rb0, rw1, rb1, rw2, rb2, wtp0, wtp1):
    grid = E // EB
    full = lambda i: (0, 0)
    return pl.pallas_call(
        _edge_body,
        grid=(grid,),
        in_specs=[
            pl.BlockSpec((EB, 16), lambda i: (i, 0)),
            pl.BlockSpec((EB, F), lambda i: (i, 0)),
            pl.BlockSpec((NB, 64), full),
            pl.BlockSpec((1, 64), full),
            pl.BlockSpec((64, 64), full),
            pl.BlockSpec((1, 64), full),
            pl.BlockSpec((64, 64), full),
            pl.BlockSpec((1, 64), full),
            pl.BlockSpec((64, F), full),
            pl.BlockSpec((64, F), full),
        ],
        out_specs=pl.BlockSpec((NM, EB, F), lambda i: (0, i, 0)),
        out_shape=jax.ShapeDtypeStruct((NM, E, F), jnp.float32),
    )(vec, hsrc, rw0, rb0, rw1, rb1, rw2, rb2, wtp0, wtp1)



def _node_body(with_sc, with_h, with_read,
               an_ref, wp0_ref, wp0b_ref, wp1_ref, *rest):
    rest = list(rest)
    if with_sc:
        f_refs = rest[0:4]
        x_ref = rest[4]
        wsc_ref = rest[5]
        rest = rest[6:]
    if with_h:
        wlin_ref = rest[0]
        rest = rest[1:]
    if with_read:
        wread_ref = rest[0]
        rest = rest[1:]
    out_refs = rest[0:4]
    rest = rest[4:]
    if with_h:
        h_ref = rest[0]
        rest = rest[1:]
    if with_read:
        prop_ref = rest[0]
        rest = rest[1:]

    a0 = an_ref[0] * (1.0 / AVG)
    a1 = an_ref[1] * (1.0 / AVG)
    a2 = an_ref[2] * (1.0 / AVG)
    a3 = an_ref[3] * (1.0 / AVG)
    sq = a0 * a0 + a1 * a1 + a2 * a2 + a3 * a3
    out0 = (jnp.dot(a0, wp0_ref[...], preferred_element_type=jnp.float32)
            + jnp.dot(sq, wp0b_ref[...], preferred_element_type=jnp.float32))
    outs = [out0]
    for am in (a1, a2, a3):
        outs.append(jnp.dot(am, wp1_ref[...], preferred_element_type=jnp.float32))
    if with_sc:
        x = x_ref[...]
        for m in range(NM):
            fm = f_refs[m][...]
            acc = outs[m]
            for a in range(A):
                za = fm * x[:, a:a + 1]
                acc = acc + jnp.dot(za, wsc_ref[a],
                                    preferred_element_type=jnp.float32)
            outs[m] = acc
    for m in range(NM):
        out_refs[m][...] = outs[m]
    if with_h:
        h_ref[...] = jnp.dot(outs[0], wlin_ref[...],
                             preferred_element_type=jnp.float32)
    if with_read:
        prop_ref[...] = jnp.dot(outs[0], wread_ref[...],
                                preferred_element_type=jnp.float32)


def _node_stage(an, wp0, wp0b, wp1, feats=None, x=None, wsc=None,
                wlin=None, wread=None):
    with_sc = feats is not None
    with_h = wlin is not None
    with_read = wread is not None
    grid = N // NBLK
    full = lambda i: (0, 0)
    nblk = lambda i: (i, 0)
    in_specs = [pl.BlockSpec((NM, NBLK, F), lambda i: (0, i, 0)),
                pl.BlockSpec((F, F), full),
                pl.BlockSpec((F, F), full),
                pl.BlockSpec((F, F), full)]
    args = [an, wp0, wp0b, wp1]
    if with_sc:
        in_specs += [pl.BlockSpec((NBLK, F), nblk)] * 4
        args += list(feats)
        in_specs += [pl.BlockSpec((NBLK, A), nblk),
                     pl.BlockSpec((A, F, F), lambda i: (0, 0, 0))]
        args += [x, wsc]
    if with_h:
        in_specs.append(pl.BlockSpec((F, F), full))
        args.append(wlin)
    if with_read:
        in_specs.append(pl.BlockSpec((F, NOUT), full))
        args.append(wread)
    out_specs = [pl.BlockSpec((NBLK, F), nblk)] * 4
    out_shape = [jax.ShapeDtypeStruct((N, F), jnp.float32)] * 4
    if with_h:
        out_specs.append(pl.BlockSpec((NBLK, F), nblk))
        out_shape.append(jax.ShapeDtypeStruct((N, F), jnp.float32))
    if with_read:
        out_specs.append(pl.BlockSpec((NBLK, NOUT), nblk))
        out_shape.append(jax.ShapeDtypeStruct((N, NOUT), jnp.float32))
    body = functools.partial(_node_body, with_sc, with_h, with_read)
    return pl.pallas_call(
        body,
        grid=(grid,),
        in_specs=in_specs,
        out_specs=out_specs,
        out_shape=out_shape,
    )(*args)



def _embed_body(x_ref, we_ref, wlin_ref, h0_ref, h_ref):
    h0 = jnp.dot(x_ref[...], we_ref[...], preferred_element_type=jnp.float32)
    h0_ref[...] = h0
    h_ref[...] = jnp.dot(h0, wlin_ref[...], preferred_element_type=jnp.float32)


def _embed_stage(x, w_embed, wlin0):
    grid = N // NBLK
    return pl.pallas_call(
        _embed_body,
        grid=(grid,),
        in_specs=[
            pl.BlockSpec((NBLK, A), lambda i: (i, 0)),
            pl.BlockSpec((A, F), lambda i: (0, 0)),
            pl.BlockSpec((F, F), lambda i: (0, 0)),
        ],
        out_specs=[
            pl.BlockSpec((NBLK, F), lambda i: (i, 0)),
            pl.BlockSpec((NBLK, F), lambda i: (i, 0)),
        ],
        out_shape=[
            jax.ShapeDtypeStruct((N, F), jnp.float32),
            jax.ShapeDtypeStruct((N, F), jnp.float32),
        ],
    )(x, w_embed, wlin0)


def kernel(pos_th, x, edge_index_th, W_embed, RW0, Rb0, RW1, Rb1, RW2, Rb2,
           Wtp, Wlin, Wp0, Wp0b, Wp1, Wsc, W_read):
    src = edge_index_th[0].astype(jnp.int32)
    dst = edge_index_th[1].astype(jnp.int32)
    dst3 = dst.reshape(NS, _SBLKS, _SK)
    pos16 = jnp.pad(pos_th, ((0, 0), (0, 13)))
    zeros_nf = jnp.zeros((N, F), jnp.float32)

    vec = _vec_stage(pos16, src, dst)
    wtp = Wtp.reshape(2, 64, F, NL)
    h0, h = _embed_stage(x, W_embed, Wlin[0])

    feats_parts = None
    prop = None
    for i in range(2):
        h_src = _hgather_stage(h, src)
        msg = _edge_stage(vec, h_src, RW0[i], Rb0[i][None, :], RW1[i],
                          Rb1[i][None, :], RW2[i], Rb2[i][None, :],
                          wtp[i, :, :, 0], wtp[i, :, :, 1])
        an = _scatter_stage(msg, dst3, zeros_nf)
        if i == 0:
            outs = _node_stage(an, Wp0[i], Wp0b[i], Wp1[i], wlin=Wlin[1])
            feats_parts = outs[0:4]
            h = outs[4]
        else:
            outs = _node_stage(an, Wp0[i], Wp0b[i], Wp1[i],
                               feats=feats_parts, x=x, wsc=Wsc,
                               wread=W_read)
            feats_parts = outs[0:4]
            prop = outs[4]

    feats = jnp.stack(feats_parts, axis=-1)
    return prop, feats.reshape(N, F * NM)

# --- scband reference (transcript-rebuilt; emitter-appended) ---
"""Pipeline reference for scband-minimal-mace-81088982548516 (READ-ONLY COPY).

The authoritative reference and input builder live on the scoring server;
editing this copy changes nothing except your own understanding.
"""

import jax, jax.numpy as jnp
import numpy as np

N = 10000
E = 160000
A = 10
F = 128
NB = 8
RMAX = 5.0
P = 5
NL = 2
NM = 4
NOUT = 10
AVG = 16.0


def setup_inputs(seed: int = 0) -> dict:
    key = jax.random.key(seed)
    ks = jax.random.split(key, 20)
    s = 0.05
    inp = {}
    inp['pos_th'] = jax.random.normal(ks[0], (N, 3), dtype=jnp.float32)
    inp['x'] = jax.random.uniform(ks[1], (N, A), dtype=jnp.float32)
    inp['edge_index_th'] = jax.random.randint(ks[2], (2, E), 0, N, dtype=jnp.int64)
    inp['W_embed'] = jax.random.normal(ks[3], (A, F), dtype=jnp.float32) * s
    inp['RW0'] = jax.random.normal(ks[4], (2, NB, 64), dtype=jnp.float32) * s
    inp['Rb0'] = jax.random.normal(ks[5], (2, 64), dtype=jnp.float32) * s
    inp['RW1'] = jax.random.normal(ks[6], (2, 64, 64), dtype=jnp.float32) * s
    inp['Rb1'] = jax.random.normal(ks[7], (2, 64), dtype=jnp.float32) * s
    inp['RW2'] = jax.random.normal(ks[8], (2, 64, 64), dtype=jnp.float32) * s
    inp['Rb2'] = jax.random.normal(ks[9], (2, 64), dtype=jnp.float32) * s
    inp['Wtp'] = jax.random.normal(ks[10], (2, 64, F * NL), dtype=jnp.float32) * s
    inp['Wlin'] = jax.random.normal(ks[11], (2, F, F), dtype=jnp.float32) * s
    inp['Wp0'] = jax.random.normal(ks[12], (2, F, F), dtype=jnp.float32) * s
    inp['Wp0b'] = jax.random.normal(ks[13], (2, F, F), dtype=jnp.float32) * s
    inp['Wp1'] = jax.random.normal(ks[14], (2, F, F), dtype=jnp.float32) * s
    inp['Wsc'] = jax.random.normal(ks[15], (A, F, F), dtype=jnp.float32) * s
    inp['W_read'] = jax.random.normal(ks[16], (F, NOUT), dtype=jnp.float32) * s
    return inp


def _silu(v):
    return v * jax.nn.sigmoid(v)


def reference(pos_th, x, edge_index_th, W_embed, RW0, Rb0, RW1, Rb1, RW2, Rb2, Wtp, Wlin, Wp0, Wp0b, Wp1, Wsc, W_read):
    src = edge_index_th[0]
    dst = edge_index_th[1]
    vectors = pos_th[dst] - pos_th[src]
    lengths = jnp.sqrt(jnp.sum(vectors * vectors, axis=1) + 1e-12)
    unit = vectors / lengths[:, None]
    # radial embedding: bessel basis with polynomial cutoff (p=5)
    n = jnp.arange(1, NB + 1, dtype=jnp.float32)
    u = lengths / RMAX
    bessel = jnp.sqrt(2.0 / RMAX) * jnp.sin(n[None, :] * jnp.pi * u[:, None]) / lengths[:, None]
    env = (1.0 - ((P + 1.0) * (P + 2.0) / 2.0) * u ** P + P * (P + 2.0) * u ** (P + 1) - (P * (P + 1.0) / 2.0) * u ** (P + 2))
    env = env * (u < 1.0).astype(jnp.float32)
    edge_feats = bessel * env[:, None]  # [E, NB]
    # spherical harmonics up to l=1, component normalization
    sq3 = jnp.sqrt(3.0)
    sh = jnp.stack([jnp.ones_like(lengths), sq3 * unit[:, 1], sq3 * unit[:, 2], sq3 * unit[:, 0]], axis=-1)  # [E, 4]
    # node embedding (scalar channels)
    h0 = x @ W_embed
    feats = jnp.zeros((N, F, NM), dtype=jnp.float32).at[:, :, 0].set(h0)
    m_to_l = [0, 1, 1, 1]
    for i in range(2):
        h = feats[:, :, 0] @ Wlin[i]  # linear up on scalar channels [N, F]
        r = _silu(edge_feats @ RW0[i] + Rb0[i])
        r = _silu(r @ RW1[i] + Rb1[i])
        r = _silu(r @ RW2[i] + Rb2[i])
        tpw = (r @ Wtp[i]).reshape(E, F, NL)  # per-edge channelwise tp weights per l
        h_src = h[src]  # gather [E, F]
        A_parts = []
        for m in range(NM):
            msg = tpw[:, :, m_to_l[m]] * h_src * sh[:, m:m + 1]
            A_parts.append(jax.ops.segment_sum(msg, dst, num_segments=N))
        Anf = jnp.stack(A_parts, axis=-1) / AVG  # [N, F, NM]
        # equivariant product basis (symmetric contraction, simplified)
        out0 = Anf[:, :, 0] @ Wp0[i] + jnp.sum(Anf * Anf, axis=-1) @ Wp0b[i]
        out1 = jnp.einsum('nfm,fg->ngm', Anf[:, :, 1:], Wp1[i])
        new = jnp.concatenate([out0[:, :, None], out1], axis=-1)
        if i > 0:
            sc = jnp.einsum('nfm,na,afg->ngm', feats, x, Wsc)
            new = new + sc
        feats = new
    propensities = feats[:, :, 0] @ W_read
    return propensities, feats.reshape(N, F * NM)

if __name__ == "__main__":
    import jax
    _d = setup_inputs()
    print(jax.jit(kernel)(*tuple(_d.values())))

</pallas_src>

<mosaic_0001>
#map = affine_map<(d0, d1) -> (0, 0)>
#map1 = affine_map<(d0, d1) -> (0)>
module attributes {stable_mosaic.version = 14 : i64} {
  func.func @_vec_body(%arg0: i32, %arg1: i32, %arg2: memref<10000x16xf32, #tpu.memory_space<hbm>>, %arg3: memref<160000xi32, #tpu.memory_space<hbm>>, %arg4: memref<160000xi32, #tpu.memory_space<hbm>>, %arg5: memref<160000x16xf32, #tpu.memory_space<hbm>>, %arg6: memref<5000xi32, #tpu.memory_space<vmem>>, %arg7: memref<5000xi32, #tpu.memory_space<vmem>>, %arg8: memref<200x16xf32, #tpu.memory_space<vmem>>, %arg9: memref<200x16xf32, #tpu.memory_space<vmem>>, %arg10: memref<!tpu.dma_semaphore, #tpu.memory_space<semaphore_mem>>) attributes {dimension_semantics = [#tpu.dimension_semantics<core_parallel>, #tpu.dimension_semantics<subcore_parallel>], iteration_bounds = array<i64: 2, 16>, scalar_prefetch = 0 : i64, scratch_operands = 5 : i64, tpu.core_type = #tpu.core_type<sc_vector_subcore>, window_params = [{transform_indices = #map}, {transform_indices = #map1}, {transform_indices = #map1}, {transform_indices = #map}]} {
    %mul3A = arith.constant 2 : i32
    %mul3A_0 = arith.muli %arg1, %mul3A : i32
    %add3A = arith.addi %mul3A_0, %arg0 : i32
    %mul3A_1 = arith.constant 5000 : i32
    %mul3A_2 = arith.muli %add3A, %mul3A_1 : i32
    %multiple_of3A = tpu.assume_multiple %mul3A_2, 8 : i32
    "tpu.region"() ({
      %run_scoped3A = tpu.sem_alloc : memref<!tpu.dma_semaphore, #tpu.memory_space<semaphore_mem>>
      %dma_start3A = tpu.memref_slice %arg3[%multiple_of3A] : memref<160000xi32, #tpu.memory_space<hbm>> -> memref<5000xi32, #tpu.memory_space<hbm>>
      %dma_start3A_8 = tpu.memref_slice %arg3[%multiple_of3A] : memref<160000xi32, #tpu.memory_space<hbm>> -> memref<5000xi32, #tpu.memory_space<hbm>>
      tpu.enqueue_dma source(%dma_start3A_8 : memref<5000xi32, #tpu.memory_space<hbm>>) target(%arg6 : memref<5000xi32, #tpu.memory_space<vmem>>) target_semaphore(%run_scoped3A : memref<!tpu.dma_semaphore, #tpu.memory_space<semaphore_mem>>)
      %dma_wait3A = tpu.memref_slice %arg3[%multiple_of3A] : memref<160000xi32, #tpu.memory_space<hbm>> -> memref<5000xi32, #tpu.memory_space<hbm>>
      %dma_wait3A_9 = tpu.memref_slice %arg3[%multiple_of3A] : memref<160000xi32, #tpu.memory_space<hbm>> -> memref<5000xi32, #tpu.memory_space<hbm>>
      tpu.wait_dma2 semaphore(%run_scoped3A : memref<!tpu.dma_semaphore, #tpu.memory_space<semaphore_mem>>) src(%dma_wait3A_9 : memref<5000xi32, #tpu.memory_space<hbm>>) dst(%arg6 : memref<5000xi32, #tpu.memory_space<vmem>>)
      tpu.yield
    }) : () -> ()
    "tpu.region"() ({
      %run_scoped3A = tpu.sem_alloc : memref<!tpu.dma_semaphore, #tpu.memory_space<semaphore_mem>>
      %dma_start3A = tpu.memref_slice %arg4[%multiple_of3A] : memref<160000xi32, #tpu.memory_space<hbm>> -> memref<5000xi32, #tpu.memory_space<hbm>>
      %dma_start3A_8 = tpu.memref_slice %arg4[%multiple_of3A] : memref<160000xi32, #tpu.memory_space<hbm>> -> memref<5000xi32, #tpu.memory_space<hbm>>
      tpu.enqueue_dma source(%dma_start3A_8 : memref<5000xi32, #tpu.memory_space<hbm>>) target(%arg7 : memref<5000xi32, #tpu.memory_space<vmem>>) target_semaphore(%run_scoped3A : memref<!tpu.dma_semaphore, #tpu.memory_space<semaphore_mem>>)
      %dma_wait3A = tpu.memref_slice %arg4[%multiple_of3A] : memref<160000xi32, #tpu.memory_space<hbm>> -> memref<5000xi32, #tpu.memory_space<hbm>>
      %dma_wait3A_9 = tpu.memref_slice %arg4[%multiple_of3A] : memref<160000xi32, #tpu.memory_space<hbm>> -> memref<5000xi32, #tpu.memory_space<hbm>>
      tpu.wait_dma2 semaphore(%run_scoped3A : memref<!tpu.dma_semaphore, #tpu.memory_space<semaphore_mem>>) src(%dma_wait3A_9 : memref<5000xi32, #tpu.memory_space<hbm>>) dst(%arg7 : memref<5000xi32, #tpu.memory_space<vmem>>)
      tpu.yield
    }) : () -> ()
    %scan3A = arith.constant 0 : i32
    %scan3A_3 = arith.constant 0 : i32
    %scan3A_4 = arith.constant 25 : i32
    %scan3A_5 = arith.addi %scan3A_3, %scan3A_4 : i32
    %scan3A_6 = arith.constant 1 : i32
    scf.for %scan3A_8 = %scan3A_3 to %scan3A_5 step %scan3A_6  : i32 {
      %mul3A_9 = arith.constant 200 : i32
      %mul3A_10 = arith.muli %scan3A_8, %mul3A_9 : i32
      %multiple_of3A_11 = tpu.assume_multiple %mul3A_10, 8 : i32
      %dma_start3A = tpu.memref_slice %arg6[%multiple_of3A_11] : memref<5000xi32, #tpu.memory_space<vmem>> -> memref<200xi32, #tpu.memory_space<vmem>>
      %dma_start3A_12 = arith.constant 0 : i32
      %dma_start3A_13 = arith.constant 0 : i32
      %dma_start3A_14 = tpu.memref_slice %arg2[%dma_start3A_12, %dma_start3A_13] : memref<10000x16xf32, #tpu.memory_space<hbm>> -> memref<10000x16xf32, #tpu.memory_space<hbm>>
      tpu.enqueue_indirect_dma source(%dma_start3A_14 : memref<10000x16xf32, #tpu.memory_space<hbm>>) target(%arg8 : memref<200x16xf32, #tpu.memory_space<vmem>>) offsets(%dma_start3A : memref<200xi32, #tpu.memory_space<vmem>>) semaphore(%arg10 : memref<!tpu.dma_semaphore, #tpu.memory_space<semaphore_mem>>)
      %dma_wait3A = tpu.memref_slice %arg6[%multiple_of3A_11] : memref<5000xi32, #tpu.memory_space<vmem>> -> memref<200xi32, #tpu.memory_space<vmem>>
      %dma_wait3A_15 = arith.constant 0 : i32
      %dma_wait3A_16 = arith.constant 0 : i32
      %dma_wait3A_17 = tpu.memref_slice %arg2[%dma_wait3A_15, %dma_wait3A_16] : memref<10000x16xf32, #tpu.memory_space<hbm>> -> memref<10000x16xf32, #tpu.memory_space<hbm>>
      tpu.wait_indirect_dma semaphore(%arg10 : memref<!tpu.dma_semaphore, #tpu.memory_space<semaphore_mem>>) src(%dma_wait3A_17 : memref<10000x16xf32, #tpu.memory_space<hbm>>) dst(%arg8 : memref<200x16xf32, #tpu.memory_space<vmem>>)
      %dma_start3A_18 = tpu.memref_slice %arg7[%multiple_of3A_11] : memref<5000xi32, #tpu.memory_space<vmem>> -> memref<200xi32, #tpu.memory_space<vmem>>
      %dma_start3A_19 = arith.constant 0 : i32
      %dma_start3A_20 = arith.constant 0 : i32
      %dma_start3A_21 = tpu.memref_slice %arg2[%dma_start3A_19, %dma_start3A_20] : memref<10000x16xf32, #tpu.memory_space<hbm>> -> memref<10000x16xf32, #tpu.memory_space<hbm>>
      tpu.enqueue_indirect_dma source(%dma_start3A_21 : memref<10000x16xf32, #tpu.memory_space<hbm>>) target(%arg9 : memref<200x16xf32, #tpu.memory_space<vmem>>) offsets(%dma_start3A_18 : memref<200xi32, #tpu.memory_space<vmem>>) semaphore(%arg10 : memref<!tpu.dma_semaphore, #tpu.memory_space<semaphore_mem>>)
      %dma_wait3A_22 = tpu.memref_slice %arg7[%multiple_of3A_11] : memref<5000xi32, #tpu.memory_space<vmem>> -> memref<200xi32, #tpu.memory_space<vmem>>
      %dma_wait3A_23 = arith.constant 0 : i32
      %dma_wait3A_24 = arith.constant 0 : i32
      %dma_wait3A_25 = tpu.memref_slice %arg2[%dma_wait3A_23, %dma_wait3A_24] : memref<10000x16xf32, #tpu.memory_space<hbm>> -> memref<10000x16xf32, #tpu.memory_space<hbm>>
      tpu.wait_indirect_dma semaphore(%arg10 : memref<!tpu.dma_semaphore, #tpu.memory_space<semaphore_mem>>) src(%dma_wait3A_25 : memref<10000x16xf32, #tpu.memory_space<hbm>>) dst(%arg9 : memref<200x16xf32, #tpu.memory_space<vmem>>)
      %scan3A_26 = arith.constant 0 : i32
      %scan3A_27 = arith.constant 0 : i32
      %scan3A_28 = arith.constant 200 : i32
      %scan3A_29 = arith.addi %scan3A_27, %scan3A_28 : i32
      %scan3A_30 = arith.constant 1 : i32
      scf.for %scan3A_34 = %scan3A_27 to %scan3A_29 step %scan3A_30  : i32 {
        %get3A = arith.index_cast %scan3A_34 : i32 to index
        %get3A_35 = arith.constant 0 : index
        %get3A_36 = tpu.vector_load %arg9[%get3A, %get3A_35] {strides = array<i32>} : memref<200x16xf32, #tpu.memory_space<vmem>>, vector<1x16xf32>,
        %get3A_37 = vector.shape_cast %get3A_36 : vector<1x16xf32> to vector<16xf32>
        %get3A_38 = arith.index_cast %scan3A_34 : i32 to index
        %get3A_39 = arith.constant 0 : index
        %get3A_40 = tpu.vector_load %arg8[%get3A_38, %get3A_39] {strides = array<i32>} : memref<200x16xf32, #tpu.memory_space<vmem>>, vector<1x16xf32>,
        %get3A_41 = vector.shape_cast %get3A_40 : vector<1x16xf32> to vector<16xf32>
        %sub3A = arith.subf %get3A_37, %get3A_41 : vector<16xf32>
        %swap3A = arith.index_cast %scan3A_34 : i32 to index
        %swap3A_42 = arith.constant 0 : index
        %swap3A_43 = tpu.vector_load %arg9[%swap3A, %swap3A_42] {strides = array<i32>} : memref<200x16xf32, #tpu.memory_space<vmem>>, vector<1x16xf32>,
        %swap3A_44 = vector.shape_cast %swap3A_43 : vector<1x16xf32> to vector<16xf32>
        %swap3A_45 = vector.shape_cast %sub3A : vector<16xf32> to vector<1x16xf32>
        tpu.vector_store %arg9[%swap3A, %swap3A_42], %swap3A_45 {strides = array<i32>} : memref<200x16xf32, #tpu.memory_space<vmem>>, vector<1x16xf32>,
      }
      %scan3A_31 = arith.constant 200 : i32
      %add3A_32 = arith.addi %multiple_of3A, %multiple_of3A_11 : i32
      %multiple_of3A_33 = tpu.assume_multiple %add3A_32, 8 : i32
      "tpu.region"() ({
        %run_scoped3A = tpu.sem_alloc : memref<!tpu.dma_semaphore, #tpu.memory_space<semaphore_mem>>
        %dma_start3A_34 = arith.constant 0 : i32
        %dma_start3A_35 = tpu.memref_slice %arg5[%multiple_of3A_33, %dma_start3A_34] : memref<160000x16xf32, #tpu.memory_space<hbm>> -> memref<200x16xf32, #tpu.memory_space<hbm>>
        %dma_start3A_36 = arith.constant 0 : i32
        %dma_start3A_37 = tpu.memref_slice %arg5[%multiple_of3A_33, %dma_start3A_36] : memref<160000x16xf32, #tpu.memory_space<hbm>> -> memref<200x16xf32, #tpu.memory_space<hbm>>
        tpu.enqueue_dma source(%arg9 : memref<200x16xf32, #tpu.memory_space<vmem>>) target(%dma_start3A_37 : memref<200x16xf32, #tpu.memory_space<hbm>>) target_semaphore(%run_scoped3A : memref<!tpu.dma_semaphore, #tpu.memory_space<semaphore_mem>>)
        %dma_wait3A_38 = arith.constant 0 : i32
        %dma_wait3A_39 = tpu.memref_slice %arg5[%multiple_of3A_33, %dma_wait3A_38] : memref<160000x16xf32, #tpu.memory_space<hbm>> -> memref<200x16xf32, #tpu.memory_space<hbm>>
        %dma_wait3A_40 = arith.constant 0 : i32
        %dma_wait3A_41 = tpu.memref_slice %arg5[%multiple_of3A_33, %dma_wait3A_40] : memref<160000x16xf32, #tpu.memory_space<hbm>> -> memref<200x16xf32, #tpu.memory_space<hbm>>
        tpu.wait_dma2 semaphore(%run_scoped3A : memref<!tpu.dma_semaphore, #tpu.memory_space<semaphore_mem>>) src(%arg9 : memref<200x16xf32, #tpu.memory_space<vmem>>) dst(%dma_wait3A_41 : memref<200x16xf32, #tpu.memory_space<hbm>>)
        tpu.yield
      }) : () -> ()
    }
    %scan3A_7 = arith.constant 25 : i32
    return
  }
}

#map = affine_map<(d0, d1) -> (0, 0, 0)>
#map1 = affine_map<(d0, d1) -> (0, 0)>
module attributes {stable_mosaic.version = 14 : i64} {
  func.func @_scatter_body(%arg0: i32, %arg1: i32, %arg2: memref<4x160000x128xf32, #tpu.memory_space<hbm>>, %arg3: memref<16x125x80xi32, #tpu.memory_space<hbm>>, %arg4: memref<10000x128xf32, #tpu.memory_space<hbm>>, %arg5: memref<4x10000x128xf32, #tpu.memory_space<hbm>>, %arg6: memref<10000x128xf32, #tpu.memory_space<vmem_shared>>, %arg7: memref<125x80xi32, #tpu.memory_space<vmem>>, %arg8: memref<80x128xf32, #tpu.memory_space<vmem>>, %arg9: memref<80x128xf32, #tpu.memory_space<vmem>>, %arg10: memref<!tpu.dma_semaphore, #tpu.memory_space<semaphore_mem>>, %arg11: memref<!tpu.dma_semaphore, #tpu.memory_space<semaphore_mem>>) attributes {dimension_semantics = [#tpu.dimension_semantics<core_parallel>, #tpu.dimension_semantics<subcore_parallel>], iteration_bounds = array<i64: 2, 16>, scalar_prefetch = 0 : i64, scratch_operands = 6 : i64, tpu.core_type = #tpu.core_type<sc_vector_subcore>, window_params = [{transform_indices = #map}, {transform_indices = #map}, {transform_indices = #map1}, {transform_indices = #map}]} {
    %mul3A = arith.constant 10000 : i32
    %mul3A_0 = arith.muli %arg1, %mul3A : i32
    %multiple_of3A = tpu.assume_multiple %mul3A_0, 8 : i32
    "tpu.region"() ({
      %run_scoped3A_85 = tpu.sem_alloc : memref<!tpu.dma_semaphore, #tpu.memory_space<semaphore_mem>>
      %dma_start3A_86 = arith.constant 0 : i32
      %dma_start3A_87 = arith.constant 0 : i32
      %dma_start3A_88 = tpu.memref_slice %arg3[%arg1, %dma_start3A_86, %dma_start3A_87] : memref<16x125x80xi32, #tpu.memory_space<hbm>> -> memref<1x125x80xi32, #tpu.memory_space<hbm>>
      %dma_start3A_89 = tpu.memref_squeeze %dma_start3A_88 : memref<1x125x80xi32, #tpu.memory_space<hbm>> -> memref<125x80xi32, #tpu.memory_space<hbm>>
      %dma_start3A_90 = arith.constant 0 : i32
      %dma_start3A_91 = arith.constant 0 : i32
      %dma_start3A_92 = tpu.memref_slice %arg3[%arg1, %dma_start3A_90, %dma_start3A_91] : memref<16x125x80xi32, #tpu.memory_space<hbm>> -> memref<1x125x80xi32, #tpu.memory_space<hbm>>
      %dma_start3A_93 = tpu.memref_squeeze %dma_start3A_92 : memref<1x125x80xi32, #tpu.memory_space<hbm>> -> memref<125x80xi32, #tpu.memory_space<hbm>>
      tpu.enqueue_dma source(%dma_start3A_93 : memref<125x80xi32, #tpu.memory_space<hbm>>) target(%arg7 : memref<125x80xi32, #tpu.memory_space<vmem>>) target_semaphore(%run_scoped3A_85 : memref<!tpu.dma_semaphore, #tpu.memory_space<semaphore_mem>>)
      %dma_wait3A_94 = arith.constant 0 : i32
      %dma_wait3A_95 = arith.constant 0 : i32
      %dma_wait3A_96 = tpu.memref_slice %arg3[%arg1, %dma_wait3A_94, %dma_wait3A_95] : memref<16x125x80xi32, #tpu.memory_space<hbm>> -> memref<1x125x80xi32, #tpu.memory_space<hbm>>
      %dma_wait3A_97 = tpu.memref_squeeze %dma_wait3A_96 : memref<1x125x80xi32, #tpu.memory_space<hbm>> -> memref<125x80xi32, #tpu.memory_space<hbm>>
      %dma_wait3A_98 = arith.constant 0 : i32
      %dma_wait3A_99 = arith.constant 0 : i32
      %dma_wait3A_100 = tpu.memref_slice %arg3[%arg1, %dma_wait3A_98, %dma_wait3A_99] : memref<16x125x80xi32, #tpu.memory_space<hbm>> -> memref<1x125x80xi32, #tpu.memory_space<hbm>>
      %dma_wait3A_101 = tpu.memref_squeeze %dma_wait3A_100 : memref<1x125x80xi32, #tpu.memory_space<hbm>> -> memref<125x80xi32, #tpu.memory_space<hbm>>
      tpu.wait_dma2 semaphore(%run_scoped3A_85 : memref<!tpu.dma_semaphore, #tpu.memory_space<semaphore_mem>>) src(%dma_wait3A_101 : memref<125x80xi32, #tpu.memory_space<hbm>>) dst(%arg7 : memref<125x80xi32, #tpu.memory_space<vmem>>)
      tpu.yield
    }) : () -> ()
    %add3A = arith.constant 0 : i32
    %add3A_1 = arith.addi %add3A, %arg0 : i32
    %lt3A = arith.constant 15 : i32
    %lt3A_2 = arith.cmpi slt, %arg1, %lt3A : i32
    %convert_element_type3A = arith.extui %lt3A_2 : i1 to i32
    %cond3A = arith.constant 0 : i32
    %cond3A_3 = arith.cmpi ne, %convert_element_type3A, %cond3A : i32
    scf.if %cond3A_3 {
      %mul3A_85 = arith.constant 624 : i32
      %mul3A_86 = arith.muli %arg1, %mul3A_85 : i32
      %multiple_of3A_87 = tpu.assume_multiple %mul3A_86, 8 : i32
      "tpu.region"() ({
        %run_scoped3A_88 = tpu.sem_alloc : memref<!tpu.dma_semaphore, #tpu.memory_space<semaphore_mem>>
        %dma_start3A_89 = arith.constant 0 : i32
        %dma_start3A_90 = tpu.memref_slice %arg6[%multiple_of3A_87, %dma_start3A_89] : memref<10000x128xf32, #tpu.memory_space<vmem_shared>> -> memref<624x128xf32, #tpu.memory_space<vmem_shared>>
        %dma_start3A_91 = arith.constant 0 : i32
        %dma_start3A_92 = tpu.memref_slice %arg4[%multiple_of3A_87, %dma_start3A_91] : memref<10000x128xf32, #tpu.memory_space<hbm>> -> memref<624x128xf32, #tpu.memory_space<hbm>>
        tpu.enqueue_dma source(%dma_start3A_92 : memref<624x128xf32, #tpu.memory_space<hbm>>) target(%dma_start3A_90 : memref<624x128xf32, #tpu.memory_space<vmem_shared>>) target_semaphore(%run_scoped3A_88 : memref<!tpu.dma_semaphore, #tpu.memory_space<semaphore_mem>>)
        %dma_wait3A_93 = arith.constant 0 : i32
        %dma_wait3A_94 = tpu.memref_slice %arg6[%multiple_of3A_87, %dma_wait3A_93] : memref<10000x128xf32, #tpu.memory_space<vmem_shared>> -> memref<624x128xf32, #tpu.memory_space<vmem_shared>>
        %dma_wait3A_95 = arith.constant 0 : i32
        %dma_wait3A_96 = tpu.memref_slice %arg4[%multiple_of3A_87, %dma_wait3A_95] : memref<10000x128xf32, #tpu.memory_space<hbm>> -> memref<624x128xf32, #tpu.memory_space<hbm>>
        tpu.wait_dma2 semaphore(%run_scoped3A_88 : memref<!tpu.dma_semaphore, #tpu.memory_space<semaphore_mem>>) src(%dma_wait3A_96 : memref<624x128xf32, #tpu.memory_space<hbm>>) dst(%dma_wait3A_94 : memref<624x128xf32, #tpu.memory_space<vmem_shared>>)
        tpu.yield
      }) : () -> ()
    } else {
    }
    %eq3A = arith.constant 15 : i32
    %eq3A_4 = arith.cmpi eq, %arg1, %eq3A : i32
    %convert_element_type3A_5 = arith.extui %eq3A_4 : i1 to i32
    %cond3A_6 = arith.constant 0 : i32
    %cond3A_7 = arith.cmpi ne, %convert_element_type3A_5, %cond3A_6 : i32
    scf.if %cond3A_7 {
      "tpu.region"() ({
        %run_scoped3A_85 = tpu.sem_alloc : memref<!tpu.dma_semaphore, #tpu.memory_space<semaphore_mem>>
        %dma_start3A_86 = arith.constant 9360 : i32
        %dma_start3A_87 = arith.constant 0 : i32
        %dma_start3A_88 = tpu.memref_slice %arg6[%dma_start3A_86, %dma_start3A_87] : memref<10000x128xf32, #tpu.memory_space<vmem_shared>> -> memref<640x128xf32, #tpu.memory_space<vmem_shared>>
        %dma_start3A_89 = arith.constant 9360 : i32
        %dma_start3A_90 = arith.constant 0 : i32
        %dma_start3A_91 = tpu.memref_slice %arg4[%dma_start3A_89, %dma_start3A_90] : memref<10000x128xf32, #tpu.memory_space<hbm>> -> memref<640x128xf32, #tpu.memory_space<hbm>>
        tpu.enqueue_dma source(%dma_start3A_91 : memref<640x128xf32, #tpu.memory_space<hbm>>) target(%dma_start3A_88 : memref<640x128xf32, #tpu.memory_space<vmem_shared>>) target_semaphore(%run_scoped3A_85 : memref<!tpu.dma_semaphore, #tpu.memory_space<semaphore_mem>>)
        %dma_wait3A_92 = arith.constant 9360 : i32
        %dma_wait3A_93 = arith.constant 0 : i32
        %dma_wait3A_94 = tpu.memref_slice %arg6[%dma_wait3A_92, %dma_wait3A_93] : memref<10000x128xf32, #tpu.memory_space<vmem_shared>> -> memref<640x128xf32, #tpu.memory_space<vmem_shared>>
        %dma_wait3A_95 = arith.constant 9360 : i32
        %dma_wait3A_96 = arith.constant 0 : i32
        %dma_wait3A_97 = tpu.memref_slice %arg4[%dma_wait3A_95, %dma_wait3A_96] : memref<10000x128xf32, #tpu.memory_space<hbm>> -> memref<640x128xf32, #tpu.memory_space<hbm>>
        tpu.wait_dma2 semaphore(%run_scoped3A_85 : memref<!tpu.dma_semaphore, #tpu.memory_space<semaphore_mem>>) src(%dma_wait3A_97 : memref<640x128xf32, #tpu.memory_space<hbm>>) dst(%dma_wait3A_94 : memref<640x128xf32, #tpu.memory_space<vmem_shared>>)
        tpu.yield
      }) : () -> ()
    } else {
    }
    %barrier3A = arith.constant 0 : index
    tpu.barrier barrier_id(%barrier3A)
    %add3A_8 = arith.constant 0 : i32
    %add3A_9 = arith.addi %multiple_of3A, %add3A_8 : i32
    %multiple_of3A_10 = tpu.assume_multiple %add3A_9, 8 : i32
    %dma_start3A = arith.constant 0 : i32
    %dma_start3A_11 = tpu.memref_slice %arg2[%add3A_1, %multiple_of3A_10, %dma_start3A] : memref<4x160000x128xf32, #tpu.memory_space<hbm>> -> memref<1x80x128xf32, #tpu.memory_space<hbm>>
    %dma_start3A_12 = tpu.memref_squeeze %dma_start3A_11 : memref<1x80x128xf32, #tpu.memory_space<hbm>> -> memref<80x128xf32, #tpu.memory_space<hbm>>
    %dma_start3A_13 = arith.constant 0 : i32
    %dma_start3A_14 = tpu.memref_slice %arg2[%add3A_1, %multiple_of3A_10, %dma_start3A_13] : memref<4x160000x128xf32, #tpu.memory_space<hbm>> -> memref<1x80x128xf32, #tpu.memory_space<hbm>>
    %dma_start3A_15 = tpu.memref_squeeze %dma_start3A_14 : memref<1x80x128xf32, #tpu.memory_space<hbm>> -> memref<80x128xf32, #tpu.memory_space<hbm>>
    tpu.enqueue_dma source(%dma_start3A_15 : memref<80x128xf32, #tpu.memory_space<hbm>>) target(%arg8 : memref<80x128xf32, #tpu.memory_space<vmem>>) target_semaphore(%arg10 : memref<!tpu.dma_semaphore, #tpu.memory_space<semaphore_mem>>)
    %scan3A = arith.constant 0 : i32
    %scan3A_16 = arith.constant 0 : i32
    %scan3A_17 = arith.constant 62 : i32
    %scan3A_18 = arith.addi %scan3A_16, %scan3A_17 : i32
    %scan3A_19 = arith.constant 1 : i32
    scf.for %scan3A_85 = %scan3A_16 to %scan3A_18 step %scan3A_19  : i32 {
      %mul3A_86 = arith.constant 2 : i32
      %mul3A_87 = arith.muli %scan3A_85, %mul3A_86 : i32
      %dma_wait3A_88 = arith.constant 0 : i32
      %dma_wait3A_89 = tpu.memref_slice %arg2[%add3A_1, %multiple_of3A, %dma_wait3A_88] : memref<4x160000x128xf32, #tpu.memory_space<hbm>> -> memref<1x80x128xf32, #tpu.memory_space<hbm>>
      %dma_wait3A_90 = tpu.memref_squeeze %dma_wait3A_89 : memref<1x80x128xf32, #tpu.memory_space<hbm>> -> memref<80x128xf32, #tpu.memory_space<hbm>>
      %dma_wait3A_91 = arith.constant 0 : i32
      %dma_wait3A_92 = tpu.memref_slice %arg2[%add3A_1, %multiple_of3A, %dma_wait3A_91] : memref<4x160000x128xf32, #tpu.memory_space<hbm>> -> memref<1x80x128xf32, #tpu.memory_space<hbm>>
      %dma_wait3A_93 = tpu.memref_squeeze %dma_wait3A_92 : memref<1x80x128xf32, #tpu.memory_space<hbm>> -> memref<80x128xf32, #tpu.memory_space<hbm>>
      tpu.wait_dma2 semaphore(%arg10 : memref<!tpu.dma_semaphore, #tpu.memory_space<semaphore_mem>>) src(%dma_wait3A_93 : memref<80x128xf32, #tpu.memory_space<hbm>>) dst(%arg8 : memref<80x128xf32, #tpu.memory_space<vmem>>)
      %add3A_94 = arith.constant 1 : i32
      %add3A_95 = arith.addi %mul3A_87, %add3A_94 : i32
      %mul3A_96 = arith.constant 80 : i32
      %mul3A_97 = arith.muli %add3A_95, %mul3A_96 : i32
      %add3A_98 = arith.addi %multiple_of3A, %mul3A_97 : i32
      %multiple_of3A_99 = tpu.assume_multiple %add3A_98, 8 : i32
      %dma_start3A_100 = arith.constant 0 : i32
      %dma_start3A_101 = tpu.memref_slice %arg2[%add3A_1, %multiple_of3A_99, %dma_start3A_100] : memref<4x160000x128xf32, #tpu.memory_space<hbm>> -> memref<1x80x128xf32, #tpu.memory_space<hbm>>
      %dma_start3A_102 = tpu.memref_squeeze %dma_start3A_101 : memref<1x80x128xf32, #tpu.memory_space<hbm>> -> memref<80x128xf32, #tpu.memory_space<hbm>>
      %dma_start3A_103 = arith.constant 0 : i32
      %dma_start3A_104 = tpu.memref_slice %arg2[%add3A_1, %multiple_of3A_99, %dma_start3A_103] : memref<4x160000x128xf32, #tpu.memory_space<hbm>> -> memref<1x80x128xf32, #tpu.memory_space<hbm>>
      %dma_start3A_105 = tpu.memref_squeeze %dma_start3A_104 : memref<1x80x128xf32, #tpu.memory_space<hbm>> -> memref<80x128xf32, #tpu.memory_space<hbm>>
      tpu.enqueue_dma source(%dma_start3A_105 : memref<80x128xf32, #tpu.memory_space<hbm>>) target(%arg9 : memref<80x128xf32, #tpu.memory_space<vmem>>) target_semaphore(%arg11 : memref<!tpu.dma_semaphore, #tpu.memory_space<semaphore_mem>>)
      "tpu.region"() ({
        %run_scoped3A_121 = tpu.sem_alloc : memref<!tpu.dma_semaphore, #tpu.memory_space<semaphore_mem>>
        %dma_start3A_122 = arith.constant 0 : i32
        %dma_start3A_123 = tpu.memref_slice %arg7[%mul3A_87, %dma_start3A_122] : memref<125x80xi32, #tpu.memory_space<vmem>> -> memref<1x80xi32, #tpu.memory_space<vmem>>
        %dma_start3A_124 = tpu.memref_squeeze %dma_start3A_123 : memref<1x80xi32, #tpu.memory_space<vmem>> -> memref<80xi32, #tpu.memory_space<vmem>>
        %dma_start3A_125 = arith.constant 0 : i32
        %dma_start3A_126 = arith.constant 0 : i32
        %dma_start3A_127 = tpu.memref_slice %arg6[%dma_start3A_125, %dma_start3A_126] : memref<10000x128xf32, #tpu.memory_space<vmem_shared>> -> memref<10000x128xf32, #tpu.memory_space<vmem_shared>>
        tpu.enqueue_indirect_dma source(%arg8 : memref<80x128xf32, #tpu.memory_space<vmem>>) target(%dma_start3A_127 : memref<10000x128xf32, #tpu.memory_space<vmem_shared>>) offsets(%dma_start3A_124 : memref<80xi32, #tpu.memory_space<vmem>>) semaphore(%run_scoped3A_121 : memref<!tpu.dma_semaphore, #tpu.memory_space<semaphore_mem>>) {add = true}
        %dma_wait3A_128 = arith.constant 0 : i32
        %dma_wait3A_129 = tpu.memref_slice %arg7[%mul3A_87, %dma_wait3A_128] : memref<125x80xi32, #tpu.memory_space<vmem>> -> memref<1x80xi32, #tpu.memory_space<vmem>>
        %dma_wait3A_130 = tpu.memref_squeeze %dma_wait3A_129 : memref<1x80xi32, #tpu.memory_space<vmem>> -> memref<80xi32, #tpu.memory_space<vmem>>
        %dma_wait3A_131 = arith.constant 0 : i32
        %dma_wait3A_132 = arith.constant 0 : i32
        %dma_wait3A_133 = tpu.memref_slice %arg6[%dma_wait3A_131, %dma_wait3A_132] : memref<10000x128xf32, #tpu.memory_space<vmem_shared>> -> memref<10000x128xf32, #tpu.memory_space<vmem_shared>>
        tpu.wait_indirect_dma semaphore(%run_scoped3A_121 : memref<!tpu.dma_semaphore, #tpu.memory_space<semaphore_mem>>) src(%arg8 : memref<80x128xf32, #tpu.memory_space<vmem>>) dst(%dma_wait3A_133 : memref<10000x128xf32, #tpu.memory_space<vmem_shared>>)
        tpu.yield
      }) : () -> ()
      %dma_wait3A_106 = arith.constant 0 : i32
      %dma_wait3A_107 = tpu.memref_slice %arg2[%add3A_1, %multiple_of3A, %dma_wait3A_106] : memref<4x160000x128xf32, #tpu.memory_space<hbm>> -> memref<1x80x128xf32, #tpu.memory_space<hbm>>
      %dma_wait3A_108 = tpu.memref_squeeze %dma_wait3A_107 : memref<1x80x128xf32, #tpu.memory_space<hbm>> -> memref<80x128xf32, #tpu.memory_space<hbm>>
      %dma_wait3A_109 = arith.constant 0 : i32
      %dma_wait3A_110 = tpu.memref_slice %arg2[%add3A_1, %multiple_of3A, %dma_wait3A_109] : memref<4x160000x128xf32, #tpu.memory_space<hbm>> -> memref<1x80x128xf32, #tpu.memory_space<hbm>>
      %dma_wait3A_111 = tpu.memref_squeeze %dma_wait3A_110 : memref<1x80x128xf32, #tpu.memory_space<hbm>> -> memref<80x128xf32, #tpu.memory_space<hbm>>
      tpu.wait_dma2 semaphore(%arg11 : memref<!tpu.dma_semaphore, #tpu.memory_space<semaphore_mem>>) src(%dma_wait3A_111 : memref<80x128xf32, #tpu.memory_space<hbm>>) dst(%arg9 : memref<80x128xf32, #tpu.memory_space<vmem>>)
      %add3A_112 = arith.constant 2 : i32
      %add3A_113 = arith.addi %mul3A_87, %add3A_112 : i32
      %lt3A_114 = arith.constant 125 : i32
      %lt3A_115 = arith.cmpi slt, %add3A_113, %lt3A_114 : i32
      %convert_element_type3A_116 = arith.extui %lt3A_115 : i1 to i32
      %cond3A_117 = arith.constant 0 : i32
      %cond3A_118 = arith.cmpi ne, %convert_element_type3A_116, %cond3A_117 : i32
      scf.if %cond3A_118 {
        %add3A_121 = arith.constant 2 : i32
        %add3A_122 = arith.addi %mul3A_87, %add3A_121 : i32
        %mul3A_123 = arith.constant 80 : i32
        %mul3A_124 = arith.muli %add3A_122, %mul3A_123 : i32
        %add3A_125 = arith.addi %multiple_of3A, %mul3A_124 : i32
        %multiple_of3A_126 = tpu.assume_multiple %add3A_125, 8 : i32
        %dma_start3A_127 = arith.constant 0 : i32
        %dma_start3A_128 = tpu.memref_slice %arg2[%add3A_1, %multiple_of3A_126, %dma_start3A_127] : memref<4x160000x128xf32, #tpu.memory_space<hbm>> -> memref<1x80x128xf32, #tpu.memory_space<hbm>>
        %dma_start3A_129 = tpu.memref_squeeze %dma_start3A_128 : memref<1x80x128xf32, #tpu.memory_space<hbm>> -> memref<80x128xf32, #tpu.memory_space<hbm>>
        %dma_start3A_130 = arith.constant 0 : i32
        %dma_start3A_131 = tpu.memref_slice %arg2[%add3A_1, %multiple_of3A_126, %dma_start3A_130] : memref<4x160000x128xf32, #tpu.memory_space<hbm>> -> memref<1x80x128xf32, #tpu.memory_space<hbm>>
        %dma_start3A_132 = tpu.memref_squeeze %dma_start3A_131 : memref<1x80x128xf32, #tpu.memory_space<hbm>> -> memref<80x128xf32, #tpu.memory_space<hbm>>
        tpu.enqueue_dma source(%dma_start3A_132 : memref<80x128xf32, #tpu.memory_space<hbm>>) target(%arg8 : memref<80x128xf32, #tpu.memory_space<vmem>>) target_semaphore(%arg10 : memref<!tpu.dma_semaphore, #tpu.memory_space<semaphore_mem>>)
      } else {
      }
      %add3A_119 = arith.constant 1 : i32
      %add3A_120 = arith.addi %mul3A_87, %add3A_119 : i32
      "tpu.region"() ({
        %run_scoped3A_121 = tpu.sem_alloc : memref<!tpu.dma_semaphore, #tpu.memory_space<semaphore_mem>>
        %dma_start3A_122 = arith.constant 0 : i32
        %dma_start3A_123 = tpu.memref_slice %arg7[%add3A_120, %dma_start3A_122] : memref<125x80xi32, #tpu.memory_space<vmem>> -> memref<1x80xi32, #tpu.memory_space<vmem>>
        %dma_start3A_124 = tpu.memref_squeeze %dma_start3A_123 : memref<1x80xi32, #tpu.memory_space<vmem>> -> memref<80xi32, #tpu.memory_space<vmem>>
        %dma_start3A_125 = arith.constant 0 : i32
        %dma_start3A_126 = arith.constant 0 : i32
        %dma_start3A_127 = tpu.memref_slice %arg6[%dma_start3A_125, %dma_start3A_126] : memref<10000x128xf32, #tpu.memory_space<vmem_shared>> -> memref<10000x128xf32, #tpu.memory_space<vmem_shared>>
        tpu.enqueue_indirect_dma source(%arg9 : memref<80x128xf32, #tpu.memory_space<vmem>>) target(%dma_start3A_127 : memref<10000x128xf32, #tpu.memory_space<vmem_shared>>) offsets(%dma_start3A_124 : memref<80xi32, #tpu.memory_space<vmem>>) semaphore(%run_scoped3A_121 : memref<!tpu.dma_semaphore, #tpu.memory_space<semaphore_mem>>) {add = true}
        %dma_wait3A_128 = arith.constant 0 : i32
        %dma_wait3A_129 = tpu.memref_slice %arg7[%add3A_120, %dma_wait3A_128] : memref<125x80xi32, #tpu.memory_space<vmem>> -> memref<1x80xi32, #tpu.memory_space<vmem>>
        %dma_wait3A_130 = tpu.memref_squeeze %dma_wait3A_129 : memref<1x80xi32, #tpu.memory_space<vmem>> -> memref<80xi32, #tpu.memory_space<vmem>>
        %dma_wait3A_131 = arith.constant 0 : i32
        %dma_wait3A_132 = arith.constant 0 : i32
        %dma_wait3A_133 = tpu.memref_slice %arg6[%dma_wait3A_131, %dma_wait3A_132] : memref<10000x128xf32, #tpu.memory_space<vmem_shared>> -> memref<10000x128xf32, #tpu.memory_space<vmem_shared>>
        tpu.wait_indirect_dma semaphore(%run_scoped3A_121 : memref<!tpu.dma_semaphore, #tpu.memory_space<semaphore_mem>>) src(%arg9 : memref<80x128xf32, #tpu.memory_space<vmem>>) dst(%dma_wait3A_133 : memref<10000x128xf32, #tpu.memory_space<vmem_shared>>)
        tpu.yield
      }) : () -> ()
    }
    %scan3A_20 = arith.constant 62 : i32
    %dma_wait3A = arith.constant 0 : i32
    %dma_wait3A_21 = tpu.memref_slice %arg2[%add3A_1, %multiple_of3A, %dma_wait3A] : memref<4x160000x128xf32, #tpu.memory_space<hbm>> -> memref<1x80x128xf32, #tpu.memory_space<hbm>>
    %dma_wait3A_22 = tpu.memref_squeeze %dma_wait3A_21 : memref<1x80x128xf32, #tpu.memory_space<hbm>> -> memref<80x128xf32, #tpu.memory_space<hbm>>
    %dma_wait3A_23 = arith.constant 0 : i32
    %dma_wait3A_24 = tpu.memref_slice %arg2[%add3A_1, %multiple_of3A, %dma_wait3A_23] : memref<4x160000x128xf32, #tpu.memory_space<hbm>> -> memref<1x80x128xf32, #tpu.memory_space<hbm>>
    %dma_wait3A_25 = tpu.memref_squeeze %dma_wait3A_24 : memref<1x80x128xf32, #tpu.memory_space<hbm>> -> memref<80x128xf32, #tpu.memory_space<hbm>>
    tpu.wait_dma2 semaphore(%arg10 : memref<!tpu.dma_semaphore, #tpu.memory_space<semaphore_mem>>) src(%dma_wait3A_25 : memref<80x128xf32, #tpu.memory_space<hbm>>) dst(%arg8 : memref<80x128xf32, #tpu.memory_space<vmem>>)
    %run_scoped3A = arith.constant 124 : i32
    "tpu.region"() ({
      %run_scoped3A_85 = tpu.sem_alloc : memref<!tpu.dma_semaphore, #tpu.memory_space<semaphore_mem>>
      %dma_start3A_86 = arith.constant 0 : i32
      %dma_start3A_87 = tpu.memref_slice %arg7[%run_scoped3A, %dma_start3A_86] : memref<125x80xi32, #tpu.memory_space<vmem>> -> memref<1x80xi32, #tpu.memory_space<vmem>>
      %dma_start3A_88 = tpu.memref_squeeze %dma_start3A_87 : memref<1x80xi32, #tpu.memory_space<vmem>> -> memref<80xi32, #tpu.memory_space<vmem>>
      %dma_start3A_89 = arith.constant 0 : i32
      %dma_start3A_90 = arith.constant 0 : i32
      %dma_start3A_91 = tpu.memref_slice %arg6[%dma_start3A_89, %dma_start3A_90] : memref<10000x128xf32, #tpu.memory_space<vmem_shared>> -> memref<10000x128xf32, #tpu.memory_space<vmem_shared>>
      tpu.enqueue_indirect_dma source(%arg8 : memref<80x128xf32, #tpu.memory_space<vmem>>) target(%dma_start3A_91 : memref<10000x128xf32, #tpu.memory_space<vmem_shared>>) offsets(%dma_start3A_88 : memref<80xi32, #tpu.memory_space<vmem>>) semaphore(%run_scoped3A_85 : memref<!tpu.dma_semaphore, #tpu.memory_space<semaphore_mem>>) {add = true}
      %dma_wait3A_92 = arith.constant 0 : i32
      %dma_wait3A_93 = tpu.memref_slice %arg7[%run_scoped3A, %dma_wait3A_92] : memref<125x80xi32, #tpu.memory_space<vmem>> -> memref<1x80xi32, #tpu.memory_space<vmem>>
      %dma_wait3A_94 = tpu.memref_squeeze %dma_wait3A_93 : memref<1x80xi32, #tpu.memory_space<vmem>> -> memref<80xi32, #tpu.memory_space<vmem>>
      %dma_wait3A_95 = arith.constant 0 : i32
      %dma_wait3A_96 = arith.constant 0 : i32
      %dma_wait3A_97 = tpu.memref_slice %arg6[%dma_wait3A_95, %dma_wait3A_96] : memref<10000x128xf32, #tpu.memory_space<vmem_shared>> -> memref<10000x128xf32, #tpu.memory_space<vmem_shared>>
      tpu.wait_indirect_dma semaphore(%run_scoped3A_85 : memref<!tpu.dma_semaphore, #tpu.memory_space<semaphore_mem>>) src(%arg8 : memref<80x128xf32, #tpu.memory_space<vmem>>) dst(%dma_wait3A_97 : memref<10000x128xf32, #tpu.memory_space<vmem_shared>>)
      tpu.yield
    }) : () -> ()
    %barrier3A_26 = arith.constant 0 : index
    tpu.barrier barrier_id(%barrier3A_26)
    %lt3A_27 = arith.constant 15 : i32
    %lt3A_28 = arith.cmpi slt, %arg1, %lt3A_27 : i32
    %convert_element_type3A_29 = arith.extui %lt3A_28 : i1 to i32
    %cond3A_30 = arith.constant 0 : i32
    %cond3A_31 = arith.cmpi ne, %convert_element_type3A_29, %cond3A_30 : i32
    scf.if %cond3A_31 {
      %mul3A_85 = arith.constant 624 : i32
      %mul3A_86 = arith.muli %arg1, %mul3A_85 : i32
      %multiple_of3A_87 = tpu.assume_multiple %mul3A_86, 8 : i32
      "tpu.region"() ({
        %run_scoped3A_88 = tpu.sem_alloc : memref<!tpu.dma_semaphore, #tpu.memory_space<semaphore_mem>>
        %dma_start3A_89 = arith.constant 0 : i32
        %dma_start3A_90 = tpu.memref_slice %arg5[%add3A_1, %multiple_of3A_87, %dma_start3A_89] : memref<4x10000x128xf32, #tpu.memory_space<hbm>> -> memref<1x624x128xf32, #tpu.memory_space<hbm>>
        %dma_start3A_91 = tpu.memref_squeeze %dma_start3A_90 : memref<1x624x128xf32, #tpu.memory_space<hbm>> -> memref<624x128xf32, #tpu.memory_space<hbm>>
        %dma_start3A_92 = arith.constant 0 : i32
        %dma_start3A_93 = tpu.memref_slice %arg6[%multiple_of3A_87, %dma_start3A_92] : memref<10000x128xf32, #tpu.memory_space<vmem_shared>> -> memref<624x128xf32, #tpu.memory_space<vmem_shared>>
        tpu.enqueue_dma source(%dma_start3A_93 : memref<624x128xf32, #tpu.memory_space<vmem_shared>>) target(%dma_start3A_91 : memref<624x128xf32, #tpu.memory_space<hbm>>) target_semaphore(%run_scoped3A_88 : memref<!tpu.dma_semaphore, #tpu.memory_space<semaphore_mem>>)
        %dma_wait3A_94 = arith.constant 0 : i32
        %dma_wait3A_95 = tpu.memref_slice %arg5[%add3A_1, %multiple_of3A_87, %dma_wait3A_94] : memref<4x10000x128xf32, #tpu.memory_space<hbm>> -> memref<1x624x128xf32, #tpu.memory_space<hbm>>
        %dma_wait3A_96 = tpu.memref_squeeze %dma_wait3A_95 : memref<1x624x128xf32, #tpu.memory_space<hbm>> -> memref<624x128xf32, #tpu.memory_space<hbm>>
        %dma_wait3A_97 = arith.constant 0 : i32
        %dma_wait3A_98 = tpu.memref_slice %arg6[%multiple_of3A_87, %dma_wait3A_97] : memref<10000x128xf32, #tpu.memory_space<vmem_shared>> -> memref<624x128xf32, #tpu.memory_space<vmem_shared>>
        tpu.wait_dma2 semaphore(%run_scoped3A_88 : memref<!tpu.dma_semaphore, #tpu.memory_space<semaphore_mem>>) src(%dma_wait3A_98 : memref<624x128xf32, #tpu.memory_space<vmem_shared>>) dst(%dma_wait3A_96 : memref<624x128xf32, #tpu.memory_space<hbm>>)
        tpu.yield
      }) : () -> ()
    } else {
    }
    %eq3A_32 = arith.constant 15 : i32
    %eq3A_33 = arith.cmpi eq, %arg1, %eq3A_32 : i32
    %convert_element_type3A_34 = arith.extui %eq3A_33 : i1 to i32
    %cond3A_35 = arith.constant 0 : i32
    %cond3A_36 = arith.cmpi ne, %convert_element_type3A_34, %cond3A_35 : i32
    scf.if %cond3A_36 {
      "tpu.region"() ({
        %run_scoped3A_85 = tpu.sem_alloc : memref<!tpu.dma_semaphore, #tpu.memory_space<semaphore_mem>>
        %dma_start3A_86 = arith.constant 9360 : i32
        %dma_start3A_87 = arith.constant 0 : i32
        %dma_start3A_88 = tpu.memref_slice %arg5[%add3A_1, %dma_start3A_86, %dma_start3A_87] : memref<4x10000x128xf32, #tpu.memory_space<hbm>> -> memref<1x640x128xf32, #tpu.memory_space<hbm>>
        %dma_start3A_89 = tpu.memref_squeeze %dma_start3A_88 : memref<1x640x128xf32, #tpu.memory_space<hbm>> -> memref<640x128xf32, #tpu.memory_space<hbm>>
        %dma_start3A_90 = arith.constant 9360 : i32
        %dma_start3A_91 = arith.constant 0 : i32
        %dma_start3A_92 = tpu.memref_slice %arg6[%dma_start3A_90, %dma_start3A_91] : memref<10000x128xf32, #tpu.memory_space<vmem_shared>> -> memref<640x128xf32, #tpu.memory_space<vmem_shared>>
        tpu.enqueue_dma source(%dma_start3A_92 : memref<640x128xf32, #tpu.memory_space<vmem_shared>>) target(%dma_start3A_89 : memref<640x128xf32, #tpu.memory_space<hbm>>) target_semaphore(%run_scoped3A_85 : memref<!tpu.dma_semaphore, #tpu.memory_space<semaphore_mem>>)
        %dma_wait3A_93 = arith.constant 9360 : i32
        %dma_wait3A_94 = arith.constant 0 : i32
        %dma_wait3A_95 = tpu.memref_slice %arg5[%add3A_1, %dma_wait3A_93, %dma_wait3A_94] : memref<4x10000x128xf32, #tpu.memory_space<hbm>> -> memref<1x640x128xf32, #tpu.memory_space<hbm>>
        %dma_wait3A_96 = tpu.memref_squeeze %dma_wait3A_95 : memref<1x640x128xf32, #tpu.memory_space<hbm>> -> memref<640x128xf32, #tpu.memory_space<hbm>>
        %dma_wait3A_97 = arith.constant 9360 : i32
        %dma_wait3A_98 = arith.constant 0 : i32
        %dma_wait3A_99 = tpu.memref_slice %arg6[%dma_wait3A_97, %dma_wait3A_98] : memref<10000x128xf32, #tpu.memory_space<vmem_shared>> -> memref<640x128xf32, #tpu.memory_space<vmem_shared>>
        tpu.wait_dma2 semaphore(%run_scoped3A_85 : memref<!tpu.dma_semaphore, #tpu.memory_space<semaphore_mem>>) src(%dma_wait3A_99 : memref<640x128xf32, #tpu.memory_space<vmem_shared>>) dst(%dma_wait3A_96 : memref<640x128xf32, #tpu.memory_space<hbm>>)
        tpu.yield
      }) : () -> ()
    } else {
    }
    %barrier3A_37 = arith.constant 0 : index
    tpu.barrier barrier_id(%barrier3A_37)
    %add3A_38 = arith.constant 2 : i32
    %add3A_39 = arith.addi %add3A_38, %arg0 : i32
    %lt3A_40 = arith.constant 15 : i32
    %lt3A_41 = arith.cmpi slt, %arg1, %lt3A_40 : i32
    %convert_element_type3A_42 = arith.extui %lt3A_41 : i1 to i32
    %cond3A_43 = arith.constant 0 : i32
    %cond3A_44 = arith.cmpi ne, %convert_element_type3A_42, %cond3A_43 : i32
    scf.if %cond3A_44 {
      %mul3A_85 = arith.constant 624 : i32
      %mul3A_86 = arith.muli %arg1, %mul3A_85 : i32
      %multiple_of3A_87 = tpu.assume_multiple %mul3A_86, 8 : i32
      "tpu.region"() ({
        %run_scoped3A_88 = tpu.sem_alloc : memref<!tpu.dma_semaphore, #tpu.memory_space<semaphore_mem>>
        %dma_start3A_89 = arith.constant 0 : i32
        %dma_start3A_90 = tpu.memref_slice %arg6[%multiple_of3A_87, %dma_start3A_89] : memref<10000x128xf32, #tpu.memory_space<vmem_shared>> -> memref<624x128xf32, #tpu.memory_space<vmem_shared>>
        %dma_start3A_91 = arith.constant 0 : i32
        %dma_start3A_92 = tpu.memref_slice %arg4[%multiple_of3A_87, %dma_start3A_91] : memref<10000x128xf32, #tpu.memory_space<hbm>> -> memref<624x128xf32, #tpu.memory_space<hbm>>
        tpu.enqueue_dma source(%dma_start3A_92 : memref<624x128xf32, #tpu.memory_space<hbm>>) target(%dma_start3A_90 : memref<624x128xf32, #tpu.memory_space<vmem_shared>>) target_semaphore(%run_scoped3A_88 : memref<!tpu.dma_semaphore, #tpu.memory_space<semaphore_mem>>)
        %dma_wait3A_93 = arith.constant 0 : i32
        %dma_wait3A_94 = tpu.memref_slice %arg6[%multiple_of3A_87, %dma_wait3A_93] : memref<10000x128xf32, #tpu.memory_space<vmem_shared>> -> memref<624x128xf32, #tpu.memory_space<vmem_shared>>
        %dma_wait3A_95 = arith.constant 0 : i32
        %dma_wait3A_96 = tpu.memref_slice %arg4[%multiple_of3A_87, %dma_wait3A_95] : memref<10000x128xf32, #tpu.memory_space<hbm>> -> memref<624x128xf32, #tpu.memory_space<hbm>>
        tpu.wait_dma2 semaphore(%run_scoped3A_88 : memref<!tpu.dma_semaphore, #tpu.memory_space<semaphore_mem>>) src(%dma_wait3A_96 : memref<624x128xf32, #tpu.memory_space<hbm>>) dst(%dma_wait3A_94 : memref<624x128xf32, #tpu.memory_space<vmem_shared>>)
        tpu.yield
      }) : () -> ()
    } else {
    }
    %eq3A_45 = arith.constant 15 : i32
    %eq3A_46 = arith.cmpi eq, %arg1, %eq3A_45 : i32
    %convert_element_type3A_47 = arith.extui %eq3A_46 : i1 to i32
    %cond3A_48 = arith.constant 0 : i32
    %cond3A_49 = arith.cmpi ne, %convert_element_type3A_47, %cond3A_48 : i32
    scf.if %cond3A_49 {
      "tpu.region"() ({
        %run_scoped3A_85 = tpu.sem_alloc : memref<!tpu.dma_semaphore, #tpu.memory_space<semaphore_mem>>
        %dma_start3A_86 = arith.constant 9360 : i32
        %dma_start3A_87 = arith.constant 0 : i32
        %dma_start3A_88 = tpu.memref_slice %arg6[%dma_start3A_86, %dma_start3A_87] : memref<10000x128xf32, #tpu.memory_space<vmem_shared>> -> memref<640x128xf32, #tpu.memory_space<vmem_shared>>
        %dma_start3A_89 = arith.constant 9360 : i32
        %dma_start3A_90 = arith.constant 0 : i32
        %dma_start3A_91 = tpu.memref_slice %arg4[%dma_start3A_89, %dma_start3A_90] : memref<10000x128xf32, #tpu.memory_space<hbm>> -> memref<640x128xf32, #tpu.memory_space<hbm>>
        tpu.enqueue_dma source(%dma_start3A_91 : memref<640x128xf32, #tpu.memory_space<hbm>>) target(%dma_start3A_88 : memref<640x128xf32, #tpu.memory_space<vmem_shared>>) target_semaphore(%run_scoped3A_85 : memref<!tpu.dma_semaphore, #tpu.memory_space<semaphore_mem>>)
        %dma_wait3A_92 = arith.constant 9360 : i32
        %dma_wait3A_93 = arith.constant 0 : i32
        %dma_wait3A_94 = tpu.memref_slice %arg6[%dma_wait3A_92, %dma_wait3A_93] : memref<10000x128xf32, #tpu.memory_space<vmem_shared>> -> memref<640x128xf32, #tpu.memory_space<vmem_shared>>
        %dma_wait3A_95 = arith.constant 9360 : i32
        %dma_wait3A_96 = arith.constant 0 : i32
        %dma_wait3A_97 = tpu.memref_slice %arg4[%dma_wait3A_95, %dma_wait3A_96] : memref<10000x128xf32, #tpu.memory_space<hbm>> -> memref<640x128xf32, #tpu.memory_space<hbm>>
        tpu.wait_dma2 semaphore(%run_scoped3A_85 : memref<!tpu.dma_semaphore, #tpu.memory_space<semaphore_mem>>) src(%dma_wait3A_97 : memref<640x128xf32, #tpu.memory_space<hbm>>) dst(%dma_wait3A_94 : memref<640x128xf32, #tpu.memory_space<vmem_shared>>)
        tpu.yield
      }) : () -> ()
    } else {
    }
    %barrier3A_50 = arith.constant 0 : index
    tpu.barrier barrier_id(%barrier3A_50)
    %add3A_51 = arith.constant 0 : i32
    %add3A_52 = arith.addi %multiple_of3A, %add3A_51 : i32
    %multiple_of3A_53 = tpu.assume_multiple %add3A_52, 8 : i32
    %dma_start3A_54 = arith.constant 0 : i32
    %dma_start3A_55 = tpu.memref_slice %arg2[%add3A_39, %multiple_of3A_53, %dma_start3A_54] : memref<4x160000x128xf32, #tpu.memory_space<hbm>> -> memref<1x80x128xf32, #tpu.memory_space<hbm>>
    %dma_start3A_56 = tpu.memref_squeeze %dma_start3A_55 : memref<1x80x128xf32, #tpu.memory_space<hbm>> -> memref<80x128xf32, #tpu.memory_space<hbm>>
    %dma_start3A_57 = arith.constant 0 : i32
    %dma_start3A_58 = tpu.memref_slice %arg2[%add3A_39, %multiple_of3A_53, %dma_start3A_57] : memref<4x160000x128xf32, #tpu.memory_space<hbm>> -> memref<1x80x128xf32, #tpu.memory_space<hbm>>
    %dma_start3A_59 = tpu.memref_squeeze %dma_start3A_58 : memref<1x80x128xf32, #tpu.memory_space<hbm>> -> memref<80x128xf32, #tpu.memory_space<hbm>>
    tpu.enqueue_dma source(%dma_start3A_59 : memref<80x128xf32, #tpu.memory_space<hbm>>) target(%arg8 : memref<80x128xf32, #tpu.memory_space<vmem>>) target_semaphore(%arg10 : memref<!tpu.dma_semaphore, #tpu.memory_space<semaphore_mem>>)
    %scan3A_60 = arith.constant 0 : i32
    %scan3A_61 = arith.constant 0 : i32
    %scan3A_62 = arith.constant 62 : i32
    %scan3A_63 = arith.addi %scan3A_61, %scan3A_62 : i32
    %scan3A_64 = arith.constant 1 : i32
    scf.for %scan3A_85 = %scan3A_61 to %scan3A_63 step %scan3A_64  : i32 {
      %mul3A_86 = arith.constant 2 : i32
      %mul3A_87 = arith.muli %scan3A_85, %mul3A_86 : i32
      %dma_wait3A_88 = arith.constant 0 : i32
      %dma_wait3A_89 = tpu.memref_slice %arg2[%add3A_39, %multiple_of3A, %dma_wait3A_88] : memref<4x160000x128xf32, #tpu.memory_space<hbm>> -> memref<1x80x128xf32, #tpu.memory_space<hbm>>
      %dma_wait3A_90 = tpu.memref_squeeze %dma_wait3A_89 : memref<1x80x128xf32, #tpu.memory_space<hbm>> -> memref<80x128xf32, #tpu.memory_space<hbm>>
      %dma_wait3A_91 = arith.constant 0 : i32
      %dma_wait3A_92 = tpu.memref_slice %arg2[%add3A_39, %multiple_of3A, %dma_wait3A_91] : memref<4x160000x128xf32, #tpu.memory_space<hbm>> -> memref<1x80x128xf32, #tpu.memory_space<hbm>>
      %dma_wait3A_93 = tpu.memref_squeeze %dma_wait3A_92 : memref<1x80x128xf32, #tpu.memory_space<hbm>> -> memref<80x128xf32, #tpu.memory_space<hbm>>
      tpu.wait_dma2 semaphore(%arg10 : memref<!tpu.dma_semaphore, #tpu.memory_space<semaphore_mem>>) src(%dma_wait3A_93 : memref<80x128xf32, #tpu.memory_space<hbm>>) dst(%arg8 : memref<80x128xf32, #tpu.memory_space<vmem>>)
      %add3A_94 = arith.constant 1 : i32
      %add3A_95 = arith.addi %mul3A_87, %add3A_94 : i32
      %mul3A_96 = arith.constant 80 : i32
      %mul3A_97 = arith.muli %add3A_95, %mul3A_96 : i32
      %add3A_98 = arith.addi %multiple_of3A, %mul3A_97 : i32
      %multiple_of3A_99 = tpu.assume_multiple %add3A_98, 8 : i32
      %dma_start3A_100 = arith.constant 0 : i32
      %dma_start3A_101 = tpu.memref_slice %arg2[%add3A_39, %multiple_of3A_99, %dma_start3A_100] : memref<4x160000x128xf32, #tpu.memory_space<hbm>> -> memref<1x80x128xf32, #tpu.memory_space<hbm>>
      %dma_start3A_102 = tpu.memref_squeeze %dma_start3A_101 : memref<1x80x128xf32, #tpu.memory_space<hbm>> -> memref<80x128xf32, #tpu.memory_space<hbm>>
      %dma_start3A_103 = arith.constant 0 : i32
      %dma_start3A_104 = tpu.memref_slice %arg2[%add3A_39, %multiple_of3A_99, %dma_start3A_103] : memref<4x160000x128xf32, #tpu.memory_space<hbm>> -> memref<1x80x128xf32, #tpu.memory_space<hbm>>
      %dma_start3A_105 = tpu.memref_squeeze %dma_start3A_104 : memref<1x80x128xf32, #tpu.memory_space<hbm>> -> memref<80x128xf32, #tpu.memory_space<hbm>>
      tpu.enqueue_dma source(%dma_start3A_105 : memref<80x128xf32, #tpu.memory_space<hbm>>) target(%arg9 : memref<80x128xf32, #tpu.memory_space<vmem>>) target_semaphore(%arg11 : memref<!tpu.dma_semaphore, #tpu.memory_space<semaphore_mem>>)
      "tpu.region"() ({
        %run_scoped3A_121 = tpu.sem_alloc : memref<!tpu.dma_semaphore, #tpu.memory_space<semaphore_mem>>
        %dma_start3A_122 = arith.constant 0 : i32
        %dma_start3A_123 = tpu.memref_slice %arg7[%mul3A_87, %dma_start3A_122] : memref<125x80xi32, #tpu.memory_space<vmem>> -> memref<1x80xi32, #tpu.memory_space<vmem>>
        %dma_start3A_124 = tpu.memref_squeeze %dma_start3A_123 : memref<1x80xi32, #tpu.memory_space<vmem>> -> memref<80xi32, #tpu.memory_space<vmem>>
        %dma_start3A_125 = arith.constant 0 : i32
        %dma_start3A_126 = arith.constant 0 : i32
        %dma_start3A_127 = tpu.memref_slice %arg6[%dma_start3A_125, %dma_start3A_126] : memref<10000x128xf32, #tpu.memory_space<vmem_shared>> -> memref<10000x128xf32, #tpu.memory_space<vmem_shared>>
        tpu.enqueue_indirect_dma source(%arg8 : memref<80x128xf32, #tpu.memory_space<vmem>>) target(%dma_start3A_127 : memref<10000x128xf32, #tpu.memory_space<vmem_shared>>) offsets(%dma_start3A_124 : memref<80xi32, #tpu.memory_space<vmem>>) semaphore(%run_scoped3A_121 : memref<!tpu.dma_semaphore, #tpu.memory_space<semaphore_mem>>) {add = true}
        %dma_wait3A_128 = arith.constant 0 : i32
        %dma_wait3A_129 = tpu.memref_slice %arg7[%mul3A_87, %dma_wait3A_128] : memref<125x80xi32, #tpu.memory_space<vmem>> -> memref<1x80xi32, #tpu.memory_space<vmem>>
        %dma_wait3A_130 = tpu.memref_squeeze %dma_wait3A_129 : memref<1x80xi32, #tpu.memory_space<vmem>> -> memref<80xi32, #tpu.memory_space<vmem>>
        %dma_wait3A_131 = arith.constant 0 : i32
        %dma_wait3A_132 = arith.constant 0 : i32
        %dma_wait3A_133 = tpu.memref_slice %arg6[%dma_wait3A_131, %dma_wait3A_132] : memref<10000x128xf32, #tpu.memory_space<vmem_shared>> -> memref<10000x128xf32, #tpu.memory_space<vmem_shared>>
        tpu.wait_indirect_dma semaphore(%run_scoped3A_121 : memref<!tpu.dma_semaphore, #tpu.memory_space<semaphore_mem>>) src(%arg8 : memref<80x128xf32, #tpu.memory_space<vmem>>) dst(%dma_wait3A_133 : memref<10000x128xf32, #tpu.memory_space<vmem_shared>>)
        tpu.yield
      }) : () -> ()
      %dma_wait3A_106 = arith.constant 0 : i32
      %dma_wait3A_107 = tpu.memref_slice %arg2[%add3A_39, %multiple_of3A, %dma_wait3A_106] : memref<4x160000x128xf32, #tpu.memory_space<hbm>> -> memref<1x80x128xf32, #tpu.memory_space<hbm>>
      %dma_wait3A_108 = tpu.memref_squeeze %dma_wait3A_107 : memref<1x80x128xf32, #tpu.memory_space<hbm>> -> memref<80x128xf32, #tpu.memory_space<hbm>>
      %dma_wait3A_109 = arith.constant 0 : i32
      %dma_wait3A_110 = tpu.memref_slice %arg2[%add3A_39, %multiple_of3A, %dma_wait3A_109] : memref<4x160000x128xf32, #tpu.memory_space<hbm>> -> memref<1x80x128xf32, #tpu.memory_space<hbm>>
      %dma_wait3A_111 = tpu.memref_squeeze %dma_wait3A_110 : memref<1x80x128xf32, #tpu.memory_space<hbm>> -> memref<80x128xf32, #tpu.memory_space<hbm>>
      tpu.wait_dma2 semaphore(%arg11 : memref<!tpu.dma_semaphore, #tpu.memory_space<semaphore_mem>>) src(%dma_wait3A_111 : memref<80x128xf32, #tpu.memory_space<hbm>>) dst(%arg9 : memref<80x128xf32, #tpu.memory_space<vmem>>)
      %add3A_112 = arith.constant 2 : i32
      %add3A_113 = arith.addi %mul3A_87, %add3A_112 : i32
      %lt3A_114 = arith.constant 125 : i32
      %lt3A_115 = arith.cmpi slt, %add3A_113, %lt3A_114 : i32
      %convert_element_type3A_116 = arith.extui %lt3A_115 : i1 to i32
      %cond3A_117 = arith.constant 0 : i32
      %cond3A_118 = arith.cmpi ne, %convert_element_type3A_116, %cond3A_117 : i32
      scf.if %cond3A_118 {
        %add3A_121 = arith.constant 2 : i32
        %add3A_122 = arith.addi %mul3A_87, %add3A_121 : i32
        %mul3A_123 = arith.constant 80 : i32
        %mul3A_124 = arith.muli %add3A_122, %mul3A_123 : i32
        %add3A_125 = arith.addi %multiple_of3A, %mul3A_124 : i32
        %multiple_of3A_126 = tpu.assume_multiple %add3A_125, 8 : i32
        %dma_start3A_127 = arith.constant 0 : i32
        %dma_start3A_128 = tpu.memref_slice %arg2[%add3A_39, %multiple_of3A_126, %dma_start3A_127] : memref<4x160000x128xf32, #tpu.memory_space<hbm>> -> memref<1x80x128xf32, #tpu.memory_space<hbm>>
        %dma_start3A_129 = tpu.memref_squeeze %dma_start3A_128 : memref<1x80x128xf32, #tpu.memory_space<hbm>> -> memref<80x128xf32, #tpu.memory_space<hbm>>
        %dma_start3A_130 = arith.constant 0 : i32
        %dma_start3A_131 = tpu.memref_slice %arg2[%add3A_39, %multiple_of3A_126, %dma_start3A_130] : memref<4x160000x128xf32, #tpu.memory_space<hbm>> -> memref<1x80x128xf32, #tpu.memory_space<hbm>>
        %dma_start3A_132 = tpu.memref_squeeze %dma_start3A_131 : memref<1x80x128xf32, #tpu.memory_space<hbm>> -> memref<80x128xf32, #tpu.memory_space<hbm>>
        tpu.enqueue_dma source(%dma_start3A_132 : memref<80x128xf32, #tpu.memory_space<hbm>>) target(%arg8 : memref<80x128xf32, #tpu.memory_space<vmem>>) target_semaphore(%arg10 : memref<!tpu.dma_semaphore, #tpu.memory_space<semaphore_mem>>)
      } else {
      }
      %add3A_119 = arith.constant 1 : i32
      %add3A_120 = arith.addi %mul3A_87, %add3A_119 : i32
      "tpu.region"() ({
        %run_scoped3A_121 = tpu.sem_alloc : memref<!tpu.dma_semaphore, #tpu.memory_space<semaphore_mem>>
        %dma_start3A_122 = arith.constant 0 : i32
        %dma_start3A_123 = tpu.memref_slice %arg7[%add3A_120, %dma_start3A_122] : memref<125x80xi32, #tpu.memory_space<vmem>> -> memref<1x80xi32, #tpu.memory_space<vmem>>
        %dma_start3A_124 = tpu.memref_squeeze %dma_start3A_123 : memref<1x80xi32, #tpu.memory_space<vmem>> -> memref<80xi32, #tpu.memory_space<vmem>>
        %dma_start3A_125 = arith.constant 0 : i32
        %dma_start3A_126 = arith.constant 0 : i32
        %dma_start3A_127 = tpu.memref_slice %arg6[%dma_start3A_125, %dma_start3A_126] : memref<10000x128xf32, #tpu.memory_space<vmem_shared>> -> memref<10000x128xf32, #tpu.memory_space<vmem_shared>>
        tpu.enqueue_indirect_dma source(%arg9 : memref<80x128xf32, #tpu.memory_space<vmem>>) target(%dma_start3A_127 : memref<10000x128xf32, #tpu.memory_space<vmem_shared>>) offsets(%dma_start3A_124 : memref<80xi32, #tpu.memory_space<vmem>>) semaphore(%run_scoped3A_121 : memref<!tpu.dma_semaphore, #tpu.memory_space<semaphore_mem>>) {add = true}
        %dma_wait3A_128 = arith.constant 0 : i32
        %dma_wait3A_129 = tpu.memref_slice %arg7[%add3A_120, %dma_wait3A_128] : memref<125x80xi32, #tpu.memory_space<vmem>> -> memref<1x80xi32, #tpu.memory_space<vmem>>
        %dma_wait3A_130 = tpu.memref_squeeze %dma_wait3A_129 : memref<1x80xi32, #tpu.memory_space<vmem>> -> memref<80xi32, #tpu.memory_space<vmem>>
        %dma_wait3A_131 = arith.constant 0 : i32
        %dma_wait3A_132 = arith.constant 0 : i32
        %dma_wait3A_133 = tpu.memref_slice %arg6[%dma_wait3A_131, %dma_wait3A_132] : memref<10000x128xf32, #tpu.memory_space<vmem_shared>> -> memref<10000x128xf32, #tpu.memory_space<vmem_shared>>
        tpu.wait_indirect_dma semaphore(%run_scoped3A_121 : memref<!tpu.dma_semaphore, #tpu.memory_space<semaphore_mem>>) src(%arg9 : memref<80x128xf32, #tpu.memory_space<vmem>>) dst(%dma_wait3A_133 : memref<10000x128xf32, #tpu.memory_space<vmem_shared>>)
        tpu.yield
      }) : () -> ()
    }
    %scan3A_65 = arith.constant 62 : i32
    %dma_wait3A_66 = arith.constant 0 : i32
    %dma_wait3A_67 = tpu.memref_slice %arg2[%add3A_39, %multiple_of3A, %dma_wait3A_66] : memref<4x160000x128xf32, #tpu.memory_space<hbm>> -> memref<1x80x128xf32, #tpu.memory_space<hbm>>
    %dma_wait3A_68 = tpu.memref_squeeze %dma_wait3A_67 : memref<1x80x128xf32, #tpu.memory_space<hbm>> -> memref<80x128xf32, #tpu.memory_space<hbm>>
    %dma_wait3A_69 = arith.constant 0 : i32
    %dma_wait3A_70 = tpu.memref_slice %arg2[%add3A_39, %multiple_of3A, %dma_wait3A_69] : memref<4x160000x128xf32, #tpu.memory_space<hbm>> -> memref<1x80x128xf32, #tpu.memory_space<hbm>>
    %dma_wait3A_71 = tpu.memref_squeeze %dma_wait3A_70 : memref<1x80x128xf32, #tpu.memory_space<hbm>> -> memref<80x128xf32, #tpu.memory_space<hbm>>
    tpu.wait_dma2 semaphore(%arg10 : memref<!tpu.dma_semaphore, #tpu.memory_space<semaphore_mem>>) src(%dma_wait3A_71 : memref<80x128xf32, #tpu.memory_space<hbm>>) dst(%arg8 : memref<80x128xf32, #tpu.memory_space<vmem>>)
    %run_scoped3A_72 = arith.constant 124 : i32
    "tpu.region"() ({
      %run_scoped3A_85 = tpu.sem_alloc : memref<!tpu.dma_semaphore, #tpu.memory_space<semaphore_mem>>
      %dma_start3A_86 = arith.constant 0 : i32
      %dma_start3A_87 = tpu.memref_slice %arg7[%run_scoped3A_72, %dma_start3A_86] : memref<125x80xi32, #tpu.memory_space<vmem>> -> memref<1x80xi32, #tpu.memory_space<vmem>>
      %dma_start3A_88 = tpu.memref_squeeze %dma_start3A_87 : memref<1x80xi32, #tpu.memory_space<vmem>> -> memref<80xi32, #tpu.memory_space<vmem>>
      %dma_start3A_89 = arith.constant 0 : i32
      %dma_start3A_90 = arith.constant 0 : i32
      %dma_start3A_91 = tpu.memref_slice %arg6[%dma_start3A_89, %dma_start3A_90] : memref<10000x128xf32, #tpu.memory_space<vmem_shared>> -> memref<10000x128xf32, #tpu.memory_space<vmem_shared>>
      tpu.enqueue_indirect_dma source(%arg8 : memref<80x128xf32, #tpu.memory_space<vmem>>) target(%dma_start3A_91 : memref<10000x128xf32, #tpu.memory_space<vmem_shared>>) offsets(%dma_start3A_88 : memref<80xi32, #tpu.memory_space<vmem>>) semaphore(%run_scoped3A_85 : memref<!tpu.dma_semaphore, #tpu.memory_space<semaphore_mem>>) {add = true}
      %dma_wait3A_92 = arith.constant 0 : i32
      %dma_wait3A_93 = tpu.memref_slice %arg7[%run_scoped3A_72, %dma_wait3A_92] : memref<125x80xi32, #tpu.memory_space<vmem>> -> memref<1x80xi32, #tpu.memory_space<vmem>>
      %dma_wait3A_94 = tpu.memref_squeeze %dma_wait3A_93 : memref<1x80xi32, #tpu.memory_space<vmem>> -> memref<80xi32, #tpu.memory_space<vmem>>
      %dma_wait3A_95 = arith.constant 0 : i32
      %dma_wait3A_96 = arith.constant 0 : i32
      %dma_wait3A_97 = tpu.memref_slice %arg6[%dma_wait3A_95, %dma_wait3A_96] : memref<10000x128xf32, #tpu.memory_space<vmem_shared>> -> memref<10000x128xf32, #tpu.memory_space<vmem_shared>>
      tpu.wait_indirect_dma semaphore(%run_scoped3A_85 : memref<!tpu.dma_semaphore, #tpu.memory_space<semaphore_mem>>) src(%arg8 : memref<80x128xf32, #tpu.memory_space<vmem>>) dst(%dma_wait3A_97 : memref<10000x128xf32, #tpu.memory_space<vmem_shared>>)
      tpu.yield
    }) : () -> ()
    %barrier3A_73 = arith.constant 0 : index
    tpu.barrier barrier_id(%barrier3A_73)
    %lt3A_74 = arith.constant 15 : i32
    %lt3A_75 = arith.cmpi slt, %arg1, %lt3A_74 : i32
    %convert_element_type3A_76 = arith.extui %lt3A_75 : i1 to i32
    %cond3A_77 = arith.constant 0 : i32
    %cond3A_78 = arith.cmpi ne, %convert_element_type3A_76, %cond3A_77 : i32
    scf.if %cond3A_78 {
      %mul3A_85 = arith.constant 624 : i32
      %mul3A_86 = arith.muli %arg1, %mul3A_85 : i32
      %multiple_of3A_87 = tpu.assume_multiple %mul3A_86, 8 : i32
      "tpu.region"() ({
        %run_scoped3A_88 = tpu.sem_alloc : memref<!tpu.dma_semaphore, #tpu.memory_space<semaphore_mem>>
        %dma_start3A_89 = arith.constant 0 : i32
        %dma_start3A_90 = tpu.memref_slice %arg5[%add3A_39, %multiple_of3A_87, %dma_start3A_89] : memref<4x10000x128xf32, #tpu.memory_space<hbm>> -> memref<1x624x128xf32, #tpu.memory_space<hbm>>
        %dma_start3A_91 = tpu.memref_squeeze %dma_start3A_90 : memref<1x624x128xf32, #tpu.memory_space<hbm>> -> memref<624x128xf32, #tpu.memory_space<hbm>>
        %dma_start3A_92 = arith.constant 0 : i32
        %dma_start3A_93 = tpu.memref_slice %arg6[%multiple_of3A_87, %dma_start3A_92] : memref<10000x128xf32, #tpu.memory_space<vmem_shared>> -> memref<624x128xf32, #tpu.memory_space<vmem_shared>>
        tpu.enqueue_dma source(%dma_start3A_93 : memref<624x128xf32, #tpu.memory_space<vmem_shared>>) target(%dma_start3A_91 : memref<624x128xf32, #tpu.memory_space<hbm>>) target_semaphore(%run_scoped3A_88 : memref<!tpu.dma_semaphore, #tpu.memory_space<semaphore_mem>>)
        %dma_wait3A_94 = arith.constant 0 : i32
        %dma_wait3A_95 = tpu.memref_slice %arg5[%add3A_39, %multiple_of3A_87, %dma_wait3A_94] : memref<4x10000x128xf32, #tpu.memory_space<hbm>> -> memref<1x624x128xf32, #tpu.memory_space<hbm>>
        %dma_wait3A_96 = tpu.memref_squeeze %dma_wait3A_95 : memref<1x624x128xf32, #tpu.memory_space<hbm>> -> memref<624x128xf32, #tpu.memory_space<hbm>>
        %dma_wait3A_97 = arith.constant 0 : i32
        %dma_wait3A_98 = tpu.memref_slice %arg6[%multiple_of3A_87, %dma_wait3A_97] : memref<10000x128xf32, #tpu.memory_space<vmem_shared>> -> memref<624x128xf32, #tpu.memory_space<vmem_shared>>
        tpu.wait_dma2 semaphore(%run_scoped3A_88 : memref<!tpu.dma_semaphore, #tpu.memory_space<semaphore_mem>>) src(%dma_wait3A_98 : memref<624x128xf32, #tpu.memory_space<vmem_shared>>) dst(%dma_wait3A_96 : memref<624x128xf32, #tpu.memory_space<hbm>>)
        tpu.yield
      }) : () -> ()
    } else {
    }
    %eq3A_79 = arith.constant 15 : i32
    %eq3A_80 = arith.cmpi eq, %arg1, %eq3A_79 : i32
    %convert_element_type3A_81 = arith.extui %eq3A_80 : i1 to i32
    %cond3A_82 = arith.constant 0 : i32
    %cond3A_83 = arith.cmpi ne, %convert_element_type3A_81, %cond3A_82 : i32
    scf.if %cond3A_83 {
      "tpu.region"() ({
        %run_scoped3A_85 = tpu.sem_alloc : memref<!tpu.dma_semaphore, #tpu.memory_space<semaphore_mem>>
        %dma_start3A_86 = arith.constant 9360 : i32
        %dma_start3A_87 = arith.constant 0 : i32
        %dma_start3A_88 = tpu.memref_slice %arg5[%add3A_39, %dma_start3A_86, %dma_start3A_87] : memref<4x10000x128xf32, #tpu.memory_space<hbm>> -> memref<1x640x128xf32, #tpu.memory_space<hbm>>
        %dma_start3A_89 = tpu.memref_squeeze %dma_start3A_88 : memref<1x640x128xf32, #tpu.memory_space<hbm>> -> memref<640x128xf32, #tpu.memory_space<hbm>>
        %dma_start3A_90 = arith.constant 9360 : i32
        %dma_start3A_91 = arith.constant 0 : i32
        %dma_start3A_92 = tpu.memref_slice %arg6[%dma_start3A_90, %dma_start3A_91] : memref<10000x128xf32, #tpu.memory_space<vmem_shared>> -> memref<640x128xf32, #tpu.memory_space<vmem_shared>>
        tpu.enqueue_dma source(%dma_start3A_92 : memref<640x128xf32, #tpu.memory_space<vmem_shared>>) target(%dma_start3A_89 : memref<640x128xf32, #tpu.memory_space<hbm>>) target_semaphore(%run_scoped3A_85 : memref<!tpu.dma_semaphore, #tpu.memory_space<semaphore_mem>>)
        %dma_wait3A_93 = arith.constant 9360 : i32
        %dma_wait3A_94 = arith.constant 0 : i32
        %dma_wait3A_95 = tpu.memref_slice %arg5[%add3A_39, %dma_wait3A_93, %dma_wait3A_94] : memref<4x10000x128xf32, #tpu.memory_space<hbm>> -> memref<1x640x128xf32, #tpu.memory_space<hbm>>
        %dma_wait3A_96 = tpu.memref_squeeze %dma_wait3A_95 : memref<1x640x128xf32, #tpu.memory_space<hbm>> -> memref<640x128xf32, #tpu.memory_space<hbm>>
        %dma_wait3A_97 = arith.constant 9360 : i32
        %dma_wait3A_98 = arith.constant 0 : i32
        %dma_wait3A_99 = tpu.memref_slice %arg6[%dma_wait3A_97, %dma_wait3A_98] : memref<10000x128xf32, #tpu.memory_space<vmem_shared>> -> memref<640x128xf32, #tpu.memory_space<vmem_shared>>
        tpu.wait_dma2 semaphore(%run_scoped3A_85 : memref<!tpu.dma_semaphore, #tpu.memory_space<semaphore_mem>>) src(%dma_wait3A_99 : memref<640x128xf32, #tpu.memory_space<vmem_shared>>) dst(%dma_wait3A_96 : memref<640x128xf32, #tpu.memory_space<hbm>>)
        tpu.yield
      }) : () -> ()
    } else {
    }
    %barrier3A_84 = arith.constant 0 : index
    tpu.barrier barrier_id(%barrier3A_84)
    return
  }
}

#map = affine_map<(d0, d1) -> (0, 0)>
#map1 = affine_map<(d0, d1) -> (0)>
module attributes {stable_mosaic.version = 14 : i64} {
  func.func @_hgather_body(%arg0: i32, %arg1: i32, %arg2: memref<10000x128xf32, #tpu.memory_space<hbm>>, %arg3: memref<160000xi32, #tpu.memory_space<hbm>>, %arg4: memref<160000x128xf32, #tpu.memory_space<hbm>>, %arg5: memref<5000xi32, #tpu.memory_space<vmem>>, %arg6: memref<200x128xf32, #tpu.memory_space<vmem>>, %arg7: memref<200x128xf32, #tpu.memory_space<vmem>>, %arg8: memref<!tpu.dma_semaphore, #tpu.memory_space<semaphore_mem>>, %arg9: memref<!tpu.dma_semaphore, #tpu.memory_space<semaphore_mem>>) attributes {dimension_semantics = [#tpu.dimension_semantics<core_parallel>, #tpu.dimension_semantics<subcore_parallel>], iteration_bounds = array<i64: 2, 16>, scalar_prefetch = 0 : i64, scratch_operands = 5 : i64, tpu.core_type = #tpu.core_type<sc_vector_subcore>, window_params = [{transform_indices = #map}, {transform_indices = #map1}, {transform_indices = #map}]} {
    %mul3A = arith.constant 2 : i32
    %mul3A_0 = arith.muli %arg1, %mul3A : i32
    %add3A = arith.addi %mul3A_0, %arg0 : i32
    %mul3A_1 = arith.constant 5000 : i32
    %mul3A_2 = arith.muli %add3A, %mul3A_1 : i32
    %multiple_of3A = tpu.assume_multiple %mul3A_2, 8 : i32
    "tpu.region"() ({
      %run_scoped3A = tpu.sem_alloc : memref<!tpu.dma_semaphore, #tpu.memory_space<semaphore_mem>>
      %dma_start3A_20 = tpu.memref_slice %arg3[%multiple_of3A] : memref<160000xi32, #tpu.memory_space<hbm>> -> memref<5000xi32, #tpu.memory_space<hbm>>
      %dma_start3A_21 = tpu.memref_slice %arg3[%multiple_of3A] : memref<160000xi32, #tpu.memory_space<hbm>> -> memref<5000xi32, #tpu.memory_space<hbm>>
      tpu.enqueue_dma source(%dma_start3A_21 : memref<5000xi32, #tpu.memory_space<hbm>>) target(%arg5 : memref<5000xi32, #tpu.memory_space<vmem>>) target_semaphore(%run_scoped3A : memref<!tpu.dma_semaphore, #tpu.memory_space<semaphore_mem>>)
      %dma_wait3A_22 = tpu.memref_slice %arg3[%multiple_of3A] : memref<160000xi32, #tpu.memory_space<hbm>> -> memref<5000xi32, #tpu.memory_space<hbm>>
      %dma_wait3A_23 = tpu.memref_slice %arg3[%multiple_of3A] : memref<160000xi32, #tpu.memory_space<hbm>> -> memref<5000xi32, #tpu.memory_space<hbm>>
      tpu.wait_dma2 semaphore(%run_scoped3A : memref<!tpu.dma_semaphore, #tpu.memory_space<semaphore_mem>>) src(%dma_wait3A_23 : memref<5000xi32, #tpu.memory_space<hbm>>) dst(%arg5 : memref<5000xi32, #tpu.memory_space<vmem>>)
      tpu.yield
    }) : () -> ()
    %multiple_of3A_3 = arith.constant 0 : i32
    %multiple_of3A_4 = tpu.assume_multiple %multiple_of3A_3, 8 : i32
    %dma_start3A = tpu.memref_slice %arg5[%multiple_of3A_4] : memref<5000xi32, #tpu.memory_space<vmem>> -> memref<200xi32, #tpu.memory_space<vmem>>
    %dma_start3A_5 = arith.constant 0 : i32
    %dma_start3A_6 = arith.constant 0 : i32
    %dma_start3A_7 = tpu.memref_slice %arg2[%dma_start3A_5, %dma_start3A_6] : memref<10000x128xf32, #tpu.memory_space<hbm>> -> memref<10000x128xf32, #tpu.memory_space<hbm>>
    tpu.enqueue_indirect_dma source(%dma_start3A_7 : memref<10000x128xf32, #tpu.memory_space<hbm>>) target(%arg6 : memref<200x128xf32, #tpu.memory_space<vmem>>) offsets(%dma_start3A : memref<200xi32, #tpu.memory_space<vmem>>) semaphore(%arg8 : memref<!tpu.dma_semaphore, #tpu.memory_space<semaphore_mem>>)
    %scan3A = arith.constant 0 : i32
    %scan3A_8 = arith.constant 0 : i32
    %scan3A_9 = arith.constant 12 : i32
    %scan3A_10 = arith.addi %scan3A_8, %scan3A_9 : i32
    %scan3A_11 = arith.constant 1 : i32
    scf.for %scan3A_20 = %scan3A_8 to %scan3A_10 step %scan3A_11  : i32 {
      %mul3A_21 = arith.constant 2 : i32
      %mul3A_22 = arith.muli %scan3A_20, %mul3A_21 : i32
      %dma_wait3A_23 = arith.constant 0 : i32
      %dma_wait3A_24 = tpu.memref_slice %arg5[%dma_wait3A_23] : memref<5000xi32, #tpu.memory_space<vmem>> -> memref<200xi32, #tpu.memory_space<vmem>>
      %dma_wait3A_25 = arith.constant 0 : i32
      %dma_wait3A_26 = arith.constant 0 : i32
      %dma_wait3A_27 = tpu.memref_slice %arg2[%dma_wait3A_25, %dma_wait3A_26] : memref<10000x128xf32, #tpu.memory_space<hbm>> -> memref<10000x128xf32, #tpu.memory_space<hbm>>
      tpu.wait_indirect_dma semaphore(%arg8 : memref<!tpu.dma_semaphore, #tpu.memory_space<semaphore_mem>>) src(%dma_wait3A_27 : memref<10000x128xf32, #tpu.memory_space<hbm>>) dst(%arg6 : memref<200x128xf32, #tpu.memory_space<vmem>>)
      %add3A_28 = arith.constant 1 : i32
      %add3A_29 = arith.addi %mul3A_22, %add3A_28 : i32
      %mul3A_30 = arith.constant 200 : i32
      %mul3A_31 = arith.muli %add3A_29, %mul3A_30 : i32
      %multiple_of3A_32 = tpu.assume_multiple %mul3A_31, 8 : i32
      %dma_start3A_33 = tpu.memref_slice %arg5[%multiple_of3A_32] : memref<5000xi32, #tpu.memory_space<vmem>> -> memref<200xi32, #tpu.memory_space<vmem>>
      %dma_start3A_34 = arith.constant 0 : i32
      %dma_start3A_35 = arith.constant 0 : i32
      %dma_start3A_36 = tpu.memref_slice %arg2[%dma_start3A_34, %dma_start3A_35] : memref<10000x128xf32, #tpu.memory_space<hbm>> -> memref<10000x128xf32, #tpu.memory_space<hbm>>
      tpu.enqueue_indirect_dma source(%dma_start3A_36 : memref<10000x128xf32, #tpu.memory_space<hbm>>) target(%arg7 : memref<200x128xf32, #tpu.memory_space<vmem>>) offsets(%dma_start3A_33 : memref<200xi32, #tpu.memory_space<vmem>>) semaphore(%arg9 : memref<!tpu.dma_semaphore, #tpu.memory_space<semaphore_mem>>)
      %mul3A_37 = arith.constant 200 : i32
      %mul3A_38 = arith.muli %mul3A_22, %mul3A_37 : i32
      %add3A_39 = arith.addi %multiple_of3A, %mul3A_38 : i32
      %multiple_of3A_40 = tpu.assume_multiple %add3A_39, 8 : i32
      "tpu.region"() ({
        %run_scoped3A = tpu.sem_alloc : memref<!tpu.dma_semaphore, #tpu.memory_space<semaphore_mem>>
        %dma_start3A_56 = arith.constant 0 : i32
        %dma_start3A_57 = tpu.memref_slice %arg4[%multiple_of3A_40, %dma_start3A_56] : memref<160000x128xf32, #tpu.memory_space<hbm>> -> memref<200x128xf32, #tpu.memory_space<hbm>>
        %dma_start3A_58 = arith.constant 0 : i32
        %dma_start3A_59 = tpu.memref_slice %arg4[%multiple_of3A_40, %dma_start3A_58] : memref<160000x128xf32, #tpu.memory_space<hbm>> -> memref<200x128xf32, #tpu.memory_space<hbm>>
        tpu.enqueue_dma source(%arg6 : memref<200x128xf32, #tpu.memory_space<vmem>>) target(%dma_start3A_59 : memref<200x128xf32, #tpu.memory_space<hbm>>) target_semaphore(%run_scoped3A : memref<!tpu.dma_semaphore, #tpu.memory_space<semaphore_mem>>)
        %dma_wait3A_60 = arith.constant 0 : i32
        %dma_wait3A_61 = tpu.memref_slice %arg4[%multiple_of3A_40, %dma_wait3A_60] : memref<160000x128xf32, #tpu.memory_space<hbm>> -> memref<200x128xf32, #tpu.memory_space<hbm>>
        %dma_wait3A_62 = arith.constant 0 : i32
        %dma_wait3A_63 = tpu.memref_slice %arg4[%multiple_of3A_40, %dma_wait3A_62] : memref<160000x128xf32, #tpu.memory_space<hbm>> -> memref<200x128xf32, #tpu.memory_space<hbm>>
        tpu.wait_dma2 semaphore(%run_scoped3A : memref<!tpu.dma_semaphore, #tpu.memory_space<semaphore_mem>>) src(%arg6 : memref<200x128xf32, #tpu.memory_space<vmem>>) dst(%dma_wait3A_63 : memref<200x128xf32, #tpu.memory_space<hbm>>)
        tpu.yield
      }) : () -> ()
      %dma_wait3A_41 = arith.constant 0 : i32
      %dma_wait3A_42 = tpu.memref_slice %arg5[%dma_wait3A_41] : memref<5000xi32, #tpu.memory_space<vmem>> -> memref<200xi32, #tpu.memory_space<vmem>>
      %dma_wait3A_43 = arith.constant 0 : i32
      %dma_wait3A_44 = arith.constant 0 : i32
      %dma_wait3A_45 = tpu.memref_slice %arg2[%dma_wait3A_43, %dma_wait3A_44] : memref<10000x128xf32, #tpu.memory_space<hbm>> -> memref<10000x128xf32, #tpu.memory_space<hbm>>
      tpu.wait_indirect_dma semaphore(%arg9 : memref<!tpu.dma_semaphore, #tpu.memory_space<semaphore_mem>>) src(%dma_wait3A_45 : memref<10000x128xf32, #tpu.memory_space<hbm>>) dst(%arg7 : memref<200x128xf32, #tpu.memory_space<vmem>>)
      %add3A_46 = arith.constant 2 : i32
      %add3A_47 = arith.addi %mul3A_22, %add3A_46 : i32
      %lt3A = arith.constant 25 : i32
      %lt3A_48 = arith.cmpi slt, %add3A_47, %lt3A : i32
      %convert_element_type3A = arith.extui %lt3A_48 : i1 to i32
      %cond3A = arith.constant 0 : i32
      %cond3A_49 = arith.cmpi ne, %convert_element_type3A, %cond3A : i32
      scf.if %cond3A_49 {
        %add3A_56 = arith.constant 2 : i32
        %add3A_57 = arith.addi %mul3A_22, %add3A_56 : i32
        %mul3A_58 = arith.constant 200 : i32
        %mul3A_59 = arith.muli %add3A_57, %mul3A_58 : i32
        %multiple_of3A_60 = tpu.assume_multiple %mul3A_59, 8 : i32
        %dma_start3A_61 = tpu.memref_slice %arg5[%multiple_of3A_60] : memref<5000xi32, #tpu.memory_space<vmem>> -> memref<200xi32, #tpu.memory_space<vmem>>
        %dma_start3A_62 = arith.constant 0 : i32
        %dma_start3A_63 = arith.constant 0 : i32
        %dma_start3A_64 = tpu.memref_slice %arg2[%dma_start3A_62, %dma_start3A_63] : memref<10000x128xf32, #tpu.memory_space<hbm>> -> memref<10000x128xf32, #tpu.memory_space<hbm>>
        tpu.enqueue_indirect_dma source(%dma_start3A_64 : memref<10000x128xf32, #tpu.memory_space<hbm>>) target(%arg6 : memref<200x128xf32, #tpu.memory_space<vmem>>) offsets(%dma_start3A_61 : memref<200xi32, #tpu.memory_space<vmem>>) semaphore(%arg8 : memref<!tpu.dma_semaphore, #tpu.memory_space<semaphore_mem>>)
      } else {
      }
      %add3A_50 = arith.constant 1 : i32
      %add3A_51 = arith.addi %mul3A_22, %add3A_50 : i32
      %mul3A_52 = arith.constant 200 : i32
      %mul3A_53 = arith.muli %add3A_51, %mul3A_52 : i32
      %add3A_54 = arith.addi %multiple_of3A, %mul3A_53 : i32
      %multiple_of3A_55 = tpu.assume_multiple %add3A_54, 8 : i32
      "tpu.region"() ({
        %run_scoped3A = tpu.sem_alloc : memref<!tpu.dma_semaphore, #tpu.memory_space<semaphore_mem>>
        %dma_start3A_56 = arith.constant 0 : i32
        %dma_start3A_57 = tpu.memref_slice %arg4[%multiple_of3A_55, %dma_start3A_56] : memref<160000x128xf32, #tpu.memory_space<hbm>> -> memref<200x128xf32, #tpu.memory_space<hbm>>
        %dma_start3A_58 = arith.constant 0 : i32
        %dma_start3A_59 = tpu.memref_slice %arg4[%multiple_of3A_55, %dma_start3A_58] : memref<160000x128xf32, #tpu.memory_space<hbm>> -> memref<200x128xf32, #tpu.memory_space<hbm>>
        tpu.enqueue_dma source(%arg7 : memref<200x128xf32, #tpu.memory_space<vmem>>) target(%dma_start3A_59 : memref<200x128xf32, #tpu.memory_space<hbm>>) target_semaphore(%run_scoped3A : memref<!tpu.dma_semaphore, #tpu.memory_space<semaphore_mem>>)
        %dma_wait3A_60 = arith.constant 0 : i32
        %dma_wait3A_61 = tpu.memref_slice %arg4[%multiple_of3A_55, %dma_wait3A_60] : memref<160000x128xf32, #tpu.memory_space<hbm>> -> memref<200x128xf32, #tpu.memory_space<hbm>>
        %dma_wait3A_62 = arith.constant 0 : i32
        %dma_wait3A_63 = tpu.memref_slice %arg4[%multiple_of3A_55, %dma_wait3A_62] : memref<160000x128xf32, #tpu.memory_space<hbm>> -> memref<200x128xf32, #tpu.memory_space<hbm>>
        tpu.wait_dma2 semaphore(%run_scoped3A : memref<!tpu.dma_semaphore, #tpu.memory_space<semaphore_mem>>) src(%arg7 : memref<200x128xf32, #tpu.memory_space<vmem>>) dst(%dma_wait3A_63 : memref<200x128xf32, #tpu.memory_space<hbm>>)
        tpu.yield
      }) : () -> ()
    }
    %scan3A_12 = arith.constant 12 : i32
    %dma_wait3A = arith.constant 0 : i32
    %dma_wait3A_13 = tpu.memref_slice %arg5[%dma_wait3A] : memref<5000xi32, #tpu.memory_space<vmem>> -> memref<200xi32, #tpu.memory_space<vmem>>
    %dma_wait3A_14 = arith.constant 0 : i32
    %dma_wait3A_15 = arith.constant 0 : i32
    %dma_wait3A_16 = tpu.memref_slice %arg2[%dma_wait3A_14, %dma_wait3A_15] : memref<10000x128xf32, #tpu.memory_space<hbm>> -> memref<10000x128xf32, #tpu.memory_space<hbm>>
    tpu.wait_indirect_dma semaphore(%arg8 : memref<!tpu.dma_semaphore, #tpu.memory_space<semaphore_mem>>) src(%dma_wait3A_16 : memref<10000x128xf32, #tpu.memory_space<hbm>>) dst(%arg6 : memref<200x128xf32, #tpu.memory_space<vmem>>)
    %add3A_17 = arith.constant 4800 : i32
    %add3A_18 = arith.addi %multiple_of3A, %add3A_17 : i32
    %multiple_of3A_19 = tpu.assume_multiple %add3A_18, 8 : i32
    "tpu.region"() ({
      %run_scoped3A = tpu.sem_alloc : memref<!tpu.dma_semaphore, #tpu.memory_space<semaphore_mem>>
      %dma_start3A_20 = arith.constant 0 : i32
      %dma_start3A_21 = tpu.memref_slice %arg4[%multiple_of3A_19, %dma_start3A_20] : memref<160000x128xf32, #tpu.memory_space<hbm>> -> memref<200x128xf32, #tpu.memory_space<hbm>>
      %dma_start3A_22 = arith.constant 0 : i32
      %dma_start3A_23 = tpu.memref_slice %arg4[%multiple_of3A_19, %dma_start3A_22] : memref<160000x128xf32, #tpu.memory_space<hbm>> -> memref<200x128xf32, #tpu.memory_space<hbm>>
      tpu.enqueue_dma source(%arg6 : memref<200x128xf32, #tpu.memory_space<vmem>>) target(%dma_start3A_23 : memref<200x128xf32, #tpu.memory_space<hbm>>) target_semaphore(%run_scoped3A : memref<!tpu.dma_semaphore, #tpu.memory_space<semaphore_mem>>)
      %dma_wait3A_24 = arith.constant 0 : i32
      %dma_wait3A_25 = tpu.memref_slice %arg4[%multiple_of3A_19, %dma_wait3A_24] : memref<160000x128xf32, #tpu.memory_space<hbm>> -> memref<200x128xf32, #tpu.memory_space<hbm>>
      %dma_wait3A_26 = arith.constant 0 : i32
      %dma_wait3A_27 = tpu.memref_slice %arg4[%multiple_of3A_19, %dma_wait3A_26] : memref<160000x128xf32, #tpu.memory_space<hbm>> -> memref<200x128xf32, #tpu.memory_space<hbm>>
      tpu.wait_dma2 semaphore(%run_scoped3A : memref<!tpu.dma_semaphore, #tpu.memory_space<semaphore_mem>>) src(%arg6 : memref<200x128xf32, #tpu.memory_space<vmem>>) dst(%dma_wait3A_27 : memref<200x128xf32, #tpu.memory_space<hbm>>)
      tpu.yield
    }) : () -> ()
    return
  }
}

#map = affine_map<(d0, d1) -> (0, 0)>
#map1 = affine_map<(d0, d1) -> (0)>
module attributes {stable_mosaic.version = 14 : i64} {
  func.func @_hgather_body(%arg0: i32, %arg1: i32, %arg2: memref<10000x128xf32, #tpu.memory_space<hbm>>, %arg3: memref<160000xi32, #tpu.memory_space<hbm>>, %arg4: memref<160000x128xf32, #tpu.memory_space<hbm>>, %arg5: memref<5000xi32, #tpu.memory_space<vmem>>, %arg6: memref<200x128xf32, #tpu.memory_space<vmem>>, %arg7: memref<200x128xf32, #tpu.memory_space<vmem>>, %arg8: memref<!tpu.dma_semaphore, #tpu.memory_space<semaphore_mem>>, %arg9: memref<!tpu.dma_semaphore, #tpu.memory_space<semaphore_mem>>) attributes {dimension_semantics = [#tpu.dimension_semantics<core_parallel>, #tpu.dimension_semantics<subcore_parallel>], iteration_bounds = array<i64: 2, 16>, scalar_prefetch = 0 : i64, scratch_operands = 5 : i64, tpu.core_type = #tpu.core_type<sc_vector_subcore>, window_params = [{transform_indices = #map}, {transform_indices = #map1}, {transform_indices = #map}]} {
    %mul3A = arith.constant 2 : i32
    %mul3A_0 = arith.muli %arg1, %mul3A : i32
    %add3A = arith.addi %mul3A_0, %arg0 : i32
    %mul3A_1 = arith.constant 5000 : i32
    %mul3A_2 = arith.muli %add3A, %mul3A_1 : i32
    %multiple_of3A = tpu.assume_multiple %mul3A_2, 8 : i32
    "tpu.region"() ({
      %run_scoped3A = tpu.sem_alloc : memref<!tpu.dma_semaphore, #tpu.memory_space<semaphore_mem>>
      %dma_start3A_20 = tpu.memref_slice %arg3[%multiple_of3A] : memref<160000xi32, #tpu.memory_space<hbm>> -> memref<5000xi32, #tpu.memory_space<hbm>>
      %dma_start3A_21 = tpu.memref_slice %arg3[%multiple_of3A] : memref<160000xi32, #tpu.memory_space<hbm>> -> memref<5000xi32, #tpu.memory_space<hbm>>
      tpu.enqueue_dma source(%dma_start3A_21 : memref<5000xi32, #tpu.memory_space<hbm>>) target(%arg5 : memref<5000xi32, #tpu.memory_space<vmem>>) target_semaphore(%run_scoped3A : memref<!tpu.dma_semaphore, #tpu.memory_space<semaphore_mem>>)
      %dma_wait3A_22 = tpu.memref_slice %arg3[%multiple_of3A] : memref<160000xi32, #tpu.memory_space<hbm>> -> memref<5000xi32, #tpu.memory_space<hbm>>
      %dma_wait3A_23 = tpu.memref_slice %arg3[%multiple_of3A] : memref<160000xi32, #tpu.memory_space<hbm>> -> memref<5000xi32, #tpu.memory_space<hbm>>
      tpu.wait_dma2 semaphore(%run_scoped3A : memref<!tpu.dma_semaphore, #tpu.memory_space<semaphore_mem>>) src(%dma_wait3A_23 : memref<5000xi32, #tpu.memory_space<hbm>>) dst(%arg5 : memref<5000xi32, #tpu.memory_space<vmem>>)
      tpu.yield
    }) : () -> ()
    %multiple_of3A_3 = arith.constant 0 : i32
    %multiple_of3A_4 = tpu.assume_multiple %multiple_of3A_3, 8 : i32
    %dma_start3A = tpu.memref_slice %arg5[%multiple_of3A_4] : memref<5000xi32, #tpu.memory_space<vmem>> -> memref<200xi32, #tpu.memory_space<vmem>>
    %dma_start3A_5 = arith.constant 0 : i32
    %dma_start3A_6 = arith.constant 0 : i32
    %dma_start3A_7 = tpu.memref_slice %arg2[%dma_start3A_5, %dma_start3A_6] : memref<10000x128xf32, #tpu.memory_space<hbm>> -> memref<10000x128xf32, #tpu.memory_space<hbm>>
    tpu.enqueue_indirect_dma source(%dma_start3A_7 : memref<10000x128xf32, #tpu.memory_space<hbm>>) target(%arg6 : memref<200x128xf32, #tpu.memory_space<vmem>>) offsets(%dma_start3A : memref<200xi32, #tpu.memory_space<vmem>>) semaphore(%arg8 : memref<!tpu.dma_semaphore, #tpu.memory_space<semaphore_mem>>)
    %scan3A = arith.constant 0 : i32
    %scan3A_8 = arith.constant 0 : i32
    %scan3A_9 = arith.constant 12 : i32
    %scan3A_10 = arith.addi %scan3A_8, %scan3A_9 : i32
    %scan3A_11 = arith.constant 1 : i32
    scf.for %scan3A_20 = %scan3A_8 to %scan3A_10 step %scan3A_11  : i32 {
      %mul3A_21 = arith.constant 2 : i32
      %mul3A_22 = arith.muli %scan3A_20, %mul3A_21 : i32
      %dma_wait3A_23 = arith.constant 0 : i32
      %dma_wait3A_24 = tpu.memref_slice %arg5[%dma_wait3A_23] : memref<5000xi32, #tpu.memory_space<vmem>> -> memref<200xi32, #tpu.memory_space<vmem>>
      %dma_wait3A_25 = arith.constant 0 : i32
      %dma_wait3A_26 = arith.constant 0 : i32
      %dma_wait3A_27 = tpu.memref_slice %arg2[%dma_wait3A_25, %dma_wait3A_26] : memref<10000x128xf32, #tpu.memory_space<hbm>> -> memref<10000x128xf32, #tpu.memory_space<hbm>>
      tpu.wait_indirect_dma semaphore(%arg8 : memref<!tpu.dma_semaphore, #tpu.memory_space<semaphore_mem>>) src(%dma_wait3A_27 : memref<10000x128xf32, #tpu.memory_space<hbm>>) dst(%arg6 : memref<200x128xf32, #tpu.memory_space<vmem>>)
      %add3A_28 = arith.constant 1 : i32
      %add3A_29 = arith.addi %mul3A_22, %add3A_28 : i32
      %mul3A_30 = arith.constant 200 : i32
      %mul3A_31 = arith.muli %add3A_29, %mul3A_30 : i32
      %multiple_of3A_32 = tpu.assume_multiple %mul3A_31, 8 : i32
      %dma_start3A_33 = tpu.memref_slice %arg5[%multiple_of3A_32] : memref<5000xi32, #tpu.memory_space<vmem>> -> memref<200xi32, #tpu.memory_space<vmem>>
      %dma_start3A_34 = arith.constant 0 : i32
      %dma_start3A_35 = arith.constant 0 : i32
      %dma_start3A_36 = tpu.memref_slice %arg2[%dma_start3A_34, %dma_start3A_35] : memref<10000x128xf32, #tpu.memory_space<hbm>> -> memref<10000x128xf32, #tpu.memory_space<hbm>>
      tpu.enqueue_indirect_dma source(%dma_start3A_36 : memref<10000x128xf32, #tpu.memory_space<hbm>>) target(%arg7 : memref<200x128xf32, #tpu.memory_space<vmem>>) offsets(%dma_start3A_33 : memref<200xi32, #tpu.memory_space<vmem>>) semaphore(%arg9 : memref<!tpu.dma_semaphore, #tpu.memory_space<semaphore_mem>>)
      %mul3A_37 = arith.constant 200 : i32
      %mul3A_38 = arith.muli %mul3A_22, %mul3A_37 : i32
      %add3A_39 = arith.addi %multiple_of3A, %mul3A_38 : i32
      %multiple_of3A_40 = tpu.assume_multiple %add3A_39, 8 : i32
      "tpu.region"() ({
        %run_scoped3A = tpu.sem_alloc : memref<!tpu.dma_semaphore, #tpu.memory_space<semaphore_mem>>
        %dma_start3A_56 = arith.constant 0 : i32
        %dma_start3A_57 = tpu.memref_slice %arg4[%multiple_of3A_40, %dma_start3A_56] : memref<160000x128xf32, #tpu.memory_space<hbm>> -> memref<200x128xf32, #tpu.memory_space<hbm>>
        %dma_start3A_58 = arith.constant 0 : i32
        %dma_start3A_59 = tpu.memref_slice %arg4[%multiple_of3A_40, %dma_start3A_58] : memref<160000x128xf32, #tpu.memory_space<hbm>> -> memref<200x128xf32, #tpu.memory_space<hbm>>
        tpu.enqueue_dma source(%arg6 : memref<200x128xf32, #tpu.memory_space<vmem>>) target(%dma_start3A_59 : memref<200x128xf32, #tpu.memory_space<hbm>>) target_semaphore(%run_scoped3A : memref<!tpu.dma_semaphore, #tpu.memory_space<semaphore_mem>>)
        %dma_wait3A_60 = arith.constant 0 : i32
        %dma_wait3A_61 = tpu.memref_slice %arg4[%multiple_of3A_40, %dma_wait3A_60] : memref<160000x128xf32, #tpu.memory_space<hbm>> -> memref<200x128xf32, #tpu.memory_space<hbm>>
        %dma_wait3A_62 = arith.constant 0 : i32
        %dma_wait3A_63 = tpu.memref_slice %arg4[%multiple_of3A_40, %dma_wait3A_62] : memref<160000x128xf32, #tpu.memory_space<hbm>> -> memref<200x128xf32, #tpu.memory_space<hbm>>
        tpu.wait_dma2 semaphore(%run_scoped3A : memref<!tpu.dma_semaphore, #tpu.memory_space<semaphore_mem>>) src(%arg6 : memref<200x128xf32, #tpu.memory_space<vmem>>) dst(%dma_wait3A_63 : memref<200x128xf32, #tpu.memory_space<hbm>>)
        tpu.yield
      }) : () -> ()
      %dma_wait3A_41 = arith.constant 0 : i32
      %dma_wait3A_42 = tpu.memref_slice %arg5[%dma_wait3A_41] : memref<5000xi32, #tpu.memory_space<vmem>> -> memref<200xi32, #tpu.memory_space<vmem>>
      %dma_wait3A_43 = arith.constant 0 : i32
      %dma_wait3A_44 = arith.constant 0 : i32
      %dma_wait3A_45 = tpu.memref_slice %arg2[%dma_wait3A_43, %dma_wait3A_44] : memref<10000x128xf32, #tpu.memory_space<hbm>> -> memref<10000x128xf32, #tpu.memory_space<hbm>>
      tpu.wait_indirect_dma semaphore(%arg9 : memref<!tpu.dma_semaphore, #tpu.memory_space<semaphore_mem>>) src(%dma_wait3A_45 : memref<10000x128xf32, #tpu.memory_space<hbm>>) dst(%arg7 : memref<200x128xf32, #tpu.memory_space<vmem>>)
      %add3A_46 = arith.constant 2 : i32
      %add3A_47 = arith.addi %mul3A_22, %add3A_46 : i32
      %lt3A = arith.constant 25 : i32
      %lt3A_48 = arith.cmpi slt, %add3A_47, %lt3A : i32
      %convert_element_type3A = arith.extui %lt3A_48 : i1 to i32
      %cond3A = arith.constant 0 : i32
      %cond3A_49 = arith.cmpi ne, %convert_element_type3A, %cond3A : i32
      scf.if %cond3A_49 {
        %add3A_56 = arith.constant 2 : i32
        %add3A_57 = arith.addi %mul3A_22, %add3A_56 : i32
        %mul3A_58 = arith.constant 200 : i32
        %mul3A_59 = arith.muli %add3A_57, %mul3A_58 : i32
        %multiple_of3A_60 = tpu.assume_multiple %mul3A_59, 8 : i32
        %dma_start3A_61 = tpu.memref_slice %arg5[%multiple_of3A_60] : memref<5000xi32, #tpu.memory_space<vmem>> -> memref<200xi32, #tpu.memory_space<vmem>>
        %dma_start3A_62 = arith.constant 0 : i32
        %dma_start3A_63 = arith.constant 0 : i32
        %dma_start3A_64 = tpu.memref_slice %arg2[%dma_start3A_62, %dma_start3A_63] : memref<10000x128xf32, #tpu.memory_space<hbm>> -> memref<10000x128xf32, #tpu.memory_space<hbm>>
        tpu.enqueue_indirect_dma source(%dma_start3A_64 : memref<10000x128xf32, #tpu.memory_space<hbm>>) target(%arg6 : memref<200x128xf32, #tpu.memory_space<vmem>>) offsets(%dma_start3A_61 : memref<200xi32, #tpu.memory_space<vmem>>) semaphore(%arg8 : memref<!tpu.dma_semaphore, #tpu.memory_space<semaphore_mem>>)
      } else {
      }
      %add3A_50 = arith.constant 1 : i32
      %add3A_51 = arith.addi %mul3A_22, %add3A_50 : i32
      %mul3A_52 = arith.constant 200 : i32
      %mul3A_53 = arith.muli %add3A_51, %mul3A_52 : i32
      %add3A_54 = arith.addi %multiple_of3A, %mul3A_53 : i32
      %multiple_of3A_55 = tpu.assume_multiple %add3A_54, 8 : i32
      "tpu.region"() ({
        %run_scoped3A = tpu.sem_alloc : memref<!tpu.dma_semaphore, #tpu.memory_space<semaphore_mem>>
        %dma_start3A_56 = arith.constant 0 : i32
        %dma_start3A_57 = tpu.memref_slice %arg4[%multiple_of3A_55, %dma_start3A_56] : memref<160000x128xf32, #tpu.memory_space<hbm>> -> memref<200x128xf32, #tpu.memory_space<hbm>>
        %dma_start3A_58 = arith.constant 0 : i32
        %dma_start3A_59 = tpu.memref_slice %arg4[%multiple_of3A_55, %dma_start3A_58] : memref<160000x128xf32, #tpu.memory_space<hbm>> -> memref<200x128xf32, #tpu.memory_space<hbm>>
        tpu.enqueue_dma source(%arg7 : memref<200x128xf32, #tpu.memory_space<vmem>>) target(%dma_start3A_59 : memref<200x128xf32, #tpu.memory_space<hbm>>) target_semaphore(%run_scoped3A : memref<!tpu.dma_semaphore, #tpu.memory_space<semaphore_mem>>)
        %dma_wait3A_60 = arith.constant 0 : i32
        %dma_wait3A_61 = tpu.memref_slice %arg4[%multiple_of3A_55, %dma_wait3A_60] : memref<160000x128xf32, #tpu.memory_space<hbm>> -> memref<200x128xf32, #tpu.memory_space<hbm>>
        %dma_wait3A_62 = arith.constant 0 : i32
        %dma_wait3A_63 = tpu.memref_slice %arg4[%multiple_of3A_55, %dma_wait3A_62] : memref<160000x128xf32, #tpu.memory_space<hbm>> -> memref<200x128xf32, #tpu.memory_space<hbm>>
        tpu.wait_dma2 semaphore(%run_scoped3A : memref<!tpu.dma_semaphore, #tpu.memory_space<semaphore_mem>>) src(%arg7 : memref<200x128xf32, #tpu.memory_space<vmem>>) dst(%dma_wait3A_63 : memref<200x128xf32, #tpu.memory_space<hbm>>)
        tpu.yield
      }) : () -> ()
    }
    %scan3A_12 = arith.constant 12 : i32
    %dma_wait3A = arith.constant 0 : i32
    %dma_wait3A_13 = tpu.memref_slice %arg5[%dma_wait3A] : memref<5000xi32, #tpu.memory_space<vmem>> -> memref<200xi32, #tpu.memory_space<vmem>>
    %dma_wait3A_14 = arith.constant 0 : i32
    %dma_wait3A_15 = arith.constant 0 : i32
    %dma_wait3A_16 = tpu.memref_slice %arg2[%dma_wait3A_14, %dma_wait3A_15] : memref<10000x128xf32, #tpu.memory_space<hbm>> -> memref<10000x128xf32, #tpu.memory_space<hbm>>
    tpu.wait_indirect_dma semaphore(%arg8 : memref<!tpu.dma_semaphore, #tpu.memory_space<semaphore_mem>>) src(%dma_wait3A_16 : memref<10000x128xf32, #tpu.memory_space<hbm>>) dst(%arg6 : memref<200x128xf32, #tpu.memory_space<vmem>>)
    %add3A_17 = arith.constant 4800 : i32
    %add3A_18 = arith.addi %multiple_of3A, %add3A_17 : i32
    %multiple_of3A_19 = tpu.assume_multiple %add3A_18, 8 : i32
    "tpu.region"() ({
      %run_scoped3A = tpu.sem_alloc : memref<!tpu.dma_semaphore, #tpu.memory_space<semaphore_mem>>
      %dma_start3A_20 = arith.constant 0 : i32
      %dma_start3A_21 = tpu.memref_slice %arg4[%multiple_of3A_19, %dma_start3A_20] : memref<160000x128xf32, #tpu.memory_space<hbm>> -> memref<200x128xf32, #tpu.memory_space<hbm>>
      %dma_start3A_22 = arith.constant 0 : i32
      %dma_start3A_23 = tpu.memref_slice %arg4[%multiple_of3A_19, %dma_start3A_22] : memref<160000x128xf32, #tpu.memory_space<hbm>> -> memref<200x128xf32, #tpu.memory_space<hbm>>
      tpu.enqueue_dma source(%arg6 : memref<200x128xf32, #tpu.memory_space<vmem>>) target(%dma_start3A_23 : memref<200x128xf32, #tpu.memory_space<hbm>>) target_semaphore(%run_scoped3A : memref<!tpu.dma_semaphore, #tpu.memory_space<semaphore_mem>>)
      %dma_wait3A_24 = arith.constant 0 : i32
      %dma_wait3A_25 = tpu.memref_slice %arg4[%multiple_of3A_19, %dma_wait3A_24] : memref<160000x128xf32, #tpu.memory_space<hbm>> -> memref<200x128xf32, #tpu.memory_space<hbm>>
      %dma_wait3A_26 = arith.constant 0 : i32
      %dma_wait3A_27 = tpu.memref_slice %arg4[%multiple_of3A_19, %dma_wait3A_26] : memref<160000x128xf32, #tpu.memory_space<hbm>> -> memref<200x128xf32, #tpu.memory_space<hbm>>
      tpu.wait_dma2 semaphore(%run_scoped3A : memref<!tpu.dma_semaphore, #tpu.memory_space<semaphore_mem>>) src(%arg6 : memref<200x128xf32, #tpu.memory_space<vmem>>) dst(%dma_wait3A_27 : memref<200x128xf32, #tpu.memory_space<hbm>>)
      tpu.yield
    }) : () -> ()
    return
  }
}

#map = affine_map<(d0, d1) -> (0, 0, 0)>
#map1 = affine_map<(d0, d1) -> (0, 0)>
module attributes {stable_mosaic.version = 14 : i64} {
  func.func @_scatter_body(%arg0: i32, %arg1: i32, %arg2: memref<4x160000x128xf32, #tpu.memory_space<hbm>>, %arg3: memref<16x125x80xi32, #tpu.memory_space<hbm>>, %arg4: memref<10000x128xf32, #tpu.memory_space<hbm>>, %arg5: memref<4x10000x128xf32, #tpu.memory_space<hbm>>, %arg6: memref<10000x128xf32, #tpu.memory_space<vmem_shared>>, %arg7: memref<125x80xi32, #tpu.memory_space<vmem>>, %arg8: memref<80x128xf32, #tpu.memory_space<vmem>>, %arg9: memref<80x128xf32, #tpu.memory_space<vmem>>, %arg10: memref<!tpu.dma_semaphore, #tpu.memory_space<semaphore_mem>>, %arg11: memref<!tpu.dma_semaphore, #tpu.memory_space<semaphore_mem>>) attributes {dimension_semantics = [#tpu.dimension_semantics<core_parallel>, #tpu.dimension_semantics<subcore_parallel>], iteration_bounds = array<i64: 2, 16>, scalar_prefetch = 0 : i64, scratch_operands = 6 : i64, tpu.core_type = #tpu.core_type<sc_vector_subcore>, window_params = [{transform_indices = #map}, {transform_indices = #map}, {transform_indices = #map1}, {transform_indices = #map}]} {
    %mul3A = arith.constant 10000 : i32
    %mul3A_0 = arith.muli %arg1, %mul3A : i32
    %multiple_of3A = tpu.assume_multiple %mul3A_0, 8 : i32
    "tpu.region"() ({
      %run_scoped3A_85 = tpu.sem_alloc : memref<!tpu.dma_semaphore, #tpu.memory_space<semaphore_mem>>
      %dma_start3A_86 = arith.constant 0 : i32
      %dma_start3A_87 = arith.constant 0 : i32
      %dma_start3A_88 = tpu.memref_slice %arg3[%arg1, %dma_start3A_86, %dma_start3A_87] : memref<16x125x80xi32, #tpu.memory_space<hbm>> -> memref<1x125x80xi32, #tpu.memory_space<hbm>>
      %dma_start3A_89 = tpu.memref_squeeze %dma_start3A_88 : memref<1x125x80xi32, #tpu.memory_space<hbm>> -> memref<125x80xi32, #tpu.memory_space<hbm>>
      %dma_start3A_90 = arith.constant 0 : i32
      %dma_start3A_91 = arith.constant 0 : i32
      %dma_start3A_92 = tpu.memref_slice %arg3[%arg1, %dma_start3A_90, %dma_start3A_91] : memref<16x125x80xi32, #tpu.memory_space<hbm>> -> memref<1x125x80xi32, #tpu.memory_space<hbm>>
      %dma_start3A_93 = tpu.memref_squeeze %dma_start3A_92 : memref<1x125x80xi32, #tpu.memory_space<hbm>> -> memref<125x80xi32, #tpu.memory_space<hbm>>
      tpu.enqueue_dma source(%dma_start3A_93 : memref<125x80xi32, #tpu.memory_space<hbm>>) target(%arg7 : memref<125x80xi32, #tpu.memory_space<vmem>>) target_semaphore(%run_scoped3A_85 : memref<!tpu.dma_semaphore, #tpu.memory_space<semaphore_mem>>)
      %dma_wait3A_94 = arith.constant 0 : i32
      %dma_wait3A_95 = arith.constant 0 : i32
      %dma_wait3A_96 = tpu.memref_slice %arg3[%arg1, %dma_wait3A_94, %dma_wait3A_95] : memref<16x125x80xi32, #tpu.memory_space<hbm>> -> memref<1x125x80xi32, #tpu.memory_space<hbm>>
      %dma_wait3A_97 = tpu.memref_squeeze %dma_wait3A_96 : memref<1x125x80xi32, #tpu.memory_space<hbm>> -> memref<125x80xi32, #tpu.memory_space<hbm>>
      %dma_wait3A_98 = arith.constant 0 : i32
      %dma_wait3A_99 = arith.constant 0 : i32
      %dma_wait3A_100 = tpu.memref_slice %arg3[%arg1, %dma_wait3A_98, %dma_wait3A_99] : memref<16x125x80xi32, #tpu.memory_space<hbm>> -> memref<1x125x80xi32, #tpu.memory_space<hbm>>
      %dma_wait3A_101 = tpu.memref_squeeze %dma_wait3A_100 : memref<1x125x80xi32, #tpu.memory_space<hbm>> -> memref<125x80xi32, #tpu.memory_space<hbm>>
      tpu.wait_dma2 semaphore(%run_scoped3A_85 : memref<!tpu.dma_semaphore, #tpu.memory_space<semaphore_mem>>) src(%dma_wait3A_101 : memref<125x80xi32, #tpu.memory_space<hbm>>) dst(%arg7 : memref<125x80xi32, #tpu.memory_space<vmem>>)
      tpu.yield
    }) : () -> ()
    %add3A = arith.constant 0 : i32
    %add3A_1 = arith.addi %add3A, %arg0 : i32
    %lt3A = arith.constant 15 : i32
    %lt3A_2 = arith.cmpi slt, %arg1, %lt3A : i32
    %convert_element_type3A = arith.extui %lt3A_2 : i1 to i32
    %cond3A = arith.constant 0 : i32
    %cond3A_3 = arith.cmpi ne, %convert_element_type3A, %cond3A : i32
    scf.if %cond3A_3 {
      %mul3A_85 = arith.constant 624 : i32
      %mul3A_86 = arith.muli %arg1, %mul3A_85 : i32
      %multiple_of3A_87 = tpu.assume_multiple %mul3A_86, 8 : i32
      "tpu.region"() ({
        %run_scoped3A_88 = tpu.sem_alloc : memref<!tpu.dma_semaphore, #tpu.memory_space<semaphore_mem>>
        %dma_start3A_89 = arith.constant 0 : i32
        %dma_start3A_90 = tpu.memref_slice %arg6[%multiple_of3A_87, %dma_start3A_89] : memref<10000x128xf32, #tpu.memory_space<vmem_shared>> -> memref<624x128xf32, #tpu.memory_space<vmem_shared>>
        %dma_start3A_91 = arith.constant 0 : i32
        %dma_start3A_92 = tpu.memref_slice %arg4[%multiple_of3A_87, %dma_start3A_91] : memref<10000x128xf32, #tpu.memory_space<hbm>> -> memref<624x128xf32, #tpu.memory_space<hbm>>
        tpu.enqueue_dma source(%dma_start3A_92 : memref<624x128xf32, #tpu.memory_space<hbm>>) target(%dma_start3A_90 : memref<624x128xf32, #tpu.memory_space<vmem_shared>>) target_semaphore(%run_scoped3A_88 : memref<!tpu.dma_semaphore, #tpu.memory_space<semaphore_mem>>)
        %dma_wait3A_93 = arith.constant 0 : i32
        %dma_wait3A_94 = tpu.memref_slice %arg6[%multiple_of3A_87, %dma_wait3A_93] : memref<10000x128xf32, #tpu.memory_space<vmem_shared>> -> memref<624x128xf32, #tpu.memory_space<vmem_shared>>
        %dma_wait3A_95 = arith.constant 0 : i32
        %dma_wait3A_96 = tpu.memref_slice %arg4[%multiple_of3A_87, %dma_wait3A_95] : memref<10000x128xf32, #tpu.memory_space<hbm>> -> memref<624x128xf32, #tpu.memory_space<hbm>>
        tpu.wait_dma2 semaphore(%run_scoped3A_88 : memref<!tpu.dma_semaphore, #tpu.memory_space<semaphore_mem>>) src(%dma_wait3A_96 : memref<624x128xf32, #tpu.memory_space<hbm>>) dst(%dma_wait3A_94 : memref<624x128xf32, #tpu.memory_space<vmem_shared>>)
        tpu.yield
      }) : () -> ()
    } else {
    }
    %eq3A = arith.constant 15 : i32
    %eq3A_4 = arith.cmpi eq, %arg1, %eq3A : i32
    %convert_element_type3A_5 = arith.extui %eq3A_4 : i1 to i32
    %cond3A_6 = arith.constant 0 : i32
    %cond3A_7 = arith.cmpi ne, %convert_element_type3A_5, %cond3A_6 : i32
    scf.if %cond3A_7 {
      "tpu.region"() ({
        %run_scoped3A_85 = tpu.sem_alloc : memref<!tpu.dma_semaphore, #tpu.memory_space<semaphore_mem>>
        %dma_start3A_86 = arith.constant 9360 : i32
        %dma_start3A_87 = arith.constant 0 : i32
        %dma_start3A_88 = tpu.memref_slice %arg6[%dma_start3A_86, %dma_start3A_87] : memref<10000x128xf32, #tpu.memory_space<vmem_shared>> -> memref<640x128xf32, #tpu.memory_space<vmem_shared>>
        %dma_start3A_89 = arith.constant 9360 : i32
        %dma_start3A_90 = arith.constant 0 : i32
        %dma_start3A_91 = tpu.memref_slice %arg4[%dma_start3A_89, %dma_start3A_90] : memref<10000x128xf32, #tpu.memory_space<hbm>> -> memref<640x128xf32, #tpu.memory_space<hbm>>
        tpu.enqueue_dma source(%dma_start3A_91 : memref<640x128xf32, #tpu.memory_space<hbm>>) target(%dma_start3A_88 : memref<640x128xf32, #tpu.memory_space<vmem_shared>>) target_semaphore(%run_scoped3A_85 : memref<!tpu.dma_semaphore, #tpu.memory_space<semaphore_mem>>)
        %dma_wait3A_92 = arith.constant 9360 : i32
        %dma_wait3A_93 = arith.constant 0 : i32
        %dma_wait3A_94 = tpu.memref_slice %arg6[%dma_wait3A_92, %dma_wait3A_93] : memref<10000x128xf32, #tpu.memory_space<vmem_shared>> -> memref<640x128xf32, #tpu.memory_space<vmem_shared>>
        %dma_wait3A_95 = arith.constant 9360 : i32
        %dma_wait3A_96 = arith.constant 0 : i32
        %dma_wait3A_97 = tpu.memref_slice %arg4[%dma_wait3A_95, %dma_wait3A_96] : memref<10000x128xf32, #tpu.memory_space<hbm>> -> memref<640x128xf32, #tpu.memory_space<hbm>>
        tpu.wait_dma2 semaphore(%run_scoped3A_85 : memref<!tpu.dma_semaphore, #tpu.memory_space<semaphore_mem>>) src(%dma_wait3A_97 : memref<640x128xf32, #tpu.memory_space<hbm>>) dst(%dma_wait3A_94 : memref<640x128xf32, #tpu.memory_space<vmem_shared>>)
        tpu.yield
      }) : () -> ()
    } else {
    }
    %barrier3A = arith.constant 0 : index
    tpu.barrier barrier_id(%barrier3A)
    %add3A_8 = arith.constant 0 : i32
    %add3A_9 = arith.addi %multiple_of3A, %add3A_8 : i32
    %multiple_of3A_10 = tpu.assume_multiple %add3A_9, 8 : i32
    %dma_start3A = arith.constant 0 : i32
    %dma_start3A_11 = tpu.memref_slice %arg2[%add3A_1, %multiple_of3A_10, %dma_start3A] : memref<4x160000x128xf32, #tpu.memory_space<hbm>> -> memref<1x80x128xf32, #tpu.memory_space<hbm>>
    %dma_start3A_12 = tpu.memref_squeeze %dma_start3A_11 : memref<1x80x128xf32, #tpu.memory_space<hbm>> -> memref<80x128xf32, #tpu.memory_space<hbm>>
    %dma_start3A_13 = arith.constant 0 : i32
    %dma_start3A_14 = tpu.memref_slice %arg2[%add3A_1, %multiple_of3A_10, %dma_start3A_13] : memref<4x160000x128xf32, #tpu.memory_space<hbm>> -> memref<1x80x128xf32, #tpu.memory_space<hbm>>
    %dma_start3A_15 = tpu.memref_squeeze %dma_start3A_14 : memref<1x80x128xf32, #tpu.memory_space<hbm>> -> memref<80x128xf32, #tpu.memory_space<hbm>>
    tpu.enqueue_dma source(%dma_start3A_15 : memref<80x128xf32, #tpu.memory_space<hbm>>) target(%arg8 : memref<80x128xf32, #tpu.memory_space<vmem>>) target_semaphore(%arg10 : memref<!tpu.dma_semaphore, #tpu.memory_space<semaphore_mem>>)
    %scan3A = arith.constant 0 : i32
    %scan3A_16 = arith.constant 0 : i32
    %scan3A_17 = arith.constant 62 : i32
    %scan3A_18 = arith.addi %scan3A_16, %scan3A_17 : i32
    %scan3A_19 = arith.constant 1 : i32
    scf.for %scan3A_85 = %scan3A_16 to %scan3A_18 step %scan3A_19  : i32 {
      %mul3A_86 = arith.constant 2 : i32
      %mul3A_87 = arith.muli %scan3A_85, %mul3A_86 : i32
      %dma_wait3A_88 = arith.constant 0 : i32
      %dma_wait3A_89 = tpu.memref_slice %arg2[%add3A_1, %multiple_of3A, %dma_wait3A_88] : memref<4x160000x128xf32, #tpu.memory_space<hbm>> -> memref<1x80x128xf32, #tpu.memory_space<hbm>>
      %dma_wait3A_90 = tpu.memref_squeeze %dma_wait3A_89 : memref<1x80x128xf32, #tpu.memory_space<hbm>> -> memref<80x128xf32, #tpu.memory_space<hbm>>
      %dma_wait3A_91 = arith.constant 0 : i32
      %dma_wait3A_92 = tpu.memref_slice %arg2[%add3A_1, %multiple_of3A, %dma_wait3A_91] : memref<4x160000x128xf32, #tpu.memory_space<hbm>> -> memref<1x80x128xf32, #tpu.memory_space<hbm>>
      %dma_wait3A_93 = tpu.memref_squeeze %dma_wait3A_92 : memref<1x80x128xf32, #tpu.memory_space<hbm>> -> memref<80x128xf32, #tpu.memory_space<hbm>>
      tpu.wait_dma2 semaphore(%arg10 : memref<!tpu.dma_semaphore, #tpu.memory_space<semaphore_mem>>) src(%dma_wait3A_93 : memref<80x128xf32, #tpu.memory_space<hbm>>) dst(%arg8 : memref<80x128xf32, #tpu.memory_space<vmem>>)
      %add3A_94 = arith.constant 1 : i32
      %add3A_95 = arith.addi %mul3A_87, %add3A_94 : i32
      %mul3A_96 = arith.constant 80 : i32
      %mul3A_97 = arith.muli %add3A_95, %mul3A_96 : i32
      %add3A_98 = arith.addi %multiple_of3A, %mul3A_97 : i32
      %multiple_of3A_99 = tpu.assume_multiple %add3A_98, 8 : i32
      %dma_start3A_100 = arith.constant 0 : i32
      %dma_start3A_101 = tpu.memref_slice %arg2[%add3A_1, %multiple_of3A_99, %dma_start3A_100] : memref<4x160000x128xf32, #tpu.memory_space<hbm>> -> memref<1x80x128xf32, #tpu.memory_space<hbm>>
      %dma_start3A_102 = tpu.memref_squeeze %dma_start3A_101 : memref<1x80x128xf32, #tpu.memory_space<hbm>> -> memref<80x128xf32, #tpu.memory_space<hbm>>
      %dma_start3A_103 = arith.constant 0 : i32
      %dma_start3A_104 = tpu.memref_slice %arg2[%add3A_1, %multiple_of3A_99, %dma_start3A_103] : memref<4x160000x128xf32, #tpu.memory_space<hbm>> -> memref<1x80x128xf32, #tpu.memory_space<hbm>>
      %dma_start3A_105 = tpu.memref_squeeze %dma_start3A_104 : memref<1x80x128xf32, #tpu.memory_space<hbm>> -> memref<80x128xf32, #tpu.memory_space<hbm>>
      tpu.enqueue_dma source(%dma_start3A_105 : memref<80x128xf32, #tpu.memory_space<hbm>>) target(%arg9 : memref<80x128xf32, #tpu.memory_space<vmem>>) target_semaphore(%arg11 : memref<!tpu.dma_semaphore, #tpu.memory_space<semaphore_mem>>)
      "tpu.region"() ({
        %run_scoped3A_121 = tpu.sem_alloc : memref<!tpu.dma_semaphore, #tpu.memory_space<semaphore_mem>>
        %dma_start3A_122 = arith.constant 0 : i32
        %dma_start3A_123 = tpu.memref_slice %arg7[%mul3A_87, %dma_start3A_122] : memref<125x80xi32, #tpu.memory_space<vmem>> -> memref<1x80xi32, #tpu.memory_space<vmem>>
        %dma_start3A_124 = tpu.memref_squeeze %dma_start3A_123 : memref<1x80xi32, #tpu.memory_space<vmem>> -> memref<80xi32, #tpu.memory_space<vmem>>
        %dma_start3A_125 = arith.constant 0 : i32
        %dma_start3A_126 = arith.constant 0 : i32
        %dma_start3A_127 = tpu.memref_slice %arg6[%dma_start3A_125, %dma_start3A_126] : memref<10000x128xf32, #tpu.memory_space<vmem_shared>> -> memref<10000x128xf32, #tpu.memory_space<vmem_shared>>
        tpu.enqueue_indirect_dma source(%arg8 : memref<80x128xf32, #tpu.memory_space<vmem>>) target(%dma_start3A_127 : memref<10000x128xf32, #tpu.memory_space<vmem_shared>>) offsets(%dma_start3A_124 : memref<80xi32, #tpu.memory_space<vmem>>) semaphore(%run_scoped3A_121 : memref<!tpu.dma_semaphore, #tpu.memory_space<semaphore_mem>>) {add = true}
        %dma_wait3A_128 = arith.constant 0 : i32
        %dma_wait3A_129 = tpu.memref_slice %arg7[%mul3A_87, %dma_wait3A_128] : memref<125x80xi32, #tpu.memory_space<vmem>> -> memref<1x80xi32, #tpu.memory_space<vmem>>
        %dma_wait3A_130 = tpu.memref_squeeze %dma_wait3A_129 : memref<1x80xi32, #tpu.memory_space<vmem>> -> memref<80xi32, #tpu.memory_space<vmem>>
        %dma_wait3A_131 = arith.constant 0 : i32
        %dma_wait3A_132 = arith.constant 0 : i32
        %dma_wait3A_133 = tpu.memref_slice %arg6[%dma_wait3A_131, %dma_wait3A_132] : memref<10000x128xf32, #tpu.memory_space<vmem_shared>> -> memref<10000x128xf32, #tpu.memory_space<vmem_shared>>
        tpu.wait_indirect_dma semaphore(%run_scoped3A_121 : memref<!tpu.dma_semaphore, #tpu.memory_space<semaphore_mem>>) src(%arg8 : memref<80x128xf32, #tpu.memory_space<vmem>>) dst(%dma_wait3A_133 : memref<10000x128xf32, #tpu.memory_space<vmem_shared>>)
        tpu.yield
      }) : () -> ()
      %dma_wait3A_106 = arith.constant 0 : i32
      %dma_wait3A_107 = tpu.memref_slice %arg2[%add3A_1, %multiple_of3A, %dma_wait3A_106] : memref<4x160000x128xf32, #tpu.memory_space<hbm>> -> memref<1x80x128xf32, #tpu.memory_space<hbm>>
      %dma_wait3A_108 = tpu.memref_squeeze %dma_wait3A_107 : memref<1x80x128xf32, #tpu.memory_space<hbm>> -> memref<80x128xf32, #tpu.memory_space<hbm>>
      %dma_wait3A_109 = arith.constant 0 : i32
      %dma_wait3A_110 = tpu.memref_slice %arg2[%add3A_1, %multiple_of3A, %dma_wait3A_109] : memref<4x160000x128xf32, #tpu.memory_space<hbm>> -> memref<1x80x128xf32, #tpu.memory_space<hbm>>
      %dma_wait3A_111 = tpu.memref_squeeze %dma_wait3A_110 : memref<1x80x128xf32, #tpu.memory_space<hbm>> -> memref<80x128xf32, #tpu.memory_space<hbm>>
      tpu.wait_dma2 semaphore(%arg11 : memref<!tpu.dma_semaphore, #tpu.memory_space<semaphore_mem>>) src(%dma_wait3A_111 : memref<80x128xf32, #tpu.memory_space<hbm>>) dst(%arg9 : memref<80x128xf32, #tpu.memory_space<vmem>>)
      %add3A_112 = arith.constant 2 : i32
      %add3A_113 = arith.addi %mul3A_87, %add3A_112 : i32
      %lt3A_114 = arith.constant 125 : i32
      %lt3A_115 = arith.cmpi slt, %add3A_113, %lt3A_114 : i32
      %convert_element_type3A_116 = arith.extui %lt3A_115 : i1 to i32
      %cond3A_117 = arith.constant 0 : i32
      %cond3A_118 = arith.cmpi ne, %convert_element_type3A_116, %cond3A_117 : i32
      scf.if %cond3A_118 {
        %add3A_121 = arith.constant 2 : i32
        %add3A_122 = arith.addi %mul3A_87, %add3A_121 : i32
        %mul3A_123 = arith.constant 80 : i32
        %mul3A_124 = arith.muli %add3A_122, %mul3A_123 : i32
        %add3A_125 = arith.addi %multiple_of3A, %mul3A_124 : i32
        %multiple_of3A_126 = tpu.assume_multiple %add3A_125, 8 : i32
        %dma_start3A_127 = arith.constant 0 : i32
        %dma_start3A_128 = tpu.memref_slice %arg2[%add3A_1, %multiple_of3A_126, %dma_start3A_127] : memref<4x160000x128xf32, #tpu.memory_space<hbm>> -> memref<1x80x128xf32, #tpu.memory_space<hbm>>
        %dma_start3A_129 = tpu.memref_squeeze %dma_start3A_128 : memref<1x80x128xf32, #tpu.memory_space<hbm>> -> memref<80x128xf32, #tpu.memory_space<hbm>>
        %dma_start3A_130 = arith.constant 0 : i32
        %dma_start3A_131 = tpu.memref_slice %arg2[%add3A_1, %multiple_of3A_126, %dma_start3A_130] : memref<4x160000x128xf32, #tpu.memory_space<hbm>> -> memref<1x80x128xf32, #tpu.memory_space<hbm>>
        %dma_start3A_132 = tpu.memref_squeeze %dma_start3A_131 : memref<1x80x128xf32, #tpu.memory_space<hbm>> -> memref<80x128xf32, #tpu.memory_space<hbm>>
        tpu.enqueue_dma source(%dma_start3A_132 : memref<80x128xf32, #tpu.memory_space<hbm>>) target(%arg8 : memref<80x128xf32, #tpu.memory_space<vmem>>) target_semaphore(%arg10 : memref<!tpu.dma_semaphore, #tpu.memory_space<semaphore_mem>>)
      } else {
      }
      %add3A_119 = arith.constant 1 : i32
      %add3A_120 = arith.addi %mul3A_87, %add3A_119 : i32
      "tpu.region"() ({
        %run_scoped3A_121 = tpu.sem_alloc : memref<!tpu.dma_semaphore, #tpu.memory_space<semaphore_mem>>
        %dma_start3A_122 = arith.constant 0 : i32
        %dma_start3A_123 = tpu.memref_slice %arg7[%add3A_120, %dma_start3A_122] : memref<125x80xi32, #tpu.memory_space<vmem>> -> memref<1x80xi32, #tpu.memory_space<vmem>>
        %dma_start3A_124 = tpu.memref_squeeze %dma_start3A_123 : memref<1x80xi32, #tpu.memory_space<vmem>> -> memref<80xi32, #tpu.memory_space<vmem>>
        %dma_start3A_125 = arith.constant 0 : i32
        %dma_start3A_126 = arith.constant 0 : i32
        %dma_start3A_127 = tpu.memref_slice %arg6[%dma_start3A_125, %dma_start3A_126] : memref<10000x128xf32, #tpu.memory_space<vmem_shared>> -> memref<10000x128xf32, #tpu.memory_space<vmem_shared>>
        tpu.enqueue_indirect_dma source(%arg9 : memref<80x128xf32, #tpu.memory_space<vmem>>) target(%dma_start3A_127 : memref<10000x128xf32, #tpu.memory_space<vmem_shared>>) offsets(%dma_start3A_124 : memref<80xi32, #tpu.memory_space<vmem>>) semaphore(%run_scoped3A_121 : memref<!tpu.dma_semaphore, #tpu.memory_space<semaphore_mem>>) {add = true}
        %dma_wait3A_128 = arith.constant 0 : i32
        %dma_wait3A_129 = tpu.memref_slice %arg7[%add3A_120, %dma_wait3A_128] : memref<125x80xi32, #tpu.memory_space<vmem>> -> memref<1x80xi32, #tpu.memory_space<vmem>>
        %dma_wait3A_130 = tpu.memref_squeeze %dma_wait3A_129 : memref<1x80xi32, #tpu.memory_space<vmem>> -> memref<80xi32, #tpu.memory_space<vmem>>
        %dma_wait3A_131 = arith.constant 0 : i32
        %dma_wait3A_132 = arith.constant 0 : i32
        %dma_wait3A_133 = tpu.memref_slice %arg6[%dma_wait3A_131, %dma_wait3A_132] : memref<10000x128xf32, #tpu.memory_space<vmem_shared>> -> memref<10000x128xf32, #tpu.memory_space<vmem_shared>>
        tpu.wait_indirect_dma semaphore(%run_scoped3A_121 : memref<!tpu.dma_semaphore, #tpu.memory_space<semaphore_mem>>) src(%arg9 : memref<80x128xf32, #tpu.memory_space<vmem>>) dst(%dma_wait3A_133 : memref<10000x128xf32, #tpu.memory_space<vmem_shared>>)
        tpu.yield
      }) : () -> ()
    }
    %scan3A_20 = arith.constant 62 : i32
    %dma_wait3A = arith.constant 0 : i32
    %dma_wait3A_21 = tpu.memref_slice %arg2[%add3A_1, %multiple_of3A, %dma_wait3A] : memref<4x160000x128xf32, #tpu.memory_space<hbm>> -> memref<1x80x128xf32, #tpu.memory_space<hbm>>
    %dma_wait3A_22 = tpu.memref_squeeze %dma_wait3A_21 : memref<1x80x128xf32, #tpu.memory_space<hbm>> -> memref<80x128xf32, #tpu.memory_space<hbm>>
    %dma_wait3A_23 = arith.constant 0 : i32
    %dma_wait3A_24 = tpu.memref_slice %arg2[%add3A_1, %multiple_of3A, %dma_wait3A_23] : memref<4x160000x128xf32, #tpu.memory_space<hbm>> -> memref<1x80x128xf32, #tpu.memory_space<hbm>>
    %dma_wait3A_25 = tpu.memref_squeeze %dma_wait3A_24 : memref<1x80x128xf32, #tpu.memory_space<hbm>> -> memref<80x128xf32, #tpu.memory_space<hbm>>
    tpu.wait_dma2 semaphore(%arg10 : memref<!tpu.dma_semaphore, #tpu.memory_space<semaphore_mem>>) src(%dma_wait3A_25 : memref<80x128xf32, #tpu.memory_space<hbm>>) dst(%arg8 : memref<80x128xf32, #tpu.memory_space<vmem>>)
    %run_scoped3A = arith.constant 124 : i32
    "tpu.region"() ({
      %run_scoped3A_85 = tpu.sem_alloc : memref<!tpu.dma_semaphore, #tpu.memory_space<semaphore_mem>>
      %dma_start3A_86 = arith.constant 0 : i32
      %dma_start3A_87 = tpu.memref_slice %arg7[%run_scoped3A, %dma_start3A_86] : memref<125x80xi32, #tpu.memory_space<vmem>> -> memref<1x80xi32, #tpu.memory_space<vmem>>
      %dma_start3A_88 = tpu.memref_squeeze %dma_start3A_87 : memref<1x80xi32, #tpu.memory_space<vmem>> -> memref<80xi32, #tpu.memory_space<vmem>>
      %dma_start3A_89 = arith.constant 0 : i32
      %dma_start3A_90 = arith.constant 0 : i32
      %dma_start3A_91 = tpu.memref_slice %arg6[%dma_start3A_89, %dma_start3A_90] : memref<10000x128xf32, #tpu.memory_space<vmem_shared>> -> memref<10000x128xf32, #tpu.memory_space<vmem_shared>>
      tpu.enqueue_indirect_dma source(%arg8 : memref<80x128xf32, #tpu.memory_space<vmem>>) target(%dma_start3A_91 : memref<10000x128xf32, #tpu.memory_space<vmem_shared>>) offsets(%dma_start3A_88 : memref<80xi32, #tpu.memory_space<vmem>>) semaphore(%run_scoped3A_85 : memref<!tpu.dma_semaphore, #tpu.memory_space<semaphore_mem>>) {add = true}
      %dma_wait3A_92 = arith.constant 0 : i32
      %dma_wait3A_93 = tpu.memref_slice %arg7[%run_scoped3A, %dma_wait3A_92] : memref<125x80xi32, #tpu.memory_space<vmem>> -> memref<1x80xi32, #tpu.memory_space<vmem>>
      %dma_wait3A_94 = tpu.memref_squeeze %dma_wait3A_93 : memref<1x80xi32, #tpu.memory_space<vmem>> -> memref<80xi32, #tpu.memory_space<vmem>>
      %dma_wait3A_95 = arith.constant 0 : i32
      %dma_wait3A_96 = arith.constant 0 : i32
      %dma_wait3A_97 = tpu.memref_slice %arg6[%dma_wait3A_95, %dma_wait3A_96] : memref<10000x128xf32, #tpu.memory_space<vmem_shared>> -> memref<10000x128xf32, #tpu.memory_space<vmem_shared>>
      tpu.wait_indirect_dma semaphore(%run_scoped3A_85 : memref<!tpu.dma_semaphore, #tpu.memory_space<semaphore_mem>>) src(%arg8 : memref<80x128xf32, #tpu.memory_space<vmem>>) dst(%dma_wait3A_97 : memref<10000x128xf32, #tpu.memory_space<vmem_shared>>)
      tpu.yield
    }) : () -> ()
    %barrier3A_26 = arith.constant 0 : index
    tpu.barrier barrier_id(%barrier3A_26)
    %lt3A_27 = arith.constant 15 : i32
    %lt3A_28 = arith.cmpi slt, %arg1, %lt3A_27 : i32
    %convert_element_type3A_29 = arith.extui %lt3A_28 : i1 to i32
    %cond3A_30 = arith.constant 0 : i32
    %cond3A_31 = arith.cmpi ne, %convert_element_type3A_29, %cond3A_30 : i32
    scf.if %cond3A_31 {
      %mul3A_85 = arith.constant 624 : i32
      %mul3A_86 = arith.muli %arg1, %mul3A_85 : i32
      %multiple_of3A_87 = tpu.assume_multiple %mul3A_86, 8 : i32
      "tpu.region"() ({
        %run_scoped3A_88 = tpu.sem_alloc : memref<!tpu.dma_semaphore, #tpu.memory_space<semaphore_mem>>
        %dma_start3A_89 = arith.constant 0 : i32
        %dma_start3A_90 = tpu.memref_slice %arg5[%add3A_1, %multiple_of3A_87, %dma_start3A_89] : memref<4x10000x128xf32, #tpu.memory_space<hbm>> -> memref<1x624x128xf32, #tpu.memory_space<hbm>>
        %dma_start3A_91 = tpu.memref_squeeze %dma_start3A_90 : memref<1x624x128xf32, #tpu.memory_space<hbm>> -> memref<624x128xf32, #tpu.memory_space<hbm>>
        %dma_start3A_92 = arith.constant 0 : i32
        %dma_start3A_93 = tpu.memref_slice %arg6[%multiple_of3A_87, %dma_start3A_92] : memref<10000x128xf32, #tpu.memory_space<vmem_shared>> -> memref<624x128xf32, #tpu.memory_space<vmem_shared>>
        tpu.enqueue_dma source(%dma_start3A_93 : memref<624x128xf32, #tpu.memory_space<vmem_shared>>) target(%dma_start3A_91 : memref<624x128xf32, #tpu.memory_space<hbm>>) target_semaphore(%run_scoped3A_88 : memref<!tpu.dma_semaphore, #tpu.memory_space<semaphore_mem>>)
        %dma_wait3A_94 = arith.constant 0 : i32
        %dma_wait3A_95 = tpu.memref_slice %arg5[%add3A_1, %multiple_of3A_87, %dma_wait3A_94] : memref<4x10000x128xf32, #tpu.memory_space<hbm>> -> memref<1x624x128xf32, #tpu.memory_space<hbm>>
        %dma_wait3A_96 = tpu.memref_squeeze %dma_wait3A_95 : memref<1x624x128xf32, #tpu.memory_space<hbm>> -> memref<624x128xf32, #tpu.memory_space<hbm>>
        %dma_wait3A_97 = arith.constant 0 : i32
        %dma_wait3A_98 = tpu.memref_slice %arg6[%multiple_of3A_87, %dma_wait3A_97] : memref<10000x128xf32, #tpu.memory_space<vmem_shared>> -> memref<624x128xf32, #tpu.memory_space<vmem_shared>>
        tpu.wait_dma2 semaphore(%run_scoped3A_88 : memref<!tpu.dma_semaphore, #tpu.memory_space<semaphore_mem>>) src(%dma_wait3A_98 : memref<624x128xf32, #tpu.memory_space<vmem_shared>>) dst(%dma_wait3A_96 : memref<624x128xf32, #tpu.memory_space<hbm>>)
        tpu.yield
      }) : () -> ()
    } else {
    }
    %eq3A_32 = arith.constant 15 : i32
    %eq3A_33 = arith.cmpi eq, %arg1, %eq3A_32 : i32
    %convert_element_type3A_34 = arith.extui %eq3A_33 : i1 to i32
    %cond3A_35 = arith.constant 0 : i32
    %cond3A_36 = arith.cmpi ne, %convert_element_type3A_34, %cond3A_35 : i32
    scf.if %cond3A_36 {
      "tpu.region"() ({
        %run_scoped3A_85 = tpu.sem_alloc : memref<!tpu.dma_semaphore, #tpu.memory_space<semaphore_mem>>
        %dma_start3A_86 = arith.constant 9360 : i32
        %dma_start3A_87 = arith.constant 0 : i32
        %dma_start3A_88 = tpu.memref_slice %arg5[%add3A_1, %dma_start3A_86, %dma_start3A_87] : memref<4x10000x128xf32, #tpu.memory_space<hbm>> -> memref<1x640x128xf32, #tpu.memory_space<hbm>>
        %dma_start3A_89 = tpu.memref_squeeze %dma_start3A_88 : memref<1x640x128xf32, #tpu.memory_space<hbm>> -> memref<640x128xf32, #tpu.memory_space<hbm>>
        %dma_start3A_90 = arith.constant 9360 : i32
        %dma_start3A_91 = arith.constant 0 : i32
        %dma_start3A_92 = tpu.memref_slice %arg6[%dma_start3A_90, %dma_start3A_91] : memref<10000x128xf32, #tpu.memory_space<vmem_shared>> -> memref<640x128xf32, #tpu.memory_space<vmem_shared>>
        tpu.enqueue_dma source(%dma_start3A_92 : memref<640x128xf32, #tpu.memory_space<vmem_shared>>) target(%dma_start3A_89 : memref<640x128xf32, #tpu.memory_space<hbm>>) target_semaphore(%run_scoped3A_85 : memref<!tpu.dma_semaphore, #tpu.memory_space<semaphore_mem>>)
        %dma_wait3A_93 = arith.constant 9360 : i32
        %dma_wait3A_94 = arith.constant 0 : i32
        %dma_wait3A_95 = tpu.memref_slice %arg5[%add3A_1, %dma_wait3A_93, %dma_wait3A_94] : memref<4x10000x128xf32, #tpu.memory_space<hbm>> -> memref<1x640x128xf32, #tpu.memory_space<hbm>>
        %dma_wait3A_96 = tpu.memref_squeeze %dma_wait3A_95 : memref<1x640x128xf32, #tpu.memory_space<hbm>> -> memref<640x128xf32, #tpu.memory_space<hbm>>
        %dma_wait3A_97 = arith.constant 9360 : i32
        %dma_wait3A_98 = arith.constant 0 : i32
        %dma_wait3A_99 = tpu.memref_slice %arg6[%dma_wait3A_97, %dma_wait3A_98] : memref<10000x128xf32, #tpu.memory_space<vmem_shared>> -> memref<640x128xf32, #tpu.memory_space<vmem_shared>>
        tpu.wait_dma2 semaphore(%run_scoped3A_85 : memref<!tpu.dma_semaphore, #tpu.memory_space<semaphore_mem>>) src(%dma_wait3A_99 : memref<640x128xf32, #tpu.memory_space<vmem_shared>>) dst(%dma_wait3A_96 : memref<640x128xf32, #tpu.memory_space<hbm>>)
        tpu.yield
      }) : () -> ()
    } else {
    }
    %barrier3A_37 = arith.constant 0 : index
    tpu.barrier barrier_id(%barrier3A_37)
    %add3A_38 = arith.constant 2 : i32
    %add3A_39 = arith.addi %add3A_38, %arg0 : i32
    %lt3A_40 = arith.constant 15 : i32
    %lt3A_41 = arith.cmpi slt, %arg1, %lt3A_40 : i32
    %convert_element_type3A_42 = arith.extui %lt3A_41 : i1 to i32
    %cond3A_43 = arith.constant 0 : i32
    %cond3A_44 = arith.cmpi ne, %convert_element_type3A_42, %cond3A_43 : i32
    scf.if %cond3A_44 {
      %mul3A_85 = arith.constant 624 : i32
      %mul3A_86 = arith.muli %arg1, %mul3A_85 : i32
      %multiple_of3A_87 = tpu.assume_multiple %mul3A_86, 8 : i32
      "tpu.region"() ({
        %run_scoped3A_88 = tpu.sem_alloc : memref<!tpu.dma_semaphore, #tpu.memory_space<semaphore_mem>>
        %dma_start3A_89 = arith.constant 0 : i32
        %dma_start3A_90 = tpu.memref_slice %arg6[%multiple_of3A_87, %dma_start3A_89] : memref<10000x128xf32, #tpu.memory_space<vmem_shared>> -> memref<624x128xf32, #tpu.memory_space<vmem_shared>>
        %dma_start3A_91 = arith.constant 0 : i32
        %dma_start3A_92 = tpu.memref_slice %arg4[%multiple_of3A_87, %dma_start3A_91] : memref<10000x128xf32, #tpu.memory_space<hbm>> -> memref<624x128xf32, #tpu.memory_space<hbm>>
        tpu.enqueue_dma source(%dma_start3A_92 : memref<624x128xf32, #tpu.memory_space<hbm>>) target(%dma_start3A_90 : memref<624x128xf32, #tpu.memory_space<vmem_shared>>) target_semaphore(%run_scoped3A_88 : memref<!tpu.dma_semaphore, #tpu.memory_space<semaphore_mem>>)
        %dma_wait3A_93 = arith.constant 0 : i32
        %dma_wait3A_94 = tpu.memref_slice %arg6[%multiple_of3A_87, %dma_wait3A_93] : memref<10000x128xf32, #tpu.memory_space<vmem_shared>> -> memref<624x128xf32, #tpu.memory_space<vmem_shared>>
        %dma_wait3A_95 = arith.constant 0 : i32
        %dma_wait3A_96 = tpu.memref_slice %arg4[%multiple_of3A_87, %dma_wait3A_95] : memref<10000x128xf32, #tpu.memory_space<hbm>> -> memref<624x128xf32, #tpu.memory_space<hbm>>
        tpu.wait_dma2 semaphore(%run_scoped3A_88 : memref<!tpu.dma_semaphore, #tpu.memory_space<semaphore_mem>>) src(%dma_wait3A_96 : memref<624x128xf32, #tpu.memory_space<hbm>>) dst(%dma_wait3A_94 : memref<624x128xf32, #tpu.memory_space<vmem_shared>>)
        tpu.yield
      }) : () -> ()
    } else {
    }
    %eq3A_45 = arith.constant 15 : i32
    %eq3A_46 = arith.cmpi eq, %arg1, %eq3A_45 : i32
    %convert_element_type3A_47 = arith.extui %eq3A_46 : i1 to i32
    %cond3A_48 = arith.constant 0 : i32
    %cond3A_49 = arith.cmpi ne, %convert_element_type3A_47, %cond3A_48 : i32
    scf.if %cond3A_49 {
      "tpu.region"() ({
        %run_scoped3A_85 = tpu.sem_alloc : memref<!tpu.dma_semaphore, #tpu.memory_space<semaphore_mem>>
        %dma_start3A_86 = arith.constant 9360 : i32
        %dma_start3A_87 = arith.constant 0 : i32
        %dma_start3A_88 = tpu.memref_slice %arg6[%dma_start3A_86, %dma_start3A_87] : memref<10000x128xf32, #tpu.memory_space<vmem_shared>> -> memref<640x128xf32, #tpu.memory_space<vmem_shared>>
        %dma_start3A_89 = arith.constant 9360 : i32
        %dma_start3A_90 = arith.constant 0 : i32
        %dma_start3A_91 = tpu.memref_slice %arg4[%dma_start3A_89, %dma_start3A_90] : memref<10000x128xf32, #tpu.memory_space<hbm>> -> memref<640x128xf32, #tpu.memory_space<hbm>>
        tpu.enqueue_dma source(%dma_start3A_91 : memref<640x128xf32, #tpu.memory_space<hbm>>) target(%dma_start3A_88 : memref<640x128xf32, #tpu.memory_space<vmem_shared>>) target_semaphore(%run_scoped3A_85 : memref<!tpu.dma_semaphore, #tpu.memory_space<semaphore_mem>>)
        %dma_wait3A_92 = arith.constant 9360 : i32
        %dma_wait3A_93 = arith.constant 0 : i32
        %dma_wait3A_94 = tpu.memref_slice %arg6[%dma_wait3A_92, %dma_wait3A_93] : memref<10000x128xf32, #tpu.memory_space<vmem_shared>> -> memref<640x128xf32, #tpu.memory_space<vmem_shared>>
        %dma_wait3A_95 = arith.constant 9360 : i32
        %dma_wait3A_96 = arith.constant 0 : i32
        %dma_wait3A_97 = tpu.memref_slice %arg4[%dma_wait3A_95, %dma_wait3A_96] : memref<10000x128xf32, #tpu.memory_space<hbm>> -> memref<640x128xf32, #tpu.memory_space<hbm>>
        tpu.wait_dma2 semaphore(%run_scoped3A_85 : memref<!tpu.dma_semaphore, #tpu.memory_space<semaphore_mem>>) src(%dma_wait3A_97 : memref<640x128xf32, #tpu.memory_space<hbm>>) dst(%dma_wait3A_94 : memref<640x128xf32, #tpu.memory_space<vmem_shared>>)
        tpu.yield
      }) : () -> ()
    } else {
    }
    %barrier3A_50 = arith.constant 0 : index
    tpu.barrier barrier_id(%barrier3A_50)
    %add3A_51 = arith.constant 0 : i32
    %add3A_52 = arith.addi %multiple_of3A, %add3A_51 : i32
    %multiple_of3A_53 = tpu.assume_multiple %add3A_52, 8 : i32
    %dma_start3A_54 = arith.constant 0 : i32
    %dma_start3A_55 = tpu.memref_slice %arg2[%add3A_39, %multiple_of3A_53, %dma_start3A_54] : memref<4x160000x128xf32, #tpu.memory_space<hbm>> -> memref<1x80x128xf32, #tpu.memory_space<hbm>>
    %dma_start3A_56 = tpu.memref_squeeze %dma_start3A_55 : memref<1x80x128xf32, #tpu.memory_space<hbm>> -> memref<80x128xf32, #tpu.memory_space<hbm>>
    %dma_start3A_57 = arith.constant 0 : i32
    %dma_start3A_58 = tpu.memref_slice %arg2[%add3A_39, %multiple_of3A_53, %dma_start3A_57] : memref<4x160000x128xf32, #tpu.memory_space<hbm>> -> memref<1x80x128xf32, #tpu.memory_space<hbm>>
    %dma_start3A_59 = tpu.memref_squeeze %dma_start3A_58 : memref<1x80x128xf32, #tpu.memory_space<hbm>> -> memref<80x128xf32, #tpu.memory_space<hbm>>
    tpu.enqueue_dma source(%dma_start3A_59 : memref<80x128xf32, #tpu.memory_space<hbm>>) target(%arg8 : memref<80x128xf32, #tpu.memory_space<vmem>>) target_semaphore(%arg10 : memref<!tpu.dma_semaphore, #tpu.memory_space<semaphore_mem>>)
    %scan3A_60 = arith.constant 0 : i32
    %scan3A_61 = arith.constant 0 : i32
    %scan3A_62 = arith.constant 62 : i32
    %scan3A_63 = arith.addi %scan3A_61, %scan3A_62 : i32
    %scan3A_64 = arith.constant 1 : i32
    scf.for %scan3A_85 = %scan3A_61 to %scan3A_63 step %scan3A_64  : i32 {
      %mul3A_86 = arith.constant 2 : i32
      %mul3A_87 = arith.muli %scan3A_85, %mul3A_86 : i32
      %dma_wait3A_88 = arith.constant 0 : i32
      %dma_wait3A_89 = tpu.memref_slice %arg2[%add3A_39, %multiple_of3A, %dma_wait3A_88] : memref<4x160000x128xf32, #tpu.memory_space<hbm>> -> memref<1x80x128xf32, #tpu.memory_space<hbm>>
      %dma_wait3A_90 = tpu.memref_squeeze %dma_wait3A_89 : memref<1x80x128xf32, #tpu.memory_space<hbm>> -> memref<80x128xf32, #tpu.memory_space<hbm>>
      %dma_wait3A_91 = arith.constant 0 : i32
      %dma_wait3A_92 = tpu.memref_slice %arg2[%add3A_39, %multiple_of3A, %dma_wait3A_91] : memref<4x160000x128xf32, #tpu.memory_space<hbm>> -> memref<1x80x128xf32, #tpu.memory_space<hbm>>
      %dma_wait3A_93 = tpu.memref_squeeze %dma_wait3A_92 : memref<1x80x128xf32, #tpu.memory_space<hbm>> -> memref<80x128xf32, #tpu.memory_space<hbm>>
      tpu.wait_dma2 semaphore(%arg10 : memref<!tpu.dma_semaphore, #tpu.memory_space<semaphore_mem>>) src(%dma_wait3A_93 : memref<80x128xf32, #tpu.memory_space<hbm>>) dst(%arg8 : memref<80x128xf32, #tpu.memory_space<vmem>>)
      %add3A_94 = arith.constant 1 : i32
      %add3A_95 = arith.addi %mul3A_87, %add3A_94 : i32
      %mul3A_96 = arith.constant 80 : i32
      %mul3A_97 = arith.muli %add3A_95, %mul3A_96 : i32
      %add3A_98 = arith.addi %multiple_of3A, %mul3A_97 : i32
      %multiple_of3A_99 = tpu.assume_multiple %add3A_98, 8 : i32
      %dma_start3A_100 = arith.constant 0 : i32
      %dma_start3A_101 = tpu.memref_slice %arg2[%add3A_39, %multiple_of3A_99, %dma_start3A_100] : memref<4x160000x128xf32, #tpu.memory_space<hbm>> -> memref<1x80x128xf32, #tpu.memory_space<hbm>>
      %dma_start3A_102 = tpu.memref_squeeze %dma_start3A_101 : memref<1x80x128xf32, #tpu.memory_space<hbm>> -> memref<80x128xf32, #tpu.memory_space<hbm>>
      %dma_start3A_103 = arith.constant 0 : i32
      %dma_start3A_104 = tpu.memref_slice %arg2[%add3A_39, %multiple_of3A_99, %dma_start3A_103] : memref<4x160000x128xf32, #tpu.memory_space<hbm>> -> memref<1x80x128xf32, #tpu.memory_space<hbm>>
      %dma_start3A_105 = tpu.memref_squeeze %dma_start3A_104 : memref<1x80x128xf32, #tpu.memory_space<hbm>> -> memref<80x128xf32, #tpu.memory_space<hbm>>
      tpu.enqueue_dma source(%dma_start3A_105 : memref<80x128xf32, #tpu.memory_space<hbm>>) target(%arg9 : memref<80x128xf32, #tpu.memory_space<vmem>>) target_semaphore(%arg11 : memref<!tpu.dma_semaphore, #tpu.memory_space<semaphore_mem>>)
      "tpu.region"() ({
        %run_scoped3A_121 = tpu.sem_alloc : memref<!tpu.dma_semaphore, #tpu.memory_space<semaphore_mem>>
        %dma_start3A_122 = arith.constant 0 : i32
        %dma_start3A_123 = tpu.memref_slice %arg7[%mul3A_87, %dma_start3A_122] : memref<125x80xi32, #tpu.memory_space<vmem>> -> memref<1x80xi32, #tpu.memory_space<vmem>>
        %dma_start3A_124 = tpu.memref_squeeze %dma_start3A_123 : memref<1x80xi32, #tpu.memory_space<vmem>> -> memref<80xi32, #tpu.memory_space<vmem>>
        %dma_start3A_125 = arith.constant 0 : i32
        %dma_start3A_126 = arith.constant 0 : i32
        %dma_start3A_127 = tpu.memref_slice %arg6[%dma_start3A_125, %dma_start3A_126] : memref<10000x128xf32, #tpu.memory_space<vmem_shared>> -> memref<10000x128xf32, #tpu.memory_space<vmem_shared>>
        tpu.enqueue_indirect_dma source(%arg8 : memref<80x128xf32, #tpu.memory_space<vmem>>) target(%dma_start3A_127 : memref<10000x128xf32, #tpu.memory_space<vmem_shared>>) offsets(%dma_start3A_124 : memref<80xi32, #tpu.memory_space<vmem>>) semaphore(%run_scoped3A_121 : memref<!tpu.dma_semaphore, #tpu.memory_space<semaphore_mem>>) {add = true}
        %dma_wait3A_128 = arith.constant 0 : i32
        %dma_wait3A_129 = tpu.memref_slice %arg7[%mul3A_87, %dma_wait3A_128] : memref<125x80xi32, #tpu.memory_space<vmem>> -> memref<1x80xi32, #tpu.memory_space<vmem>>
        %dma_wait3A_130 = tpu.memref_squeeze %dma_wait3A_129 : memref<1x80xi32, #tpu.memory_space<vmem>> -> memref<80xi32, #tpu.memory_space<vmem>>
        %dma_wait3A_131 = arith.constant 0 : i32
        %dma_wait3A_132 = arith.constant 0 : i32
        %dma_wait3A_133 = tpu.memref_slice %arg6[%dma_wait3A_131, %dma_wait3A_132] : memref<10000x128xf32, #tpu.memory_space<vmem_shared>> -> memref<10000x128xf32, #tpu.memory_space<vmem_shared>>
        tpu.wait_indirect_dma semaphore(%run_scoped3A_121 : memref<!tpu.dma_semaphore, #tpu.memory_space<semaphore_mem>>) src(%arg8 : memref<80x128xf32, #tpu.memory_space<vmem>>) dst(%dma_wait3A_133 : memref<10000x128xf32, #tpu.memory_space<vmem_shared>>)
        tpu.yield
      }) : () -> ()
      %dma_wait3A_106 = arith.constant 0 : i32
      %dma_wait3A_107 = tpu.memref_slice %arg2[%add3A_39, %multiple_of3A, %dma_wait3A_106] : memref<4x160000x128xf32, #tpu.memory_space<hbm>> -> memref<1x80x128xf32, #tpu.memory_space<hbm>>
      %dma_wait3A_108 = tpu.memref_squeeze %dma_wait3A_107 : memref<1x80x128xf32, #tpu.memory_space<hbm>> -> memref<80x128xf32, #tpu.memory_space<hbm>>
      %dma_wait3A_109 = arith.constant 0 : i32
      %dma_wait3A_110 = tpu.memref_slice %arg2[%add3A_39, %multiple_of3A, %dma_wait3A_109] : memref<4x160000x128xf32, #tpu.memory_space<hbm>> -> memref<1x80x128xf32, #tpu.memory_space<hbm>>
      %dma_wait3A_111 = tpu.memref_squeeze %dma_wait3A_110 : memref<1x80x128xf32, #tpu.memory_space<hbm>> -> memref<80x128xf32, #tpu.memory_space<hbm>>
      tpu.wait_dma2 semaphore(%arg11 : memref<!tpu.dma_semaphore, #tpu.memory_space<semaphore_mem>>) src(%dma_wait3A_111 : memref<80x128xf32, #tpu.memory_space<hbm>>) dst(%arg9 : memref<80x128xf32, #tpu.memory_space<vmem>>)
      %add3A_112 = arith.constant 2 : i32
      %add3A_113 = arith.addi %mul3A_87, %add3A_112 : i32
      %lt3A_114 = arith.constant 125 : i32
      %lt3A_115 = arith.cmpi slt, %add3A_113, %lt3A_114 : i32
      %convert_element_type3A_116 = arith.extui %lt3A_115 : i1 to i32
      %cond3A_117 = arith.constant 0 : i32
      %cond3A_118 = arith.cmpi ne, %convert_element_type3A_116, %cond3A_117 : i32
      scf.if %cond3A_118 {
        %add3A_121 = arith.constant 2 : i32
        %add3A_122 = arith.addi %mul3A_87, %add3A_121 : i32
        %mul3A_123 = arith.constant 80 : i32
        %mul3A_124 = arith.muli %add3A_122, %mul3A_123 : i32
        %add3A_125 = arith.addi %multiple_of3A, %mul3A_124 : i32
        %multiple_of3A_126 = tpu.assume_multiple %add3A_125, 8 : i32
        %dma_start3A_127 = arith.constant 0 : i32
        %dma_start3A_128 = tpu.memref_slice %arg2[%add3A_39, %multiple_of3A_126, %dma_start3A_127] : memref<4x160000x128xf32, #tpu.memory_space<hbm>> -> memref<1x80x128xf32, #tpu.memory_space<hbm>>
        %dma_start3A_129 = tpu.memref_squeeze %dma_start3A_128 : memref<1x80x128xf32, #tpu.memory_space<hbm>> -> memref<80x128xf32, #tpu.memory_space<hbm>>
        %dma_start3A_130 = arith.constant 0 : i32
        %dma_start3A_131 = tpu.memref_slice %arg2[%add3A_39, %multiple_of3A_126, %dma_start3A_130] : memref<4x160000x128xf32, #tpu.memory_space<hbm>> -> memref<1x80x128xf32, #tpu.memory_space<hbm>>
        %dma_start3A_132 = tpu.memref_squeeze %dma_start3A_131 : memref<1x80x128xf32, #tpu.memory_space<hbm>> -> memref<80x128xf32, #tpu.memory_space<hbm>>
        tpu.enqueue_dma source(%dma_start3A_132 : memref<80x128xf32, #tpu.memory_space<hbm>>) target(%arg8 : memref<80x128xf32, #tpu.memory_space<vmem>>) target_semaphore(%arg10 : memref<!tpu.dma_semaphore, #tpu.memory_space<semaphore_mem>>)
      } else {
      }
      %add3A_119 = arith.constant 1 : i32
      %add3A_120 = arith.addi %mul3A_87, %add3A_119 : i32
      "tpu.region"() ({
        %run_scoped3A_121 = tpu.sem_alloc : memref<!tpu.dma_semaphore, #tpu.memory_space<semaphore_mem>>
        %dma_start3A_122 = arith.constant 0 : i32
        %dma_start3A_123 = tpu.memref_slice %arg7[%add3A_120, %dma_start3A_122] : memref<125x80xi32, #tpu.memory_space<vmem>> -> memref<1x80xi32, #tpu.memory_space<vmem>>
        %dma_start3A_124 = tpu.memref_squeeze %dma_start3A_123 : memref<1x80xi32, #tpu.memory_space<vmem>> -> memref<80xi32, #tpu.memory_space<vmem>>
        %dma_start3A_125 = arith.constant 0 : i32
        %dma_start3A_126 = arith.constant 0 : i32
        %dma_start3A_127 = tpu.memref_slice %arg6[%dma_start3A_125, %dma_start3A_126] : memref<10000x128xf32, #tpu.memory_space<vmem_shared>> -> memref<10000x128xf32, #tpu.memory_space<vmem_shared>>
        tpu.enqueue_indirect_dma source(%arg9 : memref<80x128xf32, #tpu.memory_space<vmem>>) target(%dma_start3A_127 : memref<10000x128xf32, #tpu.memory_space<vmem_shared>>) offsets(%dma_start3A_124 : memref<80xi32, #tpu.memory_space<vmem>>) semaphore(%run_scoped3A_121 : memref<!tpu.dma_semaphore, #tpu.memory_space<semaphore_mem>>) {add = true}
        %dma_wait3A_128 = arith.constant 0 : i32
        %dma_wait3A_129 = tpu.memref_slice %arg7[%add3A_120, %dma_wait3A_128] : memref<125x80xi32, #tpu.memory_space<vmem>> -> memref<1x80xi32, #tpu.memory_space<vmem>>
        %dma_wait3A_130 = tpu.memref_squeeze %dma_wait3A_129 : memref<1x80xi32, #tpu.memory_space<vmem>> -> memref<80xi32, #tpu.memory_space<vmem>>
        %dma_wait3A_131 = arith.constant 0 : i32
        %dma_wait3A_132 = arith.constant 0 : i32
        %dma_wait3A_133 = tpu.memref_slice %arg6[%dma_wait3A_131, %dma_wait3A_132] : memref<10000x128xf32, #tpu.memory_space<vmem_shared>> -> memref<10000x128xf32, #tpu.memory_space<vmem_shared>>
        tpu.wait_indirect_dma semaphore(%run_scoped3A_121 : memref<!tpu.dma_semaphore, #tpu.memory_space<semaphore_mem>>) src(%arg9 : memref<80x128xf32, #tpu.memory_space<vmem>>) dst(%dma_wait3A_133 : memref<10000x128xf32, #tpu.memory_space<vmem_shared>>)
        tpu.yield
      }) : () -> ()
    }
    %scan3A_65 = arith.constant 62 : i32
    %dma_wait3A_66 = arith.constant 0 : i32
    %dma_wait3A_67 = tpu.memref_slice %arg2[%add3A_39, %multiple_of3A, %dma_wait3A_66] : memref<4x160000x128xf32, #tpu.memory_space<hbm>> -> memref<1x80x128xf32, #tpu.memory_space<hbm>>
    %dma_wait3A_68 = tpu.memref_squeeze %dma_wait3A_67 : memref<1x80x128xf32, #tpu.memory_space<hbm>> -> memref<80x128xf32, #tpu.memory_space<hbm>>
    %dma_wait3A_69 = arith.constant 0 : i32
    %dma_wait3A_70 = tpu.memref_slice %arg2[%add3A_39, %multiple_of3A, %dma_wait3A_69] : memref<4x160000x128xf32, #tpu.memory_space<hbm>> -> memref<1x80x128xf32, #tpu.memory_space<hbm>>
    %dma_wait3A_71 = tpu.memref_squeeze %dma_wait3A_70 : memref<1x80x128xf32, #tpu.memory_space<hbm>> -> memref<80x128xf32, #tpu.memory_space<hbm>>
    tpu.wait_dma2 semaphore(%arg10 : memref<!tpu.dma_semaphore, #tpu.memory_space<semaphore_mem>>) src(%dma_wait3A_71 : memref<80x128xf32, #tpu.memory_space<hbm>>) dst(%arg8 : memref<80x128xf32, #tpu.memory_space<vmem>>)
    %run_scoped3A_72 = arith.constant 124 : i32
    "tpu.region"() ({
      %run_scoped3A_85 = tpu.sem_alloc : memref<!tpu.dma_semaphore, #tpu.memory_space<semaphore_mem>>
      %dma_start3A_86 = arith.constant 0 : i32
      %dma_start3A_87 = tpu.memref_slice %arg7[%run_scoped3A_72, %dma_start3A_86] : memref<125x80xi32, #tpu.memory_space<vmem>> -> memref<1x80xi32, #tpu.memory_space<vmem>>
      %dma_start3A_88 = tpu.memref_squeeze %dma_start3A_87 : memref<1x80xi32, #tpu.memory_space<vmem>> -> memref<80xi32, #tpu.memory_space<vmem>>
      %dma_start3A_89 = arith.constant 0 : i32
      %dma_start3A_90 = arith.constant 0 : i32
      %dma_start3A_91 = tpu.memref_slice %arg6[%dma_start3A_89, %dma_start3A_90] : memref<10000x128xf32, #tpu.memory_space<vmem_shared>> -> memref<10000x128xf32, #tpu.memory_space<vmem_shared>>
      tpu.enqueue_indirect_dma source(%arg8 : memref<80x128xf32, #tpu.memory_space<vmem>>) target(%dma_start3A_91 : memref<10000x128xf32, #tpu.memory_space<vmem_shared>>) offsets(%dma_start3A_88 : memref<80xi32, #tpu.memory_space<vmem>>) semaphore(%run_scoped3A_85 : memref<!tpu.dma_semaphore, #tpu.memory_space<semaphore_mem>>) {add = true}
      %dma_wait3A_92 = arith.constant 0 : i32
      %dma_wait3A_93 = tpu.memref_slice %arg7[%run_scoped3A_72, %dma_wait3A_92] : memref<125x80xi32, #tpu.memory_space<vmem>> -> memref<1x80xi32, #tpu.memory_space<vmem>>
      %dma_wait3A_94 = tpu.memref_squeeze %dma_wait3A_93 : memref<1x80xi32, #tpu.memory_space<vmem>> -> memref<80xi32, #tpu.memory_space<vmem>>
      %dma_wait3A_95 = arith.constant 0 : i32
      %dma_wait3A_96 = arith.constant 0 : i32
      %dma_wait3A_97 = tpu.memref_slice %arg6[%dma_wait3A_95, %dma_wait3A_96] : memref<10000x128xf32, #tpu.memory_space<vmem_shared>> -> memref<10000x128xf32, #tpu.memory_space<vmem_shared>>
      tpu.wait_indirect_dma semaphore(%run_scoped3A_85 : memref<!tpu.dma_semaphore, #tpu.memory_space<semaphore_mem>>) src(%arg8 : memref<80x128xf32, #tpu.memory_space<vmem>>) dst(%dma_wait3A_97 : memref<10000x128xf32, #tpu.memory_space<vmem_shared>>)
      tpu.yield
    }) : () -> ()
    %barrier3A_73 = arith.constant 0 : index
    tpu.barrier barrier_id(%barrier3A_73)
    %lt3A_74 = arith.constant 15 : i32
    %lt3A_75 = arith.cmpi slt, %arg1, %lt3A_74 : i32
    %convert_element_type3A_76 = arith.extui %lt3A_75 : i1 to i32
    %cond3A_77 = arith.constant 0 : i32
    %cond3A_78 = arith.cmpi ne, %convert_element_type3A_76, %cond3A_77 : i32
    scf.if %cond3A_78 {
      %mul3A_85 = arith.constant 624 : i32
      %mul3A_86 = arith.muli %arg1, %mul3A_85 : i32
      %multiple_of3A_87 = tpu.assume_multiple %mul3A_86, 8 : i32
      "tpu.region"() ({
        %run_scoped3A_88 = tpu.sem_alloc : memref<!tpu.dma_semaphore, #tpu.memory_space<semaphore_mem>>
        %dma_start3A_89 = arith.constant 0 : i32
        %dma_start3A_90 = tpu.memref_slice %arg5[%add3A_39, %multiple_of3A_87, %dma_start3A_89] : memref<4x10000x128xf32, #tpu.memory_space<hbm>> -> memref<1x624x128xf32, #tpu.memory_space<hbm>>
        %dma_start3A_91 = tpu.memref_squeeze %dma_start3A_90 : memref<1x624x128xf32, #tpu.memory_space<hbm>> -> memref<624x128xf32, #tpu.memory_space<hbm>>
        %dma_start3A_92 = arith.constant 0 : i32
        %dma_start3A_93 = tpu.memref_slice %arg6[%multiple_of3A_87, %dma_start3A_92] : memref<10000x128xf32, #tpu.memory_space<vmem_shared>> -> memref<624x128xf32, #tpu.memory_space<vmem_shared>>
        tpu.enqueue_dma source(%dma_start3A_93 : memref<624x128xf32, #tpu.memory_space<vmem_shared>>) target(%dma_start3A_91 : memref<624x128xf32, #tpu.memory_space<hbm>>) target_semaphore(%run_scoped3A_88 : memref<!tpu.dma_semaphore, #tpu.memory_space<semaphore_mem>>)
        %dma_wait3A_94 = arith.constant 0 : i32
        %dma_wait3A_95 = tpu.memref_slice %arg5[%add3A_39, %multiple_of3A_87, %dma_wait3A_94] : memref<4x10000x128xf32, #tpu.memory_space<hbm>> -> memref<1x624x128xf32, #tpu.memory_space<hbm>>
        %dma_wait3A_96 = tpu.memref_squeeze %dma_wait3A_95 : memref<1x624x128xf32, #tpu.memory_space<hbm>> -> memref<624x128xf32, #tpu.memory_space<hbm>>
        %dma_wait3A_97 = arith.constant 0 : i32
        %dma_wait3A_98 = tpu.memref_slice %arg6[%multiple_of3A_87, %dma_wait3A_97] : memref<10000x128xf32, #tpu.memory_space<vmem_shared>> -> memref<624x128xf32, #tpu.memory_space<vmem_shared>>
        tpu.wait_dma2 semaphore(%run_scoped3A_88 : memref<!tpu.dma_semaphore, #tpu.memory_space<semaphore_mem>>) src(%dma_wait3A_98 : memref<624x128xf32, #tpu.memory_space<vmem_shared>>) dst(%dma_wait3A_96 : memref<624x128xf32, #tpu.memory_space<hbm>>)
        tpu.yield
      }) : () -> ()
    } else {
    }
    %eq3A_79 = arith.constant 15 : i32
    %eq3A_80 = arith.cmpi eq, %arg1, %eq3A_79 : i32
    %convert_element_type3A_81 = arith.extui %eq3A_80 : i1 to i32
    %cond3A_82 = arith.constant 0 : i32
    %cond3A_83 = arith.cmpi ne, %convert_element_type3A_81, %cond3A_82 : i32
    scf.if %cond3A_83 {
      "tpu.region"() ({
        %run_scoped3A_85 = tpu.sem_alloc : memref<!tpu.dma_semaphore, #tpu.memory_space<semaphore_mem>>
        %dma_start3A_86 = arith.constant 9360 : i32
        %dma_start3A_87 = arith.constant 0 : i32
        %dma_start3A_88 = tpu.memref_slice %arg5[%add3A_39, %dma_start3A_86, %dma_start3A_87] : memref<4x10000x128xf32, #tpu.memory_space<hbm>> -> memref<1x640x128xf32, #tpu.memory_space<hbm>>
        %dma_start3A_89 = tpu.memref_squeeze %dma_start3A_88 : memref<1x640x128xf32, #tpu.memory_space<hbm>> -> memref<640x128xf32, #tpu.memory_space<hbm>>
        %dma_start3A_90 = arith.constant 9360 : i32
        %dma_start3A_91 = arith.constant 0 : i32
        %dma_start3A_92 = tpu.memref_slice %arg6[%dma_start3A_90, %dma_start3A_91] : memref<10000x128xf32, #tpu.memory_space<vmem_shared>> -> memref<640x128xf32, #tpu.memory_space<vmem_shared>>
        tpu.enqueue_dma source(%dma_start3A_92 : memref<640x128xf32, #tpu.memory_space<vmem_shared>>) target(%dma_start3A_89 : memref<640x128xf32, #tpu.memory_space<hbm>>) target_semaphore(%run_scoped3A_85 : memref<!tpu.dma_semaphore, #tpu.memory_space<semaphore_mem>>)
        %dma_wait3A_93 = arith.constant 9360 : i32
        %dma_wait3A_94 = arith.constant 0 : i32
        %dma_wait3A_95 = tpu.memref_slice %arg5[%add3A_39, %dma_wait3A_93, %dma_wait3A_94] : memref<4x10000x128xf32, #tpu.memory_space<hbm>> -> memref<1x640x128xf32, #tpu.memory_space<hbm>>
        %dma_wait3A_96 = tpu.memref_squeeze %dma_wait3A_95 : memref<1x640x128xf32, #tpu.memory_space<hbm>> -> memref<640x128xf32, #tpu.memory_space<hbm>>
        %dma_wait3A_97 = arith.constant 9360 : i32
        %dma_wait3A_98 = arith.constant 0 : i32
        %dma_wait3A_99 = tpu.memref_slice %arg6[%dma_wait3A_97, %dma_wait3A_98] : memref<10000x128xf32, #tpu.memory_space<vmem_shared>> -> memref<640x128xf32, #tpu.memory_space<vmem_shared>>
        tpu.wait_dma2 semaphore(%run_scoped3A_85 : memref<!tpu.dma_semaphore, #tpu.memory_space<semaphore_mem>>) src(%dma_wait3A_99 : memref<640x128xf32, #tpu.memory_space<vmem_shared>>) dst(%dma_wait3A_96 : memref<640x128xf32, #tpu.memory_space<hbm>>)
        tpu.yield
      }) : () -> ()
    } else {
    }
    %barrier3A_84 = arith.constant 0 : index
    tpu.barrier barrier_id(%barrier3A_84)
    return
  }
}

module attributes {stable_mosaic.version = 14 : i64} {
  func.func @_embed_body(%arg0: i32, %arg1: memref<1000x10xf32, #tpu.memory_space<vmem>>, %arg2: memref<10x128xf32, #tpu.memory_space<vmem>>, %arg3: memref<128x128xf32, #tpu.memory_space<vmem>>, %arg4: memref<1000x128xf32, #tpu.memory_space<vmem>>, %arg5: memref<1000x128xf32, #tpu.memory_space<vmem>>) attributes {dimension_semantics = [#tpu.dimension_semantics<arbitrary>], iteration_bounds = array<i64: 10>, scalar_prefetch = 0 : i64, scratch_operands = 0 : i64, tpu.core_type = #tpu.core_type<tc>, window_params = [{transform_indices = @transform_0, window_bounds = array<i64: 1000, 10>}, {pipeline_mode = #tpu.pipeline_mode<synchronous>, transform_indices = @transform_1, window_bounds = array<i64: 10, 128>}, {pipeline_mode = #tpu.pipeline_mode<synchronous>, transform_indices = @transform_2, window_bounds = array<i64: 128, 128>}, {transform_indices = @transform_3, window_bounds = array<i64: 1000, 128>}, {transform_indices = @transform_4, window_bounds = array<i64: 1000, 128>}]} {
    %get3A = arith.constant 0 : index
    %get3A_0 = arith.constant 0 : index
    %get3A_1 = vector.load %arg1[%get3A, %get3A_0] : memref<1000x10xf32, #tpu.memory_space<vmem>>, vector<1000x10xf32>
    %get3A_2 = arith.constant 0 : index
    %get3A_3 = arith.constant 0 : index
    %get3A_4 = vector.load %arg2[%get3A_2, %get3A_3] : memref<10x128xf32, #tpu.memory_space<vmem>>, vector<10x128xf32>
    %dot_general3A = arith.constant dense<0.000000e+00> : vector<1000x128xf32>
    %dot_general3A_5 = tpu.matmul %get3A_1, %get3A_4, %dot_general3A {dimension_numbers = #tpu.dot_dimension_numbers<[1], [0], [0], [1], [0, 0, 1, 1], [], []>, transpose_lhs_hint = false} : vector<1000x10xf32>, vector<10x128xf32>, vector<1000x128xf32> -> vector<1000x128xf32>
    %swap3A = arith.constant 0 : index
    %swap3A_6 = arith.constant 0 : index
    %swap3A_7 = vector.load %arg4[%swap3A, %swap3A_6] : memref<1000x128xf32, #tpu.memory_space<vmem>>, vector<1000x128xf32>
    tpu.vector_store %arg4[%swap3A, %swap3A_6], %dot_general3A_5 {strides = array<i32>} : memref<1000x128xf32, #tpu.memory_space<vmem>>, vector<1000x128xf32>,
    %get3A_8 = arith.constant 0 : index
    %get3A_9 = arith.constant 0 : index
    %get3A_10 = vector.load %arg3[%get3A_8, %get3A_9] : memref<128x128xf32, #tpu.memory_space<vmem>>, vector<128x128xf32>
    %dot_general3A_11 = arith.constant dense<0.000000e+00> : vector<1000x128xf32>
    %dot_general3A_12 = tpu.matmul %dot_general3A_5, %get3A_10, %dot_general3A_11 {dimension_numbers = #tpu.dot_dimension_numbers<[1], [0], [0], [1], [0, 0, 1, 1], [], []>, transpose_lhs_hint = false} : vector<1000x128xf32>, vector<128x128xf32>, vector<1000x128xf32> -> vector<1000x128xf32>
    %swap3A_13 = arith.constant 0 : index
    %swap3A_14 = arith.constant 0 : index
    %swap3A_15 = vector.load %arg5[%swap3A_13, %swap3A_14] : memref<1000x128xf32, #tpu.memory_space<vmem>>, vector<1000x128xf32>
    tpu.vector_store %arg5[%swap3A_13, %swap3A_14], %dot_general3A_12 {strides = array<i32>} : memref<1000x128xf32, #tpu.memory_space<vmem>>, vector<1000x128xf32>,
    return
  }
  func.func @transform_0(%arg0: i32) -> (i32, i32) {
    %c0_i32 = arith.constant 0 : i32
    %c0_i32_0 = arith.constant 0 : i32
    return %arg0, %c0_i32 : i32, i32
  }
  func.func @transform_1(%arg0: i32) -> (i32, i32) {
    %c0_i32 = arith.constant 0 : i32
    %c0_i32_0 = arith.constant 0 : i32
    %c0_i32_1 = arith.constant 0 : i32
    return %c0_i32, %c0_i32_0 : i32, i32
  }
  func.func @transform_2(%arg0: i32) -> (i32, i32) {
    %c0_i32 = arith.constant 0 : i32
    %c0_i32_0 = arith.constant 0 : i32
    %c0_i32_1 = arith.constant 0 : i32
    return %c0_i32, %c0_i32_0 : i32, i32
  }
  func.func @transform_3(%arg0: i32) -> (i32, i32) {
    %c0_i32 = arith.constant 0 : i32
    %c0_i32_0 = arith.constant 0 : i32
    return %arg0, %c0_i32 : i32, i32
  }
  func.func @transform_4(%arg0: i32) -> (i32, i32) {
    %c0_i32 = arith.constant 0 : i32
    %c0_i32_0 = arith.constant 0 : i32
    return %arg0, %c0_i32 : i32, i32
  }
}

module attributes {stable_mosaic.version = 14 : i64} {
  func.func @_edge_body(%arg0: i32, %arg1: memref<4000x16xf32, #tpu.memory_space<vmem>>, %arg2: memref<4000x128xf32, #tpu.memory_space<vmem>>, %arg3: memref<8x64xf32, #tpu.memory_space<vmem>>, %arg4: memref<1x64xf32, #tpu.memory_space<vmem>>, %arg5: memref<64x64xf32, #tpu.memory_space<vmem>>, %arg6: memref<1x64xf32, #tpu.memory_space<vmem>>, %arg7: memref<64x64xf32, #tpu.memory_space<vmem>>, %arg8: memref<1x64xf32, #tpu.memory_space<vmem>>, %arg9: memref<64x128xf32, #tpu.memory_space<vmem>>, %arg10: memref<64x128xf32, #tpu.memory_space<vmem>>, %arg11: memref<4x4000x128xf32, #tpu.memory_space<vmem>>) attributes {dimension_semantics = [#tpu.dimension_semantics<arbitrary>], iteration_bounds = array<i64: 40>, scalar_prefetch = 0 : i64, scratch_operands = 0 : i64, tpu.core_type = #tpu.core_type<tc>, window_params = [{transform_indices = @transform_0, window_bounds = array<i64: 4000, 16>}, {transform_indices = @transform_1, window_bounds = array<i64: 4000, 128>}, {pipeline_mode = #tpu.pipeline_mode<synchronous>, transform_indices = @transform_2, window_bounds = array<i64: 8, 64>}, {pipeline_mode = #tpu.pipeline_mode<synchronous>, transform_indices = @transform_3, window_bounds = array<i64: 1, 64>}, {pipeline_mode = #tpu.pipeline_mode<synchronous>, transform_indices = @transform_4, window_bounds = array<i64: 64, 64>}, {pipeline_mode = #tpu.pipeline_mode<synchronous>, transform_indices = @transform_5, window_bounds = array<i64: 1, 64>}, {pipeline_mode = #tpu.pipeline_mode<synchronous>, transform_indices = @transform_6, window_bounds = array<i64: 64, 64>}, {pipeline_mode = #tpu.pipeline_mode<synchronous>, transform_indices = @transform_7, window_bounds = array<i64: 1, 64>}, {pipeline_mode = #tpu.pipeline_mode<synchronous>, transform_indices = @transform_8, window_bounds = array<i64: 64, 128>}, {pipeline_mode = #tpu.pipeline_mode<synchronous>, transform_indices = @transform_9, window_bounds = array<i64: 64, 128>}, {transform_indices = @transform_10, window_bounds = array<i64: 4, 4000, 128>}]} {
    %get3A = arith.constant 0 : index
    %get3A_0 = arith.constant 0 : index
    %get3A_1 = vector.load %arg1[%get3A, %get3A_0] : memref<4000x16xf32, #tpu.memory_space<vmem>>, vector<4000x16xf32>
    %mul3A = arith.mulf %get3A_1, %get3A_1 : vector<4000x16xf32>
    %reduce_sum3A = arith.constant dense<0.000000e+00> : vector<4000xf32>
    %reduce_sum3A_2 = vector.multi_reduction <add>, %mul3A, %reduce_sum3A [1] : vector<4000x16xf32> to vector<4000xf32>
    %broadcast_in_dim3A = vector.shape_cast %reduce_sum3A_2 : vector<4000xf32> to vector<4000x1xf32>
    %add3A = arith.constant 9.99999996E-13 : f32
    %add3A_3 = vector.broadcast %add3A : f32 to vector<4000x1xf32>
    %add3A_4 = arith.addf %broadcast_in_dim3A, %add3A_3 : vector<4000x1xf32>
    %sqrt3A = math.sqrt %add3A_4 : vector<4000x1xf32>
    %div3A = arith.constant 1.000000e+00 : f32
    %div3A_5 = vector.broadcast %div3A : f32 to vector<4000x1xf32>
    %div3A_6 = arith.divf %div3A_5, %sqrt3A : vector<4000x1xf32>
    %mul3A_7 = vector.broadcast %div3A_6 : vector<4000x1xf32> to vector<4000x16xf32>
    %mul3A_8 = arith.mulf %get3A_1, %mul3A_7 : vector<4000x16xf32>
    %sqrt3A_9 = arith.constant 3.000000e+00 : f32
    %sqrt3A_10 = math.sqrt %sqrt3A_9 : f32
    %div3A_11 = arith.constant 5.000000e+00 : f32
    %div3A_12 = vector.broadcast %div3A_11 : f32 to vector<4000x1xf32>
    %div3A_13 = arith.divf %sqrt3A, %div3A_12 : vector<4000x1xf32>
    %iota3A = tpu.iota {dimensions = array<i32: 1>} : vector<1x8xi32>
    %add3A_14 = arith.constant 1 : i32
    %add3A_15 = vector.broadcast %add3A_14 : i32 to vector<1x8xi32>
    %add3A_16 = arith.addi %iota3A, %add3A_15 : vector<1x8xi32>
    %convert_element_type3A = arith.sitofp %add3A_16 : vector<1x8xi32> to vector<1x8xf32>
    %sqrt3A_17 = arith.constant 4.000000e-01 : f32
    %sqrt3A_18 = math.sqrt %sqrt3A_17 : f32
    %mul3A_19 = arith.constant 3.14159274 : f32
    %mul3A_20 = vector.broadcast %mul3A_19 : f32 to vector<1x8xf32>
    %mul3A_21 = arith.mulf %convert_element_type3A, %mul3A_20 : vector<1x8xf32>
    %mul3A_22 = vector.broadcast %mul3A_21 : vector<1x8xf32> to vector<4000x8xf32>
    %mul3A_23 = vector.broadcast %div3A_13 : vector<4000x1xf32> to vector<4000x8xf32>
    %mul3A_24 = arith.mulf %mul3A_22, %mul3A_23 : vector<4000x8xf32>
    %sin3A = math.sin %mul3A_24 : vector<4000x8xf32>
    %mul3A_25 = vector.broadcast %sqrt3A_18 : f32 to vector<4000x8xf32>
    %mul3A_26 = arith.mulf %mul3A_25, %sin3A : vector<4000x8xf32>
    %mul3A_27 = vector.broadcast %div3A_6 : vector<4000x1xf32> to vector<4000x8xf32>
    %mul3A_28 = arith.mulf %mul3A_26, %mul3A_27 : vector<4000x8xf32>
    %integer_pow3A = arith.mulf %div3A_13, %div3A_13 : vector<4000x1xf32>
    %integer_pow3A_29 = arith.mulf %integer_pow3A, %integer_pow3A : vector<4000x1xf32>
    %integer_pow3A_30 = arith.mulf %div3A_13, %integer_pow3A_29 : vector<4000x1xf32>
    %mul3A_31 = arith.constant 2.100000e+01 : f32
    %mul3A_32 = vector.broadcast %mul3A_31 : f32 to vector<4000x1xf32>
    %mul3A_33 = arith.mulf %mul3A_32, %integer_pow3A_30 : vector<4000x1xf32>
    %sub3A = arith.constant 1.000000e+00 : f32
    %sub3A_34 = vector.broadcast %sub3A : f32 to vector<4000x1xf32>
    %sub3A_35 = arith.subf %sub3A_34, %mul3A_33 : vector<4000x1xf32>
    %integer_pow3A_36 = arith.mulf %div3A_13, %div3A_13 : vector<4000x1xf32>
    %integer_pow3A_37 = arith.mulf %integer_pow3A_36, %integer_pow3A_36 : vector<4000x1xf32>
    %integer_pow3A_38 = arith.mulf %integer_pow3A_36, %integer_pow3A_37 : vector<4000x1xf32>
    %mul3A_39 = arith.constant 3.500000e+01 : f32
    %mul3A_40 = vector.broadcast %mul3A_39 : f32 to vector<4000x1xf32>
    %mul3A_41 = arith.mulf %mul3A_40, %integer_pow3A_38 : vector<4000x1xf32>
    %add3A_42 = arith.addf %sub3A_35, %mul3A_41 : vector<4000x1xf32>
    %integer_pow3A_43 = arith.mulf %div3A_13, %div3A_13 : vector<4000x1xf32>
    %integer_pow3A_44 = arith.mulf %div3A_13, %integer_pow3A_43 : vector<4000x1xf32>
    %integer_pow3A_45 = arith.mulf %integer_pow3A_43, %integer_pow3A_43 : vector<4000x1xf32>
    %integer_pow3A_46 = arith.mulf %integer_pow3A_44, %integer_pow3A_45 : vector<4000x1xf32>
    %mul3A_47 = arith.constant 1.500000e+01 : f32
    %mul3A_48 = vector.broadcast %mul3A_47 : f32 to vector<4000x1xf32>
    %mul3A_49 = arith.mulf %mul3A_48, %integer_pow3A_46 : vector<4000x1xf32>
    %sub3A_50 = arith.subf %add3A_42, %mul3A_49 : vector<4000x1xf32>
    %lt3A = arith.constant 1.000000e+00 : f32
    %lt3A_51 = vector.broadcast %lt3A : f32 to vector<4000x1xf32>
    %lt3A_52 = arith.cmpf olt, %div3A_13, %lt3A_51 : vector<4000x1xf32>
    %jit3A = arith.constant 0.000000e+00 : f32
    %broadcast_in_dim3A_53 = vector.broadcast %jit3A : f32 to vector<4000x1xf32>
    %select_n3A = arith.select %lt3A_52, %sub3A_50, %broadcast_in_dim3A_53 : vector<4000x1xi1>, vector<4000x1xf32>
    %mul3A_54 = vector.broadcast %select_n3A : vector<4000x1xf32> to vector<4000x8xf32>
    %mul3A_55 = arith.mulf %mul3A_28, %mul3A_54 : vector<4000x8xf32>
    %get3A_56 = arith.constant 0 : index
    %get3A_57 = arith.constant 0 : index
    %get3A_58 = vector.load %arg3[%get3A_56, %get3A_57] : memref<8x64xf32, #tpu.memory_space<vmem>>, vector<8x64xf32>
    %dot_general3A = arith.constant dense<0.000000e+00> : vector<4000x64xf32>
    %dot_general3A_59 = tpu.matmul %mul3A_55, %get3A_58, %dot_general3A {dimension_numbers = #tpu.dot_dimension_numbers<[1], [0], [0], [1], [0, 0, 1, 1], [], []>, transpose_lhs_hint = false} : vector<4000x8xf32>, vector<8x64xf32>, vector<4000x64xf32> -> vector<4000x64xf32>
    %get3A_60 = arith.constant 0 : index
    %get3A_61 = arith.constant 0 : index
    %get3A_62 = vector.load %arg4[%get3A_60, %get3A_61] : memref<1x64xf32, #tpu.memory_space<vmem>>, vector<1x64xf32>
    %add3A_63 = vector.broadcast %get3A_62 : vector<1x64xf32> to vector<4000x64xf32>
    %add3A_64 = arith.addf %dot_general3A_59, %add3A_63 : vector<4000x64xf32>
    %logistic3A = arith.negf %add3A_64 : vector<4000x64xf32>
    %logistic3A_65 = math.exp %logistic3A : vector<4000x64xf32>
    %logistic3A_66 = arith.constant 1.000000e+00 : f32
    %logistic3A_67 = vector.broadcast %logistic3A_66 : f32 to vector<4000x64xf32>
    %logistic3A_68 = arith.addf %logistic3A_67, %logistic3A_65 : vector<4000x64xf32>
    %logistic3A_69 = arith.divf %logistic3A_67, %logistic3A_68 : vector<4000x64xf32>
    %mul3A_70 = arith.mulf %add3A_64, %logistic3A_69 : vector<4000x64xf32>
    %get3A_71 = arith.constant 0 : index
    %get3A_72 = arith.constant 0 : index
    %get3A_73 = vector.load %arg5[%get3A_71, %get3A_72] : memref<64x64xf32, #tpu.memory_space<vmem>>, vector<64x64xf32>
    %dot_general3A_74 = arith.constant dense<0.000000e+00> : vector<4000x64xf32>
    %dot_general3A_75 = tpu.matmul %mul3A_70, %get3A_73, %dot_general3A_74 {dimension_numbers = #tpu.dot_dimension_numbers<[1], [0], [0], [1], [0, 0, 1, 1], [], []>, transpose_lhs_hint = false} : vector<4000x64xf32>, vector<64x64xf32>, vector<4000x64xf32> -> vector<4000x64xf32>
    %get3A_76 = arith.constant 0 : index
    %get3A_77 = arith.constant 0 : index
    %get3A_78 = vector.load %arg6[%get3A_76, %get3A_77] : memref<1x64xf32, #tpu.memory_space<vmem>>, vector<1x64xf32>
    %add3A_79 = vector.broadcast %get3A_78 : vector<1x64xf32> to vector<4000x64xf32>
    %add3A_80 = arith.addf %dot_general3A_75, %add3A_79 : vector<4000x64xf32>
    %logistic3A_81 = arith.negf %add3A_80 : vector<4000x64xf32>
    %logistic3A_82 = math.exp %logistic3A_81 : vector<4000x64xf32>
    %logistic3A_83 = arith.constant 1.000000e+00 : f32
    %logistic3A_84 = vector.broadcast %logistic3A_83 : f32 to vector<4000x64xf32>
    %logistic3A_85 = arith.addf %logistic3A_84, %logistic3A_82 : vector<4000x64xf32>
    %logistic3A_86 = arith.divf %logistic3A_84, %logistic3A_85 : vector<4000x64xf32>
    %mul3A_87 = arith.mulf %add3A_80, %logistic3A_86 : vector<4000x64xf32>
    %get3A_88 = arith.constant 0 : index
    %get3A_89 = arith.constant 0 : index
    %get3A_90 = vector.load %arg7[%get3A_88, %get3A_89] : memref<64x64xf32, #tpu.memory_space<vmem>>, vector<64x64xf32>
    %dot_general3A_91 = arith.constant dense<0.000000e+00> : vector<4000x64xf32>
    %dot_general3A_92 = tpu.matmul %mul3A_87, %get3A_90, %dot_general3A_91 {dimension_numbers = #tpu.dot_dimension_numbers<[1], [0], [0], [1], [0, 0, 1, 1], [], []>, transpose_lhs_hint = false} : vector<4000x64xf32>, vector<64x64xf32>, vector<4000x64xf32> -> vector<4000x64xf32>
    %get3A_93 = arith.constant 0 : index
    %get3A_94 = arith.constant 0 : index
    %get3A_95 = vector.load %arg8[%get3A_93, %get3A_94] : memref<1x64xf32, #tpu.memory_space<vmem>>, vector<1x64xf32>
    %add3A_96 = vector.broadcast %get3A_95 : vector<1x64xf32> to vector<4000x64xf32>
    %add3A_97 = arith.addf %dot_general3A_92, %add3A_96 : vector<4000x64xf32>
    %logistic3A_98 = arith.negf %add3A_97 : vector<4000x64xf32>
    %logistic3A_99 = math.exp %logistic3A_98 : vector<4000x64xf32>
    %logistic3A_100 = arith.constant 1.000000e+00 : f32
    %logistic3A_101 = vector.broadcast %logistic3A_100 : f32 to vector<4000x64xf32>
    %logistic3A_102 = arith.addf %logistic3A_101, %logistic3A_99 : vector<4000x64xf32>
    %logistic3A_103 = arith.divf %logistic3A_101, %logistic3A_102 : vector<4000x64xf32>
    %mul3A_104 = arith.mulf %add3A_97, %logistic3A_103 : vector<4000x64xf32>
    %get3A_105 = arith.constant 0 : index
    %get3A_106 = arith.constant 0 : index
    %get3A_107 = vector.load %arg2[%get3A_105, %get3A_106] : memref<4000x128xf32, #tpu.memory_space<vmem>>, vector<4000x128xf32>
    %get3A_108 = arith.constant 0 : index
    %get3A_109 = arith.constant 0 : index
    %get3A_110 = vector.load %arg9[%get3A_108, %get3A_109] : memref<64x128xf32, #tpu.memory_space<vmem>>, vector<64x128xf32>
    %dot_general3A_111 = arith.constant dense<0.000000e+00> : vector<4000x128xf32>
    %dot_general3A_112 = tpu.matmul %mul3A_104, %get3A_110, %dot_general3A_111 {dimension_numbers = #tpu.dot_dimension_numbers<[1], [0], [0], [1], [0, 0, 1, 1], [], []>, transpose_lhs_hint = false} : vector<4000x64xf32>, vector<64x128xf32>, vector<4000x128xf32> -> vector<4000x128xf32>
    %mul3A_113 = arith.mulf %dot_general3A_112, %get3A_107 : vector<4000x128xf32>
    %get3A_114 = arith.constant 0 : index
    %get3A_115 = arith.constant 0 : index
    %get3A_116 = vector.load %arg10[%get3A_114, %get3A_115] : memref<64x128xf32, #tpu.memory_space<vmem>>, vector<64x128xf32>
    %dot_general3A_117 = arith.constant dense<0.000000e+00> : vector<4000x128xf32>
    %dot_general3A_118 = tpu.matmul %mul3A_104, %get3A_116, %dot_general3A_117 {dimension_numbers = #tpu.dot_dimension_numbers<[1], [0], [0], [1], [0, 0, 1, 1], [], []>, transpose_lhs_hint = false} : vector<4000x64xf32>, vector<64x128xf32>, vector<4000x128xf32> -> vector<4000x128xf32>
    %mul3A_119 = arith.mulf %dot_general3A_118, %get3A_107 : vector<4000x128xf32>
    %swap3A = arith.constant 0 : index
    %swap3A_120 = arith.constant 0 : index
    %swap3A_121 = arith.constant 0 : index
    %swap3A_122 = vector.load %arg11[%swap3A, %swap3A_120, %swap3A_121] : memref<4x4000x128xf32, #tpu.memory_space<vmem>>, vector<1x4000x128xf32>
    %swap3A_123 = vector.shape_cast %swap3A_122 : vector<1x4000x128xf32> to vector<4000x128xf32>
    %swap3A_124 = vector.shape_cast %mul3A_113 : vector<4000x128xf32> to vector<1x4000x128xf32>
    tpu.vector_store %arg11[%swap3A, %swap3A_120, %swap3A_121], %swap3A_124 {strides = array<i32>} : memref<4x4000x128xf32, #tpu.memory_space<vmem>>, vector<1x4000x128xf32>,
    %slice3A = vector.extract_strided_slice %mul3A_8 {offsets = [0, 1], sizes = [4000, 1], strides = [1, 1]} : vector<4000x16xf32> to vector<4000x1xf32>
    %mul3A_125 = vector.broadcast %sqrt3A_10 : f32 to vector<4000x1xf32>
    %mul3A_126 = arith.mulf %mul3A_125, %slice3A : vector<4000x1xf32>
    %mul3A_127 = vector.broadcast %mul3A_126 : vector<4000x1xf32> to vector<4000x128xf32>
    %mul3A_128 = arith.mulf %mul3A_119, %mul3A_127 : vector<4000x128xf32>
    %swap3A_129 = arith.constant 1 : index
    %swap3A_130 = arith.constant 0 : index
    %swap3A_131 = arith.constant 0 : index
    %swap3A_132 = vector.load %arg11[%swap3A_129, %swap3A_130, %swap3A_131] : memref<4x4000x128xf32, #tpu.memory_space<vmem>>, vector<1x4000x128xf32>
    %swap3A_133 = vector.shape_cast %swap3A_132 : vector<1x4000x128xf32> to vector<4000x128xf32>
    %swap3A_134 = vector.shape_cast %mul3A_128 : vector<4000x128xf32> to vector<1x4000x128xf32>
    tpu.vector_store %arg11[%swap3A_129, %swap3A_130, %swap3A_131], %swap3A_134 {strides = array<i32>} : memref<4x4000x128xf32, #tpu.memory_space<vmem>>, vector<1x4000x128xf32>,
    %slice3A_135 = vector.extract_strided_slice %mul3A_8 {offsets = [0, 2], sizes = [4000, 1], strides = [1, 1]} : vector<4000x16xf32> to vector<4000x1xf32>
    %mul3A_136 = vector.broadcast %sqrt3A_10 : f32 to vector<4000x1xf32>
    %mul3A_137 = arith.mulf %mul3A_136, %slice3A_135 : vector<4000x1xf32>
    %mul3A_138 = vector.broadcast %mul3A_137 : vector<4000x1xf32> to vector<4000x128xf32>
    %mul3A_139 = arith.mulf %mul3A_119, %mul3A_138 : vector<4000x128xf32>
    %swap3A_140 = arith.constant 2 : index
    %swap3A_141 = arith.constant 0 : index
    %swap3A_142 = arith.constant 0 : index
    %swap3A_143 = vector.load %arg11[%swap3A_140, %swap3A_141, %swap3A_142] : memref<4x4000x128xf32, #tpu.memory_space<vmem>>, vector<1x4000x128xf32>
    %swap3A_144 = vector.shape_cast %swap3A_143 : vector<1x4000x128xf32> to vector<4000x128xf32>
    %swap3A_145 = vector.shape_cast %mul3A_139 : vector<4000x128xf32> to vector<1x4000x128xf32>
    tpu.vector_store %arg11[%swap3A_140, %swap3A_141, %swap3A_142], %swap3A_145 {strides = array<i32>} : memref<4x4000x128xf32, #tpu.memory_space<vmem>>, vector<1x4000x128xf32>,
    %slice3A_146 = vector.extract_strided_slice %mul3A_8 {offsets = [0, 0], sizes = [4000, 1], strides = [1, 1]} : vector<4000x16xf32> to vector<4000x1xf32>
    %mul3A_147 = vector.broadcast %sqrt3A_10 : f32 to vector<4000x1xf32>
    %mul3A_148 = arith.mulf %mul3A_147, %slice3A_146 : vector<4000x1xf32>
    %mul3A_149 = vector.broadcast %mul3A_148 : vector<4000x1xf32> to vector<4000x128xf32>
    %mul3A_150 = arith.mulf %mul3A_119, %mul3A_149 : vector<4000x128xf32>
    %swap3A_151 = arith.constant 3 : index
    %swap3A_152 = arith.constant 0 : index
    %swap3A_153 = arith.constant 0 : index
    %swap3A_154 = vector.load %arg11[%swap3A_151, %swap3A_152, %swap3A_153] : memref<4x4000x128xf32, #tpu.memory_space<vmem>>, vector<1x4000x128xf32>
    %swap3A_155 = vector.shape_cast %swap3A_154 : vector<1x4000x128xf32> to vector<4000x128xf32>
    %swap3A_156 = vector.shape_cast %mul3A_150 : vector<4000x128xf32> to vector<1x4000x128xf32>
    tpu.vector_store %arg11[%swap3A_151, %swap3A_152, %swap3A_153], %swap3A_156 {strides = array<i32>} : memref<4x4000x128xf32, #tpu.memory_space<vmem>>, vector<1x4000x128xf32>,
    return
  }
  func.func @transform_0(%arg0: i32) -> (i32, i32) {
    %c0_i32 = arith.constant 0 : i32
    %c0_i32_0 = arith.constant 0 : i32
    return %arg0, %c0_i32 : i32, i32
  }
  func.func @transform_1(%arg0: i32) -> (i32, i32) {
    %c0_i32 = arith.constant 0 : i32
    %c0_i32_0 = arith.constant 0 : i32
    return %arg0, %c0_i32 : i32, i32
  }
  func.func @transform_2(%arg0: i32) -> (i32, i32) {
    %c0_i32 = arith.constant 0 : i32
    %c0_i32_0 = arith.constant 0 : i32
    %c0_i32_1 = arith.constant 0 : i32
    return %c0_i32, %c0_i32_0 : i32, i32
  }
  func.func @transform_3(%arg0: i32) -> (i32, i32) {
    %c0_i32 = arith.constant 0 : i32
    %c0_i32_0 = arith.constant 0 : i32
    %c0_i32_1 = arith.constant 0 : i32
    return %c0_i32, %c0_i32_0 : i32, i32
  }
  func.func @transform_4(%arg0: i32) -> (i32, i32) {
    %c0_i32 = arith.constant 0 : i32
    %c0_i32_0 = arith.constant 0 : i32
    %c0_i32_1 = arith.constant 0 : i32
    return %c0_i32, %c0_i32_0 : i32, i32
  }
  func.func @transform_5(%arg0: i32) -> (i32, i32) {
    %c0_i32 = arith.constant 0 : i32
    %c0_i32_0 = arith.constant 0 : i32
    %c0_i32_1 = arith.constant 0 : i32
    return %c0_i32, %c0_i32_0 : i32, i32
  }
  func.func @transform_6(%arg0: i32) -> (i32, i32) {
    %c0_i32 = arith.constant 0 : i32
    %c0_i32_0 = arith.constant 0 : i32
    %c0_i32_1 = arith.constant 0 : i32
    return %c0_i32, %c0_i32_0 : i32, i32
  }
  func.func @transform_7(%arg0: i32) -> (i32, i32) {
    %c0_i32 = arith.constant 0 : i32
    %c0_i32_0 = arith.constant 0 : i32
    %c0_i32_1 = arith.constant 0 : i32
    return %c0_i32, %c0_i32_0 : i32, i32
  }
  func.func @transform_8(%arg0: i32) -> (i32, i32) {
    %c0_i32 = arith.constant 0 : i32
    %c0_i32_0 = arith.constant 0 : i32
    %c0_i32_1 = arith.constant 0 : i32
    return %c0_i32, %c0_i32_0 : i32, i32
  }
  func.func @transform_9(%arg0: i32) -> (i32, i32) {
    %c0_i32 = arith.constant 0 : i32
    %c0_i32_0 = arith.constant 0 : i32
    %c0_i32_1 = arith.constant 0 : i32
    return %c0_i32, %c0_i32_0 : i32, i32
  }
  func.func @transform_10(%arg0: i32) -> (i32, i32, i32) {
    %c0_i32 = arith.constant 0 : i32
    %c0_i32_0 = arith.constant 0 : i32
    %c0_i32_1 = arith.constant 0 : i32
    return %c0_i32, %arg0, %c0_i32_0 : i32, i32, i32
  }
}

module attributes {stable_mosaic.version = 14 : i64} {
  func.func @_node_body(%arg0: i32, %arg1: memref<4x1000x128xf32, #tpu.memory_space<vmem>>, %arg2: memref<128x128xf32, #tpu.memory_space<vmem>>, %arg3: memref<128x128xf32, #tpu.memory_space<vmem>>, %arg4: memref<128x128xf32, #tpu.memory_space<vmem>>, %arg5: memref<128x128xf32, #tpu.memory_space<vmem>>, %arg6: memref<1000x128xf32, #tpu.memory_space<vmem>>, %arg7: memref<1000x128xf32, #tpu.memory_space<vmem>>, %arg8: memref<1000x128xf32, #tpu.memory_space<vmem>>, %arg9: memref<1000x128xf32, #tpu.memory_space<vmem>>, %arg10: memref<1000x128xf32, #tpu.memory_space<vmem>>) attributes {dimension_semantics = [#tpu.dimension_semantics<arbitrary>], iteration_bounds = array<i64: 10>, scalar_prefetch = 0 : i64, scratch_operands = 0 : i64, tpu.core_type = #tpu.core_type<tc>, window_params = [{transform_indices = @transform_0, window_bounds = array<i64: 4, 1000, 128>}, {pipeline_mode = #tpu.pipeline_mode<synchronous>, transform_indices = @transform_1, window_bounds = array<i64: 128, 128>}, {pipeline_mode = #tpu.pipeline_mode<synchronous>, transform_indices = @transform_2, window_bounds = array<i64: 128, 128>}, {pipeline_mode = #tpu.pipeline_mode<synchronous>, transform_indices = @transform_3, window_bounds = array<i64: 128, 128>}, {pipeline_mode = #tpu.pipeline_mode<synchronous>, transform_indices = @transform_4, window_bounds = array<i64: 128, 128>}, {transform_indices = @transform_5, window_bounds = array<i64: 1000, 128>}, {transform_indices = @transform_6, window_bounds = array<i64: 1000, 128>}, {transform_indices = @transform_7, window_bounds = array<i64: 1000, 128>}, {transform_indices = @transform_8, window_bounds = array<i64: 1000, 128>}, {transform_indices = @transform_9, window_bounds = array<i64: 1000, 128>}]} {
    %get3A = arith.constant 0 : index
    %get3A_0 = arith.constant 0 : index
    %get3A_1 = arith.constant 0 : index
    %get3A_2 = vector.load %arg1[%get3A, %get3A_0, %get3A_1] : memref<4x1000x128xf32, #tpu.memory_space<vmem>>, vector<1x1000x128xf32>
    %get3A_3 = vector.shape_cast %get3A_2 : vector<1x1000x128xf32> to vector<1000x128xf32>
    %mul3A = arith.constant 6.250000e-02 : f32
    %mul3A_4 = vector.broadcast %mul3A : f32 to vector<1000x128xf32>
    %mul3A_5 = arith.mulf %get3A_3, %mul3A_4 : vector<1000x128xf32>
    %get3A_6 = arith.constant 1 : index
    %get3A_7 = arith.constant 0 : index
    %get3A_8 = arith.constant 0 : index
    %get3A_9 = vector.load %arg1[%get3A_6, %get3A_7, %get3A_8] : memref<4x1000x128xf32, #tpu.memory_space<vmem>>, vector<1x1000x128xf32>
    %get3A_10 = vector.shape_cast %get3A_9 : vector<1x1000x128xf32> to vector<1000x128xf32>
    %mul3A_11 = arith.constant 6.250000e-02 : f32
    %mul3A_12 = vector.broadcast %mul3A_11 : f32 to vector<1000x128xf32>
    %mul3A_13 = arith.mulf %get3A_10, %mul3A_12 : vector<1000x128xf32>
    %get3A_14 = arith.constant 2 : index
    %get3A_15 = arith.constant 0 : index
    %get3A_16 = arith.constant 0 : index
    %get3A_17 = vector.load %arg1[%get3A_14, %get3A_15, %get3A_16] : memref<4x1000x128xf32, #tpu.memory_space<vmem>>, vector<1x1000x128xf32>
    %get3A_18 = vector.shape_cast %get3A_17 : vector<1x1000x128xf32> to vector<1000x128xf32>
    %mul3A_19 = arith.constant 6.250000e-02 : f32
    %mul3A_20 = vector.broadcast %mul3A_19 : f32 to vector<1000x128xf32>
    %mul3A_21 = arith.mulf %get3A_18, %mul3A_20 : vector<1000x128xf32>
    %get3A_22 = arith.constant 3 : index
    %get3A_23 = arith.constant 0 : index
    %get3A_24 = arith.constant 0 : index
    %get3A_25 = vector.load %arg1[%get3A_22, %get3A_23, %get3A_24] : memref<4x1000x128xf32, #tpu.memory_space<vmem>>, vector<1x1000x128xf32>
    %get3A_26 = vector.shape_cast %get3A_25 : vector<1x1000x128xf32> to vector<1000x128xf32>
    %mul3A_27 = arith.constant 6.250000e-02 : f32
    %mul3A_28 = vector.broadcast %mul3A_27 : f32 to vector<1000x128xf32>
    %mul3A_29 = arith.mulf %get3A_26, %mul3A_28 : vector<1000x128xf32>
    %mul3A_30 = arith.mulf %mul3A_5, %mul3A_5 : vector<1000x128xf32>
    %mul3A_31 = arith.mulf %mul3A_13, %mul3A_13 : vector<1000x128xf32>
    %add3A = arith.addf %mul3A_30, %mul3A_31 : vector<1000x128xf32>
    %mul3A_32 = arith.mulf %mul3A_21, %mul3A_21 : vector<1000x128xf32>
    %add3A_33 = arith.addf %add3A, %mul3A_32 : vector<1000x128xf32>
    %mul3A_34 = arith.mulf %mul3A_29, %mul3A_29 : vector<1000x128xf32>
    %add3A_35 = arith.addf %add3A_33, %mul3A_34 : vector<1000x128xf32>
    %get3A_36 = arith.constant 0 : index
    %get3A_37 = arith.constant 0 : index
    %get3A_38 = vector.load %arg2[%get3A_36, %get3A_37] : memref<128x128xf32, #tpu.memory_space<vmem>>, vector<128x128xf32>
    %dot_general3A = arith.constant dense<0.000000e+00> : vector<1000x128xf32>
    %dot_general3A_39 = tpu.matmul %mul3A_5, %get3A_38, %dot_general3A {dimension_numbers = #tpu.dot_dimension_numbers<[1], [0], [0], [1], [0, 0, 1, 1], [], []>, transpose_lhs_hint = false} : vector<1000x128xf32>, vector<128x128xf32>, vector<1000x128xf32> -> vector<1000x128xf32>
    %get3A_40 = arith.constant 0 : index
    %get3A_41 = arith.constant 0 : index
    %get3A_42 = vector.load %arg3[%get3A_40, %get3A_41] : memref<128x128xf32, #tpu.memory_space<vmem>>, vector<128x128xf32>
    %dot_general3A_43 = arith.constant dense<0.000000e+00> : vector<1000x128xf32>
    %dot_general3A_44 = tpu.matmul %add3A_35, %get3A_42, %dot_general3A_43 {dimension_numbers = #tpu.dot_dimension_numbers<[1], [0], [0], [1], [0, 0, 1, 1], [], []>, transpose_lhs_hint = false} : vector<1000x128xf32>, vector<128x128xf32>, vector<1000x128xf32> -> vector<1000x128xf32>
    %add3A_45 = arith.addf %dot_general3A_39, %dot_general3A_44 : vector<1000x128xf32>
    %get3A_46 = arith.constant 0 : index
    %get3A_47 = arith.constant 0 : index
    %get3A_48 = vector.load %arg4[%get3A_46, %get3A_47] : memref<128x128xf32, #tpu.memory_space<vmem>>, vector<128x128xf32>
    %dot_general3A_49 = arith.constant dense<0.000000e+00> : vector<1000x128xf32>
    %dot_general3A_50 = tpu.matmul %mul3A_13, %get3A_48, %dot_general3A_49 {dimension_numbers = #tpu.dot_dimension_numbers<[1], [0], [0], [1], [0, 0, 1, 1], [], []>, transpose_lhs_hint = false} : vector<1000x128xf32>, vector<128x128xf32>, vector<1000x128xf32> -> vector<1000x128xf32>
    %get3A_51 = arith.constant 0 : index
    %get3A_52 = arith.constant 0 : index
    %get3A_53 = vector.load %arg4[%get3A_51, %get3A_52] : memref<128x128xf32, #tpu.memory_space<vmem>>, vector<128x128xf32>
    %dot_general3A_54 = arith.constant dense<0.000000e+00> : vector<1000x128xf32>
    %dot_general3A_55 = tpu.matmul %mul3A_21, %get3A_53, %dot_general3A_54 {dimension_numbers = #tpu.dot_dimension_numbers<[1], [0], [0], [1], [0, 0, 1, 1], [], []>, transpose_lhs_hint = false} : vector<1000x128xf32>, vector<128x128xf32>, vector<1000x128xf32> -> vector<1000x128xf32>
    %get3A_56 = arith.constant 0 : index
    %get3A_57 = arith.constant 0 : index
    %get3A_58 = vector.load %arg4[%get3A_56, %get3A_57] : memref<128x128xf32, #tpu.memory_space<vmem>>, vector<128x128xf32>
    %dot_general3A_59 = arith.constant dense<0.000000e+00> : vector<1000x128xf32>
    %dot_general3A_60 = tpu.matmul %mul3A_29, %get3A_58, %dot_general3A_59 {dimension_numbers = #tpu.dot_dimension_numbers<[1], [0], [0], [1], [0, 0, 1, 1], [], []>, transpose_lhs_hint = false} : vector<1000x128xf32>, vector<128x128xf32>, vector<1000x128xf32> -> vector<1000x128xf32>
    %swap3A = arith.constant 0 : index
    %swap3A_61 = arith.constant 0 : index
    %swap3A_62 = vector.load %arg6[%swap3A, %swap3A_61] : memref<1000x128xf32, #tpu.memory_space<vmem>>, vector<1000x128xf32>
    tpu.vector_store %arg6[%swap3A, %swap3A_61], %add3A_45 {strides = array<i32>} : memref<1000x128xf32, #tpu.memory_space<vmem>>, vector<1000x128xf32>,
    %swap3A_63 = arith.constant 0 : index
    %swap3A_64 = arith.constant 0 : index
    %swap3A_65 = vector.load %arg7[%swap3A_63, %swap3A_64] : memref<1000x128xf32, #tpu.memory_space<vmem>>, vector<1000x128xf32>
    tpu.vector_store %arg7[%swap3A_63, %swap3A_64], %dot_general3A_50 {strides = array<i32>} : memref<1000x128xf32, #tpu.memory_space<vmem>>, vector<1000x128xf32>,
    %swap3A_66 = arith.constant 0 : index
    %swap3A_67 = arith.constant 0 : index
    %swap3A_68 = vector.load %arg8[%swap3A_66, %swap3A_67] : memref<1000x128xf32, #tpu.memory_space<vmem>>, vector<1000x128xf32>
    tpu.vector_store %arg8[%swap3A_66, %swap3A_67], %dot_general3A_55 {strides = array<i32>} : memref<1000x128xf32, #tpu.memory_space<vmem>>, vector<1000x128xf32>,
    %swap3A_69 = arith.constant 0 : index
    %swap3A_70 = arith.constant 0 : index
    %swap3A_71 = vector.load %arg9[%swap3A_69, %swap3A_70] : memref<1000x128xf32, #tpu.memory_space<vmem>>, vector<1000x128xf32>
    tpu.vector_store %arg9[%swap3A_69, %swap3A_70], %dot_general3A_60 {strides = array<i32>} : memref<1000x128xf32, #tpu.memory_space<vmem>>, vector<1000x128xf32>,
    %get3A_72 = arith.constant 0 : index
    %get3A_73 = arith.constant 0 : index
    %get3A_74 = vector.load %arg5[%get3A_72, %get3A_73] : memref<128x128xf32, #tpu.memory_space<vmem>>, vector<128x128xf32>
    %dot_general3A_75 = arith.constant dense<0.000000e+00> : vector<1000x128xf32>
    %dot_general3A_76 = tpu.matmul %add3A_45, %get3A_74, %dot_general3A_75 {dimension_numbers = #tpu.dot_dimension_numbers<[1], [0], [0], [1], [0, 0, 1, 1], [], []>, transpose_lhs_hint = false} : vector<1000x128xf32>, vector<128x128xf32>, vector<1000x128xf32> -> vector<1000x128xf32>
    %swap3A_77 = arith.constant 0 : index
    %swap3A_78 = arith.constant 0 : index
    %swap3A_79 = vector.load %arg10[%swap3A_77, %swap3A_78] : memref<1000x128xf32, #tpu.memory_space<vmem>>, vector<1000x128xf32>
    tpu.vector_store %arg10[%swap3A_77, %swap3A_78], %dot_general3A_76 {strides = array<i32>} : memref<1000x128xf32, #tpu.memory_space<vmem>>, vector<1000x128xf32>,
    return
  }
  func.func @transform_0(%arg0: i32) -> (i32, i32, i32) {
    %c0_i32 = arith.constant 0 : i32
    %c0_i32_0 = arith.constant 0 : i32
    %c0_i32_1 = arith.constant 0 : i32
    return %c0_i32, %arg0, %c0_i32_0 : i32, i32, i32
  }
  func.func @transform_1(%arg0: i32) -> (i32, i32) {
    %c0_i32 = arith.constant 0 : i32
    %c0_i32_0 = arith.constant 0 : i32
    %c0_i32_1 = arith.constant 0 : i32
    return %c0_i32, %c0_i32_0 : i32, i32
  }
  func.func @transform_2(%arg0: i32) -> (i32, i32) {
    %c0_i32 = arith.constant 0 : i32
    %c0_i32_0 = arith.constant 0 : i32
    %c0_i32_1 = arith.constant 0 : i32
    return %c0_i32, %c0_i32_0 : i32, i32
  }
  func.func @transform_3(%arg0: i32) -> (i32, i32) {
    %c0_i32 = arith.constant 0 : i32
    %c0_i32_0 = arith.constant 0 : i32
    %c0_i32_1 = arith.constant 0 : i32
    return %c0_i32, %c0_i32_0 : i32, i32
  }
  func.func @transform_4(%arg0: i32) -> (i32, i32) {
    %c0_i32 = arith.constant 0 : i32
    %c0_i32_0 = arith.constant 0 : i32
    %c0_i32_1 = arith.constant 0 : i32
    return %c0_i32, %c0_i32_0 : i32, i32
  }
  func.func @transform_5(%arg0: i32) -> (i32, i32) {
    %c0_i32 = arith.constant 0 : i32
    %c0_i32_0 = arith.constant 0 : i32
    return %arg0, %c0_i32 : i32, i32
  }
  func.func @transform_6(%arg0: i32) -> (i32, i32) {
    %c0_i32 = arith.constant 0 : i32
    %c0_i32_0 = arith.constant 0 : i32
    return %arg0, %c0_i32 : i32, i32
  }
  func.func @transform_7(%arg0: i32) -> (i32, i32) {
    %c0_i32 = arith.constant 0 : i32
    %c0_i32_0 = arith.constant 0 : i32
    return %arg0, %c0_i32 : i32, i32
  }
  func.func @transform_8(%arg0: i32) -> (i32, i32) {
    %c0_i32 = arith.constant 0 : i32
    %c0_i32_0 = arith.constant 0 : i32
    return %arg0, %c0_i32 : i32, i32
  }
  func.func @transform_9(%arg0: i32) -> (i32, i32) {
    %c0_i32 = arith.constant 0 : i32
    %c0_i32_0 = arith.constant 0 : i32
    return %arg0, %c0_i32 : i32, i32
  }
}

module attributes {stable_mosaic.version = 14 : i64} {
  func.func @_node_body(%arg0: i32, %arg1: memref<4x1000x128xf32, #tpu.memory_space<vmem>>, %arg2: memref<128x128xf32, #tpu.memory_space<vmem>>, %arg3: memref<128x128xf32, #tpu.memory_space<vmem>>, %arg4: memref<128x128xf32, #tpu.memory_space<vmem>>, %arg5: memref<1000x128xf32, #tpu.memory_space<vmem>>, %arg6: memref<1000x128xf32, #tpu.memory_space<vmem>>, %arg7: memref<1000x128xf32, #tpu.memory_space<vmem>>, %arg8: memref<1000x128xf32, #tpu.memory_space<vmem>>, %arg9: memref<1000x10xf32, #tpu.memory_space<vmem>>, %arg10: memref<10x128x128xf32, #tpu.memory_space<vmem>>, %arg11: memref<128x10xf32, #tpu.memory_space<vmem>>, %arg12: memref<1000x128xf32, #tpu.memory_space<vmem>>, %arg13: memref<1000x128xf32, #tpu.memory_space<vmem>>, %arg14: memref<1000x128xf32, #tpu.memory_space<vmem>>, %arg15: memref<1000x128xf32, #tpu.memory_space<vmem>>, %arg16: memref<1000x10xf32, #tpu.memory_space<vmem>>) attributes {dimension_semantics = [#tpu.dimension_semantics<arbitrary>], iteration_bounds = array<i64: 10>, scalar_prefetch = 0 : i64, scratch_operands = 0 : i64, tpu.core_type = #tpu.core_type<tc>, window_params = [{transform_indices = @transform_0, window_bounds = array<i64: 4, 1000, 128>}, {pipeline_mode = #tpu.pipeline_mode<synchronous>, transform_indices = @transform_1, window_bounds = array<i64: 128, 128>}, {pipeline_mode = #tpu.pipeline_mode<synchronous>, transform_indices = @transform_2, window_bounds = array<i64: 128, 128>}, {pipeline_mode = #tpu.pipeline_mode<synchronous>, transform_indices = @transform_3, window_bounds = array<i64: 128, 128>}, {transform_indices = @transform_4, window_bounds = array<i64: 1000, 128>}, {transform_indices = @transform_5, window_bounds = array<i64: 1000, 128>}, {transform_indices = @transform_6, window_bounds = array<i64: 1000, 128>}, {transform_indices = @transform_7, window_bounds = array<i64: 1000, 128>}, {transform_indices = @transform_8, window_bounds = array<i64: 1000, 10>}, {pipeline_mode = #tpu.pipeline_mode<synchronous>, transform_indices = @transform_9, window_bounds = array<i64: 10, 128, 128>}, {pipeline_mode = #tpu.pipeline_mode<synchronous>, transform_indices = @transform_10, window_bounds = array<i64: 128, 10>}, {transform_indices = @transform_11, window_bounds = array<i64: 1000, 128>}, {transform_indices = @transform_12, window_bounds = array<i64: 1000, 128>}, {transform_indices = @transform_13, window_bounds = array<i64: 1000, 128>}, {transform_indices = @transform_14, window_bounds = array<i64: 1000, 128>}, {transform_indices = @transform_15, window_bounds = array<i64: 1000, 10>}]} {
    %get3A = arith.constant 0 : index
    %get3A_0 = arith.constant 0 : index
    %get3A_1 = arith.constant 0 : index
    %get3A_2 = vector.load %arg1[%get3A, %get3A_0, %get3A_1] : memref<4x1000x128xf32, #tpu.memory_space<vmem>>, vector<1x1000x128xf32>
    %get3A_3 = vector.shape_cast %get3A_2 : vector<1x1000x128xf32> to vector<1000x128xf32>
    %mul3A = arith.constant 6.250000e-02 : f32
    %mul3A_4 = vector.broadcast %mul3A : f32 to vector<1000x128xf32>
    %mul3A_5 = arith.mulf %get3A_3, %mul3A_4 : vector<1000x128xf32>
    %get3A_6 = arith.constant 1 : index
    %get3A_7 = arith.constant 0 : index
    %get3A_8 = arith.constant 0 : index
    %get3A_9 = vector.load %arg1[%get3A_6, %get3A_7, %get3A_8] : memref<4x1000x128xf32, #tpu.memory_space<vmem>>, vector<1x1000x128xf32>
    %get3A_10 = vector.shape_cast %get3A_9 : vector<1x1000x128xf32> to vector<1000x128xf32>
    %mul3A_11 = arith.constant 6.250000e-02 : f32
    %mul3A_12 = vector.broadcast %mul3A_11 : f32 to vector<1000x128xf32>
    %mul3A_13 = arith.mulf %get3A_10, %mul3A_12 : vector<1000x128xf32>
    %get3A_14 = arith.constant 2 : index
    %get3A_15 = arith.constant 0 : index
    %get3A_16 = arith.constant 0 : index
    %get3A_17 = vector.load %arg1[%get3A_14, %get3A_15, %get3A_16] : memref<4x1000x128xf32, #tpu.memory_space<vmem>>, vector<1x1000x128xf32>
    %get3A_18 = vector.shape_cast %get3A_17 : vector<1x1000x128xf32> to vector<1000x128xf32>
    %mul3A_19 = arith.constant 6.250000e-02 : f32
    %mul3A_20 = vector.broadcast %mul3A_19 : f32 to vector<1000x128xf32>
    %mul3A_21 = arith.mulf %get3A_18, %mul3A_20 : vector<1000x128xf32>
    %get3A_22 = arith.constant 3 : index
    %get3A_23 = arith.constant 0 : index
    %get3A_24 = arith.constant 0 : index
    %get3A_25 = vector.load %arg1[%get3A_22, %get3A_23, %get3A_24] : memref<4x1000x128xf32, #tpu.memory_space<vmem>>, vector<1x1000x128xf32>
    %get3A_26 = vector.shape_cast %get3A_25 : vector<1x1000x128xf32> to vector<1000x128xf32>
    %mul3A_27 = arith.constant 6.250000e-02 : f32
    %mul3A_28 = vector.broadcast %mul3A_27 : f32 to vector<1000x128xf32>
    %mul3A_29 = arith.mulf %get3A_26, %mul3A_28 : vector<1000x128xf32>
    %mul3A_30 = arith.mulf %mul3A_5, %mul3A_5 : vector<1000x128xf32>
    %mul3A_31 = arith.mulf %mul3A_13, %mul3A_13 : vector<1000x128xf32>
    %add3A = arith.addf %mul3A_30, %mul3A_31 : vector<1000x128xf32>
    %mul3A_32 = arith.mulf %mul3A_21, %mul3A_21 : vector<1000x128xf32>
    %add3A_33 = arith.addf %add3A, %mul3A_32 : vector<1000x128xf32>
    %mul3A_34 = arith.mulf %mul3A_29, %mul3A_29 : vector<1000x128xf32>
    %add3A_35 = arith.addf %add3A_33, %mul3A_34 : vector<1000x128xf32>
    %get3A_36 = arith.constant 0 : index
    %get3A_37 = arith.constant 0 : index
    %get3A_38 = vector.load %arg2[%get3A_36, %get3A_37] : memref<128x128xf32, #tpu.memory_space<vmem>>, vector<128x128xf32>
    %dot_general3A = arith.constant dense<0.000000e+00> : vector<1000x128xf32>
    %dot_general3A_39 = tpu.matmul %mul3A_5, %get3A_38, %dot_general3A {dimension_numbers = #tpu.dot_dimension_numbers<[1], [0], [0], [1], [0, 0, 1, 1], [], []>, transpose_lhs_hint = false} : vector<1000x128xf32>, vector<128x128xf32>, vector<1000x128xf32> -> vector<1000x128xf32>
    %get3A_40 = arith.constant 0 : index
    %get3A_41 = arith.constant 0 : index
    %get3A_42 = vector.load %arg3[%get3A_40, %get3A_41] : memref<128x128xf32, #tpu.memory_space<vmem>>, vector<128x128xf32>
    %dot_general3A_43 = arith.constant dense<0.000000e+00> : vector<1000x128xf32>
    %dot_general3A_44 = tpu.matmul %add3A_35, %get3A_42, %dot_general3A_43 {dimension_numbers = #tpu.dot_dimension_numbers<[1], [0], [0], [1], [0, 0, 1, 1], [], []>, transpose_lhs_hint = false} : vector<1000x128xf32>, vector<128x128xf32>, vector<1000x128xf32> -> vector<1000x128xf32>
    %add3A_45 = arith.addf %dot_general3A_39, %dot_general3A_44 : vector<1000x128xf32>
    %get3A_46 = arith.constant 0 : index
    %get3A_47 = arith.constant 0 : index
    %get3A_48 = vector.load %arg4[%get3A_46, %get3A_47] : memref<128x128xf32, #tpu.memory_space<vmem>>, vector<128x128xf32>
    %dot_general3A_49 = arith.constant dense<0.000000e+00> : vector<1000x128xf32>
    %dot_general3A_50 = tpu.matmul %mul3A_13, %get3A_48, %dot_general3A_49 {dimension_numbers = #tpu.dot_dimension_numbers<[1], [0], [0], [1], [0, 0, 1, 1], [], []>, transpose_lhs_hint = false} : vector<1000x128xf32>, vector<128x128xf32>, vector<1000x128xf32> -> vector<1000x128xf32>
    %get3A_51 = arith.constant 0 : index
    %get3A_52 = arith.constant 0 : index
    %get3A_53 = vector.load %arg4[%get3A_51, %get3A_52] : memref<128x128xf32, #tpu.memory_space<vmem>>, vector<128x128xf32>
    %dot_general3A_54 = arith.constant dense<0.000000e+00> : vector<1000x128xf32>
    %dot_general3A_55 = tpu.matmul %mul3A_21, %get3A_53, %dot_general3A_54 {dimension_numbers = #tpu.dot_dimension_numbers<[1], [0], [0], [1], [0, 0, 1, 1], [], []>, transpose_lhs_hint = false} : vector<1000x128xf32>, vector<128x128xf32>, vector<1000x128xf32> -> vector<1000x128xf32>
    %get3A_56 = arith.constant 0 : index
    %get3A_57 = arith.constant 0 : index
    %get3A_58 = vector.load %arg4[%get3A_56, %get3A_57] : memref<128x128xf32, #tpu.memory_space<vmem>>, vector<128x128xf32>
    %dot_general3A_59 = arith.constant dense<0.000000e+00> : vector<1000x128xf32>
    %dot_general3A_60 = tpu.matmul %mul3A_29, %get3A_58, %dot_general3A_59 {dimension_numbers = #tpu.dot_dimension_numbers<[1], [0], [0], [1], [0, 0, 1, 1], [], []>, transpose_lhs_hint = false} : vector<1000x128xf32>, vector<128x128xf32>, vector<1000x128xf32> -> vector<1000x128xf32>
    %get3A_61 = arith.constant 0 : index
    %get3A_62 = arith.constant 0 : index
    %get3A_63 = vector.load %arg9[%get3A_61, %get3A_62] : memref<1000x10xf32, #tpu.memory_space<vmem>>, vector<1000x10xf32>
    %get3A_64 = arith.constant 0 : index
    %get3A_65 = arith.constant 0 : index
    %get3A_66 = vector.load %arg5[%get3A_64, %get3A_65] : memref<1000x128xf32, #tpu.memory_space<vmem>>, vector<1000x128xf32>
    %slice3A = vector.extract_strided_slice %get3A_63 {offsets = [0, 0], sizes = [1000, 1], strides = [1, 1]} : vector<1000x10xf32> to vector<1000x1xf32>
    %mul3A_67 = vector.broadcast %slice3A : vector<1000x1xf32> to vector<1000x128xf32>
    %mul3A_68 = arith.mulf %get3A_66, %mul3A_67 : vector<1000x128xf32>
    %get3A_69 = arith.constant 0 : index
    %get3A_70 = arith.constant 0 : index
    %get3A_71 = arith.constant 0 : index
    %get3A_72 = vector.load %arg10[%get3A_69, %get3A_70, %get3A_71] : memref<10x128x128xf32, #tpu.memory_space<vmem>>, vector<1x128x128xf32>
    %get3A_73 = vector.shape_cast %get3A_72 : vector<1x128x128xf32> to vector<128x128xf32>
    %dot_general3A_74 = arith.constant dense<0.000000e+00> : vector<1000x128xf32>
    %dot_general3A_75 = tpu.matmul %mul3A_68, %get3A_73, %dot_general3A_74 {dimension_numbers = #tpu.dot_dimension_numbers<[1], [0], [0], [1], [0, 0, 1, 1], [], []>, transpose_lhs_hint = false} : vector<1000x128xf32>, vector<128x128xf32>, vector<1000x128xf32> -> vector<1000x128xf32>
    %add3A_76 = arith.addf %add3A_45, %dot_general3A_75 : vector<1000x128xf32>
    %slice3A_77 = vector.extract_strided_slice %get3A_63 {offsets = [0, 1], sizes = [1000, 1], strides = [1, 1]} : vector<1000x10xf32> to vector<1000x1xf32>
    %mul3A_78 = vector.broadcast %slice3A_77 : vector<1000x1xf32> to vector<1000x128xf32>
    %mul3A_79 = arith.mulf %get3A_66, %mul3A_78 : vector<1000x128xf32>
    %get3A_80 = arith.constant 1 : index
    %get3A_81 = arith.constant 0 : index
    %get3A_82 = arith.constant 0 : index
    %get3A_83 = vector.load %arg10[%get3A_80, %get3A_81, %get3A_82] : memref<10x128x128xf32, #tpu.memory_space<vmem>>, vector<1x128x128xf32>
    %get3A_84 = vector.shape_cast %get3A_83 : vector<1x128x128xf32> to vector<128x128xf32>
    %dot_general3A_85 = arith.constant dense<0.000000e+00> : vector<1000x128xf32>
    %dot_general3A_86 = tpu.matmul %mul3A_79, %get3A_84, %dot_general3A_85 {dimension_numbers = #tpu.dot_dimension_numbers<[1], [0], [0], [1], [0, 0, 1, 1], [], []>, transpose_lhs_hint = false} : vector<1000x128xf32>, vector<128x128xf32>, vector<1000x128xf32> -> vector<1000x128xf32>
    %add3A_87 = arith.addf %add3A_76, %dot_general3A_86 : vector<1000x128xf32>
    %slice3A_88 = vector.extract_strided_slice %get3A_63 {offsets = [0, 2], sizes = [1000, 1], strides = [1, 1]} : vector<1000x10xf32> to vector<1000x1xf32>
    %mul3A_89 = vector.broadcast %slice3A_88 : vector<1000x1xf32> to vector<1000x128xf32>
    %mul3A_90 = arith.mulf %get3A_66, %mul3A_89 : vector<1000x128xf32>
    %get3A_91 = arith.constant 2 : index
    %get3A_92 = arith.constant 0 : index
    %get3A_93 = arith.constant 0 : index
    %get3A_94 = vector.load %arg10[%get3A_91, %get3A_92, %get3A_93] : memref<10x128x128xf32, #tpu.memory_space<vmem>>, vector<1x128x128xf32>
    %get3A_95 = vector.shape_cast %get3A_94 : vector<1x128x128xf32> to vector<128x128xf32>
    %dot_general3A_96 = arith.constant dense<0.000000e+00> : vector<1000x128xf32>
    %dot_general3A_97 = tpu.matmul %mul3A_90, %get3A_95, %dot_general3A_96 {dimension_numbers = #tpu.dot_dimension_numbers<[1], [0], [0], [1], [0, 0, 1, 1], [], []>, transpose_lhs_hint = false} : vector<1000x128xf32>, vector<128x128xf32>, vector<1000x128xf32> -> vector<1000x128xf32>
    %add3A_98 = arith.addf %add3A_87, %dot_general3A_97 : vector<1000x128xf32>
    %slice3A_99 = vector.extract_strided_slice %get3A_63 {offsets = [0, 3], sizes = [1000, 1], strides = [1, 1]} : vector<1000x10xf32> to vector<1000x1xf32>
    %mul3A_100 = vector.broadcast %slice3A_99 : vector<1000x1xf32> to vector<1000x128xf32>
    %mul3A_101 = arith.mulf %get3A_66, %mul3A_100 : vector<1000x128xf32>
    %get3A_102 = arith.constant 3 : index
    %get3A_103 = arith.constant 0 : index
    %get3A_104 = arith.constant 0 : index
    %get3A_105 = vector.load %arg10[%get3A_102, %get3A_103, %get3A_104] : memref<10x128x128xf32, #tpu.memory_space<vmem>>, vector<1x128x128xf32>
    %get3A_106 = vector.shape_cast %get3A_105 : vector<1x128x128xf32> to vector<128x128xf32>
    %dot_general3A_107 = arith.constant dense<0.000000e+00> : vector<1000x128xf32>
    %dot_general3A_108 = tpu.matmul %mul3A_101, %get3A_106, %dot_general3A_107 {dimension_numbers = #tpu.dot_dimension_numbers<[1], [0], [0], [1], [0, 0, 1, 1], [], []>, transpose_lhs_hint = false} : vector<1000x128xf32>, vector<128x128xf32>, vector<1000x128xf32> -> vector<1000x128xf32>
    %add3A_109 = arith.addf %add3A_98, %dot_general3A_108 : vector<1000x128xf32>
    %slice3A_110 = vector.extract_strided_slice %get3A_63 {offsets = [0, 4], sizes = [1000, 1], strides = [1, 1]} : vector<1000x10xf32> to vector<1000x1xf32>
    %mul3A_111 = vector.broadcast %slice3A_110 : vector<1000x1xf32> to vector<1000x128xf32>
    %mul3A_112 = arith.mulf %get3A_66, %mul3A_111 : vector<1000x128xf32>
    %get3A_113 = arith.constant 4 : index
    %get3A_114 = arith.constant 0 : index
    %get3A_115 = arith.constant 0 : index
    %get3A_116 = vector.load %arg10[%get3A_113, %get3A_114, %get3A_115] : memref<10x128x128xf32, #tpu.memory_space<vmem>>, vector<1x128x128xf32>
    %get3A_117 = vector.shape_cast %get3A_116 : vector<1x128x128xf32> to vector<128x128xf32>
    %dot_general3A_118 = arith.constant dense<0.000000e+00> : vector<1000x128xf32>
    %dot_general3A_119 = tpu.matmul %mul3A_112, %get3A_117, %dot_general3A_118 {dimension_numbers = #tpu.dot_dimension_numbers<[1], [0], [0], [1], [0, 0, 1, 1], [], []>, transpose_lhs_hint = false} : vector<1000x128xf32>, vector<128x128xf32>, vector<1000x128xf32> -> vector<1000x128xf32>
    %add3A_120 = arith.addf %add3A_109, %dot_general3A_119 : vector<1000x128xf32>
    %slice3A_121 = vector.extract_strided_slice %get3A_63 {offsets = [0, 5], sizes = [1000, 1], strides = [1, 1]} : vector<1000x10xf32> to vector<1000x1xf32>
    %mul3A_122 = vector.broadcast %slice3A_121 : vector<1000x1xf32> to vector<1000x128xf32>
    %mul3A_123 = arith.mulf %get3A_66, %mul3A_122 : vector<1000x128xf32>
    %get3A_124 = arith.constant 5 : index
    %get3A_125 = arith.constant 0 : index
    %get3A_126 = arith.constant 0 : index
    %get3A_127 = vector.load %arg10[%get3A_124, %get3A_125, %get3A_126] : memref<10x128x128xf32, #tpu.memory_space<vmem>>, vector<1x128x128xf32>
    %get3A_128 = vector.shape_cast %get3A_127 : vector<1x128x128xf32> to vector<128x128xf32>
    %dot_general3A_129 = arith.constant dense<0.000000e+00> : vector<1000x128xf32>
    %dot_general3A_130 = tpu.matmul %mul3A_123, %get3A_128, %dot_general3A_129 {dimension_numbers = #tpu.dot_dimension_numbers<[1], [0], [0], [1], [0, 0, 1, 1], [], []>, transpose_lhs_hint = false} : vector<1000x128xf32>, vector<128x128xf32>, vector<1000x128xf32> -> vector<1000x128xf32>
    %add3A_131 = arith.addf %add3A_120, %dot_general3A_130 : vector<1000x128xf32>
    %slice3A_132 = vector.extract_strided_slice %get3A_63 {offsets = [0, 6], sizes = [1000, 1], strides = [1, 1]} : vector<1000x10xf32> to vector<1000x1xf32>
    %mul3A_133 = vector.broadcast %slice3A_132 : vector<1000x1xf32> to vector<1000x128xf32>
    %mul3A_134 = arith.mulf %get3A_66, %mul3A_133 : vector<1000x128xf32>
    %get3A_135 = arith.constant 6 : index
    %get3A_136 = arith.constant 0 : index
    %get3A_137 = arith.constant 0 : index
    %get3A_138 = vector.load %arg10[%get3A_135, %get3A_136, %get3A_137] : memref<10x128x128xf32, #tpu.memory_space<vmem>>, vector<1x128x128xf32>
    %get3A_139 = vector.shape_cast %get3A_138 : vector<1x128x128xf32> to vector<128x128xf32>
    %dot_general3A_140 = arith.constant dense<0.000000e+00> : vector<1000x128xf32>
    %dot_general3A_141 = tpu.matmul %mul3A_134, %get3A_139, %dot_general3A_140 {dimension_numbers = #tpu.dot_dimension_numbers<[1], [0], [0], [1], [0, 0, 1, 1], [], []>, transpose_lhs_hint = false} : vector<1000x128xf32>, vector<128x128xf32>, vector<1000x128xf32> -> vector<1000x128xf32>
    %add3A_142 = arith.addf %add3A_131, %dot_general3A_141 : vector<1000x128xf32>
    %slice3A_143 = vector.extract_strided_slice %get3A_63 {offsets = [0, 7], sizes = [1000, 1], strides = [1, 1]} : vector<1000x10xf32> to vector<1000x1xf32>
    %mul3A_144 = vector.broadcast %slice3A_143 : vector<1000x1xf32> to vector<1000x128xf32>
    %mul3A_145 = arith.mulf %get3A_66, %mul3A_144 : vector<1000x128xf32>
    %get3A_146 = arith.constant 7 : index
    %get3A_147 = arith.constant 0 : index
    %get3A_148 = arith.constant 0 : index
    %get3A_149 = vector.load %arg10[%get3A_146, %get3A_147, %get3A_148] : memref<10x128x128xf32, #tpu.memory_space<vmem>>, vector<1x128x128xf32>
    %get3A_150 = vector.shape_cast %get3A_149 : vector<1x128x128xf32> to vector<128x128xf32>
    %dot_general3A_151 = arith.constant dense<0.000000e+00> : vector<1000x128xf32>
    %dot_general3A_152 = tpu.matmul %mul3A_145, %get3A_150, %dot_general3A_151 {dimension_numbers = #tpu.dot_dimension_numbers<[1], [0], [0], [1], [0, 0, 1, 1], [], []>, transpose_lhs_hint = false} : vector<1000x128xf32>, vector<128x128xf32>, vector<1000x128xf32> -> vector<1000x128xf32>
    %add3A_153 = arith.addf %add3A_142, %dot_general3A_152 : vector<1000x128xf32>
    %slice3A_154 = vector.extract_strided_slice %get3A_63 {offsets = [0, 8], sizes = [1000, 1], strides = [1, 1]} : vector<1000x10xf32> to vector<1000x1xf32>
    %mul3A_155 = vector.broadcast %slice3A_154 : vector<1000x1xf32> to vector<1000x128xf32>
    %mul3A_156 = arith.mulf %get3A_66, %mul3A_155 : vector<1000x128xf32>
    %get3A_157 = arith.constant 8 : index
    %get3A_158 = arith.constant 0 : index
    %get3A_159 = arith.constant 0 : index
    %get3A_160 = vector.load %arg10[%get3A_157, %get3A_158, %get3A_159] : memref<10x128x128xf32, #tpu.memory_space<vmem>>, vector<1x128x128xf32>
    %get3A_161 = vector.shape_cast %get3A_160 : vector<1x128x128xf32> to vector<128x128xf32>
    %dot_general3A_162 = arith.constant dense<0.000000e+00> : vector<1000x128xf32>
    %dot_general3A_163 = tpu.matmul %mul3A_156, %get3A_161, %dot_general3A_162 {dimension_numbers = #tpu.dot_dimension_numbers<[1], [0], [0], [1], [0, 0, 1, 1], [], []>, transpose_lhs_hint = false} : vector<1000x128xf32>, vector<128x128xf32>, vector<1000x128xf32> -> vector<1000x128xf32>
    %add3A_164 = arith.addf %add3A_153, %dot_general3A_163 : vector<1000x128xf32>
    %slice3A_165 = vector.extract_strided_slice %get3A_63 {offsets = [0, 9], sizes = [1000, 1], strides = [1, 1]} : vector<1000x10xf32> to vector<1000x1xf32>
    %mul3A_166 = vector.broadcast %slice3A_165 : vector<1000x1xf32> to vector<1000x128xf32>
    %mul3A_167 = arith.mulf %get3A_66, %mul3A_166 : vector<1000x128xf32>
    %get3A_168 = arith.constant 9 : index
    %get3A_169 = arith.constant 0 : index
    %get3A_170 = arith.constant 0 : index
    %get3A_171 = vector.load %arg10[%get3A_168, %get3A_169, %get3A_170] : memref<10x128x128xf32, #tpu.memory_space<vmem>>, vector<1x128x128xf32>
    %get3A_172 = vector.shape_cast %get3A_171 : vector<1x128x128xf32> to vector<128x128xf32>
    %dot_general3A_173 = arith.constant dense<0.000000e+00> : vector<1000x128xf32>
    %dot_general3A_174 = tpu.matmul %mul3A_167, %get3A_172, %dot_general3A_173 {dimension_numbers = #tpu.dot_dimension_numbers<[1], [0], [0], [1], [0, 0, 1, 1], [], []>, transpose_lhs_hint = false} : vector<1000x128xf32>, vector<128x128xf32>, vector<1000x128xf32> -> vector<1000x128xf32>
    %add3A_175 = arith.addf %add3A_164, %dot_general3A_174 : vector<1000x128xf32>
    %get3A_176 = arith.constant 0 : index
    %get3A_177 = arith.constant 0 : index
    %get3A_178 = vector.load %arg6[%get3A_176, %get3A_177] : memref<1000x128xf32, #tpu.memory_space<vmem>>, vector<1000x128xf32>
    %slice3A_179 = vector.extract_strided_slice %get3A_63 {offsets = [0, 0], sizes = [1000, 1], strides = [1, 1]} : vector<1000x10xf32> to vector<1000x1xf32>
    %mul3A_180 = vector.broadcast %slice3A_179 : vector<1000x1xf32> to vector<1000x128xf32>
    %mul3A_181 = arith.mulf %get3A_178, %mul3A_180 : vector<1000x128xf32>
    %get3A_182 = arith.constant 0 : index
    %get3A_183 = arith.constant 0 : index
    %get3A_184 = arith.constant 0 : index
    %get3A_185 = vector.load %arg10[%get3A_182, %get3A_183, %get3A_184] : memref<10x128x128xf32, #tpu.memory_space<vmem>>, vector<1x128x128xf32>
    %get3A_186 = vector.shape_cast %get3A_185 : vector<1x128x128xf32> to vector<128x128xf32>
    %dot_general3A_187 = arith.constant dense<0.000000e+00> : vector<1000x128xf32>
    %dot_general3A_188 = tpu.matmul %mul3A_181, %get3A_186, %dot_general3A_187 {dimension_numbers = #tpu.dot_dimension_numbers<[1], [0], [0], [1], [0, 0, 1, 1], [], []>, transpose_lhs_hint = false} : vector<1000x128xf32>, vector<128x128xf32>, vector<1000x128xf32> -> vector<1000x128xf32>
    %add3A_189 = arith.addf %dot_general3A_50, %dot_general3A_188 : vector<1000x128xf32>
    %slice3A_190 = vector.extract_strided_slice %get3A_63 {offsets = [0, 1], sizes = [1000, 1], strides = [1, 1]} : vector<1000x10xf32> to vector<1000x1xf32>
    %mul3A_191 = vector.broadcast %slice3A_190 : vector<1000x1xf32> to vector<1000x128xf32>
    %mul3A_192 = arith.mulf %get3A_178, %mul3A_191 : vector<1000x128xf32>
    %get3A_193 = arith.constant 1 : index
    %get3A_194 = arith.constant 0 : index
    %get3A_195 = arith.constant 0 : index
    %get3A_196 = vector.load %arg10[%get3A_193, %get3A_194, %get3A_195] : memref<10x128x128xf32, #tpu.memory_space<vmem>>, vector<1x128x128xf32>
    %get3A_197 = vector.shape_cast %get3A_196 : vector<1x128x128xf32> to vector<128x128xf32>
    %dot_general3A_198 = arith.constant dense<0.000000e+00> : vector<1000x128xf32>
    %dot_general3A_199 = tpu.matmul %mul3A_192, %get3A_197, %dot_general3A_198 {dimension_numbers = #tpu.dot_dimension_numbers<[1], [0], [0], [1], [0, 0, 1, 1], [], []>, transpose_lhs_hint = false} : vector<1000x128xf32>, vector<128x128xf32>, vector<1000x128xf32> -> vector<1000x128xf32>
    %add3A_200 = arith.addf %add3A_189, %dot_general3A_199 : vector<1000x128xf32>
    %slice3A_201 = vector.extract_strided_slice %get3A_63 {offsets = [0, 2], sizes = [1000, 1], strides = [1, 1]} : vector<1000x10xf32> to vector<1000x1xf32>
    %mul3A_202 = vector.broadcast %slice3A_201 : vector<1000x1xf32> to vector<1000x128xf32>
    %mul3A_203 = arith.mulf %get3A_178, %mul3A_202 : vector<1000x128xf32>
    %get3A_204 = arith.constant 2 : index
    %get3A_205 = arith.constant 0 : index
    %get3A_206 = arith.constant 0 : index
    %get3A_207 = vector.load %arg10[%get3A_204, %get3A_205, %get3A_206] : memref<10x128x128xf32, #tpu.memory_space<vmem>>, vector<1x128x128xf32>
    %get3A_208 = vector.shape_cast %get3A_207 : vector<1x128x128xf32> to vector<128x128xf32>
    %dot_general3A_209 = arith.constant dense<0.000000e+00> : vector<1000x128xf32>
    %dot_general3A_210 = tpu.matmul %mul3A_203, %get3A_208, %dot_general3A_209 {dimension_numbers = #tpu.dot_dimension_numbers<[1], [0], [0], [1], [0, 0, 1, 1], [], []>, transpose_lhs_hint = false} : vector<1000x128xf32>, vector<128x128xf32>, vector<1000x128xf32> -> vector<1000x128xf32>
    %add3A_211 = arith.addf %add3A_200, %dot_general3A_210 : vector<1000x128xf32>
    %slice3A_212 = vector.extract_strided_slice %get3A_63 {offsets = [0, 3], sizes = [1000, 1], strides = [1, 1]} : vector<1000x10xf32> to vector<1000x1xf32>
    %mul3A_213 = vector.broadcast %slice3A_212 : vector<1000x1xf32> to vector<1000x128xf32>
    %mul3A_214 = arith.mulf %get3A_178, %mul3A_213 : vector<1000x128xf32>
    %get3A_215 = arith.constant 3 : index
    %get3A_216 = arith.constant 0 : index
    %get3A_217 = arith.constant 0 : index
    %get3A_218 = vector.load %arg10[%get3A_215, %get3A_216, %get3A_217] : memref<10x128x128xf32, #tpu.memory_space<vmem>>, vector<1x128x128xf32>
    %get3A_219 = vector.shape_cast %get3A_218 : vector<1x128x128xf32> to vector<128x128xf32>
    %dot_general3A_220 = arith.constant dense<0.000000e+00> : vector<1000x128xf32>
    %dot_general3A_221 = tpu.matmul %mul3A_214, %get3A_219, %dot_general3A_220 {dimension_numbers = #tpu.dot_dimension_numbers<[1], [0], [0], [1], [0, 0, 1, 1], [], []>, transpose_lhs_hint = false} : vector<1000x128xf32>, vector<128x128xf32>, vector<1000x128xf32> -> vector<1000x128xf32>
    %add3A_222 = arith.addf %add3A_211, %dot_general3A_221 : vector<1000x128xf32>
    %slice3A_223 = vector.extract_strided_slice %get3A_63 {offsets = [0, 4], sizes = [1000, 1], strides = [1, 1]} : vector<1000x10xf32> to vector<1000x1xf32>
    %mul3A_224 = vector.broadcast %slice3A_223 : vector<1000x1xf32> to vector<1000x128xf32>
    %mul3A_225 = arith.mulf %get3A_178, %mul3A_224 : vector<1000x128xf32>
    %get3A_226 = arith.constant 4 : index
    %get3A_227 = arith.constant 0 : index
    %get3A_228 = arith.constant 0 : index
    %get3A_229 = vector.load %arg10[%get3A_226, %get3A_227, %get3A_228] : memref<10x128x128xf32, #tpu.memory_space<vmem>>, vector<1x128x128xf32>
    %get3A_230 = vector.shape_cast %get3A_229 : vector<1x128x128xf32> to vector<128x128xf32>
    %dot_general3A_231 = arith.constant dense<0.000000e+00> : vector<1000x128xf32>
    %dot_general3A_232 = tpu.matmul %mul3A_225, %get3A_230, %dot_general3A_231 {dimension_numbers = #tpu.dot_dimension_numbers<[1], [0], [0], [1], [0, 0, 1, 1], [], []>, transpose_lhs_hint = false} : vector<1000x128xf32>, vector<128x128xf32>, vector<1000x128xf32> -> vector<1000x128xf32>
    %add3A_233 = arith.addf %add3A_222, %dot_general3A_232 : vector<1000x128xf32>
    %slice3A_234 = vector.extract_strided_slice %get3A_63 {offsets = [0, 5], sizes = [1000, 1], strides = [1, 1]} : vector<1000x10xf32> to vector<1000x1xf32>
    %mul3A_235 = vector.broadcast %slice3A_234 : vector<1000x1xf32> to vector<1000x128xf32>
    %mul3A_236 = arith.mulf %get3A_178, %mul3A_235 : vector<1000x128xf32>
    %get3A_237 = arith.constant 5 : index
    %get3A_238 = arith.constant 0 : index
    %get3A_239 = arith.constant 0 : index
    %get3A_240 = vector.load %arg10[%get3A_237, %get3A_238, %get3A_239] : memref<10x128x128xf32, #tpu.memory_space<vmem>>, vector<1x128x128xf32>
    %get3A_241 = vector.shape_cast %get3A_240 : vector<1x128x128xf32> to vector<128x128xf32>
    %dot_general3A_242 = arith.constant dense<0.000000e+00> : vector<1000x128xf32>
    %dot_general3A_243 = tpu.matmul %mul3A_236, %get3A_241, %dot_general3A_242 {dimension_numbers = #tpu.dot_dimension_numbers<[1], [0], [0], [1], [0, 0, 1, 1], [], []>, transpose_lhs_hint = false} : vector<1000x128xf32>, vector<128x128xf32>, vector<1000x128xf32> -> vector<1000x128xf32>
    %add3A_244 = arith.addf %add3A_233, %dot_general3A_243 : vector<1000x128xf32>
    %slice3A_245 = vector.extract_strided_slice %get3A_63 {offsets = [0, 6], sizes = [1000, 1], strides = [1, 1]} : vector<1000x10xf32> to vector<1000x1xf32>
    %mul3A_246 = vector.broadcast %slice3A_245 : vector<1000x1xf32> to vector<1000x128xf32>
    %mul3A_247 = arith.mulf %get3A_178, %mul3A_246 : vector<1000x128xf32>
    %get3A_248 = arith.constant 6 : index
    %get3A_249 = arith.constant 0 : index
    %get3A_250 = arith.constant 0 : index
    %get3A_251 = vector.load %arg10[%get3A_248, %get3A_249, %get3A_250] : memref<10x128x128xf32, #tpu.memory_space<vmem>>, vector<1x128x128xf32>
    %get3A_252 = vector.shape_cast %get3A_251 : vector<1x128x128xf32> to vector<128x128xf32>
    %dot_general3A_253 = arith.constant dense<0.000000e+00> : vector<1000x128xf32>
    %dot_general3A_254 = tpu.matmul %mul3A_247, %get3A_252, %dot_general3A_253 {dimension_numbers = #tpu.dot_dimension_numbers<[1], [0], [0], [1], [0, 0, 1, 1], [], []>, transpose_lhs_hint = false} : vector<1000x128xf32>, vector<128x128xf32>, vector<1000x128xf32> -> vector<1000x128xf32>
    %add3A_255 = arith.addf %add3A_244, %dot_general3A_254 : vector<1000x128xf32>
    %slice3A_256 = vector.extract_strided_slice %get3A_63 {offsets = [0, 7], sizes = [1000, 1], strides = [1, 1]} : vector<1000x10xf32> to vector<1000x1xf32>
    %mul3A_257 = vector.broadcast %slice3A_256 : vector<1000x1xf32> to vector<1000x128xf32>
    %mul3A_258 = arith.mulf %get3A_178, %mul3A_257 : vector<1000x128xf32>
    %get3A_259 = arith.constant 7 : index
    %get3A_260 = arith.constant 0 : index
    %get3A_261 = arith.constant 0 : index
    %get3A_262 = vector.load %arg10[%get3A_259, %get3A_260, %get3A_261] : memref<10x128x128xf32, #tpu.memory_space<vmem>>, vector<1x128x128xf32>
    %get3A_263 = vector.shape_cast %get3A_262 : vector<1x128x128xf32> to vector<128x128xf32>
    %dot_general3A_264 = arith.constant dense<0.000000e+00> : vector<1000x128xf32>
    %dot_general3A_265 = tpu.matmul %mul3A_258, %get3A_263, %dot_general3A_264 {dimension_numbers = #tpu.dot_dimension_numbers<[1], [0], [0], [1], [0, 0, 1, 1], [], []>, transpose_lhs_hint = false} : vector<1000x128xf32>, vector<128x128xf32>, vector<1000x128xf32> -> vector<1000x128xf32>
    %add3A_266 = arith.addf %add3A_255, %dot_general3A_265 : vector<1000x128xf32>
    %slice3A_267 = vector.extract_strided_slice %get3A_63 {offsets = [0, 8], sizes = [1000, 1], strides = [1, 1]} : vector<1000x10xf32> to vector<1000x1xf32>
    %mul3A_268 = vector.broadcast %slice3A_267 : vector<1000x1xf32> to vector<1000x128xf32>
    %mul3A_269 = arith.mulf %get3A_178, %mul3A_268 : vector<1000x128xf32>
    %get3A_270 = arith.constant 8 : index
    %get3A_271 = arith.constant 0 : index
    %get3A_272 = arith.constant 0 : index
    %get3A_273 = vector.load %arg10[%get3A_270, %get3A_271, %get3A_272] : memref<10x128x128xf32, #tpu.memory_space<vmem>>, vector<1x128x128xf32>
    %get3A_274 = vector.shape_cast %get3A_273 : vector<1x128x128xf32> to vector<128x128xf32>
    %dot_general3A_275 = arith.constant dense<0.000000e+00> : vector<1000x128xf32>
    %dot_general3A_276 = tpu.matmul %mul3A_269, %get3A_274, %dot_general3A_275 {dimension_numbers = #tpu.dot_dimension_numbers<[1], [0], [0], [1], [0, 0, 1, 1], [], []>, transpose_lhs_hint = false} : vector<1000x128xf32>, vector<128x128xf32>, vector<1000x128xf32> -> vector<1000x128xf32>
    %add3A_277 = arith.addf %add3A_266, %dot_general3A_276 : vector<1000x128xf32>
    %slice3A_278 = vector.extract_strided_slice %get3A_63 {offsets = [0, 9], sizes = [1000, 1], strides = [1, 1]} : vector<1000x10xf32> to vector<1000x1xf32>
    %mul3A_279 = vector.broadcast %slice3A_278 : vector<1000x1xf32> to vector<1000x128xf32>
    %mul3A_280 = arith.mulf %get3A_178, %mul3A_279 : vector<1000x128xf32>
    %get3A_281 = arith.constant 9 : index
    %get3A_282 = arith.constant 0 : index
    %get3A_283 = arith.constant 0 : index
    %get3A_284 = vector.load %arg10[%get3A_281, %get3A_282, %get3A_283] : memref<10x128x128xf32, #tpu.memory_space<vmem>>, vector<1x128x128xf32>
    %get3A_285 = vector.shape_cast %get3A_284 : vector<1x128x128xf32> to vector<128x128xf32>
    %dot_general3A_286 = arith.constant dense<0.000000e+00> : vector<1000x128xf32>
    %dot_general3A_287 = tpu.matmul %mul3A_280, %get3A_285, %dot_general3A_286 {dimension_numbers = #tpu.dot_dimension_numbers<[1], [0], [0], [1], [0, 0, 1, 1], [], []>, transpose_lhs_hint = false} : vector<1000x128xf32>, vector<128x128xf32>, vector<1000x128xf32> -> vector<1000x128xf32>
    %add3A_288 = arith.addf %add3A_277, %dot_general3A_287 : vector<1000x128xf32>
    %get3A_289 = arith.constant 0 : index
    %get3A_290 = arith.constant 0 : index
    %get3A_291 = vector.load %arg7[%get3A_289, %get3A_290] : memref<1000x128xf32, #tpu.memory_space<vmem>>, vector<1000x128xf32>
    %slice3A_292 = vector.extract_strided_slice %get3A_63 {offsets = [0, 0], sizes = [1000, 1], strides = [1, 1]} : vector<1000x10xf32> to vector<1000x1xf32>
    %mul3A_293 = vector.broadcast %slice3A_292 : vector<1000x1xf32> to vector<1000x128xf32>
    %mul3A_294 = arith.mulf %get3A_291, %mul3A_293 : vector<1000x128xf32>
    %get3A_295 = arith.constant 0 : index
    %get3A_296 = arith.constant 0 : index
    %get3A_297 = arith.constant 0 : index
    %get3A_298 = vector.load %arg10[%get3A_295, %get3A_296, %get3A_297] : memref<10x128x128xf32, #tpu.memory_space<vmem>>, vector<1x128x128xf32>
    %get3A_299 = vector.shape_cast %get3A_298 : vector<1x128x128xf32> to vector<128x128xf32>
    %dot_general3A_300 = arith.constant dense<0.000000e+00> : vector<1000x128xf32>
    %dot_general3A_301 = tpu.matmul %mul3A_294, %get3A_299, %dot_general3A_300 {dimension_numbers = #tpu.dot_dimension_numbers<[1], [0], [0], [1], [0, 0, 1, 1], [], []>, transpose_lhs_hint = false} : vector<1000x128xf32>, vector<128x128xf32>, vector<1000x128xf32> -> vector<1000x128xf32>
    %add3A_302 = arith.addf %dot_general3A_55, %dot_general3A_301 : vector<1000x128xf32>
    %slice3A_303 = vector.extract_strided_slice %get3A_63 {offsets = [0, 1], sizes = [1000, 1], strides = [1, 1]} : vector<1000x10xf32> to vector<1000x1xf32>
    %mul3A_304 = vector.broadcast %slice3A_303 : vector<1000x1xf32> to vector<1000x128xf32>
    %mul3A_305 = arith.mulf %get3A_291, %mul3A_304 : vector<1000x128xf32>
    %get3A_306 = arith.constant 1 : index
    %get3A_307 = arith.constant 0 : index
    %get3A_308 = arith.constant 0 : index
    %get3A_309 = vector.load %arg10[%get3A_306, %get3A_307, %get3A_308] : memref<10x128x128xf32, #tpu.memory_space<vmem>>, vector<1x128x128xf32>
    %get3A_310 = vector.shape_cast %get3A_309 : vector<1x128x128xf32> to vector<128x128xf32>
    %dot_general3A_311 = arith.constant dense<0.000000e+00> : vector<1000x128xf32>
    %dot_general3A_312 = tpu.matmul %mul3A_305, %get3A_310, %dot_general3A_311 {dimension_numbers = #tpu.dot_dimension_numbers<[1], [0], [0], [1], [0, 0, 1, 1], [], []>, transpose_lhs_hint = false} : vector<1000x128xf32>, vector<128x128xf32>, vector<1000x128xf32> -> vector<1000x128xf32>
    %add3A_313 = arith.addf %add3A_302, %dot_general3A_312 : vector<1000x128xf32>
    %slice3A_314 = vector.extract_strided_slice %get3A_63 {offsets = [0, 2], sizes = [1000, 1], strides = [1, 1]} : vector<1000x10xf32> to vector<1000x1xf32>
    %mul3A_315 = vector.broadcast %slice3A_314 : vector<1000x1xf32> to vector<1000x128xf32>
    %mul3A_316 = arith.mulf %get3A_291, %mul3A_315 : vector<1000x128xf32>
    %get3A_317 = arith.constant 2 : index
    %get3A_318 = arith.constant 0 : index
    %get3A_319 = arith.constant 0 : index
    %get3A_320 = vector.load %arg10[%get3A_317, %get3A_318, %get3A_319] : memref<10x128x128xf32, #tpu.memory_space<vmem>>, vector<1x128x128xf32>
    %get3A_321 = vector.shape_cast %get3A_320 : vector<1x128x128xf32> to vector<128x128xf32>
    %dot_general3A_322 = arith.constant dense<0.000000e+00> : vector<1000x128xf32>
    %dot_general3A_323 = tpu.matmul %mul3A_316, %get3A_321, %dot_general3A_322 {dimension_numbers = #tpu.dot_dimension_numbers<[1], [0], [0], [1], [0, 0, 1, 1], [], []>, transpose_lhs_hint = false} : vector<1000x128xf32>, vector<128x128xf32>, vector<1000x128xf32> -> vector<1000x128xf32>
    %add3A_324 = arith.addf %add3A_313, %dot_general3A_323 : vector<1000x128xf32>
    %slice3A_325 = vector.extract_strided_slice %get3A_63 {offsets = [0, 3], sizes = [1000, 1], strides = [1, 1]} : vector<1000x10xf32> to vector<1000x1xf32>
    %mul3A_326 = vector.broadcast %slice3A_325 : vector<1000x1xf32> to vector<1000x128xf32>
    %mul3A_327 = arith.mulf %get3A_291, %mul3A_326 : vector<1000x128xf32>
    %get3A_328 = arith.constant 3 : index
    %get3A_329 = arith.constant 0 : index
    %get3A_330 = arith.constant 0 : index
    %get3A_331 = vector.load %arg10[%get3A_328, %get3A_329, %get3A_330] : memref<10x128x128xf32, #tpu.memory_space<vmem>>, vector<1x128x128xf32>
    %get3A_332 = vector.shape_cast %get3A_331 : vector<1x128x128xf32> to vector<128x128xf32>
    %dot_general3A_333 = arith.constant dense<0.000000e+00> : vector<1000x128xf32>
    %dot_general3A_334 = tpu.matmul %mul3A_327, %get3A_332, %dot_general3A_333 {dimension_numbers = #tpu.dot_dimension_numbers<[1], [0], [0], [1], [0, 0, 1, 1], [], []>, transpose_lhs_hint = false} : vector<1000x128xf32>, vector<128x128xf32>, vector<1000x128xf32> -> vector<1000x128xf32>
    %add3A_335 = arith.addf %add3A_324, %dot_general3A_334 : vector<1000x128xf32>
    %slice3A_336 = vector.extract_strided_slice %get3A_63 {offsets = [0, 4], sizes = [1000, 1], strides = [1, 1]} : vector<1000x10xf32> to vector<1000x1xf32>
    %mul3A_337 = vector.broadcast %slice3A_336 : vector<1000x1xf32> to vector<1000x128xf32>
    %mul3A_338 = arith.mulf %get3A_291, %mul3A_337 : vector<1000x128xf32>
    %get3A_339 = arith.constant 4 : index
    %get3A_340 = arith.constant 0 : index
    %get3A_341 = arith.constant 0 : index
    %get3A_342 = vector.load %arg10[%get3A_339, %get3A_340, %get3A_341] : memref<10x128x128xf32, #tpu.memory_space<vmem>>, vector<1x128x128xf32>
    %get3A_343 = vector.shape_cast %get3A_342 : vector<1x128x128xf32> to vector<128x128xf32>
    %dot_general3A_344 = arith.constant dense<0.000000e+00> : vector<1000x128xf32>
    %dot_general3A_345 = tpu.matmul %mul3A_338, %get3A_343, %dot_general3A_344 {dimension_numbers = #tpu.dot_dimension_numbers<[1], [0], [0], [1], [0, 0, 1, 1], [], []>, transpose_lhs_hint = false} : vector<1000x128xf32>, vector<128x128xf32>, vector<1000x128xf32> -> vector<1000x128xf32>
    %add3A_346 = arith.addf %add3A_335, %dot_general3A_345 : vector<1000x128xf32>
    %slice3A_347 = vector.extract_strided_slice %get3A_63 {offsets = [0, 5], sizes = [1000, 1], strides = [1, 1]} : vector<1000x10xf32> to vector<1000x1xf32>
    %mul3A_348 = vector.broadcast %slice3A_347 : vector<1000x1xf32> to vector<1000x128xf32>
    %mul3A_349 = arith.mulf %get3A_291, %mul3A_348 : vector<1000x128xf32>
    %get3A_350 = arith.constant 5 : index
    %get3A_351 = arith.constant 0 : index
    %get3A_352 = arith.constant 0 : index
    %get3A_353 = vector.load %arg10[%get3A_350, %get3A_351, %get3A_352] : memref<10x128x128xf32, #tpu.memory_space<vmem>>, vector<1x128x128xf32>
    %get3A_354 = vector.shape_cast %get3A_353 : vector<1x128x128xf32> to vector<128x128xf32>
    %dot_general3A_355 = arith.constant dense<0.000000e+00> : vector<1000x128xf32>
    %dot_general3A_356 = tpu.matmul %mul3A_349, %get3A_354, %dot_general3A_355 {dimension_numbers = #tpu.dot_dimension_numbers<[1], [0], [0], [1], [0, 0, 1, 1], [], []>, transpose_lhs_hint = false} : vector<1000x128xf32>, vector<128x128xf32>, vector<1000x128xf32> -> vector<1000x128xf32>
    %add3A_357 = arith.addf %add3A_346, %dot_general3A_356 : vector<1000x128xf32>
    %slice3A_358 = vector.extract_strided_slice %get3A_63 {offsets = [0, 6], sizes = [1000, 1], strides = [1, 1]} : vector<1000x10xf32> to vector<1000x1xf32>
    %mul3A_359 = vector.broadcast %slice3A_358 : vector<1000x1xf32> to vector<1000x128xf32>
    %mul3A_360 = arith.mulf %get3A_291, %mul3A_359 : vector<1000x128xf32>
    %get3A_361 = arith.constant 6 : index
    %get3A_362 = arith.constant 0 : index
    %get3A_363 = arith.constant 0 : index
    %get3A_364 = vector.load %arg10[%get3A_361, %get3A_362, %get3A_363] : memref<10x128x128xf32, #tpu.memory_space<vmem>>, vector<1x128x128xf32>
    %get3A_365 = vector.shape_cast %get3A_364 : vector<1x128x128xf32> to vector<128x128xf32>
    %dot_general3A_366 = arith.constant dense<0.000000e+00> : vector<1000x128xf32>
    %dot_general3A_367 = tpu.matmul %mul3A_360, %get3A_365, %dot_general3A_366 {dimension_numbers = #tpu.dot_dimension_numbers<[1], [0], [0], [1], [0, 0, 1, 1], [], []>, transpose_lhs_hint = false} : vector<1000x128xf32>, vector<128x128xf32>, vector<1000x128xf32> -> vector<1000x128xf32>
    %add3A_368 = arith.addf %add3A_357, %dot_general3A_367 : vector<1000x128xf32>
    %slice3A_369 = vector.extract_strided_slice %get3A_63 {offsets = [0, 7], sizes = [1000, 1], strides = [1, 1]} : vector<1000x10xf32> to vector<1000x1xf32>
    %mul3A_370 = vector.broadcast %slice3A_369 : vector<1000x1xf32> to vector<1000x128xf32>
    %mul3A_371 = arith.mulf %get3A_291, %mul3A_370 : vector<1000x128xf32>
    %get3A_372 = arith.constant 7 : index
    %get3A_373 = arith.constant 0 : index
    %get3A_374 = arith.constant 0 : index
    %get3A_375 = vector.load %arg10[%get3A_372, %get3A_373, %get3A_374] : memref<10x128x128xf32, #tpu.memory_space<vmem>>, vector<1x128x128xf32>
    %get3A_376 = vector.shape_cast %get3A_375 : vector<1x128x128xf32> to vector<128x128xf32>
    %dot_general3A_377 = arith.constant dense<0.000000e+00> : vector<1000x128xf32>
    %dot_general3A_378 = tpu.matmul %mul3A_371, %get3A_376, %dot_general3A_377 {dimension_numbers = #tpu.dot_dimension_numbers<[1], [0], [0], [1], [0, 0, 1, 1], [], []>, transpose_lhs_hint = false} : vector<1000x128xf32>, vector<128x128xf32>, vector<1000x128xf32> -> vector<1000x128xf32>
    %add3A_379 = arith.addf %add3A_368, %dot_general3A_378 : vector<1000x128xf32>
    %slice3A_380 = vector.extract_strided_slice %get3A_63 {offsets = [0, 8], sizes = [1000, 1], strides = [1, 1]} : vector<1000x10xf32> to vector<1000x1xf32>
    %mul3A_381 = vector.broadcast %slice3A_380 : vector<1000x1xf32> to vector<1000x128xf32>
    %mul3A_382 = arith.mulf %get3A_291, %mul3A_381 : vector<1000x128xf32>
    %get3A_383 = arith.constant 8 : index
    %get3A_384 = arith.constant 0 : index
    %get3A_385 = arith.constant 0 : index
    %get3A_386 = vector.load %arg10[%get3A_383, %get3A_384, %get3A_385] : memref<10x128x128xf32, #tpu.memory_space<vmem>>, vector<1x128x128xf32>
    %get3A_387 = vector.shape_cast %get3A_386 : vector<1x128x128xf32> to vector<128x128xf32>
    %dot_general3A_388 = arith.constant dense<0.000000e+00> : vector<1000x128xf32>
    %dot_general3A_389 = tpu.matmul %mul3A_382, %get3A_387, %dot_general3A_388 {dimension_numbers = #tpu.dot_dimension_numbers<[1], [0], [0], [1], [0, 0, 1, 1], [], []>, transpose_lhs_hint = false} : vector<1000x128xf32>, vector<128x128xf32>, vector<1000x128xf32> -> vector<1000x128xf32>
    %add3A_390 = arith.addf %add3A_379, %dot_general3A_389 : vector<1000x128xf32>
    %slice3A_391 = vector.extract_strided_slice %get3A_63 {offsets = [0, 9], sizes = [1000, 1], strides = [1, 1]} : vector<1000x10xf32> to vector<1000x1xf32>
    %mul3A_392 = vector.broadcast %slice3A_391 : vector<1000x1xf32> to vector<1000x128xf32>
    %mul3A_393 = arith.mulf %get3A_291, %mul3A_392 : vector<1000x128xf32>
    %get3A_394 = arith.constant 9 : index
    %get3A_395 = arith.constant 0 : index
    %get3A_396 = arith.constant 0 : index
    %get3A_397 = vector.load %arg10[%get3A_394, %get3A_395, %get3A_396] : memref<10x128x128xf32, #tpu.memory_space<vmem>>, vector<1x128x128xf32>
    %get3A_398 = vector.shape_cast %get3A_397 : vector<1x128x128xf32> to vector<128x128xf32>
    %dot_general3A_399 = arith.constant dense<0.000000e+00> : vector<1000x128xf32>
    %dot_general3A_400 = tpu.matmul %mul3A_393, %get3A_398, %dot_general3A_399 {dimension_numbers = #tpu.dot_dimension_numbers<[1], [0], [0], [1], [0, 0, 1, 1], [], []>, transpose_lhs_hint = false} : vector<1000x128xf32>, vector<128x128xf32>, vector<1000x128xf32> -> vector<1000x128xf32>
    %add3A_401 = arith.addf %add3A_390, %dot_general3A_400 : vector<1000x128xf32>
    %get3A_402 = arith.constant 0 : index
    %get3A_403 = arith.constant 0 : index
    %get3A_404 = vector.load %arg8[%get3A_402, %get3A_403] : memref<1000x128xf32, #tpu.memory_space<vmem>>, vector<1000x128xf32>
    %slice3A_405 = vector.extract_strided_slice %get3A_63 {offsets = [0, 0], sizes = [1000, 1], strides = [1, 1]} : vector<1000x10xf32> to vector<1000x1xf32>
    %mul3A_406 = vector.broadcast %slice3A_405 : vector<1000x1xf32> to vector<1000x128xf32>
    %mul3A_407 = arith.mulf %get3A_404, %mul3A_406 : vector<1000x128xf32>
    %get3A_408 = arith.constant 0 : index
    %get3A_409 = arith.constant 0 : index
    %get3A_410 = arith.constant 0 : index
    %get3A_411 = vector.load %arg10[%get3A_408, %get3A_409, %get3A_410] : memref<10x128x128xf32, #tpu.memory_space<vmem>>, vector<1x128x128xf32>
    %get3A_412 = vector.shape_cast %get3A_411 : vector<1x128x128xf32> to vector<128x128xf32>
    %dot_general3A_413 = arith.constant dense<0.000000e+00> : vector<1000x128xf32>
    %dot_general3A_414 = tpu.matmul %mul3A_407, %get3A_412, %dot_general3A_413 {dimension_numbers = #tpu.dot_dimension_numbers<[1], [0], [0], [1], [0, 0, 1, 1], [], []>, transpose_lhs_hint = false} : vector<1000x128xf32>, vector<128x128xf32>, vector<1000x128xf32> -> vector<1000x128xf32>
    %add3A_415 = arith.addf %dot_general3A_60, %dot_general3A_414 : vector<1000x128xf32>
    %slice3A_416 = vector.extract_strided_slice %get3A_63 {offsets = [0, 1], sizes = [1000, 1], strides = [1, 1]} : vector<1000x10xf32> to vector<1000x1xf32>
    %mul3A_417 = vector.broadcast %slice3A_416 : vector<1000x1xf32> to vector<1000x128xf32>
    %mul3A_418 = arith.mulf %get3A_404, %mul3A_417 : vector<1000x128xf32>
    %get3A_419 = arith.constant 1 : index
    %get3A_420 = arith.constant 0 : index
    %get3A_421 = arith.constant 0 : index
    %get3A_422 = vector.load %arg10[%get3A_419, %get3A_420, %get3A_421] : memref<10x128x128xf32, #tpu.memory_space<vmem>>, vector<1x128x128xf32>
    %get3A_423 = vector.shape_cast %get3A_422 : vector<1x128x128xf32> to vector<128x128xf32>
    %dot_general3A_424 = arith.constant dense<0.000000e+00> : vector<1000x128xf32>
    %dot_general3A_425 = tpu.matmul %mul3A_418, %get3A_423, %dot_general3A_424 {dimension_numbers = #tpu.dot_dimension_numbers<[1], [0], [0], [1], [0, 0, 1, 1], [], []>, transpose_lhs_hint = false} : vector<1000x128xf32>, vector<128x128xf32>, vector<1000x128xf32> -> vector<1000x128xf32>
    %add3A_426 = arith.addf %add3A_415, %dot_general3A_425 : vector<1000x128xf32>
    %slice3A_427 = vector.extract_strided_slice %get3A_63 {offsets = [0, 2], sizes = [1000, 1], strides = [1, 1]} : vector<1000x10xf32> to vector<1000x1xf32>
    %mul3A_428 = vector.broadcast %slice3A_427 : vector<1000x1xf32> to vector<1000x128xf32>
    %mul3A_429 = arith.mulf %get3A_404, %mul3A_428 : vector<1000x128xf32>
    %get3A_430 = arith.constant 2 : index
    %get3A_431 = arith.constant 0 : index
    %get3A_432 = arith.constant 0 : index
    %get3A_433 = vector.load %arg10[%get3A_430, %get3A_431, %get3A_432] : memref<10x128x128xf32, #tpu.memory_space<vmem>>, vector<1x128x128xf32>
    %get3A_434 = vector.shape_cast %get3A_433 : vector<1x128x128xf32> to vector<128x128xf32>
    %dot_general3A_435 = arith.constant dense<0.000000e+00> : vector<1000x128xf32>
    %dot_general3A_436 = tpu.matmul %mul3A_429, %get3A_434, %dot_general3A_435 {dimension_numbers = #tpu.dot_dimension_numbers<[1], [0], [0], [1], [0, 0, 1, 1], [], []>, transpose_lhs_hint = false} : vector<1000x128xf32>, vector<128x128xf32>, vector<1000x128xf32> -> vector<1000x128xf32>
    %add3A_437 = arith.addf %add3A_426, %dot_general3A_436 : vector<1000x128xf32>
    %slice3A_438 = vector.extract_strided_slice %get3A_63 {offsets = [0, 3], sizes = [1000, 1], strides = [1, 1]} : vector<1000x10xf32> to vector<1000x1xf32>
    %mul3A_439 = vector.broadcast %slice3A_438 : vector<1000x1xf32> to vector<1000x128xf32>
    %mul3A_440 = arith.mulf %get3A_404, %mul3A_439 : vector<1000x128xf32>
    %get3A_441 = arith.constant 3 : index
    %get3A_442 = arith.constant 0 : index
    %get3A_443 = arith.constant 0 : index
    %get3A_444 = vector.load %arg10[%get3A_441, %get3A_442, %get3A_443] : memref<10x128x128xf32, #tpu.memory_space<vmem>>, vector<1x128x128xf32>
    %get3A_445 = vector.shape_cast %get3A_444 : vector<1x128x128xf32> to vector<128x128xf32>
    %dot_general3A_446 = arith.constant dense<0.000000e+00> : vector<1000x128xf32>
    %dot_general3A_447 = tpu.matmul %mul3A_440, %get3A_445, %dot_general3A_446 {dimension_numbers = #tpu.dot_dimension_numbers<[1], [0], [0], [1], [0, 0, 1, 1], [], []>, transpose_lhs_hint = false} : vector<1000x128xf32>, vector<128x128xf32>, vector<1000x128xf32> -> vector<1000x128xf32>
    %add3A_448 = arith.addf %add3A_437, %dot_general3A_447 : vector<1000x128xf32>
    %slice3A_449 = vector.extract_strided_slice %get3A_63 {offsets = [0, 4], sizes = [1000, 1], strides = [1, 1]} : vector<1000x10xf32> to vector<1000x1xf32>
    %mul3A_450 = vector.broadcast %slice3A_449 : vector<1000x1xf32> to vector<1000x128xf32>
    %mul3A_451 = arith.mulf %get3A_404, %mul3A_450 : vector<1000x128xf32>
    %get3A_452 = arith.constant 4 : index
    %get3A_453 = arith.constant 0 : index
    %get3A_454 = arith.constant 0 : index
    %get3A_455 = vector.load %arg10[%get3A_452, %get3A_453, %get3A_454] : memref<10x128x128xf32, #tpu.memory_space<vmem>>, vector<1x128x128xf32>
    %get3A_456 = vector.shape_cast %get3A_455 : vector<1x128x128xf32> to vector<128x128xf32>
    %dot_general3A_457 = arith.constant dense<0.000000e+00> : vector<1000x128xf32>
    %dot_general3A_458 = tpu.matmul %mul3A_451, %get3A_456, %dot_general3A_457 {dimension_numbers = #tpu.dot_dimension_numbers<[1], [0], [0], [1], [0, 0, 1, 1], [], []>, transpose_lhs_hint = false} : vector<1000x128xf32>, vector<128x128xf32>, vector<1000x128xf32> -> vector<1000x128xf32>
    %add3A_459 = arith.addf %add3A_448, %dot_general3A_458 : vector<1000x128xf32>
    %slice3A_460 = vector.extract_strided_slice %get3A_63 {offsets = [0, 5], sizes = [1000, 1], strides = [1, 1]} : vector<1000x10xf32> to vector<1000x1xf32>
    %mul3A_461 = vector.broadcast %slice3A_460 : vector<1000x1xf32> to vector<1000x128xf32>
    %mul3A_462 = arith.mulf %get3A_404, %mul3A_461 : vector<1000x128xf32>
    %get3A_463 = arith.constant 5 : index
    %get3A_464 = arith.constant 0 : index
    %get3A_465 = arith.constant 0 : index
    %get3A_466 = vector.load %arg10[%get3A_463, %get3A_464, %get3A_465] : memref<10x128x128xf32, #tpu.memory_space<vmem>>, vector<1x128x128xf32>
    %get3A_467 = vector.shape_cast %get3A_466 : vector<1x128x128xf32> to vector<128x128xf32>
    %dot_general3A_468 = arith.constant dense<0.000000e+00> : vector<1000x128xf32>
    %dot_general3A_469 = tpu.matmul %mul3A_462, %get3A_467, %dot_general3A_468 {dimension_numbers = #tpu.dot_dimension_numbers<[1], [0], [0], [1], [0, 0, 1, 1], [], []>, transpose_lhs_hint = false} : vector<1000x128xf32>, vector<128x128xf32>, vector<1000x128xf32> -> vector<1000x128xf32>
    %add3A_470 = arith.addf %add3A_459, %dot_general3A_469 : vector<1000x128xf32>
    %slice3A_471 = vector.extract_strided_slice %get3A_63 {offsets = [0, 6], sizes = [1000, 1], strides = [1, 1]} : vector<1000x10xf32> to vector<1000x1xf32>
    %mul3A_472 = vector.broadcast %slice3A_471 : vector<1000x1xf32> to vector<1000x128xf32>
    %mul3A_473 = arith.mulf %get3A_404, %mul3A_472 : vector<1000x128xf32>
    %get3A_474 = arith.constant 6 : index
    %get3A_475 = arith.constant 0 : index
    %get3A_476 = arith.constant 0 : index
    %get3A_477 = vector.load %arg10[%get3A_474, %get3A_475, %get3A_476] : memref<10x128x128xf32, #tpu.memory_space<vmem>>, vector<1x128x128xf32>
    %get3A_478 = vector.shape_cast %get3A_477 : vector<1x128x128xf32> to vector<128x128xf32>
    %dot_general3A_479 = arith.constant dense<0.000000e+00> : vector<1000x128xf32>
    %dot_general3A_480 = tpu.matmul %mul3A_473, %get3A_478, %dot_general3A_479 {dimension_numbers = #tpu.dot_dimension_numbers<[1], [0], [0], [1], [0, 0, 1, 1], [], []>, transpose_lhs_hint = false} : vector<1000x128xf32>, vector<128x128xf32>, vector<1000x128xf32> -> vector<1000x128xf32>
    %add3A_481 = arith.addf %add3A_470, %dot_general3A_480 : vector<1000x128xf32>
    %slice3A_482 = vector.extract_strided_slice %get3A_63 {offsets = [0, 7], sizes = [1000, 1], strides = [1, 1]} : vector<1000x10xf32> to vector<1000x1xf32>
    %mul3A_483 = vector.broadcast %slice3A_482 : vector<1000x1xf32> to vector<1000x128xf32>
    %mul3A_484 = arith.mulf %get3A_404, %mul3A_483 : vector<1000x128xf32>
    %get3A_485 = arith.constant 7 : index
    %get3A_486 = arith.constant 0 : index
    %get3A_487 = arith.constant 0 : index
    %get3A_488 = vector.load %arg10[%get3A_485, %get3A_486, %get3A_487] : memref<10x128x128xf32, #tpu.memory_space<vmem>>, vector<1x128x128xf32>
    %get3A_489 = vector.shape_cast %get3A_488 : vector<1x128x128xf32> to vector<128x128xf32>
    %dot_general3A_490 = arith.constant dense<0.000000e+00> : vector<1000x128xf32>
    %dot_general3A_491 = tpu.matmul %mul3A_484, %get3A_489, %dot_general3A_490 {dimension_numbers = #tpu.dot_dimension_numbers<[1], [0], [0], [1], [0, 0, 1, 1], [], []>, transpose_lhs_hint = false} : vector<1000x128xf32>, vector<128x128xf32>, vector<1000x128xf32> -> vector<1000x128xf32>
    %add3A_492 = arith.addf %add3A_481, %dot_general3A_491 : vector<1000x128xf32>
    %slice3A_493 = vector.extract_strided_slice %get3A_63 {offsets = [0, 8], sizes = [1000, 1], strides = [1, 1]} : vector<1000x10xf32> to vector<1000x1xf32>
    %mul3A_494 = vector.broadcast %slice3A_493 : vector<1000x1xf32> to vector<1000x128xf32>
    %mul3A_495 = arith.mulf %get3A_404, %mul3A_494 : vector<1000x128xf32>
    %get3A_496 = arith.constant 8 : index
    %get3A_497 = arith.constant 0 : index
    %get3A_498 = arith.constant 0 : index
    %get3A_499 = vector.load %arg10[%get3A_496, %get3A_497, %get3A_498] : memref<10x128x128xf32, #tpu.memory_space<vmem>>, vector<1x128x128xf32>
    %get3A_500 = vector.shape_cast %get3A_499 : vector<1x128x128xf32> to vector<128x128xf32>
    %dot_general3A_501 = arith.constant dense<0.000000e+00> : vector<1000x128xf32>
    %dot_general3A_502 = tpu.matmul %mul3A_495, %get3A_500, %dot_general3A_501 {dimension_numbers = #tpu.dot_dimension_numbers<[1], [0], [0], [1], [0, 0, 1, 1], [], []>, transpose_lhs_hint = false} : vector<1000x128xf32>, vector<128x128xf32>, vector<1000x128xf32> -> vector<1000x128xf32>
    %add3A_503 = arith.addf %add3A_492, %dot_general3A_502 : vector<1000x128xf32>
    %slice3A_504 = vector.extract_strided_slice %get3A_63 {offsets = [0, 9], sizes = [1000, 1], strides = [1, 1]} : vector<1000x10xf32> to vector<1000x1xf32>
    %mul3A_505 = vector.broadcast %slice3A_504 : vector<1000x1xf32> to vector<1000x128xf32>
    %mul3A_506 = arith.mulf %get3A_404, %mul3A_505 : vector<1000x128xf32>
    %get3A_507 = arith.constant 9 : index
    %get3A_508 = arith.constant 0 : index
    %get3A_509 = arith.constant 0 : index
    %get3A_510 = vector.load %arg10[%get3A_507, %get3A_508, %get3A_509] : memref<10x128x128xf32, #tpu.memory_space<vmem>>, vector<1x128x128xf32>
    %get3A_511 = vector.shape_cast %get3A_510 : vector<1x128x128xf32> to vector<128x128xf32>
    %dot_general3A_512 = arith.constant dense<0.000000e+00> : vector<1000x128xf32>
    %dot_general3A_513 = tpu.matmul %mul3A_506, %get3A_511, %dot_general3A_512 {dimension_numbers = #tpu.dot_dimension_numbers<[1], [0], [0], [1], [0, 0, 1, 1], [], []>, transpose_lhs_hint = false} : vector<1000x128xf32>, vector<128x128xf32>, vector<1000x128xf32> -> vector<1000x128xf32>
    %add3A_514 = arith.addf %add3A_503, %dot_general3A_513 : vector<1000x128xf32>
    %swap3A = arith.constant 0 : index
    %swap3A_515 = arith.constant 0 : index
    %swap3A_516 = vector.load %arg12[%swap3A, %swap3A_515] : memref<1000x128xf32, #tpu.memory_space<vmem>>, vector<1000x128xf32>
    tpu.vector_store %arg12[%swap3A, %swap3A_515], %add3A_175 {strides = array<i32>} : memref<1000x128xf32, #tpu.memory_space<vmem>>, vector<1000x128xf32>,
    %swap3A_517 = arith.constant 0 : index
    %swap3A_518 = arith.constant 0 : index
    %swap3A_519 = vector.load %arg13[%swap3A_517, %swap3A_518] : memref<1000x128xf32, #tpu.memory_space<vmem>>, vector<1000x128xf32>
    tpu.vector_store %arg13[%swap3A_517, %swap3A_518], %add3A_288 {strides = array<i32>} : memref<1000x128xf32, #tpu.memory_space<vmem>>, vector<1000x128xf32>,
    %swap3A_520 = arith.constant 0 : index
    %swap3A_521 = arith.constant 0 : index
    %swap3A_522 = vector.load %arg14[%swap3A_520, %swap3A_521] : memref<1000x128xf32, #tpu.memory_space<vmem>>, vector<1000x128xf32>
    tpu.vector_store %arg14[%swap3A_520, %swap3A_521], %add3A_401 {strides = array<i32>} : memref<1000x128xf32, #tpu.memory_space<vmem>>, vector<1000x128xf32>,
    %swap3A_523 = arith.constant 0 : index
    %swap3A_524 = arith.constant 0 : index
    %swap3A_525 = vector.load %arg15[%swap3A_523, %swap3A_524] : memref<1000x128xf32, #tpu.memory_space<vmem>>, vector<1000x128xf32>
    tpu.vector_store %arg15[%swap3A_523, %swap3A_524], %add3A_514 {strides = array<i32>} : memref<1000x128xf32, #tpu.memory_space<vmem>>, vector<1000x128xf32>,
    %get3A_526 = arith.constant 0 : index
    %get3A_527 = arith.constant 0 : index
    %get3A_528 = vector.load %arg11[%get3A_526, %get3A_527] : memref<128x10xf32, #tpu.memory_space<vmem>>, vector<128x10xf32>
    %dot_general3A_529 = arith.constant dense<0.000000e+00> : vector<1000x10xf32>
    %dot_general3A_530 = tpu.matmul %add3A_175, %get3A_528, %dot_general3A_529 {dimension_numbers = #tpu.dot_dimension_numbers<[1], [0], [0], [1], [0, 0, 1, 1], [], []>, transpose_lhs_hint = false} : vector<1000x128xf32>, vector<128x10xf32>, vector<1000x10xf32> -> vector<1000x10xf32>
    %swap3A_531 = arith.constant 0 : index
    %swap3A_532 = arith.constant 0 : index
    %swap3A_533 = vector.load %arg16[%swap3A_531, %swap3A_532] : memref<1000x10xf32, #tpu.memory_space<vmem>>, vector<1000x10xf32>
    tpu.vector_store %arg16[%swap3A_531, %swap3A_532], %dot_general3A_530 {strides = array<i32>} : memref<1000x10xf32, #tpu.memory_space<vmem>>, vector<1000x10xf32>,
    return
  }
  func.func @transform_0(%arg0: i32) -> (i32, i32, i32) {
    %c0_i32 = arith.constant 0 : i32
    %c0_i32_0 = arith.constant 0 : i32
    %c0_i32_1 = arith.constant 0 : i32
    return %c0_i32, %arg0, %c0_i32_0 : i32, i32, i32
  }
  func.func @transform_1(%arg0: i32) -> (i32, i32) {
    %c0_i32 = arith.constant 0 : i32
    %c0_i32_0 = arith.constant 0 : i32
    %c0_i32_1 = arith.constant 0 : i32
    return %c0_i32, %c0_i32_0 : i32, i32
  }
  func.func @transform_2(%arg0: i32) -> (i32, i32) {
    %c0_i32 = arith.constant 0 : i32
    %c0_i32_0 = arith.constant 0 : i32
    %c0_i32_1 = arith.constant 0 : i32
    return %c0_i32, %c0_i32_0 : i32, i32
  }
  func.func @transform_3(%arg0: i32) -> (i32, i32) {
    %c0_i32 = arith.constant 0 : i32
    %c0_i32_0 = arith.constant 0 : i32
    %c0_i32_1 = arith.constant 0 : i32
    return %c0_i32, %c0_i32_0 : i32, i32
  }
  func.func @transform_4(%arg0: i32) -> (i32, i32) {
    %c0_i32 = arith.constant 0 : i32
    %c0_i32_0 = arith.constant 0 : i32
    return %arg0, %c0_i32 : i32, i32
  }
  func.func @transform_5(%arg0: i32) -> (i32, i32) {
    %c0_i32 = arith.constant 0 : i32
    %c0_i32_0 = arith.constant 0 : i32
    return %arg0, %c0_i32 : i32, i32
  }
  func.func @transform_6(%arg0: i32) -> (i32, i32) {
    %c0_i32 = arith.constant 0 : i32
    %c0_i32_0 = arith.constant 0 : i32
    return %arg0, %c0_i32 : i32, i32
  }
  func.func @transform_7(%arg0: i32) -> (i32, i32) {
    %c0_i32 = arith.constant 0 : i32
    %c0_i32_0 = arith.constant 0 : i32
    return %arg0, %c0_i32 : i32, i32
  }
  func.func @transform_8(%arg0: i32) -> (i32, i32) {
    %c0_i32 = arith.constant 0 : i32
    %c0_i32_0 = arith.constant 0 : i32
    return %arg0, %c0_i32 : i32, i32
  }
  func.func @transform_9(%arg0: i32) -> (i32, i32, i32) {
    %c0_i32 = arith.constant 0 : i32
    %c0_i32_0 = arith.constant 0 : i32
    %c0_i32_1 = arith.constant 0 : i32
    %c0_i32_2 = arith.constant 0 : i32
    return %c0_i32, %c0_i32_0, %c0_i32_1 : i32, i32, i32
  }
  func.func @transform_10(%arg0: i32) -> (i32, i32) {
    %c0_i32 = arith.constant 0 : i32
    %c0_i32_0 = arith.constant 0 : i32
    %c0_i32_1 = arith.constant 0 : i32
    return %c0_i32, %c0_i32_0 : i32, i32
  }
  func.func @transform_11(%arg0: i32) -> (i32, i32) {
    %c0_i32 = arith.constant 0 : i32
    %c0_i32_0 = arith.constant 0 : i32
    return %arg0, %c0_i32 : i32, i32
  }
  func.func @transform_12(%arg0: i32) -> (i32, i32) {
    %c0_i32 = arith.constant 0 : i32
    %c0_i32_0 = arith.constant 0 : i32
    return %arg0, %c0_i32 : i32, i32
  }
  func.func @transform_13(%arg0: i32) -> (i32, i32) {
    %c0_i32 = arith.constant 0 : i32
    %c0_i32_0 = arith.constant 0 : i32
    return %arg0, %c0_i32 : i32, i32
  }
  func.func @transform_14(%arg0: i32) -> (i32, i32) {
    %c0_i32 = arith.constant 0 : i32
    %c0_i32_0 = arith.constant 0 : i32
    return %arg0, %c0_i32 : i32, i32
  }
  func.func @transform_15(%arg0: i32) -> (i32, i32) {
    %c0_i32 = arith.constant 0 : i32
    %c0_i32_0 = arith.constant 0 : i32
    return %arg0, %c0_i32 : i32, i32
  }
}

</mosaic_0001>

<sc_bundles>
// kernel: kernel.12.cloned.1.call-start
scs
__scs_entry_jumppad:
0x0: {  	(pc) =	sbr.rel $0x88, $3  }
0x1: {  	(tag) =	ssettag $0x0;
	lr =	simm.s32 $0x1  }
0x2: {  	[smem:$0x3F90] =	sst lr;
	_ =	strace $0xD0000000  }
0x3: {  	_ = 	snop  }
0x4: {  	_ = 	snop  }
0x5: {  	_ = 	snop  }
0x6: {  	_ = 	snop  }
0x7: {  	_ = 	snop  }
__scs_overlays_trampoline_lowered:
0x8: {  	[smem:$0x3F9F] =	sst s0  }
0x9: {  	[smem:$0x3FA0] =	sst s1  }
0xa: {  	[smem:$0x3FA1] =	sst s2  }
0xb: {  	[smem:$0x3FA2] =	sst s3  }
0xc: {  	[smem:$0x3FA3] =	sst s4  }
0xd: {  	[smem:$0x3FA4] =	sst s5  }
0xe: {  	[smem:$0x3FA5] =	sst s6  }
0xf: {  	[smem:$0x3FA6] =	sst s7  }
0x10: {  	[smem:$0x3FA7] =	sst s8  }
0x11: {  	[smem:$0x3FA8] =	sst s9;
	s0 =	simm.s32 @!p0 $0x0  }
0x12: {  	s1 =	sld [smem:$0x3F8E];
	s0 =	simm.s32 @p0 $0x1  }
0x13: {  	[smem:$0x3FA9] =	sst s0;
	s0 =	simm.s32 @!p1 $0x0  }
0x14: {  	s2 =	sld [smem:$0x3F8D];
	s0 =	simm.s32 @p1 $0x1  }
0x15: {  	[smem:$0x3FAA] =	sst s0;
	s0 =	simm.s32 @!p2 $0x0  }
0x16: {  	s3 =	sld [smem:$0x3FDB];
	s0 =	simm.s32 @p2 $0x1  }
0x17: {  	s4 =	simm.s32 $0x1BF5;
	[smem:$0x3FAC] =	sst s0  }
0x18: {  	s0 =	sld [smem:$0x3F8F];
	_ =	swait.ge [sflag:s4], $0x0  }
0x19: {  	s7 =	sld [smem:$0x3F90]  }
0x1a: {  	s8 =	sadd.s32 $0xFFFFE003, lr  }
0x1b: {  	s9 =	sadd.s32 $0xFFFFFEF7, lr;
	s5 =	simm.s32 $0xFFFFFFFF;
	p2 =	slt.u32 s8, $0xFFFFF086  }
0x1c: {  	p1 =	slt.u32 s9, $0xF7A;
	s5 =	simm.s32 @!p2 $0x0  }
0x1d: {  	s5 =	simm.s32 @p1 $0x1;
	p0 =	seq.s32 s7, s2  }
0x1e: {  	s7 =	smul.u32 @!p0 $0xF7A, s2;
	p2 =	seq.s32 @!p0 s5, $0x0  }
0x1f: {  	s9 =	smul.u32 $0xF7A, s1;
	s8 =	simm.s32 @!p0 $0x1BF5;
	p2 =	por !p2, p0  }
0x20: {  	[sflag:s8] =	ssyncset.s32 @!p0 $0xFFFFF086;
	s6 =	sadd.s32 @!p0 s3, s7;
	s7 =	simm.s32 @!p0 $0x108  }
0x21: {  	s3 =	sadd.s32 s3, s9;
	s6 =	sadd.s32 @!p0 $0x88, s6;
	s7 =	simm.s32 @p2 $0x1082  }
0x22: {  	[simem:s7], [sflag:s8] =	dma.local @!p0 [hbm:s6], $0xF7A  }
0x23: {  	s9 =	sor.u32 $0xD0000000, s2;
	s6 =	simm.s32 $0x108;
	_ =	swait.ge @!p0 [sflag:s8], $0x0  }
0x24: {  	s3 =	sadd.s32 $0x88, s3;
	s6 =	simm.s32 @!p1 $0x1082;
	[sflag:s4] =	ssyncset.s32 $0xFFFFF086  }
0x25: {  	[simem:s6], [sflag:s4] =	dma.local [hbm:s3], $0xF7A  }
0x26: {  	[smem:$0x3F90] =	sst s1;
	(tag) =	ssettag s2;
	_ =	strace s9  }
0x27: {  	s1 =	sld [smem:$0x3FA0]  }
0x28: {  	s2 =	sld [smem:$0x3FA1]  }
0x29: {  	s4 =	sld [smem:$0x3FA3]  }
0x2a: {  	p0 =	seq.s32 s5, $0x0;
	s5 =	sld [smem:$0x3FA4]  }
0x2b: {  	s6 =	sld [smem:$0x3FA5]  }
0x2c: {  	s7 =	sld [smem:$0x3FA6]  }
0x2d: {  	s3 =	simm.s32 $0x108;
	s8 =	sld [smem:$0x3FA7]  }
0x2e: {  	s3 =	simm.s32 @!p0 $0x1082;
	s9 =	sld [smem:$0x3FA8]  }
0x2f: {  	lr =	sadd.s32 s0, s3;
	s0 =	sld [smem:$0x3F9F]  }
0x30: {  	s3 =	sld [smem:$0x3FA2]  }
0x31: {  	[smem:$0x3FAB] =	sst s10  }
0x32: {  	s10 =	sld [smem:$0x3FA9];
	_ =	sdelay $0x3  }
0x33: {  	p0 =	seq.s32 s10, $0x1;
	s10 =	sld [smem:$0x3FAB];
	_ =	sdelay $0x3  }
0x34: {  	[smem:$0x3FAB] =	sst s10  }
0x35: {  	s10 =	sld [smem:$0x3FAA];
	_ =	sdelay $0x3  }
0x36: {  	p1 =	seq.s32 s10, $0x1;
	s10 =	sld [smem:$0x3FAB];
	_ =	sdelay $0x3  }
0x37: {  	[smem:$0x3FAB] =	sst s10  }
0x38: {  	s10 =	sld [smem:$0x3FAC]  }
0x39: {  	_ = 	snop;
	(pc) =	sbr.ind lr, $3  }
0x3a: {  	_ = 	snop  }
0x3b: {  	_ = 	snop  }
0x3c: {  	p2 =	seq.s32 s10, $0x1;
	s10 =	sld [smem:$0x3FAB]  }
0x3d: {  	_ =	shalt  }
0x3e: {  	_ =	shalt  }
0x3f: {  	_ =	shalt  }
0x40: {  	_ =	shalt  }
0x41: {  	_ =	shalt  }
0x42: {  	_ =	shalt  }
0x43: {  	_ =	shalt  }
0x44: {  	_ =	shalt  }
0x45: {  	_ =	shalt  }
0x46: {  	_ =	shalt  }
0x47: {  	_ =	shalt  }
0x48: {  	_ =	shalt  }
0x49: {  	_ =	shalt  }
0x4a: {  	_ =	shalt  }
0x4b: {  	_ =	shalt  }
0x4c: {  	_ =	shalt  }
0x4d: {  	_ =	shalt  }
0x4e: {  	_ =	shalt  }
0x4f: {  	_ =	shalt  }
0x50: {  	_ =	shalt  }
0x51: {  	_ =	shalt  }
0x52: {  	_ =	shalt  }
0x53: {  	_ =	shalt  }
0x54: {  	_ =	shalt  }
0x55: {  	_ =	shalt  }
0x56: {  	_ =	shalt  }
0x57: {  	_ =	shalt  }
0x58: {  	_ =	shalt  }
0x59: {  	_ =	shalt  }
0x5a: {  	_ =	shalt  }
0x5b: {  	_ =	shalt  }
0x5c: {  	_ =	shalt  }
0x5d: {  	_ =	shalt  }
0x5e: {  	_ =	shalt  }
0x5f: {  	_ =	shalt  }
0x60: {  	_ =	shalt  }
0x61: {  	_ =	shalt  }
0x62: {  	_ =	shalt  }
0x63: {  	_ =	shalt  }
0x64: {  	_ =	shalt  }
0x65: {  	_ =	shalt  }
0x66: {  	_ =	shalt  }
0x67: {  	_ =	shalt  }
0x68: {  	_ =	shalt  }
0x69: {  	_ =	shalt  }
0x6a: {  	_ =	shalt  }
0x6b: {  	_ =	shalt  }
0x6c: {  	_ =	shalt  }
0x6d: {  	_ =	shalt  }
0x6e: {  	_ =	shalt  }
0x6f: {  	_ =	shalt  }
0x70: {  	_ =	shalt  }
0x71: {  	_ =	shalt  }
0x72: {  	_ =	shalt  }
0x73: {  	_ =	shalt  }
0x74: {  	_ =	shalt  }
0x75: {  	_ =	shalt  }
0x76: {  	_ =	shalt  }
0x77: {  	_ =	shalt  }
0x78: {  	_ =	shalt  }
0x79: {  	_ =	shalt  }
0x7a: {  	_ =	shalt  }
0x7b: {  	_ =	shalt  }
0x7c: {  	_ =	shalt  }
0x7d: {  	_ =	shalt  }
0x7e: {  	_ =	shalt  }
0x7f: {  	_ =	shalt  }
0x80: {  	_ =	shalt  }
0x81: {  	_ =	shalt  }
0x82: {  	_ =	shalt  }
0x83: {  	_ =	shalt  }
0x84: {  	_ =	shalt  }
0x85: {  	_ =	shalt  }
0x86: {  	_ =	shalt  }
0x87: {  	_ =	shalt  }
.Lfunc_end0:
.L_simem_size_0:
called_computation_lowered:
.L_overlay_start_0:
0x88: {  	s2 =	sld [smem:$0x3FD9]  }
0x89: {  	s3 =	sld [smem:$0x3FFE];
	_ =	sdelay $0x1  }
0x8a: {  	s1 =	srdreg.scid  }
0x8b: {  	s0 =	sand.u32 $0x1, s1  }
0x8c: {  	s14 =	sshll.u32 s0, $0xA;
	s2 =	sadd.s32 s3, s2  }
0x8d: {  	s2 =	sadd.s32 s2, s14  }
0x8e: {  	[smem:$0x3FB7] =	sst s2  }
0x8f: {  	_ = 	snop  }
0x90: {  	s2 =	sld [smem:$0x3FD0];
	_ =	sdelay $0x2  }
0x91: {  	s15 =	simm.s32 $0xB;
	s4 =	simm.s32 $0x10  }
0x92: {  	[smem:s4], [sflag:s15] =	dma.local [hbm:s2], $0x1  }
0x93: {  	_ =	swait.eq [sflag:s15], $0x1  }
0x94: {  	[sflag:s15] =	ssyncset.done $0x0  }
0x95: {  	s16 =	sld [smem:$0x10];
	[sflag:s15] =	ssyncadd.s32 $0xFFFFFFFF  }
0x96: {  	s17 =	sld [smem:$0x11];
	(tm) =	ssettm $0x1  }
0x97: {  	s18 =	sld [smem:$0x3FFB];
	_ =	sdelay $0x3  }
0x98: {  	_ =	strace s18  }
0x99: {  	s4 =	sld [smem:$0x3FFC];
	_ =	sdelay $0x3  }
0x9a: {  	_ =	strace s4  }
0x9b: {  	s4 =	sld [smem:$0x3FFD];
	_ =	sdelay $0x3  }
0x9c: {  	_ =	strace s4  }
0x9d: {  	_ =	strace $0x8FFFFFFF  }
0x9e: {  	s19 =	sld [smem:$0x3FDB];
	_ =	sdelay $0x1  }
0x9f: {  	s5 =	simm.s32 $_scs_section_size  }
0xa0: {  	s6 =	simm.s32 $_size__tile_overlayer_lowered;
	s7 =	simm.s32 $_tile_overlayer_lowered  }
0xa1: {  	s22 =	simm.s32 $0x1BFF;
	s21 =	sshll.u32 s7, $0x1;
	s4 =	sadd.s32 s5, s19  }
0xa2: {  	s8 =	simm.s32 $0x0;
	s20 =	sshll.u32 s6, $0x1;
	s6 =	sadd.s32 s21, s4  }
0xa3: {  	[timem:s8], [sflag:s22] =	dma.local [hbm:s6], s20  }
0xa4: {  	_ =	swait.ge [sflag:s22], s20  }
0xa5: {  	s5 =	ssub.s32 $0x0, s20;
	[sflag:s22] =	ssyncset.done $0x0  }
0xa6: {  	[sflag:s22] =	ssyncadd.s32 s5;
	_ =	sdelay $0x1  }
0xa7: {  	s23 =	simm.s32 $0x1B8B  }
0xa8: {  	_ =	swait.ge [sflag:s23], $0x1  }
0xa9: {  	[sflag:s23] =	ssyncset.done $0x0  }
0xaa: {  	s25 =	simm.s32 $0x1B8E;
	s24 =	sld [smem:$0x3FFE];
	[sflag:s23] =	ssyncadd.s32 $0xFFFFFFFF  }
0xab: {  	s26 =	simm.s32 $execute0_lowered;
	[smem:$0x3FD2] =	sst s25  }
0xac: {  	s6 =	sshll.u32 s26, $0x1;
	_ =	strace $0x80000046;
	[dreg:$0x1] =	wrdreg $0xFFFFFFFF  }
0xad: {  	s28 =	simm.s32 $_size_execute0_lowered;
	s4 =	sadd.s32 s4, s6;
	[dreg:$0x0] =	wrdreg $0x0  }
0xae: {  	s6 =	sshll.u32 s28, $0x1;
	[dreg:$0x2] =	wrdreg s4  }
0xaf: {  	[dreg:$0x3] =	wrdreg s6  }
0xb0: {  	[dreg:$0x4] =	wrdreg $0xC0  }
0xb1: {  	_ =	task [dreg:s8], $0x5FFFF  }
0xb2: {  	[dreg:$0x1] =	wrdreg $0xFFFFFFFF  }
0xb3: {  	[dreg:$0x0] =	wrdreg $0x60  }
0xb4: {  	[dreg:$0x2] =	wrdreg s16  }
0xb5: {  	[dreg:$0x3] =	wrdreg s24  }
0xb6: {  	[dreg:$0x4] =	wrdreg s17  }
0xb7: {  	[dreg:$0x5] =	wrdreg $0x9  }
0xb8: {  	_ =	task.clear_ibuf [dreg:s8], $0x6FFFF;
	_ =	strace $0x90000046  }
0xb9: {  	s29 =	simm.s32 $0x9;
	_ =	strace $0x80000048  }
0xba: {  	_ =	swait.ge [sflag:s29], $0x1  }
0xbb: {  	[sflag:s29] =	ssyncadd.s32 $0xFFFFFFFF  }
0xbc: {  	_ =	strace $0x90000048  }
0xbd: {  	_ =	sfence  }
0xbe: {  	s30 =	sld [smem:$0x0];
	_ =	sdelay $0x2  }
0xbf: {  	s31 =	sshll.u32 s1, $0xD;
	s1 =	sshrl.u32 s1, $0x2  }
0xc0: {  	s3 =	sand.u32 $0x4000, s31;
	s1 =	sadd.s32 s1, s30  }
0xc1: {  	s0 =	sor.u32 s3, s0;
	s1 =	sshll.u32 s1, $0x11  }
0xc2: {  	s0 =	sor.u32 s1, s0  }
0xc3: {  	s0 =	sadd.s32 $0x8F2B, s0  }
0xc4: {  	[sflag:s0] =	ssyncadd.remote.s32 $0x1  }
0xc5: {  	_ =	sfence.sel $0xFFFF  }
0xc6: {  	[dreg:$0x0] =	wrdreg $0xFFFFFFFF;
	(pc) =	sbr.abs _section_cstart, $3  }
0xc7: {  	[dreg:$0x1] =	wrdreg $0xFFFFFFFF  }
0xc8: {  	_ =	task.clear_ibuf [dreg:s8], $0x2FFFF;
	_ =	strace $0x9FFFFFFF  }
0xc9: {  	(tm) =	ssettm $0x7FFFFFFF  }
tec
execute0_lowered:
.L_overlay_start_1:
0x0: {  	(tag) =	ssettag $0x1  }
0x1: {  	s2 =	srdreg.scid;
	s1 =	rddreg [dreg:$0x0]  }
0x2: {  	s0 =	stileid.u32;
	s7 =	rddreg [dreg:$0x1]  }
0x3: {  	s3 =	rddreg [dreg:$0x2];
	s5 =	simm.s32 $0x0;
	s9 =	simm.s32 $0x2  }
0x4: {  	s10 =	simm.s32 $0x1388;
	s6 =	sand.u32 $0x1, s2;
	s30 =	sshll.u32 s0, $0x1  }
0x5: {  	s11 =	simm.s32 $0xC8;
	s12 =	simm.s32 $0x2710;
	s2 =	sor.u32 s6, s30  }
0x6: {  	s13 =	simm.s32 $0x1;
	s14 =	simm.s32 $0x3390;
	s4 =	smul.u32 $0x1388, s2  }
0x7: {  	s15 =	simm.s32 $0x0;
	[smem:$0x7FF] =	sst s5;
	s6 =	ssub.s32 $0x2, s6  }
0x8: {  	s2 =	rddreg [dreg:$0x3];
	s31 =	sshrl.u32 s6, $0x1;
	s8 =	sshrl.u32 s4, $0x3  }
0x9: {  	_ =	strace $0x80000047;
	s7 =	sadd.s32 s8, s7;
	s8 =	ssub.s32 s6, s31  }
0xa: {  	s6 =	sadd.s32 $0xBE00, s7;
	s7 =	sadd.s32 $0x6E00, s7;
	s8 =	smax.u32 s8, $0x1  }
.LBB2_1:
0xb: {  	[tilespmem:s5], [sflag:$0x2] =	stream.linear.gather [hbm4b:s6+s5], $0x1388, $0x38;
	[tilespmem:$0x4010] =	vst v63  }
0xc: {  	_ =	swait.ge [sflag:s9], $0x1388  }
0xd: {  	[sflag:s9] =	ssyncset.done $0x0  }
0xe: {  	[sflag:s9] =	ssyncadd.s32 $0xFFFFEC78  }
0xf: {  	[tilespmem:s10], [sflag:$0x2] =	stream.linear.gather [hbm4b:s7+s5], $0x1388, $0x38;
	[tilespmem:$0x4010] =	vst v63  }
0x10: {  	_ =	swait.ge [sflag:s9], $0x1388  }
0x11: {  	[sflag:s9] =	ssyncset.done $0x0  }
0x12: {  	s16 =	simm.s32 $0x0;
	[sflag:s9] =	ssyncadd.s32 $0xFFFFEC78  }
.LBB2_2:
0x13: {  	s17 =	smul.u32 $0xC8, s16;
	_ =	sdelay $0x1  }
0x14: {  	[tilespmem:s12], [sflag:$0x1] =	stream.indirect.gather [hbm4b:s1+s11], $0x10, s17, s11, $0xb8;
	[tilespmem:$0x4010] =	vst v63  }
0x15: {  	_ =	swait.ge [sflag:s13], $0xC80  }
0x16: {  	[sflag:s13] =	ssyncset.done $0x0  }
0x17: {  	s18 =	sadd.s32 $0x1388, s17;
	[sflag:s13] =	ssyncadd.s32 $0xFFFFF380  }
0x18: {  	[tilespmem:s14], [sflag:$0x1] =	stream.indirect.gather [hbm4b:s1+s11], $0x10, s18, s11, $0xb8;
	[tilespmem:$0x4010] =	vst v63  }
0x19: {  	_ =	swait.ge [sflag:s13], $0xC80  }
0x1a: {  	[sflag:s13] =	ssyncset.done $0x0  }
0x1b: {  	s18 =	simm.s32 $0x0;
	[sflag:s13] =	ssyncadd.s32 $0xFFFFF380  }
0x1c: {  	s19 =	simm.s32 $0x40;
	v0 =	vld [tilespmem:s18+$0x2710]  }
.LBB2_3:
0x1d: {  	p0 =	sne.s32 s19, $0x31C0;
	v1 =	vld [tilespmem:s18+$0x3390];
	_ =	sdelay $0x2  }
.Ltmp0:
0x1e: {  	(pc) =	sbr.rel @p0 .LBB2_3-.Ltmp0, $4  }
0x1f: {  	_ = 	snop  }
0x20: {  	v1 =	vsub.f32 v1, v0  }
0x21: {  	s20 =	sshra.s32 s19, $0x2  }
0x22: {  	s19 =	sadd.s32 $0x40, s19;
	v0 =	vld [tilespmem:s20+$0x2710];
	[tilespmem:s18+$0x3390] =	vst v1;
	s18 =	smov.u32 s20  }
0x23: {  	v1 =	vld [tilespmem:s18+$0x3390];
	_ =	sdelay $0x4  }
0x24: {  	s17 =	sadd.s32 s4, s17;
	s16 =	sadd.s32 $0x1, s16;
	v0 =	vsub.f32 v1, v0  }
0x25: {  	s17 =	sshll.u32 s17, $0x1;
	p0 =	sne.s32 s16, $0x19  }
.Ltmp1:
0x26: {  	s17 =	sadd.s32 s3, s17;
	[tilespmem:s18+$0x3390] =	vst v0;
	(pc) =	sbr.rel @p0 .LBB2_2-.Ltmp1, $4  }
0x27: {  	[hbm4b:s17+s5] =	stream.linear.scatter [tilespmem:s14], [sflag:$0x2], $0xC80, $0x38;
	[tilespmem:$0x4010] =	vst v63  }
0x28: {  	_ =	swait.ge [sflag:s9], $0xC80  }
0x29: {  	[sflag:s9] =	ssyncset.done $0x0  }
0x2a: {  	[sflag:s9] =	ssyncadd.s32 $0xFFFFF380  }
0x2b: {  	s15 =	sadd.s32 $0x1, s15  }
0x2c: {  	p0 =	sne.s32 s15, s8  }
.Ltmp2:
0x2d: {  	_ = 	snop;
	(pc) =	sbr.rel @p0 .LBB2_1-.Ltmp2, $1  }
0x2e: {  	_ =	sdelay $0x3  }
0x2f: {  	_ =	sfence.sel $0x180000  }
0x30: {  	[bflag:$0x0] =	sbarrier.arrive $0xFFFF  }
0x31: {  	p0 =	sne.s32 s0, $0x0;
	_ =	strace $0x90000047  }
0x32: {  	s0 =	sadd.s32 @!p0 $0x100000, s2;
	[bflag:$0x2] =	sbarrier.arrive $0xFFFF  }
0x33: {  	[sflag:s0] =	ssyncadd.tile.s32 @!p0 $0x1;
	_ =	shalt  }
.Lfunc_end2:
_tile_overlayer_lowered:
.L_overlay_start_2:
0x34: {  	(tag) =	ssettag $0x2  }
0x35: {  	s0 =	rddreg [dreg:$0x0];
	s2 =	stileid.u32  }
0x36: {  	s1 =	rddreg [dreg:$0x1];
	p0 =	sne.s32 s2, $0x0  }
0x37: {  	s3 =	rddreg [dreg:$0x2];
	[bflag:$0x3] =	sbarrier.arrive $0xFFFF;
	s2 =	simm.s32 @!p0 $0x1C02  }
0x38: {  	[timem:s3], [sflag:s2] =	dma.local @!p0 [hbm:s0], s1  }
0x39: {  	s0 =	simm.s32 @!p0 $0x2  }
0x3a: {  	_ =	swait.ge @!p0 [sflag:s0], s1  }
0x3b: {  	s1 =	ssub.s32 @!p0 $0x0, s1;
	[sflag:s0] =	ssyncset.done @!p0 $0x0  }
0x3c: {  	[sflag:s0] =	ssyncadd.s32 @!p0 s1  }
0x3d: {  	[bflag:$0x3] =	sbarrier.arrive $0xFFFF  }
0x3e: {  	_ =	shalt  }

// kernel: kernel.15.cloned.1.call-start
scs
__scs_entry_jumppad:
0x0: {  	(pc) =	sbr.rel $0x88, $3  }
0x1: {  	(tag) =	ssettag $0x0;
	lr =	simm.s32 $0x1  }
0x2: {  	[smem:$0x3F90] =	sst lr;
	_ =	strace $0xD0000000  }
0x3: {  	_ = 	snop  }
0x4: {  	_ = 	snop  }
0x5: {  	_ = 	snop  }
0x6: {  	_ = 	snop  }
0x7: {  	_ = 	snop  }
__scs_overlays_trampoline_lowered:
0x8: {  	[smem:$0x3F9F] =	sst s0  }
0x9: {  	[smem:$0x3FA0] =	sst s1  }
0xa: {  	[smem:$0x3FA1] =	sst s2  }
0xb: {  	[smem:$0x3FA2] =	sst s3  }
0xc: {  	[smem:$0x3FA3] =	sst s4  }
0xd: {  	[smem:$0x3FA4] =	sst s5  }
0xe: {  	[smem:$0x3FA5] =	sst s6  }
0xf: {  	[smem:$0x3FA6] =	sst s7  }
0x10: {  	[smem:$0x3FA7] =	sst s8  }
0x11: {  	[smem:$0x3FA8] =	sst s9;
	s0 =	simm.s32 @!p0 $0x0  }
0x12: {  	s1 =	sld [smem:$0x3F8E];
	s0 =	simm.s32 @p0 $0x1  }
0x13: {  	[smem:$0x3FA9] =	sst s0;
	s0 =	simm.s32 @!p1 $0x0  }
0x14: {  	s2 =	sld [smem:$0x3F8D];
	s0 =	simm.s32 @p1 $0x1  }
0x15: {  	[smem:$0x3FAA] =	sst s0;
	s0 =	simm.s32 @!p2 $0x0  }
0x16: {  	s3 =	sld [smem:$0x3FDB];
	s0 =	simm.s32 @p2 $0x1  }
0x17: {  	s4 =	simm.s32 $0x1BF5;
	[smem:$0x3FAC] =	sst s0  }
0x18: {  	s0 =	sld [smem:$0x3F8F];
	_ =	swait.ge [sflag:s4], $0x0  }
0x19: {  	s7 =	sld [smem:$0x3F90]  }
0x1a: {  	s8 =	sadd.s32 $0xFFFFE003, lr  }
0x1b: {  	s9 =	sadd.s32 $0xFFFFFEF7, lr;
	s5 =	simm.s32 $0xFFFFFFFF;
	p2 =	slt.u32 s8, $0xFFFFF086  }
0x1c: {  	p1 =	slt.u32 s9, $0xF7A;
	s5 =	simm.s32 @!p2 $0x0  }
0x1d: {  	s5 =	simm.s32 @p1 $0x1;
	p0 =	seq.s32 s7, s2  }
0x1e: {  	s7 =	smul.u32 @!p0 $0xF7A, s2;
	p2 =	seq.s32 @!p0 s5, $0x0  }
0x1f: {  	s9 =	smul.u32 $0xF7A, s1;
	s8 =	simm.s32 @!p0 $0x1BF5;
	p2 =	por !p2, p0  }
0x20: {  	[sflag:s8] =	ssyncset.s32 @!p0 $0xFFFFF086;
	s6 =	sadd.s32 @!p0 s3, s7;
	s7 =	simm.s32 @!p0 $0x108  }
0x21: {  	s3 =	sadd.s32 s3, s9;
	s6 =	sadd.s32 @!p0 $0x88, s6;
	s7 =	simm.s32 @p2 $0x1082  }
0x22: {  	[simem:s7], [sflag:s8] =	dma.local @!p0 [hbm:s6], $0xF7A  }
0x23: {  	s9 =	sor.u32 $0xD0000000, s2;
	s6 =	simm.s32 $0x108;
	_ =	swait.ge @!p0 [sflag:s8], $0x0  }
0x24: {  	s3 =	sadd.s32 $0x88, s3;
	s6 =	simm.s32 @!p1 $0x1082;
	[sflag:s4] =	ssyncset.s32 $0xFFFFF086  }
0x25: {  	[simem:s6], [sflag:s4] =	dma.local [hbm:s3], $0xF7A  }
0x26: {  	[smem:$0x3F90] =	sst s1;
	(tag) =	ssettag s2;
	_ =	strace s9  }
0x27: {  	s1 =	sld [smem:$0x3FA0]  }
0x28: {  	s2 =	sld [smem:$0x3FA1]  }
0x29: {  	s4 =	sld [smem:$0x3FA3]  }
0x2a: {  	p0 =	seq.s32 s5, $0x0;
	s5 =	sld [smem:$0x3FA4]  }
0x2b: {  	s6 =	sld [smem:$0x3FA5]  }
0x2c: {  	s7 =	sld [smem:$0x3FA6]  }
0x2d: {  	s3 =	simm.s32 $0x108;
	s8 =	sld [smem:$0x3FA7]  }
0x2e: {  	s3 =	simm.s32 @!p0 $0x1082;
	s9 =	sld [smem:$0x3FA8]  }
0x2f: {  	lr =	sadd.s32 s0, s3;
	s0 =	sld [smem:$0x3F9F]  }
0x30: {  	s3 =	sld [smem:$0x3FA2]  }
0x31: {  	[smem:$0x3FAB] =	sst s10  }
0x32: {  	s10 =	sld [smem:$0x3FA9];
	_ =	sdelay $0x3  }
0x33: {  	p0 =	seq.s32 s10, $0x1;
	s10 =	sld [smem:$0x3FAB];
	_ =	sdelay $0x3  }
0x34: {  	[smem:$0x3FAB] =	sst s10  }
0x35: {  	s10 =	sld [smem:$0x3FAA];
	_ =	sdelay $0x3  }
0x36: {  	p1 =	seq.s32 s10, $0x1;
	s10 =	sld [smem:$0x3FAB];
	_ =	sdelay $0x3  }
0x37: {  	[smem:$0x3FAB] =	sst s10  }
0x38: {  	s10 =	sld [smem:$0x3FAC]  }
0x39: {  	_ = 	snop;
	(pc) =	sbr.ind lr, $3  }
0x3a: {  	_ = 	snop  }
0x3b: {  	_ = 	snop  }
0x3c: {  	p2 =	seq.s32 s10, $0x1;
	s10 =	sld [smem:$0x3FAB]  }
0x3d: {  	_ =	shalt  }
0x3e: {  	_ =	shalt  }
0x3f: {  	_ =	shalt  }
0x40: {  	_ =	shalt  }
0x41: {  	_ =	shalt  }
0x42: {  	_ =	shalt  }
0x43: {  	_ =	shalt  }
0x44: {  	_ =	shalt  }
0x45: {  	_ =	shalt  }
0x46: {  	_ =	shalt  }
0x47: {  	_ =	shalt  }
0x48: {  	_ =	shalt  }
0x49: {  	_ =	shalt  }
0x4a: {  	_ =	shalt  }
0x4b: {  	_ =	shalt  }
0x4c: {  	_ =	shalt  }
0x4d: {  	_ =	shalt  }
0x4e: {  	_ =	shalt  }
0x4f: {  	_ =	shalt  }
0x50: {  	_ =	shalt  }
0x51: {  	_ =	shalt  }
0x52: {  	_ =	shalt  }
0x53: {  	_ =	shalt  }
0x54: {  	_ =	shalt  }
0x55: {  	_ =	shalt  }
0x56: {  	_ =	shalt  }
0x57: {  	_ =	shalt  }
0x58: {  	_ =	shalt  }
0x59: {  	_ =	shalt  }
0x5a: {  	_ =	shalt  }
0x5b: {  	_ =	shalt  }
0x5c: {  	_ =	shalt  }
0x5d: {  	_ =	shalt  }
0x5e: {  	_ =	shalt  }
0x5f: {  	_ =	shalt  }
0x60: {  	_ =	shalt  }
0x61: {  	_ =	shalt  }
0x62: {  	_ =	shalt  }
0x63: {  	_ =	shalt  }
0x64: {  	_ =	shalt  }
0x65: {  	_ =	shalt  }
0x66: {  	_ =	shalt  }
0x67: {  	_ =	shalt  }
0x68: {  	_ =	shalt  }
0x69: {  	_ =	shalt  }
0x6a: {  	_ =	shalt  }
0x6b: {  	_ =	shalt  }
0x6c: {  	_ =	shalt  }
0x6d: {  	_ =	shalt  }
0x6e: {  	_ =	shalt  }
0x6f: {  	_ =	shalt  }
0x70: {  	_ =	shalt  }
0x71: {  	_ =	shalt  }
0x72: {  	_ =	shalt  }
0x73: {  	_ =	shalt  }
0x74: {  	_ =	shalt  }
0x75: {  	_ =	shalt  }
0x76: {  	_ =	shalt  }
0x77: {  	_ =	shalt  }
0x78: {  	_ =	shalt  }
0x79: {  	_ =	shalt  }
0x7a: {  	_ =	shalt  }
0x7b: {  	_ =	shalt  }
0x7c: {  	_ =	shalt  }
0x7d: {  	_ =	shalt  }
0x7e: {  	_ =	shalt  }
0x7f: {  	_ =	shalt  }
0x80: {  	_ =	shalt  }
0x81: {  	_ =	shalt  }
0x82: {  	_ =	shalt  }
0x83: {  	_ =	shalt  }
0x84: {  	_ =	shalt  }
0x85: {  	_ =	shalt  }
0x86: {  	_ =	shalt  }
0x87: {  	_ =	shalt  }
.Lfunc_end0:
.L_simem_size_0:
called_computation.1_lowered:
.L_overlay_start_0:
0x88: {  	s2 =	sld [smem:$0x3FD9]  }
0x89: {  	s3 =	sld [smem:$0x3FFE];
	_ =	sdelay $0x1  }
0x8a: {  	s1 =	srdreg.scid  }
0x8b: {  	s0 =	sand.u32 $0x1, s1  }
0x8c: {  	s17 =	sshll.u32 s0, $0xA;
	s2 =	sadd.s32 s3, s2  }
0x8d: {  	s2 =	sadd.s32 s2, s17  }
0x8e: {  	[smem:$0x3FB7] =	sst s2  }
0x8f: {  	_ = 	snop  }
0x90: {  	(tm) =	ssettm $0x1  }
0x91: {  	s18 =	sld [smem:$0x3FFB];
	_ =	sdelay $0x3  }
0x92: {  	_ =	strace s18  }
0x93: {  	s2 =	sld [smem:$0x3FFC];
	_ =	sdelay $0x3  }
0x94: {  	_ =	strace s2  }
0x95: {  	s2 =	sld [smem:$0x3FFD];
	_ =	sdelay $0x3  }
0x96: {  	_ =	strace s2  }
0x97: {  	_ =	strace $0x8FFFFFFF  }
0x98: {  	s19 =	sld [smem:$0x3FDB];
	_ =	sdelay $0x1  }
0x99: {  	s20 =	simm.s32 $_scs_section_size  }
0x9a: {  	s4 =	simm.s32 $_size__tile_overlayer_lowered;
	s5 =	simm.s32 $_tile_overlayer_lowered  }
0x9b: {  	s6 =	simm.s32 $0x1BFF;
	s21 =	sshll.u32 s5, $0x1;
	s3 =	sadd.s32 s20, s19  }
0x9c: {  	s22 =	simm.s32 $0x0;
	s4 =	sshll.u32 s4, $0x1;
	s5 =	sadd.s32 s21, s3  }
0x9d: {  	[timem:s22], [sflag:s6] =	dma.local [hbm:s5], s4  }
0x9e: {  	_ =	swait.ge [sflag:s6], s4  }
0x9f: {  	s4 =	ssub.s32 $0x0, s4;
	[sflag:s6] =	ssyncset.done $0x0  }
0xa0: {  	[sflag:s6] =	ssyncadd.s32 s4;
	_ =	sdelay $0x1  }
0xa1: {  	s23 =	simm.s32 $0x1B8B  }
0xa2: {  	_ =	swait.ge [sflag:s23], $0x1  }
0xa3: {  	[sflag:s23] =	ssyncset.done $0x0  }
0xa4: {  	[sflag:s23] =	ssyncadd.s32 $0xFFFFFFFF  }
0xa5: {  	s4 =	sld [smem:$0x0]  }
0xa6: {  	s5 =	sand.u32 $0xFFFFFFFE, s1  }
0xa7: {  	p0 =	sne.s32 s1, s5  }
0xa8: {  	s5 =	sshll.u32 @p0 s5, $0xE  }
0xa9: {  	s5 =	sadd.s32 @p0 $0x11B8D, s5;
	s6 =	sshll.u32 @p0 s4, $0x11  }
0xaa: {  	s5 =	sor.u32 @p0 s6, s5  }
0xab: {  	[sflag:s5] =	ssyncadd.remote.s32 @p0 $0x1;
	_ =	sdelay $0x1  }
0xac: {  	s5 =	simm.s32 @p0 $0x1B8D  }
0xad: {  	_ =	swait.eq @p0 [sflag:s5], $0x1  }
0xae: {  	[sflag:s5] =	ssyncadd.s32 @p0 $0xFFFFFFFF  }
0xaf: {  	s6 =	sshll.u32 @!p0 s1, $0xE  }
0xb0: {  	s6 =	sor.u32 @!p0 $0x4000, s6;
	s5 =	simm.s32 @!p0 $0x1B8D  }
0xb1: {  	s4 =	sshll.u32 @!p0 s4, $0x11;
	s6 =	sadd.s32 @!p0 $0x11B8D, s6;
	_ =	swait.eq @!p0 [sflag:s5], $0x1  }
0xb2: {  	s4 =	sor.u32 @!p0 s4, s6;
	[sflag:s5] =	ssyncadd.s32 @!p0 $0xFFFFFFFF  }
0xb3: {  	s25 =	simm.s32 $0x1B8E;
	s24 =	sld [smem:$0x3FFE];
	[sflag:s4] =	ssyncadd.remote.s32 @!p0 $0x1  }
0xb4: {  	s26 =	simm.s32 $execute0_lowered;
	[smem:$0x3FD2] =	sst s25  }
0xb5: {  	s5 =	sshll.u32 s26, $0x1;
	_ =	strace $0x80000049;
	[dreg:$0x1] =	wrdreg $0xFFFFFFFF  }
0xb6: {  	s28 =	simm.s32 $_size_execute0_lowered;
	s3 =	sadd.s32 s3, s5;
	[dreg:$0x0] =	wrdreg $0x0  }
0xb7: {  	s5 =	sshll.u32 s28, $0x1;
	[dreg:$0x2] =	wrdreg s3  }
0xb8: {  	[dreg:$0x3] =	wrdreg s5  }
0xb9: {  	[dreg:$0x4] =	wrdreg $0xC0  }
0xba: {  	_ =	task [dreg:s22], $0x5FFFF  }
0xbb: {  	[dreg:$0x1] =	wrdreg $0xFFFFFFFF  }
0xbc: {  	[dreg:$0x0] =	wrdreg $0x60  }
0xbd: {  	[dreg:$0x2] =	wrdreg s24  }
0xbe: {  	[dreg:$0x3] =	wrdreg $0xA  }
0xbf: {  	_ =	task.clear_ibuf [dreg:s22], $0x4FFFF;
	_ =	strace $0x90000049  }
0xc0: {  	s29 =	simm.s32 $0xA;
	_ =	strace $0x8000004B  }
0xc1: {  	_ =	swait.ge [sflag:s29], $0x1  }
0xc2: {  	[sflag:s29] =	ssyncadd.s32 $0xFFFFFFFF  }
0xc3: {  	_ =	strace $0x9000004B  }
0xc4: {  	_ =	sfence  }
0xc5: {  	s30 =	sld [smem:$0x0];
	_ =	sdelay $0x2  }
0xc6: {  	s31 =	sshll.u32 s1, $0xD;
	s1 =	sshrl.u32 s1, $0x2  }
0xc7: {  	s4 =	sand.u32 $0x4000, s31;
	s1 =	sadd.s32 s1, s30  }
0xc8: {  	s0 =	sor.u32 s4, s0;
	s1 =	sshll.u32 s1, $0x11  }
0xc9: {  	s0 =	sor.u32 s1, s0  }
0xca: {  	s0 =	sadd.s32 $0x8F2B, s0  }
0xcb: {  	[sflag:s0] =	ssyncadd.remote.s32 $0x1  }
0xcc: {  	_ =	sfence.sel $0xFFFF  }
0xcd: {  	[dreg:$0x0] =	wrdreg $0xFFFFFFFF;
	(pc) =	sbr.abs _section_cstart, $3  }
0xce: {  	[dreg:$0x1] =	wrdreg $0xFFFFFFFF  }
0xcf: {  	_ =	task.clear_ibuf [dreg:s22], $0x2FFFF;
	_ =	strace $0x9FFFFFFF  }
0xd0: {  	(tm) =	ssettm $0x7FFFFFFF  }
0xd1: {  	_ =	shalt  }
tec
execute0_lowered:
.L_overlay_start_1:
0x0: {  	(tag) =	ssettag $0x1  }
0x1: {  	s1 =	srdreg.scid;
	s0 =	stileid.u32  }
0x2: {  	s4 =	rddreg [dreg:$0x0];
	s2 =	simm.s32 $0x0;
	s12 =	simm.s32 $0x7800  }
0x3: {  	s13 =	simm.s32 $0x2;
	s14 =	simm.s32 $0x0;
	s5 =	sand.u32 $0x1, s1  }
0x4: {  	s3 =	sshll.u32 s0, $0x1;
	s1 =	rddreg [dreg:$0x1];
	s10 =	smul.u32 $0x27100, s0  }
0x5: {  	[smem:$0x7FF] =	sst s2;
	s6 =	sor.u32 s5, s3;
	s11 =	smul.u32 $0x13880, s5  }
0x6: {  	s8 =	sadd.s32 $0x60A00, s4;
	_ =	strace $0x8000004A;
	s7 =	smul.u32 $0x1388, s6  }
0x7: {  	s3 =	sadd.s32 $0x39800, s4;
	s30 =	ssub.s32 $0x2, s5;
	s6 =	smul.u32 $0x9C400, s6  }
0x8: {  	s9 =	sshrl.u32 s30, $0x1;
	s31 =	sadd.s32 s10, s8;
	s10 =	simm.s32 $0x1  }
0x9: {  	s9 =	ssub.s32 s30, s9;
	s7 =	sshrl.u32 s7, $0x3;
	s6 =	sshrl.u32 s6, $0x3  }
0xa: {  	s7 =	sadd.s32 s7, s4;
	s6 =	sadd.s32 s8, s6;
	s8 =	simm.s32 $0x3  }
0xb: {  	s4 =	sadd.s32 $0xBE00, s7;
	s5 =	sadd.s32 $0x12C00, s6;
	s6 =	smax.u32 s9, $0x1  }
0xc: {  	s7 =	sadd.s32 s11, s31;
	s9 =	simm.s32 $0x1400;
	s11 =	simm.s32 $0xC8  }
.LBB2_1:
0xd: {  	[tilespmem:s2], [sflag:$0x3] =	stream.linear.gather [hbm4b:s4+s2], $0x1388, $0x38;
	[tilespmem:$0xDC00] =	vst v63  }
0xe: {  	_ =	swait.ge [sflag:s8], $0x1388  }
0xf: {  	[sflag:s8] =	ssyncset.done $0x0  }
0x10: {  	[sflag:s8] =	ssyncadd.s32 $0xFFFFEC78  }
0x11: {  	[tilespmem:s9], [sflag:$0x1] =	stream.indirect.gather [hbm4b:s3+s11], $0x80, s2, s11, $0xb8;
	[tilespmem:$0xDC00] =	vst v63  }
0x12: {  	_ =	swait.ge [sflag:s10], $0x6400  }
0x13: {  	[sflag:s10] =	ssyncset.done $0x0  }
0x14: {  	[sflag:s10] =	ssyncadd.s32 $0xFFFF9C00  }
0x15: {  	[tilespmem:s12], [sflag:$0x2] =	stream.indirect.gather [hbm4b:s3+s11], $0x80, s11, s11, $0xb8;
	[tilespmem:$0xDC00] =	vst v63  }
0x16: {  	s15 =	sadd.s32 $0x0, s7  }
0x17: {  	[hbm4b:s15+s2] =	stream.linear.scatter [tilespmem:s9], [sflag:$0x3], $0x6400, $0x38;
	[tilespmem:$0xDC00] =	vst v63  }
0x18: {  	_ =	swait.ge [sflag:s8], $0x6400  }
0x19: {  	[sflag:s8] =	ssyncset.done $0x0  }
0x1a: {  	[sflag:s8] =	ssyncadd.s32 $0xFFFF9C00  }
0x1b: {  	_ =	swait.ge [sflag:s13], $0x6400  }
0x1c: {  	[sflag:s13] =	ssyncset.done $0x0  }
0x1d: {  	s16 =	simm.s32 $0x190;
	[sflag:s13] =	ssyncadd.s32 $0xFFFF9C00  }
0x1e: {  	[tilespmem:s9], [sflag:$0x1] =	stream.indirect.gather [hbm4b:s3+s11], $0x80, s16, s11, $0xb8;
	[tilespmem:$0xDC00] =	vst v63  }
0x1f: {  	s15 =	sadd.s32 $0xC80, s15  }
0x20: {  	[hbm4b:s15+s2] =	stream.linear.scatter [tilespmem:s12], [sflag:$0x3], $0x6400, $0x38;
	[tilespmem:$0xDC00] =	vst v63  }
0x21: {  	_ =	swait.ge [sflag:s8], $0x6400  }
0x22: {  	s16 =	simm.s32 $0xC8;
	s15 =	simm.s32 $0x1900;
	[sflag:s8] =	ssyncset.done $0x0  }
.LBB2_2:
0x23: {  	p0 =	sne.s32 s15, $0x11300;
	[sflag:s8] =	ssyncadd.s32 $0xFFFF9C00;
	s16 =	sadd.s32 $0x190, s16  }
0x24: {  	s17 =	smov.u32 s15;
	s15 =	sadd.s32 $0x1900, s15  }
0x25: {  	_ =	swait.ge [sflag:s10], $0x6400  }
0x26: {  	[sflag:s10] =	ssyncset.done $0x0  }
0x27: {  	[sflag:s10] =	ssyncadd.s32 $0xFFFF9C00  }
0x28: {  	[tilespmem:s12], [sflag:$0x2] =	stream.indirect.gather [hbm4b:s3+s11], $0x80, s16, s11, $0xb8;
	[tilespmem:$0xDC00] =	vst v63  }
0x29: {  	s17 =	sadd.s32 s17, s7  }
0x2a: {  	[hbm4b:s17+s2] =	stream.linear.scatter [tilespmem:s9], [sflag:$0x3], $0x6400, $0x38;
	[tilespmem:$0xDC00] =	vst v63  }
0x2b: {  	_ =	swait.ge [sflag:s8], $0x6400  }
0x2c: {  	[sflag:s8] =	ssyncset.done $0x0  }
0x2d: {  	[sflag:s8] =	ssyncadd.s32 $0xFFFF9C00  }
0x2e: {  	_ =	swait.ge [sflag:s13], $0x6400  }
0x2f: {  	[sflag:s13] =	ssyncset.done $0x0  }
0x30: {  	s18 =	sadd.s32 $0xC8, s16;
	[sflag:s13] =	ssyncadd.s32 $0xFFFF9C00  }
0x31: {  	[tilespmem:s9], [sflag:$0x1] =	stream.indirect.gather [hbm4b:s3+s11], $0x80, s18, s11, $0xb8;
	[tilespmem:$0xDC00] =	vst v63  }
.Ltmp0:
0x32: {  	_ = 	snop;
	(pc) =	sbr.rel @p0 .LBB2_2-.Ltmp0, $4  }
0x33: {  	s17 =	sadd.s32 $0xC80, s17  }
0x34: {  	[hbm4b:s17+s2] =	stream.linear.scatter [tilespmem:s12], [sflag:$0x3], $0x6400, $0x38;
	[tilespmem:$0xDC00] =	vst v63  }
0x35: {  	_ =	swait.ge [sflag:s8], $0x6400  }
0x36: {  	[sflag:s8] =	ssyncset.done $0x0  }
0x37: {  	[sflag:s8] =	ssyncadd.s32 $0xFFFF9C00  }
0x38: {  	s14 =	sadd.s32 $0x1, s14;
	_ =	swait.ge [sflag:s10], $0x6400  }
0x39: {  	p0 =	sne.s32 s14, s6;
	[sflag:s10] =	ssyncset.done $0x0  }
.Ltmp1:
0x3a: {  	[sflag:s10] =	ssyncadd.s32 $0xFFFF9C00;
	(pc) =	sbr.rel @p0 .LBB2_1-.Ltmp1, $4  }
0x3b: {  	[hbm4b:s5+s2] =	stream.linear.scatter [tilespmem:s9], [sflag:$0x3], $0x6400, $0x38;
	[tilespmem:$0xDC00] =	vst v63  }
0x3c: {  	_ =	swait.ge [sflag:s8], $0x6400  }
0x3d: {  	[sflag:s8] =	ssyncset.done $0x0  }
0x3e: {  	[sflag:s8] =	ssyncadd.s32 $0xFFFF9C00  }
0x3f: {  	_ =	sfence.sel $0x180000  }
0x40: {  	[bflag:$0x0] =	sbarrier.arrive $0xFFFF  }
0x41: {  	p0 =	sne.s32 s0, $0x0;
	_ =	strace $0x9000004A  }
0x42: {  	s0 =	sadd.s32 @!p0 $0x100000, s1;
	[bflag:$0x2] =	sbarrier.arrive $0xFFFF  }
0x43: {  	[sflag:s0] =	ssyncadd.tile.s32 @!p0 $0x1;
	_ =	shalt  }
.Lfunc_end2:
_tile_overlayer_lowered:
.L_overlay_start_2:
0x44: {  	(tag) =	ssettag $0x2  }
0x45: {  	s0 =	rddreg [dreg:$0x0];
	s2 =	stileid.u32  }
0x46: {  	s1 =	rddreg [dreg:$0x1];
	p0 =	sne.s32 s2, $0x0  }
0x47: {  	s3 =	rddreg [dreg:$0x2];
	[bflag:$0x3] =	sbarrier.arrive $0xFFFF;
	s2 =	simm.s32 @!p0 $0x1C03  }
0x48: {  	[timem:s3], [sflag:s2] =	dma.local @!p0 [hbm:s0], s1  }
0x49: {  	s0 =	simm.s32 @!p0 $0x3  }
0x4a: {  	_ =	swait.ge @!p0 [sflag:s0], s1  }
0x4b: {  	s1 =	ssub.s32 @!p0 $0x0, s1;
	[sflag:s0] =	ssyncset.done @!p0 $0x0  }
0x4c: {  	[sflag:s0] =	ssyncadd.s32 @!p0 s1  }
0x4d: {  	[bflag:$0x3] =	sbarrier.arrive $0xFFFF  }
0x4e: {  	_ =	shalt  }

// kernel: kernel.18.cloned.1.call-start
scs
__scs_entry_jumppad:
0x0: {  	(pc) =	sbr.rel $0x88, $3  }
0x1: {  	(tag) =	ssettag $0x0;
	lr =	simm.s32 $0x1  }
0x2: {  	[smem:$0x3F90] =	sst lr;
	_ =	strace $0xD0000000  }
0x3: {  	_ = 	snop  }
0x4: {  	_ = 	snop  }
0x5: {  	_ = 	snop  }
0x6: {  	_ = 	snop  }
0x7: {  	_ = 	snop  }
__scs_overlays_trampoline_lowered:
0x8: {  	[smem:$0x3F9F] =	sst s0  }
0x9: {  	[smem:$0x3FA0] =	sst s1  }
0xa: {  	[smem:$0x3FA1] =	sst s2  }
0xb: {  	[smem:$0x3FA2] =	sst s3  }
0xc: {  	[smem:$0x3FA3] =	sst s4  }
0xd: {  	[smem:$0x3FA4] =	sst s5  }
0xe: {  	[smem:$0x3FA5] =	sst s6  }
0xf: {  	[smem:$0x3FA6] =	sst s7  }
0x10: {  	[smem:$0x3FA7] =	sst s8  }
0x11: {  	[smem:$0x3FA8] =	sst s9;
	s0 =	simm.s32 @!p0 $0x0  }
0x12: {  	s1 =	sld [smem:$0x3F8E];
	s0 =	simm.s32 @p0 $0x1  }
0x13: {  	[smem:$0x3FA9] =	sst s0;
	s0 =	simm.s32 @!p1 $0x0  }
0x14: {  	s2 =	sld [smem:$0x3F8D];
	s0 =	simm.s32 @p1 $0x1  }
0x15: {  	[smem:$0x3FAA] =	sst s0;
	s0 =	simm.s32 @!p2 $0x0  }
0x16: {  	s3 =	sld [smem:$0x3FDB];
	s0 =	simm.s32 @p2 $0x1  }
0x17: {  	s4 =	simm.s32 $0x1BF5;
	[smem:$0x3FAC] =	sst s0  }
0x18: {  	s0 =	sld [smem:$0x3F8F];
	_ =	swait.ge [sflag:s4], $0x0  }
0x19: {  	s7 =	sld [smem:$0x3F90]  }
0x1a: {  	s8 =	sadd.s32 $0xFFFFE003, lr  }
0x1b: {  	s9 =	sadd.s32 $0xFFFFFEF7, lr;
	s5 =	simm.s32 $0xFFFFFFFF;
	p2 =	slt.u32 s8, $0xFFFFF086  }
0x1c: {  	p1 =	slt.u32 s9, $0xF7A;
	s5 =	simm.s32 @!p2 $0x0  }
0x1d: {  	s5 =	simm.s32 @p1 $0x1;
	p0 =	seq.s32 s7, s2  }
0x1e: {  	s7 =	smul.u32 @!p0 $0xF7A, s2;
	p2 =	seq.s32 @!p0 s5, $0x0  }
0x1f: {  	s9 =	smul.u32 $0xF7A, s1;
	s8 =	simm.s32 @!p0 $0x1BF5;
	p2 =	por !p2, p0  }
0x20: {  	[sflag:s8] =	ssyncset.s32 @!p0 $0xFFFFF086;
	s6 =	sadd.s32 @!p0 s3, s7;
	s7 =	simm.s32 @!p0 $0x108  }
0x21: {  	s3 =	sadd.s32 s3, s9;
	s6 =	sadd.s32 @!p0 $0x88, s6;
	s7 =	simm.s32 @p2 $0x1082  }
0x22: {  	[simem:s7], [sflag:s8] =	dma.local @!p0 [hbm:s6], $0xF7A  }
0x23: {  	s9 =	sor.u32 $0xD0000000, s2;
	s6 =	simm.s32 $0x108;
	_ =	swait.ge @!p0 [sflag:s8], $0x0  }
0x24: {  	s3 =	sadd.s32 $0x88, s3;
	s6 =	simm.s32 @!p1 $0x1082;
	[sflag:s4] =	ssyncset.s32 $0xFFFFF086  }
0x25: {  	[simem:s6], [sflag:s4] =	dma.local [hbm:s3], $0xF7A  }
0x26: {  	[smem:$0x3F90] =	sst s1;
	(tag) =	ssettag s2;
	_ =	strace s9  }
0x27: {  	s1 =	sld [smem:$0x3FA0]  }
0x28: {  	s2 =	sld [smem:$0x3FA1]  }
0x29: {  	s4 =	sld [smem:$0x3FA3]  }
0x2a: {  	p0 =	seq.s32 s5, $0x0;
	s5 =	sld [smem:$0x3FA4]  }
0x2b: {  	s6 =	sld [smem:$0x3FA5]  }
0x2c: {  	s7 =	sld [smem:$0x3FA6]  }
0x2d: {  	s3 =	simm.s32 $0x108;
	s8 =	sld [smem:$0x3FA7]  }
0x2e: {  	s3 =	simm.s32 @!p0 $0x1082;
	s9 =	sld [smem:$0x3FA8]  }
0x2f: {  	lr =	sadd.s32 s0, s3;
	s0 =	sld [smem:$0x3F9F]  }
0x30: {  	s3 =	sld [smem:$0x3FA2]  }
0x31: {  	[smem:$0x3FAB] =	sst s10  }
0x32: {  	s10 =	sld [smem:$0x3FA9];
	_ =	sdelay $0x3  }
0x33: {  	p0 =	seq.s32 s10, $0x1;
	s10 =	sld [smem:$0x3FAB];
	_ =	sdelay $0x3  }
0x34: {  	[smem:$0x3FAB] =	sst s10  }
0x35: {  	s10 =	sld [smem:$0x3FAA];
	_ =	sdelay $0x3  }
0x36: {  	p1 =	seq.s32 s10, $0x1;
	s10 =	sld [smem:$0x3FAB];
	_ =	sdelay $0x3  }
0x37: {  	[smem:$0x3FAB] =	sst s10  }
0x38: {  	s10 =	sld [smem:$0x3FAC]  }
0x39: {  	_ = 	snop;
	(pc) =	sbr.ind lr, $3  }
0x3a: {  	_ = 	snop  }
0x3b: {  	_ = 	snop  }
0x3c: {  	p2 =	seq.s32 s10, $0x1;
	s10 =	sld [smem:$0x3FAB]  }
0x3d: {  	_ =	shalt  }
0x3e: {  	_ =	shalt  }
0x3f: {  	_ =	shalt  }
0x40: {  	_ =	shalt  }
0x41: {  	_ =	shalt  }
0x42: {  	_ =	shalt  }
0x43: {  	_ =	shalt  }
0x44: {  	_ =	shalt  }
0x45: {  	_ =	shalt  }
0x46: {  	_ =	shalt  }
0x47: {  	_ =	shalt  }
0x48: {  	_ =	shalt  }
0x49: {  	_ =	shalt  }
0x4a: {  	_ =	shalt  }
0x4b: {  	_ =	shalt  }
0x4c: {  	_ =	shalt  }
0x4d: {  	_ =	shalt  }
0x4e: {  	_ =	shalt  }
0x4f: {  	_ =	shalt  }
0x50: {  	_ =	shalt  }
0x51: {  	_ =	shalt  }
0x52: {  	_ =	shalt  }
0x53: {  	_ =	shalt  }
0x54: {  	_ =	shalt  }
0x55: {  	_ =	shalt  }
0x56: {  	_ =	shalt  }
0x57: {  	_ =	shalt  }
0x58: {  	_ =	shalt  }
0x59: {  	_ =	shalt  }
0x5a: {  	_ =	shalt  }
0x5b: {  	_ =	shalt  }
0x5c: {  	_ =	shalt  }
0x5d: {  	_ =	shalt  }
0x5e: {  	_ =	shalt  }
0x5f: {  	_ =	shalt  }
0x60: {  	_ =	shalt  }
0x61: {  	_ =	shalt  }
0x62: {  	_ =	shalt  }
0x63: {  	_ =	shalt  }
0x64: {  	_ =	shalt  }
0x65: {  	_ =	shalt  }
0x66: {  	_ =	shalt  }
0x67: {  	_ =	shalt  }
0x68: {  	_ =	shalt  }
0x69: {  	_ =	shalt  }
0x6a: {  	_ =	shalt  }
0x6b: {  	_ =	shalt  }
0x6c: {  	_ =	shalt  }
0x6d: {  	_ =	shalt  }
0x6e: {  	_ =	shalt  }
0x6f: {  	_ =	shalt  }
0x70: {  	_ =	shalt  }
0x71: {  	_ =	shalt  }
0x72: {  	_ =	shalt  }
0x73: {  	_ =	shalt  }
0x74: {  	_ =	shalt  }
0x75: {  	_ =	shalt  }
0x76: {  	_ =	shalt  }
0x77: {  	_ =	shalt  }
0x78: {  	_ =	shalt  }
0x79: {  	_ =	shalt  }
0x7a: {  	_ =	shalt  }
0x7b: {  	_ =	shalt  }
0x7c: {  	_ =	shalt  }
0x7d: {  	_ =	shalt  }
0x7e: {  	_ =	shalt  }
0x7f: {  	_ =	shalt  }
0x80: {  	_ =	shalt  }
0x81: {  	_ =	shalt  }
0x82: {  	_ =	shalt  }
0x83: {  	_ =	shalt  }
0x84: {  	_ =	shalt  }
0x85: {  	_ =	shalt  }
0x86: {  	_ =	shalt  }
0x87: {  	_ =	shalt  }
.Lfunc_end0:
.L_simem_size_0:
called_computation.2_lowered:
.L_overlay_start_0:
0x88: {  	s2 =	sld [smem:$0x3FD9]  }
0x89: {  	s3 =	sld [smem:$0x3FFE];
	_ =	sdelay $0x1  }
0x8a: {  	s1 =	srdreg.scid  }
0x8b: {  	s0 =	sand.u32 $0x1, s1  }
0x8c: {  	s14 =	sshll.u32 s0, $0xA;
	s2 =	sadd.s32 s3, s2  }
0x8d: {  	s2 =	sadd.s32 s2, s14  }
0x8e: {  	[smem:$0x3FB7] =	sst s2  }
0x8f: {  	_ = 	snop  }
0x90: {  	s2 =	sld [smem:$0x3FD0];
	_ =	sdelay $0x2  }
0x91: {  	s15 =	simm.s32 $0xB;
	s4 =	simm.s32 $0x10  }
0x92: {  	[smem:s4], [sflag:s15] =	dma.local [hbm:s2], $0x1  }
0x93: {  	_ =	swait.eq [sflag:s15], $0x1  }
0x94: {  	[sflag:s15] =	ssyncset.done $0x0  }
0x95: {  	[sflag:s15] =	ssyncadd.s32 $0xFFFFFFFF  }
0x96: {  	s16 =	sld [smem:$0x11];
	(tm) =	ssettm $0x1  }
0x97: {  	s17 =	sld [smem:$0x3FFB];
	_ =	sdelay $0x3  }
0x98: {  	_ =	strace s17  }
0x99: {  	s3 =	sld [smem:$0x3FFC];
	_ =	sdelay $0x3  }
0x9a: {  	_ =	strace s3  }
0x9b: {  	s3 =	sld [smem:$0x3FFD];
	_ =	sdelay $0x3  }
0x9c: {  	_ =	strace s3  }
0x9d: {  	_ =	strace $0x8FFFFFFF  }
0x9e: {  	s18 =	sld [smem:$0x3FDB];
	_ =	sdelay $0x1  }
0x9f: {  	s19 =	simm.s32 $_scs_section_size  }
0xa0: {  	s5 =	simm.s32 $_size__tile_overlayer_lowered;
	s6 =	simm.s32 $_tile_overlayer_lowered  }
0xa1: {  	s22 =	simm.s32 $0x1BFF;
	s21 =	sshll.u32 s6, $0x1;
	s3 =	sadd.s32 s19, s18  }
0xa2: {  	s7 =	simm.s32 $0x0;
	s20 =	sshll.u32 s5, $0x1;
	s5 =	sadd.s32 s21, s3  }
0xa3: {  	[timem:s7], [sflag:s22] =	dma.local [hbm:s5], s20  }
0xa4: {  	_ =	swait.ge [sflag:s22], s20  }
0xa5: {  	s4 =	ssub.s32 $0x0, s20;
	[sflag:s22] =	ssyncset.done $0x0  }
0xa6: {  	[sflag:s22] =	ssyncadd.s32 s4;
	_ =	sdelay $0x1  }
0xa7: {  	s23 =	simm.s32 $0x1B8B  }
0xa8: {  	_ =	swait.ge [sflag:s23], $0x1  }
0xa9: {  	[sflag:s23] =	ssyncset.done $0x0  }
0xaa: {  	s25 =	simm.s32 $0x1B8E;
	s24 =	sld [smem:$0x3FFE];
	[sflag:s23] =	ssyncadd.s32 $0xFFFFFFFF  }
0xab: {  	s26 =	simm.s32 $execute0_lowered;
	[smem:$0x3FD2] =	sst s25  }
0xac: {  	s5 =	sshll.u32 s26, $0x1;
	_ =	strace $0x8000004C;
	[dreg:$0x1] =	wrdreg $0xFFFFFFFF  }
0xad: {  	s28 =	simm.s32 $_size_execute0_lowered;
	s3 =	sadd.s32 s3, s5;
	[dreg:$0x0] =	wrdreg $0x0  }
0xae: {  	s5 =	sshll.u32 s28, $0x1;
	[dreg:$0x2] =	wrdreg s3  }
0xaf: {  	[dreg:$0x3] =	wrdreg s5  }
0xb0: {  	[dreg:$0x4] =	wrdreg $0xC0  }
0xb1: {  	_ =	task [dreg:s7], $0x5FFFF  }
0xb2: {  	[dreg:$0x1] =	wrdreg $0xFFFFFFFF  }
0xb3: {  	[dreg:$0x0] =	wrdreg $0x60  }
0xb4: {  	[dreg:$0x2] =	wrdreg s24  }
0xb5: {  	[dreg:$0x3] =	wrdreg s16  }
0xb6: {  	[dreg:$0x4] =	wrdreg $0x0  }
0xb7: {  	[dreg:$0x5] =	wrdreg $0x9  }
0xb8: {  	_ =	task.clear_ibuf [dreg:s7], $0x6FFFF;
	_ =	strace $0x9000004C  }
0xb9: {  	s29 =	simm.s32 $0x9;
	_ =	strace $0x8000004E  }
0xba: {  	_ =	swait.ge [sflag:s29], $0x1  }
0xbb: {  	[sflag:s29] =	ssyncadd.s32 $0xFFFFFFFF  }
0xbc: {  	_ =	strace $0x9000004E  }
0xbd: {  	_ =	sfence  }
0xbe: {  	s30 =	sld [smem:$0x0];
	_ =	sdelay $0x2  }
0xbf: {  	s31 =	sshll.u32 s1, $0xD;
	s1 =	sshrl.u32 s1, $0x2  }
0xc0: {  	s3 =	sand.u32 $0x4000, s31;
	s1 =	sadd.s32 s1, s30  }
0xc1: {  	s0 =	sor.u32 s3, s0;
	s1 =	sshll.u32 s1, $0x11  }
0xc2: {  	s0 =	sor.u32 s1, s0  }
0xc3: {  	s0 =	sadd.s32 $0x8F2B, s0  }
0xc4: {  	[sflag:s0] =	ssyncadd.remote.s32 $0x1  }
0xc5: {  	_ =	sfence.sel $0xFFFF  }
0xc6: {  	[dreg:$0x0] =	wrdreg $0xFFFFFFFF;
	(pc) =	sbr.abs _section_cstart, $3  }
0xc7: {  	[dreg:$0x1] =	wrdreg $0xFFFFFFFF  }
0xc8: {  	_ =	task.clear_ibuf [dreg:s7], $0x2FFFF;
	_ =	strace $0x9FFFFFFF  }
0xc9: {  	(tm) =	ssettm $0x7FFFFFFF  }
tec
execute0_lowered:
.L_overlay_start_1:
0x0: {  	(tag) =	ssettag $0x1  }
0x1: {  	s0 =	rddreg [dreg:$0x0]  }
0x2: {  	s3 =	rddreg [dreg:$0x1]  }
0x3: {  	s1 =	rddreg [dreg:$0x2];
	s2 =	simm.s32 $0x0;
	s5 =	srdreg.scid  }
0x4: {  	s21 =	stileid.u32;
	s28 =	simm.s32 $0x2;
	s29 =	simm.s32 $0x17680  }
0x5: {  	s30 =	simm.s32 $0x0;
	[smem:$0x7FF] =	sst s2;
	s7 =	smul.u32 $0x2700, s21  }
0x6: {  	s4 =	sadd.s32 $0x54CA00, s0;
	s6 =	sshll.u32 s21, $0xB;
	s10 =	smul.u32 $0x4E000, s21  }
0x7: {  	s5 =	sand.u32 $0x1, s5;
	s12 =	smul.u32 $0x138800, s21;
	s13 =	sadd.s32 $0x124800, s1  }
0x8: {  	p0 =	seq.s32 s21, $0xF;
	_ =	strace $0x8000004D;
	s31 =	smul.u32 $0x1388000, s5  }
0x9: {  	s8 =	ssub.s32 $0x2, s5;
	s6 =	sadd.s32 s6, s0;
	s11 =	smul.u32 $0x138800, s5  }
0xa: {  	[dreg:$0x6] =	wrdreg s13;
	s13 =	smul.u32 $0x13800, s21;
	s5 =	sor.u32 $0x2, s5  }
0xb: {  	s21 =	simm.s32 $0x13880;
	s9 =	sshrl.u32 s8, $0x1;
	s7 =	sadd.s32 s7, s0  }
0xc: {  	s6 =	sadd.s32 $0x2D1A00, s6;
	s10 =	sshrl.u32 s10, $0x2;
	s8 =	ssub.s32 s8, s9  }
0xd: {  	[dreg:$0x4] =	wrdreg s6;
	s6 =	sadd.s32 s10, s1;
	s7 =	sadd.s32 $0x39800, s7  }
0xe: {  	s18 =	sadd.s32 s12, s31;
	s9 =	sadd.s32 $0x5E100, s0;
	s15 =	sadd.s32 s13, s11  }
0xf: {  	[dreg:$0x5] =	wrdreg s6;
	s14 =	sshrl.u32 s18, $0x3;
	s6 =	sshrl.u32 s11, $0x3  }
0x10: {  	s26 =	sadd.s32 $0x2712800, s18;
	s0 =	sadd.s32 s4, s14;
	s14 =	smul.u32 $0x1388000, s5  }
0x11: {  	s24 =	sadd.s32 $0x2800, s18;
	s31 =	sadd.s32 $0x2715000, s18;
	s5 =	smul.u32 $0x138800, s5  }
0x12: {  	s16 =	sadd.s32 s3, s6;
	[dreg:$0x7] =	wrdreg s0;
	s0 =	sshrl.u32 s15, $0x3  }
0x13: {  	s25 =	sshrl.u32 s24, $0x3;
	s24 =	simm.s32 $0x1;
	s11 =	sadd.s32 s3, s0  }
0x14: {  	s17 =	sadd.s32 s12, s14;
	s12 =	sadd.s32 $0x24900, s16;
	s20 =	sadd.s32 s13, s5  }
0x15: {  	s5 =	sshrl.u32 s5, $0x3;
	s16 =	smax.u32 s8, $0x1;
	s8 =	sadd.s32 $0x5000, s18  }
0x16: {  	s0 =	sshrl.u32 s26, $0x3;
	s26 =	simm.s32 $0x50;
	s19 =	sshrl.u32 s17, $0x3  }
0x17: {  	s22 =	sshrl.u32 s20, $0x3;
	s23 =	sadd.s32 s3, s5;
	s17 =	sadd.s32 s25, s4  }
0x18: {  	s25 =	simm.s32 $0x1A080;
	s13 =	sadd.s32 s4, s19;
	s14 =	sadd.s32 s3, s22  }
0x19: {  	s15 =	sadd.s32 $0x24900, s23;
	s3 =	sshrl.u32 s31, $0x3;
	s19 =	sadd.s32 s0, s4  }
0x1a: {  	s22 =	simm.s32 $0x3;
	s23 =	simm.s32 $0x17880;
	s20 =	sadd.s32 s3, s4  }
.LBB2_1:
0x1b: {  	s0 =	rddreg [dreg:$0x4]  }
0x1c: {  	[tilespmem:s21], [sflag:$0x3] =	stream.linear.gather [hbm4b:s0+s2], $0x3E80, $0x38;
	[tilespmem:$0x1C880] =	vst v63  }
0x1d: {  	_ =	swait.ge [sflag:s22], $0x3E80  }
0x1e: {  	[sflag:s22] =	ssyncset.done $0x0;
	s0 =	rddreg [dreg:$0x6]  }
0x1f: {  	[sflag:s22] =	ssyncadd.s32 $0xFFFFC180;
	s31 =	sshrl.u32 @p0 s0, $0x3;
	s0 =	simm.s32 @p0 $0x1FC3  }
0x20: {  	[spmem:s31], [sflag:s0] =	dma.local @p0 [hbm:s9], $0x2800  }
0x21: {  	s0 =	simm.s32 @p0 $0x3  }
0x22: {  	s3 =	stileid.u32;
	_ =	swait.ge @p0 [sflag:s0], $0x2800  }
0x23: {  	s3 =	sshll.u32 @!p0 s3, $0x6;
	[sflag:s0] =	ssyncset.done @p0 $0x0  }
0x24: {  	[sflag:s0] =	ssyncadd.s32 @p0 $0xFFFFD800;
	s0 =	sor.u32 @!p0 $0x1C03, s3;
	s3 =	rddreg [dreg:$0x5]  }
0x25: {  	s5 =	simm.s32 @!p0 $0x3;
	s3 =	sshrl.u32 @!p0 s3, $0x3  }
0x26: {  	[spmem:s3], [sflag:s0] =	dma.local @!p0 [hbm:s7], $0x2700  }
0x27: {  	_ =	swait.ge @!p0 [sflag:s5], $0x2700  }
0x28: {  	[sflag:s5] =	ssyncset.done @!p0 $0x0  }
0x29: {  	[sflag:s5] =	ssyncadd.s32 @!p0 $0xFFFFD900  }
0x2a: {  	[bflag:$0x0] =	sbarrier.arrive $0xFFFF  }
0x2b: {  	s18 =	rddreg [dreg:$0x7]  }
0x2c: {  	[tilespmem:s23], [sflag:$0x1] =	stream.linear.gather [hbm4b:s18+s2], $0x2800, $0x38;
	[tilespmem:$0x1C880] =	vst v63  }
0x2d: {  	_ =	swait.ge [sflag:s24], $0x2800  }
0x2e: {  	[sflag:s24] =	ssyncset.done $0x0  }
0x2f: {  	s6 =	sadd.s32 $0x0, s17;
	[sflag:s24] =	ssyncadd.s32 $0xFFFFD800  }
0x30: {  	[tilespmem:s25], [sflag:$0x2] =	stream.linear.gather [hbm4b:s6+s2], $0x2800, $0x38;
	[tilespmem:$0x1C880] =	vst v63  }
0x31: {  	_ = 	snop  }
0x32: {  	[spmem:s1] =	stream.indirect.scatter.add.f32 [tilespmem:s23], [sflag:$0x3], $0x80, s21, s26, $0xb8;
	[tilespmem:$0x1C880] =	vst v63  }
0x33: {  	_ =	swait.ge [sflag:s22], $0x2800  }
0x34: {  	[sflag:s22] =	ssyncset.done $0x0  }
0x35: {  	[sflag:s22] =	ssyncadd.s32 $0xFFFFD800  }
0x36: {  	_ =	swait.ge [sflag:s28], $0x2800  }
0x37: {  	s10 =	sshrl.u32 s8, $0x3;
	[sflag:s28] =	ssyncset.done $0x0  }
0x38: {  	s5 =	sadd.s32 s4, s10;
	[sflag:s28] =	ssyncadd.s32 $0xFFFFD800  }
0x39: {  	[tilespmem:s23], [sflag:$0x1] =	stream.linear.gather [hbm4b:s5+s2], $0x2800, $0x38;
	[tilespmem:$0x1C880] =	vst v63  }
0x3a: {  	s18 =	simm.s32 $0x13900  }
0x3b: {  	[spmem:s1] =	stream.indirect.scatter.add.f32 [tilespmem:s25], [sflag:$0x3], $0x80, s18, s26, $0xb8;
	[tilespmem:$0x1C880] =	vst v63  }
0x3c: {  	s6 =	simm.s32 $0x13880;
	_ =	swait.ge [sflag:s22], $0x2800  }
0x3d: {  	s5 =	simm.s32 $0xA00;
	s18 =	smov.u32 s8;
	[sflag:s22] =	ssyncset.done $0x0  }
.LBB2_2:
0x3e: {  	[sflag:s22] =	ssyncadd.s32 $0xFFFFD800;
	s6 =	sadd.s32 $0x100, s6;
	s18 =	sadd.s32 $0x5000, s18  }
0x3f: {  	p1 =	sne.s32 s5, $0x26200;
	s10 =	smov.u32 s5;
	s5 =	sadd.s32 $0xA00, s5  }
0x40: {  	_ =	swait.ge [sflag:s24], $0x2800  }
0x41: {  	[sflag:s24] =	ssyncset.done $0x0  }
0x42: {  	s10 =	sadd.s32 s10, s17;
	[sflag:s24] =	ssyncadd.s32 $0xFFFFD800  }
0x43: {  	[tilespmem:s25], [sflag:$0x2] =	stream.linear.gather [hbm4b:s10+s2], $0x2800, $0x38;
	[tilespmem:$0x1C880] =	vst v63  }
0x44: {  	_ = 	snop  }
0x45: {  	[spmem:s1] =	stream.indirect.scatter.add.f32 [tilespmem:s23], [sflag:$0x3], $0x80, s6, s26, $0xb8;
	[tilespmem:$0x1C880] =	vst v63  }
0x46: {  	_ =	swait.ge [sflag:s22], $0x2800  }
0x47: {  	[sflag:s22] =	ssyncset.done $0x0  }
0x48: {  	[sflag:s22] =	ssyncadd.s32 $0xFFFFD800  }
0x49: {  	_ =	swait.ge [sflag:s28], $0x2800  }
0x4a: {  	s10 =	sshrl.u32 s18, $0x3;
	[sflag:s28] =	ssyncset.done $0x0  }
0x4b: {  	s10 =	sadd.s32 s4, s10;
	[sflag:s28] =	ssyncadd.s32 $0xFFFFD800  }
0x4c: {  	[tilespmem:s23], [sflag:$0x1] =	stream.linear.gather [hbm4b:s10+s2], $0x2800, $0x38;
	[tilespmem:$0x1C880] =	vst v63  }
.Ltmp0:
0x4d: {  	_ = 	snop;
	(pc) =	sbr.rel @p1 .LBB2_2-.Ltmp0, $4  }
0x4e: {  	s10 =	sadd.s32 $0x80, s6  }
0x4f: {  	[spmem:s1] =	stream.indirect.scatter.add.f32 [tilespmem:s25], [sflag:$0x3], $0x80, s10, s26, $0xb8;
	[tilespmem:$0x1C880] =	vst v63  }
0x50: {  	_ =	swait.ge [sflag:s22], $0x2800  }
0x51: {  	[sflag:s22] =	ssyncset.done $0x0  }
0x52: {  	[sflag:s22] =	ssyncadd.s32 $0xFFFFD800  }
0x53: {  	_ =	swait.ge [sflag:s24], $0x2800  }
0x54: {  	[sflag:s24] =	ssyncset.done $0x0  }
0x55: {  	[sflag:s24] =	ssyncadd.s32 $0xFFFFD800  }
0x56: {  	[spmem:s1] =	stream.indirect.scatter.add.f32 [tilespmem:s23], [sflag:$0x3], $0x80, s29, s26, $0xb8;
	[tilespmem:$0x1C880] =	vst v63  }
0x57: {  	_ =	swait.ge [sflag:s22], $0x2800  }
0x58: {  	[sflag:s22] =	ssyncset.done $0x0  }
0x59: {  	[sflag:s22] =	ssyncadd.s32 $0xFFFFD800  }
0x5a: {  	s5 =	simm.s32 @p0 $0x1FC3;
	s6 =	simm.s32 @p0 $0x3;
	[bflag:$0x0] =	sbarrier.arrive $0xFFFF  }
0x5b: {  	[hbm:s12], [sflag:s5] =	dma.local @p0 [spmem:s31], $0x2800  }
0x5c: {  	_ =	swait.ge @p0 [sflag:s6], $0x2800  }
0x5d: {  	[sflag:s6] =	ssyncset.done @p0 $0x0  }
0x5e: {  	[sflag:s6] =	ssyncadd.s32 @p0 $0xFFFFD800  }
0x5f: {  	[bflag:$0x0] =	sbarrier.arrive @p0 $0xFFFF  }
0x60: {  	[spmem:s31], [sflag:s5] =	dma.local @p0 [hbm:s9], $0x2800  }
0x61: {  	_ =	swait.ge @p0 [sflag:s6], $0x2800  }
0x62: {  	[sflag:s6] =	ssyncset.done @p0 $0x0  }
0x63: {  	s5 =	simm.s32 @!p0 $0x3;
	[sflag:s6] =	ssyncadd.s32 @p0 $0xFFFFD800  }
0x64: {  	[hbm:s11], [sflag:s0] =	dma.local @!p0 [spmem:s3], $0x2700  }
0x65: {  	_ =	swait.ge @!p0 [sflag:s5], $0x2700  }
0x66: {  	[sflag:s5] =	ssyncset.done @!p0 $0x0  }
0x67: {  	[sflag:s5] =	ssyncadd.s32 @!p0 $0xFFFFD900  }
0x68: {  	[bflag:$0x0] =	sbarrier.arrive @!p0 $0xFFFF  }
0x69: {  	[spmem:s3], [sflag:s0] =	dma.local @!p0 [hbm:s7], $0x2700  }
0x6a: {  	_ =	swait.ge @!p0 [sflag:s5], $0x2700  }
0x6b: {  	[sflag:s5] =	ssyncset.done @!p0 $0x0  }
0x6c: {  	[sflag:s5] =	ssyncadd.s32 @!p0 $0xFFFFD900  }
0x6d: {  	s18 =	simm.s32 $0x0;
	[bflag:$0x0] =	sbarrier.arrive $0xFFFF  }
0x6e: {  	[tilespmem:s23], [sflag:$0x1] =	stream.linear.gather [hbm4b:s13+s18], $0x2800, $0x38;
	[tilespmem:$0x1C880] =	vst v63  }
0x6f: {  	_ =	swait.ge [sflag:s24], $0x2800  }
0x70: {  	[sflag:s24] =	ssyncset.done $0x0  }
0x71: {  	s6 =	sadd.s32 $0x0, s19;
	[sflag:s24] =	ssyncadd.s32 $0xFFFFD800  }
0x72: {  	[tilespmem:s25], [sflag:$0x2] =	stream.linear.gather [hbm4b:s6+s2], $0x2800, $0x38;
	[tilespmem:$0x1C880] =	vst v63  }
0x73: {  	s5 =	simm.s32 $0x13880  }
0x74: {  	[spmem:s1] =	stream.indirect.scatter.add.f32 [tilespmem:s23], [sflag:$0x3], $0x80, s5, s26, $0xb8;
	[tilespmem:$0x1C880] =	vst v63  }
0x75: {  	_ =	swait.ge [sflag:s22], $0x2800  }
0x76: {  	[sflag:s22] =	ssyncset.done $0x0  }
0x77: {  	[sflag:s22] =	ssyncadd.s32 $0xFFFFD800  }
0x78: {  	_ =	swait.ge [sflag:s28], $0x2800  }
0x79: {  	[sflag:s28] =	ssyncset.done $0x0  }
0x7a: {  	s10 =	sadd.s32 $0x0, s20;
	[sflag:s28] =	ssyncadd.s32 $0xFFFFD800  }
0x7b: {  	[tilespmem:s23], [sflag:$0x1] =	stream.linear.gather [hbm4b:s10+s2], $0x2800, $0x38;
	[tilespmem:$0x1C880] =	vst v63  }
0x7c: {  	s18 =	simm.s32 $0x13900  }
0x7d: {  	[spmem:s1] =	stream.indirect.scatter.add.f32 [tilespmem:s25], [sflag:$0x3], $0x80, s18, s26, $0xb8;
	[tilespmem:$0x1C880] =	vst v63  }
0x7e: {  	_ =	swait.ge [sflag:s22], $0x2800  }
0x7f: {  	s6 =	simm.s32 $0xA00;
	[sflag:s22] =	ssyncset.done $0x0  }
.LBB2_4:
0x80: {  	p1 =	sne.s32 s6, $0x26200;
	[sflag:s22] =	ssyncadd.s32 $0xFFFFD800;
	s5 =	sadd.s32 $0x100, s5  }
0x81: {  	s10 =	smov.u32 s6;
	s6 =	sadd.s32 $0xA00, s6  }
0x82: {  	_ =	swait.ge [sflag:s24], $0x2800  }
0x83: {  	[sflag:s24] =	ssyncset.done $0x0  }
0x84: {  	s18 =	sadd.s32 s10, s19;
	[sflag:s24] =	ssyncadd.s32 $0xFFFFD800  }
0x85: {  	[tilespmem:s25], [sflag:$0x2] =	stream.linear.gather [hbm4b:s18+s2], $0x2800, $0x38;
	[tilespmem:$0x1C880] =	vst v63  }
0x86: {  	_ = 	snop  }
0x87: {  	[spmem:s1] =	stream.indirect.scatter.add.f32 [tilespmem:s23], [sflag:$0x3], $0x80, s5, s26, $0xb8;
	[tilespmem:$0x1C880] =	vst v63  }
0x88: {  	_ =	swait.ge [sflag:s22], $0x2800  }
0x89: {  	[sflag:s22] =	ssyncset.done $0x0  }
0x8a: {  	[sflag:s22] =	ssyncadd.s32 $0xFFFFD800  }
0x8b: {  	_ =	swait.ge [sflag:s28], $0x2800  }
0x8c: {  	[sflag:s28] =	ssyncset.done $0x0  }
0x8d: {  	s10 =	sadd.s32 s10, s20;
	[sflag:s28] =	ssyncadd.s32 $0xFFFFD800  }
0x8e: {  	[tilespmem:s23], [sflag:$0x1] =	stream.linear.gather [hbm4b:s10+s2], $0x2800, $0x38;
	[tilespmem:$0x1C880] =	vst v63  }
.Ltmp1:
0x8f: {  	_ = 	snop;
	(pc) =	sbr.rel @p1 .LBB2_4-.Ltmp1, $4  }
0x90: {  	s10 =	sadd.s32 $0x80, s5  }
0x91: {  	[spmem:s1] =	stream.indirect.scatter.add.f32 [tilespmem:s25], [sflag:$0x3], $0x80, s10, s26, $0xb8;
	[tilespmem:$0x1C880] =	vst v63  }
0x92: {  	_ =	swait.ge [sflag:s22], $0x2800  }
0x93: {  	[sflag:s22] =	ssyncset.done $0x0  }
0x94: {  	[sflag:s22] =	ssyncadd.s32 $0xFFFFD800  }
0x95: {  	_ =	swait.ge [sflag:s24], $0x2800  }
0x96: {  	[sflag:s24] =	ssyncset.done $0x0  }
0x97: {  	[sflag:s24] =	ssyncadd.s32 $0xFFFFD800  }
0x98: {  	[spmem:s1] =	stream.indirect.scatter.add.f32 [tilespmem:s23], [sflag:$0x3], $0x80, s29, s26, $0xb8;
	[tilespmem:$0x1C880] =	vst v63  }
0x99: {  	_ =	swait.ge [sflag:s22], $0x2800  }
0x9a: {  	[sflag:s22] =	ssyncset.done $0x0  }
0x9b: {  	[sflag:s22] =	ssyncadd.s32 $0xFFFFD800  }
0x9c: {  	s5 =	simm.s32 @p0 $0x1FC3;
	[bflag:$0x0] =	sbarrier.arrive $0xFFFF  }
0x9d: {  	[hbm:s15], [sflag:s5] =	dma.local @p0 [spmem:s31], $0x2800  }
0x9e: {  	s5 =	simm.s32 @p0 $0x3  }
0x9f: {  	_ =	swait.ge @p0 [sflag:s5], $0x2800  }
0xa0: {  	[sflag:s5] =	ssyncset.done @p0 $0x0  }
0xa1: {  	s30 =	sadd.s32 $0x1, s30;
	[sflag:s5] =	ssyncadd.s32 @p0 $0xFFFFD800  }
0xa2: {  	[hbm:s14], [sflag:s0] =	dma.local @!p0 [spmem:s3], $0x2700  }
0xa3: {  	p1 =	sne.s32 s30, s16;
	s0 =	simm.s32 @!p0 $0x3  }
.Ltmp2:
0xa4: {  	_ =	swait.ge @!p0 [sflag:s0], $0x2700;
	(pc) =	sbr.rel @p1 .LBB2_1-.Ltmp2, $3  }
0xa5: {  	[sflag:s0] =	ssyncset.done @!p0 $0x0  }
0xa6: {  	[sflag:s0] =	ssyncadd.s32 @!p0 $0xFFFFD900  }
0xa7: {  	[bflag:$0x0] =	sbarrier.arrive $0xFFFF;
	_ =	sdelay $0x1  }
0xa8: {  	_ =	sfence.sel $0x180000  }
0xa9: {  	[bflag:$0x0] =	sbarrier.arrive $0xFFFF  }
0xaa: {  	_ =	strace $0x9000004D  }
0xab: {  	s0 =	stileid.u32;
	[bflag:$0x2] =	sbarrier.arrive $0xFFFF  }
0xac: {  	p0 =	sne.s32 s0, $0x0;
	s0 =	rddreg [dreg:$0x3]  }
0xad: {  	s0 =	sadd.s32 @!p0 $0x100000, s0  }
0xae: {  	[sflag:s0] =	ssyncadd.tile.s32 @!p0 $0x1;
	_ =	shalt  }
.Lfunc_end2:
_tile_overlayer_lowered:
.L_overlay_start_2:
0xaf: {  	(tag) =	ssettag $0x2  }
0xb0: {  	s0 =	rddreg [dreg:$0x0];
	s2 =	stileid.u32  }
0xb1: {  	s1 =	rddreg [dreg:$0x1];
	p0 =	sne.s32 s2, $0x0  }
0xb2: {  	s3 =	rddreg [dreg:$0x2];
	[bflag:$0x3] =	sbarrier.arrive $0xFFFF;
	s2 =	simm.s32 @!p0 $0x1C03  }
0xb3: {  	[timem:s3], [sflag:s2] =	dma.local @!p0 [hbm:s0], s1  }
0xb4: {  	s0 =	simm.s32 @!p0 $0x3  }
0xb5: {  	_ =	swait.ge @!p0 [sflag:s0], s1  }
0xb6: {  	s1 =	ssub.s32 @!p0 $0x0, s1;
	[sflag:s0] =	ssyncset.done @!p0 $0x0  }
0xb7: {  	[sflag:s0] =	ssyncadd.s32 @!p0 s1  }
0xb8: {  	[bflag:$0x3] =	sbarrier.arrive $0xFFFF  }
0xb9: {  	_ =	shalt  }

// kernel: kernel.21.cloned.1.call-start
scs
__scs_entry_jumppad:
0x0: {  	(pc) =	sbr.rel $0x88, $3  }
0x1: {  	(tag) =	ssettag $0x0;
	lr =	simm.s32 $0x1  }
0x2: {  	[smem:$0x3F90] =	sst lr;
	_ =	strace $0xD0000000  }
0x3: {  	_ = 	snop  }
0x4: {  	_ = 	snop  }
0x5: {  	_ = 	snop  }
0x6: {  	_ = 	snop  }
0x7: {  	_ = 	snop  }
__scs_overlays_trampoline_lowered:
0x8: {  	[smem:$0x3F9F] =	sst s0  }
0x9: {  	[smem:$0x3FA0] =	sst s1  }
0xa: {  	[smem:$0x3FA1] =	sst s2  }
0xb: {  	[smem:$0x3FA2] =	sst s3  }
0xc: {  	[smem:$0x3FA3] =	sst s4  }
0xd: {  	[smem:$0x3FA4] =	sst s5  }
0xe: {  	[smem:$0x3FA5] =	sst s6  }
0xf: {  	[smem:$0x3FA6] =	sst s7  }
0x10: {  	[smem:$0x3FA7] =	sst s8  }
0x11: {  	[smem:$0x3FA8] =	sst s9;
	s0 =	simm.s32 @!p0 $0x0  }
0x12: {  	s1 =	sld [smem:$0x3F8E];
	s0 =	simm.s32 @p0 $0x1  }
0x13: {  	[smem:$0x3FA9] =	sst s0;
	s0 =	simm.s32 @!p1 $0x0  }
0x14: {  	s2 =	sld [smem:$0x3F8D];
	s0 =	simm.s32 @p1 $0x1  }
0x15: {  	[smem:$0x3FAA] =	sst s0;
	s0 =	simm.s32 @!p2 $0x0  }
0x16: {  	s3 =	sld [smem:$0x3FDB];
	s0 =	simm.s32 @p2 $0x1  }
0x17: {  	s4 =	simm.s32 $0x1BF5;
	[smem:$0x3FAC] =	sst s0  }
0x18: {  	s0 =	sld [smem:$0x3F8F];
	_ =	swait.ge [sflag:s4], $0x0  }
0x19: {  	s7 =	sld [smem:$0x3F90]  }
0x1a: {  	s8 =	sadd.s32 $0xFFFFE003, lr  }
0x1b: {  	s9 =	sadd.s32 $0xFFFFFEF7, lr;
	s5 =	simm.s32 $0xFFFFFFFF;
	p2 =	slt.u32 s8, $0xFFFFF086  }
0x1c: {  	p1 =	slt.u32 s9, $0xF7A;
	s5 =	simm.s32 @!p2 $0x0  }
0x1d: {  	s5 =	simm.s32 @p1 $0x1;
	p0 =	seq.s32 s7, s2  }
0x1e: {  	s7 =	smul.u32 @!p0 $0xF7A, s2;
	p2 =	seq.s32 @!p0 s5, $0x0  }
0x1f: {  	s9 =	smul.u32 $0xF7A, s1;
	s8 =	simm.s32 @!p0 $0x1BF5;
	p2 =	por !p2, p0  }
0x20: {  	[sflag:s8] =	ssyncset.s32 @!p0 $0xFFFFF086;
	s6 =	sadd.s32 @!p0 s3, s7;
	s7 =	simm.s32 @!p0 $0x108  }
0x21: {  	s3 =	sadd.s32 s3, s9;
	s6 =	sadd.s32 @!p0 $0x88, s6;
	s7 =	simm.s32 @p2 $0x1082  }
0x22: {  	[simem:s7], [sflag:s8] =	dma.local @!p0 [hbm:s6], $0xF7A  }
0x23: {  	s9 =	sor.u32 $0xD0000000, s2;
	s6 =	simm.s32 $0x108;
	_ =	swait.ge @!p0 [sflag:s8], $0x0  }
0x24: {  	s3 =	sadd.s32 $0x88, s3;
	s6 =	simm.s32 @!p1 $0x1082;
	[sflag:s4] =	ssyncset.s32 $0xFFFFF086  }
0x25: {  	[simem:s6], [sflag:s4] =	dma.local [hbm:s3], $0xF7A  }
0x26: {  	[smem:$0x3F90] =	sst s1;
	(tag) =	ssettag s2;
	_ =	strace s9  }
0x27: {  	s1 =	sld [smem:$0x3FA0]  }
0x28: {  	s2 =	sld [smem:$0x3FA1]  }
0x29: {  	s4 =	sld [smem:$0x3FA3]  }
0x2a: {  	p0 =	seq.s32 s5, $0x0;
	s5 =	sld [smem:$0x3FA4]  }
0x2b: {  	s6 =	sld [smem:$0x3FA5]  }
0x2c: {  	s7 =	sld [smem:$0x3FA6]  }
0x2d: {  	s3 =	simm.s32 $0x108;
	s8 =	sld [smem:$0x3FA7]  }
0x2e: {  	s3 =	simm.s32 @!p0 $0x1082;
	s9 =	sld [smem:$0x3FA8]  }
0x2f: {  	lr =	sadd.s32 s0, s3;
	s0 =	sld [smem:$0x3F9F]  }
0x30: {  	s3 =	sld [smem:$0x3FA2]  }
0x31: {  	[smem:$0x3FAB] =	sst s10  }
0x32: {  	s10 =	sld [smem:$0x3FA9];
	_ =	sdelay $0x3  }
0x33: {  	p0 =	seq.s32 s10, $0x1;
	s10 =	sld [smem:$0x3FAB];
	_ =	sdelay $0x3  }
0x34: {  	[smem:$0x3FAB] =	sst s10  }
0x35: {  	s10 =	sld [smem:$0x3FAA];
	_ =	sdelay $0x3  }
0x36: {  	p1 =	seq.s32 s10, $0x1;
	s10 =	sld [smem:$0x3FAB];
	_ =	sdelay $0x3  }
0x37: {  	[smem:$0x3FAB] =	sst s10  }
0x38: {  	s10 =	sld [smem:$0x3FAC]  }
0x39: {  	_ = 	snop;
	(pc) =	sbr.ind lr, $3  }
0x3a: {  	_ = 	snop  }
0x3b: {  	_ = 	snop  }
0x3c: {  	p2 =	seq.s32 s10, $0x1;
	s10 =	sld [smem:$0x3FAB]  }
0x3d: {  	_ =	shalt  }
0x3e: {  	_ =	shalt  }
0x3f: {  	_ =	shalt  }
0x40: {  	_ =	shalt  }
0x41: {  	_ =	shalt  }
0x42: {  	_ =	shalt  }
0x43: {  	_ =	shalt  }
0x44: {  	_ =	shalt  }
0x45: {  	_ =	shalt  }
0x46: {  	_ =	shalt  }
0x47: {  	_ =	shalt  }
0x48: {  	_ =	shalt  }
0x49: {  	_ =	shalt  }
0x4a: {  	_ =	shalt  }
0x4b: {  	_ =	shalt  }
0x4c: {  	_ =	shalt  }
0x4d: {  	_ =	shalt  }
0x4e: {  	_ =	shalt  }
0x4f: {  	_ =	shalt  }
0x50: {  	_ =	shalt  }
0x51: {  	_ =	shalt  }
0x52: {  	_ =	shalt  }
0x53: {  	_ =	shalt  }
0x54: {  	_ =	shalt  }
0x55: {  	_ =	shalt  }
0x56: {  	_ =	shalt  }
0x57: {  	_ =	shalt  }
0x58: {  	_ =	shalt  }
0x59: {  	_ =	shalt  }
0x5a: {  	_ =	shalt  }
0x5b: {  	_ =	shalt  }
0x5c: {  	_ =	shalt  }
0x5d: {  	_ =	shalt  }
0x5e: {  	_ =	shalt  }
0x5f: {  	_ =	shalt  }
0x60: {  	_ =	shalt  }
0x61: {  	_ =	shalt  }
0x62: {  	_ =	shalt  }
0x63: {  	_ =	shalt  }
0x64: {  	_ =	shalt  }
0x65: {  	_ =	shalt  }
0x66: {  	_ =	shalt  }
0x67: {  	_ =	shalt  }
0x68: {  	_ =	shalt  }
0x69: {  	_ =	shalt  }
0x6a: {  	_ =	shalt  }
0x6b: {  	_ =	shalt  }
0x6c: {  	_ =	shalt  }
0x6d: {  	_ =	shalt  }
0x6e: {  	_ =	shalt  }
0x6f: {  	_ =	shalt  }
0x70: {  	_ =	shalt  }
0x71: {  	_ =	shalt  }
0x72: {  	_ =	shalt  }
0x73: {  	_ =	shalt  }
0x74: {  	_ =	shalt  }
0x75: {  	_ =	shalt  }
0x76: {  	_ =	shalt  }
0x77: {  	_ =	shalt  }
0x78: {  	_ =	shalt  }
0x79: {  	_ =	shalt  }
0x7a: {  	_ =	shalt  }
0x7b: {  	_ =	shalt  }
0x7c: {  	_ =	shalt  }
0x7d: {  	_ =	shalt  }
0x7e: {  	_ =	shalt  }
0x7f: {  	_ =	shalt  }
0x80: {  	_ =	shalt  }
0x81: {  	_ =	shalt  }
0x82: {  	_ =	shalt  }
0x83: {  	_ =	shalt  }
0x84: {  	_ =	shalt  }
0x85: {  	_ =	shalt  }
0x86: {  	_ =	shalt  }
0x87: {  	_ =	shalt  }
.Lfunc_end0:
.L_simem_size_0:
called_computation.3_lowered:
.L_overlay_start_0:
0x88: {  	s2 =	sld [smem:$0x3FD9]  }
0x89: {  	s3 =	sld [smem:$0x3FFE];
	_ =	sdelay $0x1  }
0x8a: {  	s1 =	srdreg.scid  }
0x8b: {  	s0 =	sand.u32 $0x1, s1  }
0x8c: {  	s16 =	sshll.u32 s0, $0xA;
	s2 =	sadd.s32 s3, s2  }
0x8d: {  	s2 =	sadd.s32 s2, s16  }
0x8e: {  	[smem:$0x3FB7] =	sst s2  }
0x8f: {  	_ = 	snop  }
0x90: {  	(tm) =	ssettm $0x1  }
0x91: {  	s17 =	sld [smem:$0x3FFB];
	_ =	sdelay $0x3  }
0x92: {  	_ =	strace s17  }
0x93: {  	s2 =	sld [smem:$0x3FFC];
	_ =	sdelay $0x3  }
0x94: {  	_ =	strace s2  }
0x95: {  	s2 =	sld [smem:$0x3FFD];
	_ =	sdelay $0x3  }
0x96: {  	_ =	strace s2  }
0x97: {  	_ =	strace $0x8FFFFFFF  }
0x98: {  	s18 =	sld [smem:$0x3FDB];
	_ =	sdelay $0x1  }
0x99: {  	s19 =	simm.s32 $_scs_section_size  }
0x9a: {  	s4 =	simm.s32 $_size__tile_overlayer_lowered;
	s5 =	simm.s32 $_tile_overlayer_lowered  }
0x9b: {  	s22 =	simm.s32 $0x1BFF;
	s21 =	sshll.u32 s5, $0x1;
	s2 =	sadd.s32 s19, s18  }
0x9c: {  	s6 =	simm.s32 $0x0;
	s20 =	sshll.u32 s4, $0x1;
	s4 =	sadd.s32 s21, s2  }
0x9d: {  	[timem:s6], [sflag:s22] =	dma.local [hbm:s4], s20  }
0x9e: {  	_ =	swait.ge [sflag:s22], s20  }
0x9f: {  	s3 =	ssub.s32 $0x0, s20;
	[sflag:s22] =	ssyncset.done $0x0  }
0xa0: {  	[sflag:s22] =	ssyncadd.s32 s3;
	_ =	sdelay $0x1  }
0xa1: {  	s23 =	simm.s32 $0x1B8B  }
0xa2: {  	_ =	swait.ge [sflag:s23], $0x1  }
0xa3: {  	[sflag:s23] =	ssyncset.done $0x0  }
0xa4: {  	s25 =	simm.s32 $0x1B8E;
	s24 =	sld [smem:$0x3FFE];
	[sflag:s23] =	ssyncadd.s32 $0xFFFFFFFF  }
0xa5: {  	s26 =	simm.s32 $execute0_lowered;
	[smem:$0x3FD2] =	sst s25  }
0xa6: {  	s4 =	sshll.u32 s26, $0x1;
	_ =	strace $0x8000004F;
	[dreg:$0x1] =	wrdreg $0xFFFFFFFF  }
0xa7: {  	s28 =	simm.s32 $_size_execute0_lowered;
	s2 =	sadd.s32 s2, s4;
	[dreg:$0x0] =	wrdreg $0x0  }
0xa8: {  	s4 =	sshll.u32 s28, $0x1;
	[dreg:$0x2] =	wrdreg s2  }
0xa9: {  	[dreg:$0x3] =	wrdreg s4  }
0xaa: {  	[dreg:$0x4] =	wrdreg $0xC0  }
0xab: {  	_ =	task [dreg:s6], $0x5FFFF  }
0xac: {  	[dreg:$0x1] =	wrdreg $0xFFFFFFFF  }
0xad: {  	[dreg:$0x0] =	wrdreg $0x60  }
0xae: {  	[dreg:$0x2] =	wrdreg s24  }
0xaf: {  	[dreg:$0x3] =	wrdreg $0x9  }
0xb0: {  	_ =	task.clear_ibuf [dreg:s6], $0x4FFFF;
	_ =	strace $0x9000004F  }
0xb1: {  	s29 =	simm.s32 $0x9;
	_ =	strace $0x80000051  }
0xb2: {  	_ =	swait.ge [sflag:s29], $0x1  }
0xb3: {  	[sflag:s29] =	ssyncadd.s32 $0xFFFFFFFF  }
0xb4: {  	_ =	strace $0x90000051  }
0xb5: {  	_ =	sfence  }
0xb6: {  	s30 =	sld [smem:$0x0];
	_ =	sdelay $0x2  }
0xb7: {  	s31 =	sshll.u32 s1, $0xD;
	s1 =	sshrl.u32 s1, $0x2  }
0xb8: {  	s3 =	sand.u32 $0x4000, s31;
	s1 =	sadd.s32 s1, s30  }
0xb9: {  	s0 =	sor.u32 s3, s0;
	s1 =	sshll.u32 s1, $0x11  }
0xba: {  	s0 =	sor.u32 s1, s0  }
0xbb: {  	s0 =	sadd.s32 $0x8F2B, s0  }
0xbc: {  	[sflag:s0] =	ssyncadd.remote.s32 $0x1  }
0xbd: {  	_ =	sfence.sel $0xFFFF  }
0xbe: {  	[dreg:$0x0] =	wrdreg $0xFFFFFFFF;
	(pc) =	sbr.abs _section_cstart, $3  }
0xbf: {  	[dreg:$0x1] =	wrdreg $0xFFFFFFFF  }
0xc0: {  	_ =	task.clear_ibuf [dreg:s6], $0x2FFFF;
	_ =	strace $0x9FFFFFFF  }
0xc1: {  	(tm) =	ssettm $0x7FFFFFFF  }
tec
execute0_lowered:
.L_overlay_start_1:
0x0: {  	(tag) =	ssettag $0x1  }
0x1: {  	s1 =	srdreg.scid;
	s0 =	stileid.u32  }
0x2: {  	s4 =	rddreg [dreg:$0x0];
	s2 =	simm.s32 $0x0;
	s12 =	simm.s32 $0x7800  }
0x3: {  	s13 =	simm.s32 $0x2;
	s14 =	simm.s32 $0x0;
	s5 =	sand.u32 $0x1, s1  }
0x4: {  	s3 =	sshll.u32 s0, $0x1;
	[smem:$0x7FF] =	sst s2;
	s10 =	smul.u32 $0x27100, s0  }
0x5: {  	s8 =	sadd.s32 $0x54CA00, s4;
	s6 =	sor.u32 s5, s3;
	s11 =	smul.u32 $0x13880, s5  }
0x6: {  	s1 =	rddreg [dreg:$0x1];
	_ =	strace $0x80000050;
	s7 =	smul.u32 $0x1388, s6  }
0x7: {  	s3 =	sadd.s32 $0x60A00, s4;
	s30 =	ssub.s32 $0x2, s5;
	s6 =	smul.u32 $0x9C400, s6  }
0x8: {  	s9 =	sshrl.u32 s30, $0x1;
	s31 =	sadd.s32 s10, s8;
	s10 =	simm.s32 $0x1  }
0x9: {  	s9 =	ssub.s32 s30, s9;
	s7 =	sshrl.u32 s7, $0x3;
	s6 =	sshrl.u32 s6, $0x3  }
0xa: {  	s7 =	sadd.s32 s7, s4;
	s6 =	sadd.s32 s8, s6;
	s8 =	simm.s32 $0x3  }
0xb: {  	s4 =	sadd.s32 $0xBE00, s7;
	s5 =	sadd.s32 $0x12C00, s6;
	s6 =	smax.u32 s9, $0x1  }
0xc: {  	s7 =	sadd.s32 s11, s31;
	s9 =	simm.s32 $0x1400;
	s11 =	simm.s32 $0xC8  }
.LBB2_1:
0xd: {  	[tilespmem:s2], [sflag:$0x3] =	stream.linear.gather [hbm4b:s4+s2], $0x1388, $0x38;
	[tilespmem:$0xDC00] =	vst v63  }
0xe: {  	_ =	swait.ge [sflag:s8], $0x1388  }
0xf: {  	[sflag:s8] =	ssyncset.done $0x0  }
0x10: {  	[sflag:s8] =	ssyncadd.s32 $0xFFFFEC78  }
0x11: {  	[tilespmem:s9], [sflag:$0x1] =	stream.indirect.gather [hbm4b:s3+s11], $0x80, s2, s11, $0xb8;
	[tilespmem:$0xDC00] =	vst v63  }
0x12: {  	_ =	swait.ge [sflag:s10], $0x6400  }
0x13: {  	[sflag:s10] =	ssyncset.done $0x0  }
0x14: {  	[sflag:s10] =	ssyncadd.s32 $0xFFFF9C00  }
0x15: {  	[tilespmem:s12], [sflag:$0x2] =	stream.indirect.gather [hbm4b:s3+s11], $0x80, s11, s11, $0xb8;
	[tilespmem:$0xDC00] =	vst v63  }
0x16: {  	s15 =	sadd.s32 $0x0, s7  }
0x17: {  	[hbm4b:s15+s2] =	stream.linear.scatter [tilespmem:s9], [sflag:$0x3], $0x6400, $0x38;
	[tilespmem:$0xDC00] =	vst v63  }
0x18: {  	_ =	swait.ge [sflag:s8], $0x6400  }
0x19: {  	[sflag:s8] =	ssyncset.done $0x0  }
0x1a: {  	[sflag:s8] =	ssyncadd.s32 $0xFFFF9C00  }
0x1b: {  	_ =	swait.ge [sflag:s13], $0x6400  }
0x1c: {  	[sflag:s13] =	ssyncset.done $0x0  }
0x1d: {  	s16 =	simm.s32 $0x190;
	[sflag:s13] =	ssyncadd.s32 $0xFFFF9C00  }
0x1e: {  	[tilespmem:s9], [sflag:$0x1] =	stream.indirect.gather [hbm4b:s3+s11], $0x80, s16, s11, $0xb8;
	[tilespmem:$0xDC00] =	vst v63  }
0x1f: {  	s15 =	sadd.s32 $0xC80, s15  }
0x20: {  	[hbm4b:s15+s2] =	stream.linear.scatter [tilespmem:s12], [sflag:$0x3], $0x6400, $0x38;
	[tilespmem:$0xDC00] =	vst v63  }
0x21: {  	_ =	swait.ge [sflag:s8], $0x6400  }
0x22: {  	s16 =	simm.s32 $0xC8;
	s15 =	simm.s32 $0x1900;
	[sflag:s8] =	ssyncset.done $0x0  }
.LBB2_2:
0x23: {  	p0 =	sne.s32 s15, $0x11300;
	[sflag:s8] =	ssyncadd.s32 $0xFFFF9C00;
	s16 =	sadd.s32 $0x190, s16  }
0x24: {  	s17 =	smov.u32 s15;
	s15 =	sadd.s32 $0x1900, s15  }
0x25: {  	_ =	swait.ge [sflag:s10], $0x6400  }
0x26: {  	[sflag:s10] =	ssyncset.done $0x0  }
0x27: {  	[sflag:s10] =	ssyncadd.s32 $0xFFFF9C00  }
0x28: {  	[tilespmem:s12], [sflag:$0x2] =	stream.indirect.gather [hbm4b:s3+s11], $0x80, s16, s11, $0xb8;
	[tilespmem:$0xDC00] =	vst v63  }
0x29: {  	s17 =	sadd.s32 s17, s7  }
0x2a: {  	[hbm4b:s17+s2] =	stream.linear.scatter [tilespmem:s9], [sflag:$0x3], $0x6400, $0x38;
	[tilespmem:$0xDC00] =	vst v63  }
0x2b: {  	_ =	swait.ge [sflag:s8], $0x6400  }
0x2c: {  	[sflag:s8] =	ssyncset.done $0x0  }
0x2d: {  	[sflag:s8] =	ssyncadd.s32 $0xFFFF9C00  }
0x2e: {  	_ =	swait.ge [sflag:s13], $0x6400  }
0x2f: {  	[sflag:s13] =	ssyncset.done $0x0  }
0x30: {  	s18 =	sadd.s32 $0xC8, s16;
	[sflag:s13] =	ssyncadd.s32 $0xFFFF9C00  }
0x31: {  	[tilespmem:s9], [sflag:$0x1] =	stream.indirect.gather [hbm4b:s3+s11], $0x80, s18, s11, $0xb8;
	[tilespmem:$0xDC00] =	vst v63  }
.Ltmp0:
0x32: {  	_ = 	snop;
	(pc) =	sbr.rel @p0 .LBB2_2-.Ltmp0, $4  }
0x33: {  	s17 =	sadd.s32 $0xC80, s17  }
0x34: {  	[hbm4b:s17+s2] =	stream.linear.scatter [tilespmem:s12], [sflag:$0x3], $0x6400, $0x38;
	[tilespmem:$0xDC00] =	vst v63  }
0x35: {  	_ =	swait.ge [sflag:s8], $0x6400  }
0x36: {  	[sflag:s8] =	ssyncset.done $0x0  }
0x37: {  	[sflag:s8] =	ssyncadd.s32 $0xFFFF9C00  }
0x38: {  	s14 =	sadd.s32 $0x1, s14;
	_ =	swait.ge [sflag:s10], $0x6400  }
0x39: {  	p0 =	sne.s32 s14, s6;
	[sflag:s10] =	ssyncset.done $0x0  }
.Ltmp1:
0x3a: {  	[sflag:s10] =	ssyncadd.s32 $0xFFFF9C00;
	(pc) =	sbr.rel @p0 .LBB2_1-.Ltmp1, $4  }
0x3b: {  	[hbm4b:s5+s2] =	stream.linear.scatter [tilespmem:s9], [sflag:$0x3], $0x6400, $0x38;
	[tilespmem:$0xDC00] =	vst v63  }
0x3c: {  	_ =	swait.ge [sflag:s8], $0x6400  }
0x3d: {  	[sflag:s8] =	ssyncset.done $0x0  }
0x3e: {  	[sflag:s8] =	ssyncadd.s32 $0xFFFF9C00  }
0x3f: {  	_ =	sfence.sel $0x180000  }
0x40: {  	[bflag:$0x0] =	sbarrier.arrive $0xFFFF  }
0x41: {  	p0 =	sne.s32 s0, $0x0;
	_ =	strace $0x90000050  }
0x42: {  	s0 =	sadd.s32 @!p0 $0x100000, s1;
	[bflag:$0x2] =	sbarrier.arrive $0xFFFF  }
0x43: {  	[sflag:s0] =	ssyncadd.tile.s32 @!p0 $0x1;
	_ =	shalt  }
.Lfunc_end2:
_tile_overlayer_lowered:
.L_overlay_start_2:
0x44: {  	(tag) =	ssettag $0x2  }
0x45: {  	s0 =	rddreg [dreg:$0x0];
	s2 =	stileid.u32  }
0x46: {  	s1 =	rddreg [dreg:$0x1];
	p0 =	sne.s32 s2, $0x0  }
0x47: {  	s3 =	rddreg [dreg:$0x2];
	[bflag:$0x3] =	sbarrier.arrive $0xFFFF;
	s2 =	simm.s32 @!p0 $0x1C03  }
0x48: {  	[timem:s3], [sflag:s2] =	dma.local @!p0 [hbm:s0], s1  }
0x49: {  	s0 =	simm.s32 @!p0 $0x3  }
0x4a: {  	_ =	swait.ge @!p0 [sflag:s0], s1  }
0x4b: {  	s1 =	ssub.s32 @!p0 $0x0, s1;
	[sflag:s0] =	ssyncset.done @!p0 $0x0  }
0x4c: {  	[sflag:s0] =	ssyncadd.s32 @!p0 s1  }
0x4d: {  	[bflag:$0x3] =	sbarrier.arrive $0xFFFF  }
0x4e: {  	_ =	shalt  }

// kernel: kernel.24.cloned.1.call-start
scs
__scs_entry_jumppad:
0x0: {  	(pc) =	sbr.rel $0x88, $3  }
0x1: {  	(tag) =	ssettag $0x0;
	lr =	simm.s32 $0x1  }
0x2: {  	[smem:$0x3F90] =	sst lr;
	_ =	strace $0xD0000000  }
0x3: {  	_ = 	snop  }
0x4: {  	_ = 	snop  }
0x5: {  	_ = 	snop  }
0x6: {  	_ = 	snop  }
0x7: {  	_ = 	snop  }
__scs_overlays_trampoline_lowered:
0x8: {  	[smem:$0x3F9F] =	sst s0  }
0x9: {  	[smem:$0x3FA0] =	sst s1  }
0xa: {  	[smem:$0x3FA1] =	sst s2  }
0xb: {  	[smem:$0x3FA2] =	sst s3  }
0xc: {  	[smem:$0x3FA3] =	sst s4  }
0xd: {  	[smem:$0x3FA4] =	sst s5  }
0xe: {  	[smem:$0x3FA5] =	sst s6  }
0xf: {  	[smem:$0x3FA6] =	sst s7  }
0x10: {  	[smem:$0x3FA7] =	sst s8  }
0x11: {  	[smem:$0x3FA8] =	sst s9;
	s0 =	simm.s32 @!p0 $0x0  }
0x12: {  	s1 =	sld [smem:$0x3F8E];
	s0 =	simm.s32 @p0 $0x1  }
0x13: {  	[smem:$0x3FA9] =	sst s0;
	s0 =	simm.s32 @!p1 $0x0  }
0x14: {  	s2 =	sld [smem:$0x3F8D];
	s0 =	simm.s32 @p1 $0x1  }
0x15: {  	[smem:$0x3FAA] =	sst s0;
	s0 =	simm.s32 @!p2 $0x0  }
0x16: {  	s3 =	sld [smem:$0x3FDB];
	s0 =	simm.s32 @p2 $0x1  }
0x17: {  	s4 =	simm.s32 $0x1BF5;
	[smem:$0x3FAC] =	sst s0  }
0x18: {  	s0 =	sld [smem:$0x3F8F];
	_ =	swait.ge [sflag:s4], $0x0  }
0x19: {  	s7 =	sld [smem:$0x3F90]  }
0x1a: {  	s8 =	sadd.s32 $0xFFFFE003, lr  }
0x1b: {  	s9 =	sadd.s32 $0xFFFFFEF7, lr;
	s5 =	simm.s32 $0xFFFFFFFF;
	p2 =	slt.u32 s8, $0xFFFFF086  }
0x1c: {  	p1 =	slt.u32 s9, $0xF7A;
	s5 =	simm.s32 @!p2 $0x0  }
0x1d: {  	s5 =	simm.s32 @p1 $0x1;
	p0 =	seq.s32 s7, s2  }
0x1e: {  	s7 =	smul.u32 @!p0 $0xF7A, s2;
	p2 =	seq.s32 @!p0 s5, $0x0  }
0x1f: {  	s9 =	smul.u32 $0xF7A, s1;
	s8 =	simm.s32 @!p0 $0x1BF5;
	p2 =	por !p2, p0  }
0x20: {  	[sflag:s8] =	ssyncset.s32 @!p0 $0xFFFFF086;
	s6 =	sadd.s32 @!p0 s3, s7;
	s7 =	simm.s32 @!p0 $0x108  }
0x21: {  	s3 =	sadd.s32 s3, s9;
	s6 =	sadd.s32 @!p0 $0x88, s6;
	s7 =	simm.s32 @p2 $0x1082  }
0x22: {  	[simem:s7], [sflag:s8] =	dma.local @!p0 [hbm:s6], $0xF7A  }
0x23: {  	s9 =	sor.u32 $0xD0000000, s2;
	s6 =	simm.s32 $0x108;
	_ =	swait.ge @!p0 [sflag:s8], $0x0  }
0x24: {  	s3 =	sadd.s32 $0x88, s3;
	s6 =	simm.s32 @!p1 $0x1082;
	[sflag:s4] =	ssyncset.s32 $0xFFFFF086  }
0x25: {  	[simem:s6], [sflag:s4] =	dma.local [hbm:s3], $0xF7A  }
0x26: {  	[smem:$0x3F90] =	sst s1;
	(tag) =	ssettag s2;
	_ =	strace s9  }
0x27: {  	s1 =	sld [smem:$0x3FA0]  }
0x28: {  	s2 =	sld [smem:$0x3FA1]  }
0x29: {  	s4 =	sld [smem:$0x3FA3]  }
0x2a: {  	p0 =	seq.s32 s5, $0x0;
	s5 =	sld [smem:$0x3FA4]  }
0x2b: {  	s6 =	sld [smem:$0x3FA5]  }
0x2c: {  	s7 =	sld [smem:$0x3FA6]  }
0x2d: {  	s3 =	simm.s32 $0x108;
	s8 =	sld [smem:$0x3FA7]  }
0x2e: {  	s3 =	simm.s32 @!p0 $0x1082;
	s9 =	sld [smem:$0x3FA8]  }
0x2f: {  	lr =	sadd.s32 s0, s3;
	s0 =	sld [smem:$0x3F9F]  }
0x30: {  	s3 =	sld [smem:$0x3FA2]  }
0x31: {  	[smem:$0x3FAB] =	sst s10  }
0x32: {  	s10 =	sld [smem:$0x3FA9];
	_ =	sdelay $0x3  }
0x33: {  	p0 =	seq.s32 s10, $0x1;
	s10 =	sld [smem:$0x3FAB];
	_ =	sdelay $0x3  }
0x34: {  	[smem:$0x3FAB] =	sst s10  }
0x35: {  	s10 =	sld [smem:$0x3FAA];
	_ =	sdelay $0x3  }
0x36: {  	p1 =	seq.s32 s10, $0x1;
	s10 =	sld [smem:$0x3FAB];
	_ =	sdelay $0x3  }
0x37: {  	[smem:$0x3FAB] =	sst s10  }
0x38: {  	s10 =	sld [smem:$0x3FAC]  }
0x39: {  	_ = 	snop;
	(pc) =	sbr.ind lr, $3  }
0x3a: {  	_ = 	snop  }
0x3b: {  	_ = 	snop  }
0x3c: {  	p2 =	seq.s32 s10, $0x1;
	s10 =	sld [smem:$0x3FAB]  }
0x3d: {  	_ =	shalt  }
0x3e: {  	_ =	shalt  }
0x3f: {  	_ =	shalt  }
0x40: {  	_ =	shalt  }
0x41: {  	_ =	shalt  }
0x42: {  	_ =	shalt  }
0x43: {  	_ =	shalt  }
0x44: {  	_ =	shalt  }
0x45: {  	_ =	shalt  }
0x46: {  	_ =	shalt  }
0x47: {  	_ =	shalt  }
0x48: {  	_ =	shalt  }
0x49: {  	_ =	shalt  }
0x4a: {  	_ =	shalt  }
0x4b: {  	_ =	shalt  }
0x4c: {  	_ =	shalt  }
0x4d: {  	_ =	shalt  }
0x4e: {  	_ =	shalt  }
0x4f: {  	_ =	shalt  }
0x50: {  	_ =	shalt  }
0x51: {  	_ =	shalt  }
0x52: {  	_ =	shalt  }
0x53: {  	_ =	shalt  }
0x54: {  	_ =	shalt  }
0x55: {  	_ =	shalt  }
0x56: {  	_ =	shalt  }
0x57: {  	_ =	shalt  }
0x58: {  	_ =	shalt  }
0x59: {  	_ =	shalt  }
0x5a: {  	_ =	shalt  }
0x5b: {  	_ =	shalt  }
0x5c: {  	_ =	shalt  }
0x5d: {  	_ =	shalt  }
0x5e: {  	_ =	shalt  }
0x5f: {  	_ =	shalt  }
0x60: {  	_ =	shalt  }
0x61: {  	_ =	shalt  }
0x62: {  	_ =	shalt  }
0x63: {  	_ =	shalt  }
0x64: {  	_ =	shalt  }
0x65: {  	_ =	shalt  }
0x66: {  	_ =	shalt  }
0x67: {  	_ =	shalt  }
0x68: {  	_ =	shalt  }
0x69: {  	_ =	shalt  }
0x6a: {  	_ =	shalt  }
0x6b: {  	_ =	shalt  }
0x6c: {  	_ =	shalt  }
0x6d: {  	_ =	shalt  }
0x6e: {  	_ =	shalt  }
0x6f: {  	_ =	shalt  }
0x70: {  	_ =	shalt  }
0x71: {  	_ =	shalt  }
0x72: {  	_ =	shalt  }
0x73: {  	_ =	shalt  }
0x74: {  	_ =	shalt  }
0x75: {  	_ =	shalt  }
0x76: {  	_ =	shalt  }
0x77: {  	_ =	shalt  }
0x78: {  	_ =	shalt  }
0x79: {  	_ =	shalt  }
0x7a: {  	_ =	shalt  }
0x7b: {  	_ =	shalt  }
0x7c: {  	_ =	shalt  }
0x7d: {  	_ =	shalt  }
0x7e: {  	_ =	shalt  }
0x7f: {  	_ =	shalt  }
0x80: {  	_ =	shalt  }
0x81: {  	_ =	shalt  }
0x82: {  	_ =	shalt  }
0x83: {  	_ =	shalt  }
0x84: {  	_ =	shalt  }
0x85: {  	_ =	shalt  }
0x86: {  	_ =	shalt  }
0x87: {  	_ =	shalt  }
.Lfunc_end0:
.L_simem_size_0:
called_computation.4_lowered:
.L_overlay_start_0:
0x88: {  	s2 =	sld [smem:$0x3FD9]  }
0x89: {  	s3 =	sld [smem:$0x3FFE];
	_ =	sdelay $0x1  }
0x8a: {  	s1 =	srdreg.scid  }
0x8b: {  	s0 =	sand.u32 $0x1, s1  }
0x8c: {  	s14 =	sshll.u32 s0, $0xA;
	s2 =	sadd.s32 s3, s2  }
0x8d: {  	s2 =	sadd.s32 s2, s14  }
0x8e: {  	[smem:$0x3FB7] =	sst s2  }
0x8f: {  	_ = 	snop  }
0x90: {  	s2 =	sld [smem:$0x3FD0];
	_ =	sdelay $0x2  }
0x91: {  	s15 =	simm.s32 $0xB;
	s4 =	simm.s32 $0x10  }
0x92: {  	[smem:s4], [sflag:s15] =	dma.local [hbm:s2], $0x1  }
0x93: {  	_ =	swait.eq [sflag:s15], $0x1  }
0x94: {  	[sflag:s15] =	ssyncset.done $0x0  }
0x95: {  	[sflag:s15] =	ssyncadd.s32 $0xFFFFFFFF  }
0x96: {  	s16 =	sld [smem:$0x11];
	(tm) =	ssettm $0x1  }
0x97: {  	s17 =	sld [smem:$0x3FFB];
	_ =	sdelay $0x3  }
0x98: {  	_ =	strace s17  }
0x99: {  	s3 =	sld [smem:$0x3FFC];
	_ =	sdelay $0x3  }
0x9a: {  	_ =	strace s3  }
0x9b: {  	s3 =	sld [smem:$0x3FFD];
	_ =	sdelay $0x3  }
0x9c: {  	_ =	strace s3  }
0x9d: {  	_ =	strace $0x8FFFFFFF  }
0x9e: {  	s18 =	sld [smem:$0x3FDB];
	_ =	sdelay $0x1  }
0x9f: {  	s19 =	simm.s32 $_scs_section_size  }
0xa0: {  	s5 =	simm.s32 $_size__tile_overlayer_lowered;
	s6 =	simm.s32 $_tile_overlayer_lowered  }
0xa1: {  	s22 =	simm.s32 $0x1BFF;
	s21 =	sshll.u32 s6, $0x1;
	s3 =	sadd.s32 s19, s18  }
0xa2: {  	s7 =	simm.s32 $0x0;
	s20 =	sshll.u32 s5, $0x1;
	s5 =	sadd.s32 s21, s3  }
0xa3: {  	[timem:s7], [sflag:s22] =	dma.local [hbm:s5], s20  }
0xa4: {  	_ =	swait.ge [sflag:s22], s20  }
0xa5: {  	s4 =	ssub.s32 $0x0, s20;
	[sflag:s22] =	ssyncset.done $0x0  }
0xa6: {  	[sflag:s22] =	ssyncadd.s32 s4;
	_ =	sdelay $0x1  }
0xa7: {  	s23 =	simm.s32 $0x1B8B  }
0xa8: {  	_ =	swait.ge [sflag:s23], $0x1  }
0xa9: {  	[sflag:s23] =	ssyncset.done $0x0  }
0xaa: {  	s25 =	simm.s32 $0x1B8E;
	s24 =	sld [smem:$0x3FFE];
	[sflag:s23] =	ssyncadd.s32 $0xFFFFFFFF  }
0xab: {  	s26 =	simm.s32 $execute0_lowered;
	[smem:$0x3FD2] =	sst s25  }
0xac: {  	s5 =	sshll.u32 s26, $0x1;
	_ =	strace $0x80000052;
	[dreg:$0x1] =	wrdreg $0xFFFFFFFF  }
0xad: {  	s28 =	simm.s32 $_size_execute0_lowered;
	s3 =	sadd.s32 s3, s5;
	[dreg:$0x0] =	wrdreg $0x0  }
0xae: {  	s5 =	sshll.u32 s28, $0x1;
	[dreg:$0x2] =	wrdreg s3  }
0xaf: {  	[dreg:$0x3] =	wrdreg s5  }
0xb0: {  	[dreg:$0x4] =	wrdreg $0xC0  }
0xb1: {  	_ =	task [dreg:s7], $0x5FFFF  }
0xb2: {  	[dreg:$0x1] =	wrdreg $0xFFFFFFFF  }
0xb3: {  	[dreg:$0x0] =	wrdreg $0x60  }
0xb4: {  	[dreg:$0x2] =	wrdreg s24  }
0xb5: {  	[dreg:$0x3] =	wrdreg s16  }
0xb6: {  	[dreg:$0x4] =	wrdreg $0x0  }
0xb7: {  	[dreg:$0x5] =	wrdreg $0x9  }
0xb8: {  	_ =	task.clear_ibuf [dreg:s7], $0x6FFFF;
	_ =	strace $0x90000052  }
0xb9: {  	s29 =	simm.s32 $0x9;
	_ =	strace $0x80000054  }
0xba: {  	_ =	swait.ge [sflag:s29], $0x1  }
0xbb: {  	[sflag:s29] =	ssyncadd.s32 $0xFFFFFFFF  }
0xbc: {  	_ =	strace $0x90000054  }
0xbd: {  	_ =	sfence  }
0xbe: {  	s30 =	sld [smem:$0x0];
	_ =	sdelay $0x2  }
0xbf: {  	s31 =	sshll.u32 s1, $0xD;
	s1 =	sshrl.u32 s1, $0x2  }
0xc0: {  	s3 =	sand.u32 $0x4000, s31;
	s1 =	sadd.s32 s1, s30  }
0xc1: {  	s0 =	sor.u32 s3, s0;
	s1 =	sshll.u32 s1, $0x11  }
0xc2: {  	s0 =	sor.u32 s1, s0  }
0xc3: {  	s0 =	sadd.s32 $0x8F2B, s0  }
0xc4: {  	[sflag:s0] =	ssyncadd.remote.s32 $0x1  }
0xc5: {  	_ =	sfence.sel $0xFFFF  }
0xc6: {  	[dreg:$0x0] =	wrdreg $0xFFFFFFFF;
	(pc) =	sbr.abs _section_cstart, $3  }
0xc7: {  	[dreg:$0x1] =	wrdreg $0xFFFFFFFF  }
0xc8: {  	_ =	task.clear_ibuf [dreg:s7], $0x2FFFF;
	_ =	strace $0x9FFFFFFF  }
0xc9: {  	(tm) =	ssettm $0x7FFFFFFF  }
tec
execute0_lowered:
.L_overlay_start_1:
0x0: {  	(tag) =	ssettag $0x1  }
0x1: {  	s0 =	rddreg [dreg:$0x0]  }
0x2: {  	s3 =	rddreg [dreg:$0x1]  }
0x3: {  	s1 =	rddreg [dreg:$0x2];
	s2 =	simm.s32 $0x0;
	s5 =	srdreg.scid  }
0x4: {  	s21 =	stileid.u32;
	s28 =	simm.s32 $0x2;
	s29 =	simm.s32 $0x17680  }
0x5: {  	s30 =	simm.s32 $0x0;
	[smem:$0x7FF] =	sst s2;
	s7 =	smul.u32 $0x2700, s21  }
0x6: {  	s4 =	sadd.s32 $0x7BDA00, s0;
	s6 =	sshll.u32 s21, $0xB;
	s10 =	smul.u32 $0x4E000, s21  }
0x7: {  	s5 =	sand.u32 $0x1, s5;
	s12 =	smul.u32 $0x138800, s21;
	s13 =	sadd.s32 $0x124800, s1  }
0x8: {  	p0 =	seq.s32 s21, $0xF;
	_ =	strace $0x80000053;
	s31 =	smul.u32 $0x1388000, s5  }
0x9: {  	s8 =	ssub.s32 $0x2, s5;
	s6 =	sadd.s32 s6, s0;
	s11 =	smul.u32 $0x138800, s5  }
0xa: {  	[dreg:$0x6] =	wrdreg s13;
	s13 =	smul.u32 $0x13800, s21;
	s5 =	sor.u32 $0x2, s5  }
0xb: {  	s21 =	simm.s32 $0x13880;
	s9 =	sshrl.u32 s8, $0x1;
	s7 =	sadd.s32 s7, s0  }
0xc: {  	s6 =	sadd.s32 $0x2D1A00, s6;
	s10 =	sshrl.u32 s10, $0x2;
	s8 =	ssub.s32 s8, s9  }
0xd: {  	[dreg:$0x4] =	wrdreg s6;
	s6 =	sadd.s32 s10, s1;
	s7 =	sadd.s32 $0x39800, s7  }
0xe: {  	s18 =	sadd.s32 s12, s31;
	s9 =	sadd.s32 $0x5E100, s0;
	s15 =	sadd.s32 s13, s11  }
0xf: {  	[dreg:$0x5] =	wrdreg s6;
	s14 =	sshrl.u32 s18, $0x3;
	s6 =	sshrl.u32 s11, $0x3  }
0x10: {  	s26 =	sadd.s32 $0x2712800, s18;
	s0 =	sadd.s32 s4, s14;
	s14 =	smul.u32 $0x1388000, s5  }
0x11: {  	s24 =	sadd.s32 $0x2800, s18;
	s31 =	sadd.s32 $0x2715000, s18;
	s5 =	smul.u32 $0x138800, s5  }
0x12: {  	s16 =	sadd.s32 s3, s6;
	[dreg:$0x7] =	wrdreg s0;
	s0 =	sshrl.u32 s15, $0x3  }
0x13: {  	s25 =	sshrl.u32 s24, $0x3;
	s24 =	simm.s32 $0x1;
	s11 =	sadd.s32 s3, s0  }
0x14: {  	s17 =	sadd.s32 s12, s14;
	s12 =	sadd.s32 $0x24900, s16;
	s20 =	sadd.s32 s13, s5  }
0x15: {  	s5 =	sshrl.u32 s5, $0x3;
	s16 =	smax.u32 s8, $0x1;
	s8 =	sadd.s32 $0x5000, s18  }
0x16: {  	s0 =	sshrl.u32 s26, $0x3;
	s26 =	simm.s32 $0x50;
	s19 =	sshrl.u32 s17, $0x3  }
0x17: {  	s22 =	sshrl.u32 s20, $0x3;
	s23 =	sadd.s32 s3, s5;
	s17 =	sadd.s32 s25, s4  }
0x18: {  	s25 =	simm.s32 $0x1A080;
	s13 =	sadd.s32 s4, s19;
	s14 =	sadd.s32 s3, s22  }
0x19: {  	s15 =	sadd.s32 $0x24900, s23;
	s3 =	sshrl.u32 s31, $0x3;
	s19 =	sadd.s32 s0, s4  }
0x1a: {  	s22 =	simm.s32 $0x3;
	s23 =	simm.s32 $0x17880;
	s20 =	sadd.s32 s3, s4  }
.LBB2_1:
0x1b: {  	s0 =	rddreg [dreg:$0x4]  }
0x1c: {  	[tilespmem:s21], [sflag:$0x3] =	stream.linear.gather [hbm4b:s0+s2], $0x3E80, $0x38;
	[tilespmem:$0x1C880] =	vst v63  }
0x1d: {  	_ =	swait.ge [sflag:s22], $0x3E80  }
0x1e: {  	[sflag:s22] =	ssyncset.done $0x0;
	s0 =	rddreg [dreg:$0x6]  }
0x1f: {  	[sflag:s22] =	ssyncadd.s32 $0xFFFFC180;
	s31 =	sshrl.u32 @p0 s0, $0x3;
	s0 =	simm.s32 @p0 $0x1FC3  }
0x20: {  	[spmem:s31], [sflag:s0] =	dma.local @p0 [hbm:s9], $0x2800  }
0x21: {  	s0 =	simm.s32 @p0 $0x3  }
0x22: {  	s3 =	stileid.u32;
	_ =	swait.ge @p0 [sflag:s0], $0x2800  }
0x23: {  	s3 =	sshll.u32 @!p0 s3, $0x6;
	[sflag:s0] =	ssyncset.done @p0 $0x0  }
0x24: {  	[sflag:s0] =	ssyncadd.s32 @p0 $0xFFFFD800;
	s0 =	sor.u32 @!p0 $0x1C03, s3;
	s3 =	rddreg [dreg:$0x5]  }
0x25: {  	s5 =	simm.s32 @!p0 $0x3;
	s3 =	sshrl.u32 @!p0 s3, $0x3  }
0x26: {  	[spmem:s3], [sflag:s0] =	dma.local @!p0 [hbm:s7], $0x2700  }
0x27: {  	_ =	swait.ge @!p0 [sflag:s5], $0x2700  }
0x28: {  	[sflag:s5] =	ssyncset.done @!p0 $0x0  }
0x29: {  	[sflag:s5] =	ssyncadd.s32 @!p0 $0xFFFFD900  }
0x2a: {  	[bflag:$0x0] =	sbarrier.arrive $0xFFFF  }
0x2b: {  	s18 =	rddreg [dreg:$0x7]  }
0x2c: {  	[tilespmem:s23], [sflag:$0x1] =	stream.linear.gather [hbm4b:s18+s2], $0x2800, $0x38;
	[tilespmem:$0x1C880] =	vst v63  }
0x2d: {  	_ =	swait.ge [sflag:s24], $0x2800  }
0x2e: {  	[sflag:s24] =	ssyncset.done $0x0  }
0x2f: {  	s6 =	sadd.s32 $0x0, s17;
	[sflag:s24] =	ssyncadd.s32 $0xFFFFD800  }
0x30: {  	[tilespmem:s25], [sflag:$0x2] =	stream.linear.gather [hbm4b:s6+s2], $0x2800, $0x38;
	[tilespmem:$0x1C880] =	vst v63  }
0x31: {  	_ = 	snop  }
0x32: {  	[spmem:s1] =	stream.indirect.scatter.add.f32 [tilespmem:s23], [sflag:$0x3], $0x80, s21, s26, $0xb8;
	[tilespmem:$0x1C880] =	vst v63  }
0x33: {  	_ =	swait.ge [sflag:s22], $0x2800  }
0x34: {  	[sflag:s22] =	ssyncset.done $0x0  }
0x35: {  	[sflag:s22] =	ssyncadd.s32 $0xFFFFD800  }
0x36: {  	_ =	swait.ge [sflag:s28], $0x2800  }
0x37: {  	s10 =	sshrl.u32 s8, $0x3;
	[sflag:s28] =	ssyncset.done $0x0  }
0x38: {  	s5 =	sadd.s32 s4, s10;
	[sflag:s28] =	ssyncadd.s32 $0xFFFFD800  }
0x39: {  	[tilespmem:s23], [sflag:$0x1] =	stream.linear.gather [hbm4b:s5+s2], $0x2800, $0x38;
	[tilespmem:$0x1C880] =	vst v63  }
0x3a: {  	s18 =	simm.s32 $0x13900  }
0x3b: {  	[spmem:s1] =	stream.indirect.scatter.add.f32 [tilespmem:s25], [sflag:$0x3], $0x80, s18, s26, $0xb8;
	[tilespmem:$0x1C880] =	vst v63  }
0x3c: {  	s6 =	simm.s32 $0x13880;
	_ =	swait.ge [sflag:s22], $0x2800  }
0x3d: {  	s5 =	simm.s32 $0xA00;
	s18 =	smov.u32 s8;
	[sflag:s22] =	ssyncset.done $0x0  }
.LBB2_2:
0x3e: {  	[sflag:s22] =	ssyncadd.s32 $0xFFFFD800;
	s6 =	sadd.s32 $0x100, s6;
	s18 =	sadd.s32 $0x5000, s18  }
0x3f: {  	p1 =	sne.s32 s5, $0x26200;
	s10 =	smov.u32 s5;
	s5 =	sadd.s32 $0xA00, s5  }
0x40: {  	_ =	swait.ge [sflag:s24], $0x2800  }
0x41: {  	[sflag:s24] =	ssyncset.done $0x0  }
0x42: {  	s10 =	sadd.s32 s10, s17;
	[sflag:s24] =	ssyncadd.s32 $0xFFFFD800  }
0x43: {  	[tilespmem:s25], [sflag:$0x2] =	stream.linear.gather [hbm4b:s10+s2], $0x2800, $0x38;
	[tilespmem:$0x1C880] =	vst v63  }
0x44: {  	_ = 	snop  }
0x45: {  	[spmem:s1] =	stream.indirect.scatter.add.f32 [tilespmem:s23], [sflag:$0x3], $0x80, s6, s26, $0xb8;
	[tilespmem:$0x1C880] =	vst v63  }
0x46: {  	_ =	swait.ge [sflag:s22], $0x2800  }
0x47: {  	[sflag:s22] =	ssyncset.done $0x0  }
0x48: {  	[sflag:s22] =	ssyncadd.s32 $0xFFFFD800  }
0x49: {  	_ =	swait.ge [sflag:s28], $0x2800  }
0x4a: {  	s10 =	sshrl.u32 s18, $0x3;
	[sflag:s28] =	ssyncset.done $0x0  }
0x4b: {  	s10 =	sadd.s32 s4, s10;
	[sflag:s28] =	ssyncadd.s32 $0xFFFFD800  }
0x4c: {  	[tilespmem:s23], [sflag:$0x1] =	stream.linear.gather [hbm4b:s10+s2], $0x2800, $0x38;
	[tilespmem:$0x1C880] =	vst v63  }
.Ltmp0:
0x4d: {  	_ = 	snop;
	(pc) =	sbr.rel @p1 .LBB2_2-.Ltmp0, $4  }
0x4e: {  	s10 =	sadd.s32 $0x80, s6  }
0x4f: {  	[spmem:s1] =	stream.indirect.scatter.add.f32 [tilespmem:s25], [sflag:$0x3], $0x80, s10, s26, $0xb8;
	[tilespmem:$0x1C880] =	vst v63  }
0x50: {  	_ =	swait.ge [sflag:s22], $0x2800  }
0x51: {  	[sflag:s22] =	ssyncset.done $0x0  }
0x52: {  	[sflag:s22] =	ssyncadd.s32 $0xFFFFD800  }
0x53: {  	_ =	swait.ge [sflag:s24], $0x2800  }
0x54: {  	[sflag:s24] =	ssyncset.done $0x0  }
0x55: {  	[sflag:s24] =	ssyncadd.s32 $0xFFFFD800  }
0x56: {  	[spmem:s1] =	stream.indirect.scatter.add.f32 [tilespmem:s23], [sflag:$0x3], $0x80, s29, s26, $0xb8;
	[tilespmem:$0x1C880] =	vst v63  }
0x57: {  	_ =	swait.ge [sflag:s22], $0x2800  }
0x58: {  	[sflag:s22] =	ssyncset.done $0x0  }
0x59: {  	[sflag:s22] =	ssyncadd.s32 $0xFFFFD800  }
0x5a: {  	s5 =	simm.s32 @p0 $0x1FC3;
	s6 =	simm.s32 @p0 $0x3;
	[bflag:$0x0] =	sbarrier.arrive $0xFFFF  }
0x5b: {  	[hbm:s12], [sflag:s5] =	dma.local @p0 [spmem:s31], $0x2800  }
0x5c: {  	_ =	swait.ge @p0 [sflag:s6], $0x2800  }
0x5d: {  	[sflag:s6] =	ssyncset.done @p0 $0x0  }
0x5e: {  	[sflag:s6] =	ssyncadd.s32 @p0 $0xFFFFD800  }
0x5f: {  	[bflag:$0x0] =	sbarrier.arrive @p0 $0xFFFF  }
0x60: {  	[spmem:s31], [sflag:s5] =	dma.local @p0 [hbm:s9], $0x2800  }
0x61: {  	_ =	swait.ge @p0 [sflag:s6], $0x2800  }
0x62: {  	[sflag:s6] =	ssyncset.done @p0 $0x0  }
0x63: {  	s5 =	simm.s32 @!p0 $0x3;
	[sflag:s6] =	ssyncadd.s32 @p0 $0xFFFFD800  }
0x64: {  	[hbm:s11], [sflag:s0] =	dma.local @!p0 [spmem:s3], $0x2700  }
0x65: {  	_ =	swait.ge @!p0 [sflag:s5], $0x2700  }
0x66: {  	[sflag:s5] =	ssyncset.done @!p0 $0x0  }
0x67: {  	[sflag:s5] =	ssyncadd.s32 @!p0 $0xFFFFD900  }
0x68: {  	[bflag:$0x0] =	sbarrier.arrive @!p0 $0xFFFF  }
0x69: {  	[spmem:s3], [sflag:s0] =	dma.local @!p0 [hbm:s7], $0x2700  }
0x6a: {  	_ =	swait.ge @!p0 [sflag:s5], $0x2700  }
0x6b: {  	[sflag:s5] =	ssyncset.done @!p0 $0x0  }
0x6c: {  	[sflag:s5] =	ssyncadd.s32 @!p0 $0xFFFFD900  }
0x6d: {  	s18 =	simm.s32 $0x0;
	[bflag:$0x0] =	sbarrier.arrive $0xFFFF  }
0x6e: {  	[tilespmem:s23], [sflag:$0x1] =	stream.linear.gather [hbm4b:s13+s18], $0x2800, $0x38;
	[tilespmem:$0x1C880] =	vst v63  }
0x6f: {  	_ =	swait.ge [sflag:s24], $0x2800  }
0x70: {  	[sflag:s24] =	ssyncset.done $0x0  }
0x71: {  	s6 =	sadd.s32 $0x0, s19;
	[sflag:s24] =	ssyncadd.s32 $0xFFFFD800  }
0x72: {  	[tilespmem:s25], [sflag:$0x2] =	stream.linear.gather [hbm4b:s6+s2], $0x2800, $0x38;
	[tilespmem:$0x1C880] =	vst v63  }
0x73: {  	s5 =	simm.s32 $0x13880  }
0x74: {  	[spmem:s1] =	stream.indirect.scatter.add.f32 [tilespmem:s23], [sflag:$0x3], $0x80, s5, s26, $0xb8;
	[tilespmem:$0x1C880] =	vst v63  }
0x75: {  	_ =	swait.ge [sflag:s22], $0x2800  }
0x76: {  	[sflag:s22] =	ssyncset.done $0x0  }
0x77: {  	[sflag:s22] =	ssyncadd.s32 $0xFFFFD800  }
0x78: {  	_ =	swait.ge [sflag:s28], $0x2800  }
0x79: {  	[sflag:s28] =	ssyncset.done $0x0  }
0x7a: {  	s10 =	sadd.s32 $0x0, s20;
	[sflag:s28] =	ssyncadd.s32 $0xFFFFD800  }
0x7b: {  	[tilespmem:s23], [sflag:$0x1] =	stream.linear.gather [hbm4b:s10+s2], $0x2800, $0x38;
	[tilespmem:$0x1C880] =	vst v63  }
0x7c: {  	s18 =	simm.s32 $0x13900  }
0x7d: {  	[spmem:s1] =	stream.indirect.scatter.add.f32 [tilespmem:s25], [sflag:$0x3], $0x80, s18, s26, $0xb8;
	[tilespmem:$0x1C880] =	vst v63  }
0x7e: {  	_ =	swait.ge [sflag:s22], $0x2800  }
0x7f: {  	s6 =	simm.s32 $0xA00;
	[sflag:s22] =	ssyncset.done $0x0  }
.LBB2_4:
0x80: {  	p1 =	sne.s32 s6, $0x26200;
	[sflag:s22] =	ssyncadd.s32 $0xFFFFD800;
	s5 =	sadd.s32 $0x100, s5  }
0x81: {  	s10 =	smov.u32 s6;
	s6 =	sadd.s32 $0xA00, s6  }
0x82: {  	_ =	swait.ge [sflag:s24], $0x2800  }
0x83: {  	[sflag:s24] =	ssyncset.done $0x0  }
0x84: {  	s18 =	sadd.s32 s10, s19;
	[sflag:s24] =	ssyncadd.s32 $0xFFFFD800  }
0x85: {  	[tilespmem:s25], [sflag:$0x2] =	stream.linear.gather [hbm4b:s18+s2], $0x2800, $0x38;
	[tilespmem:$0x1C880] =	vst v63  }
0x86: {  	_ = 	snop  }
0x87: {  	[spmem:s1] =	stream.indirect.scatter.add.f32 [tilespmem:s23], [sflag:$0x3], $0x80, s5, s26, $0xb8;
	[tilespmem:$0x1C880] =	vst v63  }
0x88: {  	_ =	swait.ge [sflag:s22], $0x2800  }
0x89: {  	[sflag:s22] =	ssyncset.done $0x0  }
0x8a: {  	[sflag:s22] =	ssyncadd.s32 $0xFFFFD800  }
0x8b: {  	_ =	swait.ge [sflag:s28], $0x2800  }
0x8c: {  	[sflag:s28] =	ssyncset.done $0x0  }
0x8d: {  	s10 =	sadd.s32 s10, s20;
	[sflag:s28] =	ssyncadd.s32 $0xFFFFD800  }
0x8e: {  	[tilespmem:s23], [sflag:$0x1] =	stream.linear.gather [hbm4b:s10+s2], $0x2800, $0x38;
	[tilespmem:$0x1C880] =	vst v63  }
.Ltmp1:
0x8f: {  	_ = 	snop;
	(pc) =	sbr.rel @p1 .LBB2_4-.Ltmp1, $4  }
0x90: {  	s10 =	sadd.s32 $0x80, s5  }
0x91: {  	[spmem:s1] =	stream.indirect.scatter.add.f32 [tilespmem:s25], [sflag:$0x3], $0x80, s10, s26, $0xb8;
	[tilespmem:$0x1C880] =	vst v63  }
0x92: {  	_ =	swait.ge [sflag:s22], $0x2800  }
0x93: {  	[sflag:s22] =	ssyncset.done $0x0  }
0x94: {  	[sflag:s22] =	ssyncadd.s32 $0xFFFFD800  }
0x95: {  	_ =	swait.ge [sflag:s24], $0x2800  }
0x96: {  	[sflag:s24] =	ssyncset.done $0x0  }
0x97: {  	[sflag:s24] =	ssyncadd.s32 $0xFFFFD800  }
0x98: {  	[spmem:s1] =	stream.indirect.scatter.add.f32 [tilespmem:s23], [sflag:$0x3], $0x80, s29, s26, $0xb8;
	[tilespmem:$0x1C880] =	vst v63  }
0x99: {  	_ =	swait.ge [sflag:s22], $0x2800  }
0x9a: {  	[sflag:s22] =	ssyncset.done $0x0  }
0x9b: {  	[sflag:s22] =	ssyncadd.s32 $0xFFFFD800  }
0x9c: {  	s5 =	simm.s32 @p0 $0x1FC3;
	[bflag:$0x0] =	sbarrier.arrive $0xFFFF  }
0x9d: {  	[hbm:s15], [sflag:s5] =	dma.local @p0 [spmem:s31], $0x2800  }
0x9e: {  	s5 =	simm.s32 @p0 $0x3  }
0x9f: {  	_ =	swait.ge @p0 [sflag:s5], $0x2800  }
0xa0: {  	[sflag:s5] =	ssyncset.done @p0 $0x0  }
0xa1: {  	s30 =	sadd.s32 $0x1, s30;
	[sflag:s5] =	ssyncadd.s32 @p0 $0xFFFFD800  }
0xa2: {  	[hbm:s14], [sflag:s0] =	dma.local @!p0 [spmem:s3], $0x2700  }
0xa3: {  	p1 =	sne.s32 s30, s16;
	s0 =	simm.s32 @!p0 $0x3  }
.Ltmp2:
0xa4: {  	_ =	swait.ge @!p0 [sflag:s0], $0x2700;
	(pc) =	sbr.rel @p1 .LBB2_1-.Ltmp2, $3  }
0xa5: {  	[sflag:s0] =	ssyncset.done @!p0 $0x0  }
0xa6: {  	[sflag:s0] =	ssyncadd.s32 @!p0 $0xFFFFD900  }
0xa7: {  	[bflag:$0x0] =	sbarrier.arrive $0xFFFF;
	_ =	sdelay $0x1  }
0xa8: {  	_ =	sfence.sel $0x180000  }
0xa9: {  	[bflag:$0x0] =	sbarrier.arrive $0xFFFF  }
0xaa: {  	_ =	strace $0x90000053  }
0xab: {  	s0 =	stileid.u32;
	[bflag:$0x2] =	sbarrier.arrive $0xFFFF  }
0xac: {  	p0 =	sne.s32 s0, $0x0;
	s0 =	rddreg [dreg:$0x3]  }
0xad: {  	s0 =	sadd.s32 @!p0 $0x100000, s0  }
0xae: {  	[sflag:s0] =	ssyncadd.tile.s32 @!p0 $0x1;
	_ =	shalt  }
.Lfunc_end2:
_tile_overlayer_lowered:
.L_overlay_start_2:
0xaf: {  	(tag) =	ssettag $0x2  }
0xb0: {  	s0 =	rddreg [dreg:$0x0];
	s2 =	stileid.u32  }
0xb1: {  	s1 =	rddreg [dreg:$0x1];
	p0 =	sne.s32 s2, $0x0  }
0xb2: {  	s3 =	rddreg [dreg:$0x2];
	[bflag:$0x3] =	sbarrier.arrive $0xFFFF;
	s2 =	simm.s32 @!p0 $0x1C03  }
0xb3: {  	[timem:s3], [sflag:s2] =	dma.local @!p0 [hbm:s0], s1  }
0xb4: {  	s0 =	simm.s32 @!p0 $0x3  }
0xb5: {  	_ =	swait.ge @!p0 [sflag:s0], s1  }
0xb6: {  	s1 =	ssub.s32 @!p0 $0x0, s1;
	[sflag:s0] =	ssyncset.done @!p0 $0x0  }
0xb7: {  	[sflag:s0] =	ssyncadd.s32 @!p0 s1  }
0xb8: {  	[bflag:$0x3] =	sbarrier.arrive $0xFFFF  }
0xb9: {  	_ =	shalt  }

</sc_bundles>
